<compile_context>
chip_gen: v7x
topology: tpu7x:2x2x1
jax: 0.10.2.dev20260603
libtpu: 0.0.44.dev20260713+nightly
codegen_flags: <defaults>
</compile_context>

<pallas_src>
import functools

import jax
import jax.numpy as jnp
from jax import lax
from jax.experimental import pallas as pl
from jax.experimental.pallas import tpu as pltpu
from jax.experimental.pallas import tpu_sc as plsc

N = 10000
E = 320000
D = 128
DH = D // 2
NC = 2
NS = 16
NW = NC * NS
CHUNK = 128
NCH = 80
TCH = 2 * NCH
NROW = NS * TCH
EP = NROW * CHUNK
PAD = N
NP = 10240
RPT = NP // NS
SPT = RPT // CHUNK

SPLIT0 = 94


def _degrees_body(src_hbm, dst_hbm, z1_hbm, dego_hbm, degi_hbm,
                  src_v, dst_v, ones_v, tmp_v, dego_sh, degi_sh, asem):
    c = lax.axis_index("c")
    s = lax.axis_index("s")
    wid = s * NC + c
    pltpu.sync_copy(src_hbm.at[pl.ds(wid * NCH, NCH)], src_v)
    pltpu.sync_copy(dst_hbm.at[pl.ds(wid * NCH, NCH)], dst_v)

    off = s * RPT
    pltpu.sync_copy(z1_hbm.at[pl.ds(off, RPT)], tmp_v)
    pltpu.sync_copy(tmp_v, dego_sh.at[pl.ds(off, RPT)])
    pltpu.sync_copy(tmp_v, degi_sh.at[pl.ds(off, RPT)])
    for k in range(CHUNK // 16):
        ones_v[pl.ds(k * 16, 16)] = jnp.ones((16,), jnp.float32)
    plsc.subcore_barrier()

    def body(j, carry):
        pltpu.async_copy(ones_v, dego_sh.at[src_v.at[j]], asem, add=True)
        pltpu.async_copy(ones_v, degi_sh.at[dst_v.at[j]], asem, add=True)
        return carry

    lax.fori_loop(0, NCH, body, 0)

    def drain(j, carry):
        pltpu.make_async_copy(ones_v, dego_sh.at[src_v.at[j]], asem).wait()
        pltpu.make_async_copy(ones_v, degi_sh.at[dst_v.at[j]], asem).wait()
        return carry

    lax.fori_loop(0, NCH, drain, 0)
    plsc.subcore_barrier()

    pltpu.sync_copy(dego_sh.at[pl.ds(off, RPT)], tmp_v)
    pltpu.sync_copy(tmp_v, dego_hbm.at[c, pl.ds(off, RPT)])
    pltpu.sync_copy(degi_sh.at[pl.ds(off, RPT)], tmp_v)
    pltpu.sync_copy(tmp_v, degi_hbm.at[c, pl.ds(off, RPT)])


PDEPTH = 2


def _aggregate_body(hp0_hbm, hp1_hbm, nd_hbm, src_hbm, dst_hbm,
                    z1_hbm, z2_hbm,
                    agg0_hbm, agg1_hbm, w_hbm,
                    r0, r1, v0, v1, is0, is1, id0, id1, nd_v,
                    hp_sh, acc_sh, w_sh,
                    g0, g1, s0, s1, i0, i1):
    rbuf = [r0, r1]
    vbuf = [v0, v1]
    isbuf = [is0, is1]
    idbuf = [id0, id1]
    gsem = [g0, g1]
    ssem = [s0, s1]
    isem = [i0, i1]
    c = lax.axis_index("c")
    s = lax.axis_index("s")
    off = s * RPT

    pltpu.sync_copy(z1_hbm.at[pl.ds(0, CHUNK)], v0)
    for k in range(SPT):
        pltpu.sync_copy(v0, w_sh.at[pl.ds(off + k * CHUNK, CHUNK)])
    pltpu.sync_copy(nd_hbm, nd_v)

    def wait_idx(q):
        pltpu.make_async_copy(src_hbm.at[pl.ds(0, PDEPTH)],
                              isbuf[q], isem[q]).wait()
        pltpu.make_async_copy(dst_hbm.at[pl.ds(0, PDEPTH)],
                              idbuf[q], isem[q]).wait()

    def fill_vals(i, q):
        for k in range(CHUNK // 16):
            idx16 = idbuf[q][i, pl.ds(k * 16, 16)]
            vbuf[i][pl.ds(k * 16, 16)] = plsc.load_gather(nd_v, [idx16])

    def run_pipeline(col0, nch, with_w):
        nr = nch // PDEPTH

        def fetch_idx(r, q):
            row = s * TCH + col0 + r * PDEPTH
            pltpu.async_copy(src_hbm.at[pl.ds(row, PDEPTH)],
                             isbuf[q], isem[q])
            pltpu.async_copy(dst_hbm.at[pl.ds(row, PDEPTH)],
                             idbuf[q], isem[q])

        def issue_gather(i, q):
            pltpu.async_copy(hp_sh.at[isbuf[q].at[i]], rbuf[i], gsem[i])

        def wait_gather(i):
            pltpu.make_async_copy(hp0_hbm.at[pl.ds(0, CHUNK)], rbuf[i],
                                  gsem[i]).wait()

        def issue_scatter(i, q):
            pltpu.async_copy(rbuf[i], acc_sh.at[idbuf[q].at[i]], ssem[i],
                             add=True)
            if with_w:
                pltpu.async_copy(vbuf[i], w_sh.at[isbuf[q].at[i]], ssem[i],
                                 add=True)

        def wait_scatter(i):
            pltpu.make_async_copy(z2_hbm, rbuf[i], ssem[i]).wait()
            if with_w:
                pltpu.make_async_copy(z1_hbm.at[pl.ds(0, CHUNK)], vbuf[i],
                                      ssem[i]).wait()

        fetch_idx(0, 0)
        wait_idx(0)
        fetch_idx(1, 1)
        plsc.subcore_barrier()
        for i in range(PDEPTH):
            issue_gather(i, 0)
            if with_w:
                fill_vals(i, 0)

        def round_body(r, carry):
            q = lax.rem(r, 2)

            def one_round(qq):
                for i in range(PDEPTH):
                    wait_gather(i)
                    issue_scatter(i, qq)

                @pl.when(r < nr - 1)
                def _():
                    wait_idx(1 - qq)
                for i in range(PDEPTH):
                    wait_scatter(i)

                    @pl.when(r < nr - 1)
                    def _(i=i):
                        issue_gather(i, 1 - qq)
                        if with_w:
                            fill_vals(i, 1 - qq)

                @pl.when(r < nr - 2)
                def _():
                    fetch_idx(r + 2, qq)

            @pl.when(q == 0)
            def _():
                one_round(0)

            @pl.when(q == 1)
            def _():
                one_round(1)

            return carry

        lax.fori_loop(0, nr, round_body, 0)
        plsc.subcore_barrier()

    for hp_hbm, agg_hbm, with_w in ((hp0_hbm, agg0_hbm, True),
                                    (hp1_hbm, agg1_hbm, False)):
        pltpu.sync_copy(z2_hbm, r1)
        for k in range(SPT):
            o = off + k * CHUNK
            pltpu.sync_copy(hp_hbm.at[pl.ds(o, CHUNK)], r0)
            pltpu.sync_copy(r0, hp_sh.at[pl.ds(o, CHUNK)])
            pltpu.sync_copy(r1, acc_sh.at[pl.ds(o, CHUNK)])

        @pl.when(c == 0)
        def _():
            run_pipeline(0, SPLIT0, with_w)

        @pl.when(c == 1)
        def _():
            run_pipeline(SPLIT0, TCH - SPLIT0, with_w)

        for k in range(SPT):
            o = off + k * CHUNK
            pltpu.sync_copy(acc_sh.at[pl.ds(o, CHUNK)], r0)
            pltpu.sync_copy(r0, agg_hbm.at[c, pl.ds(o, CHUNK)])

    for k in range(SPT):
        o = off + k * CHUNK
        pltpu.sync_copy(w_sh.at[pl.ds(o, CHUNK)], v0)
        pltpu.sync_copy(v0, w_hbm.at[c, pl.ds(o, CHUNK)])


@functools.lru_cache(maxsize=None)
def _sc_kernels():
    mesh = plsc.VectorSubcoreMesh(
        core_axis_name="c", subcore_axis_name="s",
        num_cores=NC, num_subcores=NS)
    degrees = pl.kernel(
        _degrees_body,
        out_type=(
            jax.ShapeDtypeStruct((NC, NP), jnp.float32),
            jax.ShapeDtypeStruct((NC, NP), jnp.float32),
        ),
        mesh=mesh,
        scratch_types=[
            pltpu.VMEM((NCH, CHUNK), jnp.int32),
            pltpu.VMEM((NCH, CHUNK), jnp.int32),
            pltpu.VMEM((CHUNK,), jnp.float32),
            pltpu.VMEM((RPT,), jnp.float32),
            pltpu.VMEM_SHARED((NP,), jnp.float32),
            pltpu.VMEM_SHARED((NP,), jnp.float32),
            pltpu.SemaphoreType.DMA,
        ],
    )
    aggregate = pl.kernel(
        _aggregate_body,
        out_type=(
            jax.ShapeDtypeStruct((NC, NP, DH), jnp.float32),
            jax.ShapeDtypeStruct((NC, NP, DH), jnp.float32),
            jax.ShapeDtypeStruct((NC, NP), jnp.float32),
        ),
        mesh=mesh,
        compiler_params=pltpu.CompilerParams(
            needs_layout_passes=False, use_tc_tiling_on_sc=False),
        scratch_types=(
            [pltpu.VMEM((CHUNK, DH), jnp.float32)] * PDEPTH
            + [pltpu.VMEM((CHUNK,), jnp.float32)] * PDEPTH
            + [pltpu.VMEM((PDEPTH, CHUNK), jnp.int32)] * 4
            + [pltpu.VMEM((NP,), jnp.float32)]
            + [
                pltpu.VMEM_SHARED((NP, DH), jnp.float32),
                pltpu.VMEM_SHARED((NP, DH), jnp.float32),
                pltpu.VMEM_SHARED((NP,), jnp.float32),
            ]
            + [pltpu.SemaphoreType.DMA] * 6
        ),
    )
    return degrees, aggregate


def _norms_tc_body(dego_ref, degi_ref, h_ref, hp0_ref, hp1_ref,
                   ns_ref, nd_ref):
    do = dego_ref[0, :] + dego_ref[1, :]
    di = degi_ref[0, :] + degi_ref[1, :]
    ns = jnp.where(do > 0, lax.rsqrt(jnp.maximum(do, 1e-12)), 0.0)
    nd = jnp.where(di > 0, lax.rsqrt(jnp.maximum(di, 1e-12)), 0.0)
    ns_ref[...] = ns
    nd_ref[...] = nd
    hp = h_ref[...] * ns[:, None]
    hp0_ref[...] = hp[:, :DH]
    hp1_ref[...] = hp[:, DH:]


def _norms_tc(dego, degi, hpad):
    RB = 1024
    grid = NP // RB
    return pl.pallas_call(
        _norms_tc_body,
        grid=(grid,),
        in_specs=[
            pl.BlockSpec((NC, RB), lambda i: (0, i)),
            pl.BlockSpec((NC, RB), lambda i: (0, i)),
            pl.BlockSpec((RB, D), lambda i: (i, 0)),
        ],
        out_specs=[
            pl.BlockSpec((RB, DH), lambda i: (i, 0)),
            pl.BlockSpec((RB, DH), lambda i: (i, 0)),
            pl.BlockSpec((RB,), lambda i: (i,)),
            pl.BlockSpec((RB,), lambda i: (i,)),
        ],
        out_shape=[
            jax.ShapeDtypeStruct((NP, DH), jnp.float32),
            jax.ShapeDtypeStruct((NP, DH), jnp.float32),
            jax.ShapeDtypeStruct((NP,), jnp.float32),
            jax.ShapeDtypeStruct((NP,), jnp.float32),
        ],
    )(dego, degi, hpad)


def _head_tc_body(agg0_ref, agg1_ref, w_ref, ns_ref, nd_ref, W1_ref, b1_ref,
                  p_ref, W2_ref, b2_ref, Wc_ref, bc_ref, out_ref, vacc_ref):
    i = pl.program_id(0)
    nblk = pl.num_programs(0)
    agg0 = agg0_ref[0] + agg0_ref[1]
    agg1 = agg1_ref[0] + agg1_ref[1]
    agg = jnp.concatenate([agg0, agg1], axis=1)
    x1 = jnp.dot(agg, W1_ref[...], preferred_element_type=jnp.float32)
    x1 = jnp.maximum(nd_ref[...][:, None] * x1 + b1_ref[...][None, :], 0.0)
    wv = (w_ref[0] + w_ref[1]) * ns_ref[...]
    rb = x1.shape[0]
    row = i * rb + lax.broadcasted_iota(jnp.int32, (rb,), 0)
    wv = jnp.where(row < N, wv, 0.0)
    part = jnp.sum(x1 * wv[:, None], axis=0, keepdims=True)

    @pl.when(i == 0)
    def _():
        vacc_ref[...] = part

    @pl.when(i > 0)
    def _():
        vacc_ref[...] = vacc_ref[...] + part

    @pl.when(i == nblk - 1)
    def _():
        mask = jnp.clip(p_ref[...], 0.0, 1.0)
        v = vacc_ref[...] * mask[None, :] * (1.0 / N)
        hg = jnp.dot(v, W2_ref[...], preferred_element_type=jnp.float32)
        hg = hg + b2_ref[...][None, :]
        out = jnp.dot(hg, Wc_ref[...], preferred_element_type=jnp.float32)
        out_ref[...] = out + bc_ref[...][None, :]


def _head_tc(agg0, agg1, w, ns, nd, W1, b1, p, W2, b2, Wc, bc):
    RB = 1024
    grid = NP // RB
    full = lambda i: (0, 0)
    return pl.pallas_call(
        _head_tc_body,
        grid=(grid,),
        in_specs=[
            pl.BlockSpec((NC, RB, DH), lambda i: (0, i, 0)),
            pl.BlockSpec((NC, RB, DH), lambda i: (0, i, 0)),
            pl.BlockSpec((NC, RB), lambda i: (0, i)),
            pl.BlockSpec((RB,), lambda i: (i,)),
            pl.BlockSpec((RB,), lambda i: (i,)),
            pl.BlockSpec((D, D), full),
            pl.BlockSpec((D,), lambda i: (0,)),
            pl.BlockSpec((D,), lambda i: (0,)),
            pl.BlockSpec((D, D), full),
            pl.BlockSpec((D,), lambda i: (0,)),
            pl.BlockSpec((D, 16), full),
            pl.BlockSpec((16,), lambda i: (0,)),
        ],
        out_specs=pl.BlockSpec((1, 16), full),
        out_shape=jax.ShapeDtypeStruct((1, 16), jnp.float32),
        scratch_shapes=[pltpu.VMEM((1, D), jnp.float32)],
    )(agg0, agg1, w, ns, nd, W1, b1, p, W2, b2, Wc, bc)


def kernel(h, edge_index, W1, b1, p, W2, b2, Wc, bc):
    src = edge_index[0]
    dst = edge_index[1]
    padi = jnp.full((EP - E,), PAD, dtype=jnp.int32)
    src_r = jnp.concatenate([src, padi]).reshape(NROW, CHUNK)
    dst_r = jnp.concatenate([dst, padi]).reshape(NROW, CHUNK)
    hpad = jnp.pad(h, ((0, NP - N), (0, 0)))
    z1 = jnp.zeros((NP,), jnp.float32)
    z2 = jnp.zeros((CHUNK, DH), jnp.float32)

    degrees_sc, aggregate_sc = _sc_kernels()
    dego, degi = degrees_sc(src_r, dst_r, z1)
    hp0, hp1, ns, nd = _norms_tc(dego, degi, hpad)
    agg0, agg1, w = aggregate_sc(hp0, hp1, nd, src_r, dst_r, z1, z2)
    return _head_tc(agg0, agg1, w, ns, nd, W1, b1, p, W2, b2, Wc, bc)

# --- scband reference (transcript-rebuilt; emitter-appended) ---
"""Pipeline reference for scband-gcn-59090160058839 (READ-ONLY COPY).

The authoritative reference and input builder live on the scoring server;
editing this copy changes nothing except your own understanding.
"""

import jax, jax.numpy as jnp
import numpy as np

N = 10000
E = 320000
D = 128
H = 128
O = 128
C = 16


def setup_inputs(seed: int = 0) -> dict:
    key = jax.random.key(seed)
    ks = jax.random.split(key, 9)
    h = jax.random.normal(ks[0], (N, D), dtype=jnp.float32)
    edge_index = jax.random.randint(ks[1], (2, E), 0, N, dtype=jnp.int32)
    W1 = jax.random.normal(ks[2], (D, H), dtype=jnp.float32) * (1.0 / np.sqrt(D))
    b1 = jnp.zeros((H,), dtype=jnp.float32)
    p = jnp.full((H,), 0.5, dtype=jnp.float32)  # VariationalDropout retain probs
    W2 = jax.random.normal(ks[3], (H, O), dtype=jnp.float32) * (1.0 / np.sqrt(H))
    b2 = jnp.zeros((O,), dtype=jnp.float32)
    Wc = jax.random.normal(ks[4], (O, C), dtype=jnp.float32) * (1.0 / np.sqrt(O))
    bc = jnp.zeros((C,), dtype=jnp.float32)
    return {"h": h, "edge_index": edge_index, "W1": W1, "b1": b1, "p": p,
            "W2": W2, "b2": b2, "Wc": Wc, "bc": bc}


def _gcn_conv(x, W, b, src, dst, n):
    # DGL GraphConv with norm='both': D_out^{-1/2} (message) then D_in^{-1/2} on dst
    ones = jnp.ones((src.shape[0],), dtype=x.dtype)
    deg_out = jnp.zeros((n,), dtype=x.dtype).at[src].add(ones)
    deg_in = jnpp = None
    deg_in = jnp.zeros((n,), dtype=x.dtype).at[dst].add(ones)
    norm_src = jnp.where(deg_out > 0, jax.lax.rsqrt(jnp.maximum(deg_out, 1e-12)), 0.0)
    norm_dst = jnp.where(deg_in > 0, jax.lax.rsqrt(jnp.maximum(deg_in, 1e-12)), 0.0)
    hx = x * norm_src[:, None]
    hx = hx @ W
    msg = hx[src]
    agg = jnp.zeros((n, W.shape[1]), dtype=x.dtype).at[dst].add(msg)
    agg = agg * norm_dst[:, None]
    return agg + b[None, :]


def reference(h, edge_index, W1, b1, p, W2, b2, Wc, bc):
    src = edge_index[0]
    dst = edge_index[1]
    n = h.shape[0]
    x = jax.nn.relu(_gcn_conv(h, W1, b1, src, dst, n))
    # deterministic VariationalDropout: elementwise scale by clamp(p, 0, 1)
    mask = jnp.clip(p, 0.0, 1.0)
    x = x * mask[None, :]
    x = _gcn_conv(x, W2, b2, src, dst, n)
    # dgl.mean_nodes over a single graph -> [1, out_dim]
    hg = jnp.mean(x, axis=0, keepdims=True)
    return hg @ Wc + bc[None, :]

if __name__ == "__main__":
    import jax
    _d = setup_inputs()
    print(jax.jit(kernel)(*tuple(_d.values())))

</pallas_src>

<mosaic_0001>
#map = affine_map<(d0, d1) -> (0, 0)>
#map1 = affine_map<(d0, d1) -> (0)>
module attributes {stable_mosaic.version = 14 : i64} {
  func.func @_degrees_body(%arg0: i32, %arg1: i32, %arg2: memref<2560x128xi32, #tpu.memory_space<hbm>>, %arg3: memref<2560x128xi32, #tpu.memory_space<hbm>>, %arg4: memref<10240xf32, #tpu.memory_space<hbm>>, %arg5: memref<2x10240xf32, #tpu.memory_space<hbm>>, %arg6: memref<2x10240xf32, #tpu.memory_space<hbm>>, %arg7: memref<80x128xi32, #tpu.memory_space<vmem>>, %arg8: memref<80x128xi32, #tpu.memory_space<vmem>>, %arg9: memref<128xf32, #tpu.memory_space<vmem>>, %arg10: memref<640xf32, #tpu.memory_space<vmem>>, %arg11: memref<10240xf32, #tpu.memory_space<vmem_shared>>, %arg12: memref<10240xf32, #tpu.memory_space<vmem_shared>>, %arg13: memref<!tpu.dma_semaphore, #tpu.memory_space<semaphore_mem>>) attributes {dimension_semantics = [#tpu.dimension_semantics<core_parallel>, #tpu.dimension_semantics<subcore_parallel>], iteration_bounds = array<i64: 2, 16>, scalar_prefetch = 0 : i64, scratch_operands = 7 : i64, tpu.core_type = #tpu.core_type<sc_vector_subcore>, window_params = [{transform_indices = #map}, {transform_indices = #map}, {transform_indices = #map1}, {transform_indices = #map}, {transform_indices = #map}]} {
    %mul3A = arith.constant 2 : i32
    %mul3A_0 = arith.muli %arg1, %mul3A : i32
    %add3A = arith.addi %mul3A_0, %arg0 : i32
    %mul3A_1 = arith.constant 80 : i32
    %mul3A_2 = arith.muli %add3A, %mul3A_1 : i32
    "tpu.region"() ({
      %run_scoped3A = tpu.sem_alloc : memref<!tpu.dma_semaphore, #tpu.memory_space<semaphore_mem>>
      %dma_start3A = arith.constant 0 : i32
      %dma_start3A_65 = tpu.memref_slice %arg2[%mul3A_2, %dma_start3A] : memref<2560x128xi32, #tpu.memory_space<hbm>> -> memref<80x128xi32, #tpu.memory_space<hbm>>
      %dma_start3A_66 = arith.constant 0 : i32
      %dma_start3A_67 = tpu.memref_slice %arg2[%mul3A_2, %dma_start3A_66] : memref<2560x128xi32, #tpu.memory_space<hbm>> -> memref<80x128xi32, #tpu.memory_space<hbm>>
      tpu.enqueue_dma source(%dma_start3A_67 : memref<80x128xi32, #tpu.memory_space<hbm>>) target(%arg7 : memref<80x128xi32, #tpu.memory_space<vmem>>) target_semaphore(%run_scoped3A : memref<!tpu.dma_semaphore, #tpu.memory_space<semaphore_mem>>)
      %dma_wait3A = arith.constant 0 : i32
      %dma_wait3A_68 = tpu.memref_slice %arg2[%mul3A_2, %dma_wait3A] : memref<2560x128xi32, #tpu.memory_space<hbm>> -> memref<80x128xi32, #tpu.memory_space<hbm>>
      %dma_wait3A_69 = arith.constant 0 : i32
      %dma_wait3A_70 = tpu.memref_slice %arg2[%mul3A_2, %dma_wait3A_69] : memref<2560x128xi32, #tpu.memory_space<hbm>> -> memref<80x128xi32, #tpu.memory_space<hbm>>
      tpu.wait_dma2 semaphore(%run_scoped3A : memref<!tpu.dma_semaphore, #tpu.memory_space<semaphore_mem>>) src(%dma_wait3A_70 : memref<80x128xi32, #tpu.memory_space<hbm>>) dst(%arg7 : memref<80x128xi32, #tpu.memory_space<vmem>>)
      tpu.yield
    }) : () -> ()
    %mul3A_3 = arith.constant 80 : i32
    %mul3A_4 = arith.muli %add3A, %mul3A_3 : i32
    "tpu.region"() ({
      %run_scoped3A = tpu.sem_alloc : memref<!tpu.dma_semaphore, #tpu.memory_space<semaphore_mem>>
      %dma_start3A = arith.constant 0 : i32
      %dma_start3A_65 = tpu.memref_slice %arg3[%mul3A_4, %dma_start3A] : memref<2560x128xi32, #tpu.memory_space<hbm>> -> memref<80x128xi32, #tpu.memory_space<hbm>>
      %dma_start3A_66 = arith.constant 0 : i32
      %dma_start3A_67 = tpu.memref_slice %arg3[%mul3A_4, %dma_start3A_66] : memref<2560x128xi32, #tpu.memory_space<hbm>> -> memref<80x128xi32, #tpu.memory_space<hbm>>
      tpu.enqueue_dma source(%dma_start3A_67 : memref<80x128xi32, #tpu.memory_space<hbm>>) target(%arg8 : memref<80x128xi32, #tpu.memory_space<vmem>>) target_semaphore(%run_scoped3A : memref<!tpu.dma_semaphore, #tpu.memory_space<semaphore_mem>>)
      %dma_wait3A = arith.constant 0 : i32
      %dma_wait3A_68 = tpu.memref_slice %arg3[%mul3A_4, %dma_wait3A] : memref<2560x128xi32, #tpu.memory_space<hbm>> -> memref<80x128xi32, #tpu.memory_space<hbm>>
      %dma_wait3A_69 = arith.constant 0 : i32
      %dma_wait3A_70 = tpu.memref_slice %arg3[%mul3A_4, %dma_wait3A_69] : memref<2560x128xi32, #tpu.memory_space<hbm>> -> memref<80x128xi32, #tpu.memory_space<hbm>>
      tpu.wait_dma2 semaphore(%run_scoped3A : memref<!tpu.dma_semaphore, #tpu.memory_space<semaphore_mem>>) src(%dma_wait3A_70 : memref<80x128xi32, #tpu.memory_space<hbm>>) dst(%arg8 : memref<80x128xi32, #tpu.memory_space<vmem>>)
      tpu.yield
    }) : () -> ()
    %mul3A_5 = arith.constant 640 : i32
    %mul3A_6 = arith.muli %arg1, %mul3A_5 : i32
    "tpu.region"() ({
      %run_scoped3A = tpu.sem_alloc : memref<!tpu.dma_semaphore, #tpu.memory_space<semaphore_mem>>
      %dma_start3A = tpu.memref_slice %arg4[%mul3A_6] : memref<10240xf32, #tpu.memory_space<hbm>> -> memref<640xf32, #tpu.memory_space<hbm>>
      %dma_start3A_65 = tpu.memref_slice %arg4[%mul3A_6] : memref<10240xf32, #tpu.memory_space<hbm>> -> memref<640xf32, #tpu.memory_space<hbm>>
      tpu.enqueue_dma source(%dma_start3A_65 : memref<640xf32, #tpu.memory_space<hbm>>) target(%arg10 : memref<640xf32, #tpu.memory_space<vmem>>) target_semaphore(%run_scoped3A : memref<!tpu.dma_semaphore, #tpu.memory_space<semaphore_mem>>)
      %dma_wait3A = tpu.memref_slice %arg4[%mul3A_6] : memref<10240xf32, #tpu.memory_space<hbm>> -> memref<640xf32, #tpu.memory_space<hbm>>
      %dma_wait3A_66 = tpu.memref_slice %arg4[%mul3A_6] : memref<10240xf32, #tpu.memory_space<hbm>> -> memref<640xf32, #tpu.memory_space<hbm>>
      tpu.wait_dma2 semaphore(%run_scoped3A : memref<!tpu.dma_semaphore, #tpu.memory_space<semaphore_mem>>) src(%dma_wait3A_66 : memref<640xf32, #tpu.memory_space<hbm>>) dst(%arg10 : memref<640xf32, #tpu.memory_space<vmem>>)
      tpu.yield
    }) : () -> ()
    "tpu.region"() ({
      %run_scoped3A = tpu.sem_alloc : memref<!tpu.dma_semaphore, #tpu.memory_space<semaphore_mem>>
      %dma_start3A = tpu.memref_slice %arg11[%mul3A_6] : memref<10240xf32, #tpu.memory_space<vmem_shared>> -> memref<640xf32, #tpu.memory_space<vmem_shared>>
      %dma_start3A_65 = tpu.memref_slice %arg11[%mul3A_6] : memref<10240xf32, #tpu.memory_space<vmem_shared>> -> memref<640xf32, #tpu.memory_space<vmem_shared>>
      tpu.enqueue_dma source(%arg10 : memref<640xf32, #tpu.memory_space<vmem>>) target(%dma_start3A_65 : memref<640xf32, #tpu.memory_space<vmem_shared>>) target_semaphore(%run_scoped3A : memref<!tpu.dma_semaphore, #tpu.memory_space<semaphore_mem>>)
      %dma_wait3A = tpu.memref_slice %arg11[%mul3A_6] : memref<10240xf32, #tpu.memory_space<vmem_shared>> -> memref<640xf32, #tpu.memory_space<vmem_shared>>
      %dma_wait3A_66 = tpu.memref_slice %arg11[%mul3A_6] : memref<10240xf32, #tpu.memory_space<vmem_shared>> -> memref<640xf32, #tpu.memory_space<vmem_shared>>
      tpu.wait_dma2 semaphore(%run_scoped3A : memref<!tpu.dma_semaphore, #tpu.memory_space<semaphore_mem>>) src(%arg10 : memref<640xf32, #tpu.memory_space<vmem>>) dst(%dma_wait3A_66 : memref<640xf32, #tpu.memory_space<vmem_shared>>)
      tpu.yield
    }) : () -> ()
    "tpu.region"() ({
      %run_scoped3A = tpu.sem_alloc : memref<!tpu.dma_semaphore, #tpu.memory_space<semaphore_mem>>
      %dma_start3A = tpu.memref_slice %arg12[%mul3A_6] : memref<10240xf32, #tpu.memory_space<vmem_shared>> -> memref<640xf32, #tpu.memory_space<vmem_shared>>
      %dma_start3A_65 = tpu.memref_slice %arg12[%mul3A_6] : memref<10240xf32, #tpu.memory_space<vmem_shared>> -> memref<640xf32, #tpu.memory_space<vmem_shared>>
      tpu.enqueue_dma source(%arg10 : memref<640xf32, #tpu.memory_space<vmem>>) target(%dma_start3A_65 : memref<640xf32, #tpu.memory_space<vmem_shared>>) target_semaphore(%run_scoped3A : memref<!tpu.dma_semaphore, #tpu.memory_space<semaphore_mem>>)
      %dma_wait3A = tpu.memref_slice %arg12[%mul3A_6] : memref<10240xf32, #tpu.memory_space<vmem_shared>> -> memref<640xf32, #tpu.memory_space<vmem_shared>>
      %dma_wait3A_66 = tpu.memref_slice %arg12[%mul3A_6] : memref<10240xf32, #tpu.memory_space<vmem_shared>> -> memref<640xf32, #tpu.memory_space<vmem_shared>>
      tpu.wait_dma2 semaphore(%run_scoped3A : memref<!tpu.dma_semaphore, #tpu.memory_space<semaphore_mem>>) src(%arg10 : memref<640xf32, #tpu.memory_space<vmem>>) dst(%dma_wait3A_66 : memref<640xf32, #tpu.memory_space<vmem_shared>>)
      tpu.yield
    }) : () -> ()
    %broadcast_in_dim3A = arith.constant 1.000000e+00 : f32
    %broadcast_in_dim3A_7 = vector.broadcast %broadcast_in_dim3A : f32 to vector<16xf32>
    %swap3A = arith.constant 0 : index
    %swap3A_8 = tpu.vector_load %arg9[%swap3A] {strides = array<i32>} : memref<128xf32, #tpu.memory_space<vmem>>, vector<16xf32>,
    %swap3A_9 = vector.shape_cast %swap3A_8 : vector<16xf32> to vector<16xf32>
    %swap3A_10 = vector.shape_cast %broadcast_in_dim3A_7 : vector<16xf32> to vector<16xf32>
    tpu.vector_store %arg9[%swap3A], %swap3A_10 {strides = array<i32>} : memref<128xf32, #tpu.memory_space<vmem>>, vector<16xf32>,
    %broadcast_in_dim3A_11 = arith.constant 1.000000e+00 : f32
    %broadcast_in_dim3A_12 = vector.broadcast %broadcast_in_dim3A_11 : f32 to vector<16xf32>
    %swap3A_13 = arith.constant 16 : index
    %swap3A_14 = tpu.vector_load %arg9[%swap3A_13] {strides = array<i32>} : memref<128xf32, #tpu.memory_space<vmem>>, vector<16xf32>,
    %swap3A_15 = vector.shape_cast %swap3A_14 : vector<16xf32> to vector<16xf32>
    %swap3A_16 = vector.shape_cast %broadcast_in_dim3A_12 : vector<16xf32> to vector<16xf32>
    tpu.vector_store %arg9[%swap3A_13], %swap3A_16 {strides = array<i32>} : memref<128xf32, #tpu.memory_space<vmem>>, vector<16xf32>,
    %broadcast_in_dim3A_17 = arith.constant 1.000000e+00 : f32
    %broadcast_in_dim3A_18 = vector.broadcast %broadcast_in_dim3A_17 : f32 to vector<16xf32>
    %swap3A_19 = arith.constant 32 : index
    %swap3A_20 = tpu.vector_load %arg9[%swap3A_19] {strides = array<i32>} : memref<128xf32, #tpu.memory_space<vmem>>, vector<16xf32>,
    %swap3A_21 = vector.shape_cast %swap3A_20 : vector<16xf32> to vector<16xf32>
    %swap3A_22 = vector.shape_cast %broadcast_in_dim3A_18 : vector<16xf32> to vector<16xf32>
    tpu.vector_store %arg9[%swap3A_19], %swap3A_22 {strides = array<i32>} : memref<128xf32, #tpu.memory_space<vmem>>, vector<16xf32>,
    %broadcast_in_dim3A_23 = arith.constant 1.000000e+00 : f32
    %broadcast_in_dim3A_24 = vector.broadcast %broadcast_in_dim3A_23 : f32 to vector<16xf32>
    %swap3A_25 = arith.constant 48 : index
    %swap3A_26 = tpu.vector_load %arg9[%swap3A_25] {strides = array<i32>} : memref<128xf32, #tpu.memory_space<vmem>>, vector<16xf32>,
    %swap3A_27 = vector.shape_cast %swap3A_26 : vector<16xf32> to vector<16xf32>
    %swap3A_28 = vector.shape_cast %broadcast_in_dim3A_24 : vector<16xf32> to vector<16xf32>
    tpu.vector_store %arg9[%swap3A_25], %swap3A_28 {strides = array<i32>} : memref<128xf32, #tpu.memory_space<vmem>>, vector<16xf32>,
    %broadcast_in_dim3A_29 = arith.constant 1.000000e+00 : f32
    %broadcast_in_dim3A_30 = vector.broadcast %broadcast_in_dim3A_29 : f32 to vector<16xf32>
    %swap3A_31 = arith.constant 64 : index
    %swap3A_32 = tpu.vector_load %arg9[%swap3A_31] {strides = array<i32>} : memref<128xf32, #tpu.memory_space<vmem>>, vector<16xf32>,
    %swap3A_33 = vector.shape_cast %swap3A_32 : vector<16xf32> to vector<16xf32>
    %swap3A_34 = vector.shape_cast %broadcast_in_dim3A_30 : vector<16xf32> to vector<16xf32>
    tpu.vector_store %arg9[%swap3A_31], %swap3A_34 {strides = array<i32>} : memref<128xf32, #tpu.memory_space<vmem>>, vector<16xf32>,
    %broadcast_in_dim3A_35 = arith.constant 1.000000e+00 : f32
    %broadcast_in_dim3A_36 = vector.broadcast %broadcast_in_dim3A_35 : f32 to vector<16xf32>
    %swap3A_37 = arith.constant 80 : index
    %swap3A_38 = tpu.vector_load %arg9[%swap3A_37] {strides = array<i32>} : memref<128xf32, #tpu.memory_space<vmem>>, vector<16xf32>,
    %swap3A_39 = vector.shape_cast %swap3A_38 : vector<16xf32> to vector<16xf32>
    %swap3A_40 = vector.shape_cast %broadcast_in_dim3A_36 : vector<16xf32> to vector<16xf32>
    tpu.vector_store %arg9[%swap3A_37], %swap3A_40 {strides = array<i32>} : memref<128xf32, #tpu.memory_space<vmem>>, vector<16xf32>,
    %broadcast_in_dim3A_41 = arith.constant 1.000000e+00 : f32
    %broadcast_in_dim3A_42 = vector.broadcast %broadcast_in_dim3A_41 : f32 to vector<16xf32>
    %swap3A_43 = arith.constant 96 : index
    %swap3A_44 = tpu.vector_load %arg9[%swap3A_43] {strides = array<i32>} : memref<128xf32, #tpu.memory_space<vmem>>, vector<16xf32>,
    %swap3A_45 = vector.shape_cast %swap3A_44 : vector<16xf32> to vector<16xf32>
    %swap3A_46 = vector.shape_cast %broadcast_in_dim3A_42 : vector<16xf32> to vector<16xf32>
    tpu.vector_store %arg9[%swap3A_43], %swap3A_46 {strides = array<i32>} : memref<128xf32, #tpu.memory_space<vmem>>, vector<16xf32>,
    %broadcast_in_dim3A_47 = arith.constant 1.000000e+00 : f32
    %broadcast_in_dim3A_48 = vector.broadcast %broadcast_in_dim3A_47 : f32 to vector<16xf32>
    %swap3A_49 = arith.constant 112 : index
    %swap3A_50 = tpu.vector_load %arg9[%swap3A_49] {strides = array<i32>} : memref<128xf32, #tpu.memory_space<vmem>>, vector<16xf32>,
    %swap3A_51 = vector.shape_cast %swap3A_50 : vector<16xf32> to vector<16xf32>
    %swap3A_52 = vector.shape_cast %broadcast_in_dim3A_48 : vector<16xf32> to vector<16xf32>
    tpu.vector_store %arg9[%swap3A_49], %swap3A_52 {strides = array<i32>} : memref<128xf32, #tpu.memory_space<vmem>>, vector<16xf32>,
    %barrier3A = arith.constant 0 : index
    tpu.barrier barrier_id(%barrier3A)
    %scan3A = arith.constant 0 : i32
    %scan3A_53 = arith.constant 0 : i32
    %scan3A_54 = arith.constant 80 : i32
    %scan3A_55 = arith.addi %scan3A_53, %scan3A_54 : i32
    %scan3A_56 = arith.constant 1 : i32
    scf.for %scan3A_65 = %scan3A_53 to %scan3A_55 step %scan3A_56  : i32 {
      %dma_start3A = arith.constant 0 : i32
      %dma_start3A_66 = tpu.memref_slice %arg7[%scan3A_65, %dma_start3A] : memref<80x128xi32, #tpu.memory_space<vmem>> -> memref<1x128xi32, #tpu.memory_space<vmem>>
      %dma_start3A_67 = tpu.memref_squeeze %dma_start3A_66 : memref<1x128xi32, #tpu.memory_space<vmem>> -> memref<128xi32, #tpu.memory_space<vmem>>
      %dma_start3A_68 = arith.constant 0 : i32
      %dma_start3A_69 = tpu.memref_slice %arg11[%dma_start3A_68] : memref<10240xf32, #tpu.memory_space<vmem_shared>> -> memref<10240xf32, #tpu.memory_space<vmem_shared>>
      tpu.enqueue_indirect_dma source(%arg9 : memref<128xf32, #tpu.memory_space<vmem>>) target(%dma_start3A_69 : memref<10240xf32, #tpu.memory_space<vmem_shared>>) offsets(%dma_start3A_67 : memref<128xi32, #tpu.memory_space<vmem>>) semaphore(%arg13 : memref<!tpu.dma_semaphore, #tpu.memory_space<semaphore_mem>>) {add = true}
      %dma_start3A_70 = arith.constant 0 : i32
      %dma_start3A_71 = tpu.memref_slice %arg8[%scan3A_65, %dma_start3A_70] : memref<80x128xi32, #tpu.memory_space<vmem>> -> memref<1x128xi32, #tpu.memory_space<vmem>>
      %dma_start3A_72 = tpu.memref_squeeze %dma_start3A_71 : memref<1x128xi32, #tpu.memory_space<vmem>> -> memref<128xi32, #tpu.memory_space<vmem>>
      %dma_start3A_73 = arith.constant 0 : i32
      %dma_start3A_74 = tpu.memref_slice %arg12[%dma_start3A_73] : memref<10240xf32, #tpu.memory_space<vmem_shared>> -> memref<10240xf32, #tpu.memory_space<vmem_shared>>
      tpu.enqueue_indirect_dma source(%arg9 : memref<128xf32, #tpu.memory_space<vmem>>) target(%dma_start3A_74 : memref<10240xf32, #tpu.memory_space<vmem_shared>>) offsets(%dma_start3A_72 : memref<128xi32, #tpu.memory_space<vmem>>) semaphore(%arg13 : memref<!tpu.dma_semaphore, #tpu.memory_space<semaphore_mem>>) {add = true}
    }
    %scan3A_57 = arith.constant 80 : i32
    %scan3A_58 = arith.constant 0 : i32
    %scan3A_59 = arith.constant 0 : i32
    %scan3A_60 = arith.constant 80 : i32
    %scan3A_61 = arith.addi %scan3A_59, %scan3A_60 : i32
    %scan3A_62 = arith.constant 1 : i32
    scf.for %scan3A_65 = %scan3A_59 to %scan3A_61 step %scan3A_62  : i32 {
      %dma_wait3A = arith.constant 0 : i32
      %dma_wait3A_66 = tpu.memref_slice %arg7[%scan3A_65, %dma_wait3A] : memref<80x128xi32, #tpu.memory_space<vmem>> -> memref<1x128xi32, #tpu.memory_space<vmem>>
      %dma_wait3A_67 = tpu.memref_squeeze %dma_wait3A_66 : memref<1x128xi32, #tpu.memory_space<vmem>> -> memref<128xi32, #tpu.memory_space<vmem>>
      %dma_wait3A_68 = arith.constant 0 : i32
      %dma_wait3A_69 = tpu.memref_slice %arg11[%dma_wait3A_68] : memref<10240xf32, #tpu.memory_space<vmem_shared>> -> memref<10240xf32, #tpu.memory_space<vmem_shared>>
      tpu.wait_indirect_dma semaphore(%arg13 : memref<!tpu.dma_semaphore, #tpu.memory_space<semaphore_mem>>) src(%arg9 : memref<128xf32, #tpu.memory_space<vmem>>) dst(%dma_wait3A_69 : memref<10240xf32, #tpu.memory_space<vmem_shared>>)
      %dma_wait3A_70 = arith.constant 0 : i32
      %dma_wait3A_71 = tpu.memref_slice %arg8[%scan3A_65, %dma_wait3A_70] : memref<80x128xi32, #tpu.memory_space<vmem>> -> memref<1x128xi32, #tpu.memory_space<vmem>>
      %dma_wait3A_72 = tpu.memref_squeeze %dma_wait3A_71 : memref<1x128xi32, #tpu.memory_space<vmem>> -> memref<128xi32, #tpu.memory_space<vmem>>
      %dma_wait3A_73 = arith.constant 0 : i32
      %dma_wait3A_74 = tpu.memref_slice %arg12[%dma_wait3A_73] : memref<10240xf32, #tpu.memory_space<vmem_shared>> -> memref<10240xf32, #tpu.memory_space<vmem_shared>>
      tpu.wait_indirect_dma semaphore(%arg13 : memref<!tpu.dma_semaphore, #tpu.memory_space<semaphore_mem>>) src(%arg9 : memref<128xf32, #tpu.memory_space<vmem>>) dst(%dma_wait3A_74 : memref<10240xf32, #tpu.memory_space<vmem_shared>>)
    }
    %scan3A_63 = arith.constant 80 : i32
    %barrier3A_64 = arith.constant 0 : index
    tpu.barrier barrier_id(%barrier3A_64)
    "tpu.region"() ({
      %run_scoped3A = tpu.sem_alloc : memref<!tpu.dma_semaphore, #tpu.memory_space<semaphore_mem>>
      %dma_start3A = tpu.memref_slice %arg11[%mul3A_6] : memref<10240xf32, #tpu.memory_space<vmem_shared>> -> memref<640xf32, #tpu.memory_space<vmem_shared>>
      %dma_start3A_65 = tpu.memref_slice %arg11[%mul3A_6] : memref<10240xf32, #tpu.memory_space<vmem_shared>> -> memref<640xf32, #tpu.memory_space<vmem_shared>>
      tpu.enqueue_dma source(%dma_start3A_65 : memref<640xf32, #tpu.memory_space<vmem_shared>>) target(%arg10 : memref<640xf32, #tpu.memory_space<vmem>>) target_semaphore(%run_scoped3A : memref<!tpu.dma_semaphore, #tpu.memory_space<semaphore_mem>>)
      %dma_wait3A = tpu.memref_slice %arg11[%mul3A_6] : memref<10240xf32, #tpu.memory_space<vmem_shared>> -> memref<640xf32, #tpu.memory_space<vmem_shared>>
      %dma_wait3A_66 = tpu.memref_slice %arg11[%mul3A_6] : memref<10240xf32, #tpu.memory_space<vmem_shared>> -> memref<640xf32, #tpu.memory_space<vmem_shared>>
      tpu.wait_dma2 semaphore(%run_scoped3A : memref<!tpu.dma_semaphore, #tpu.memory_space<semaphore_mem>>) src(%dma_wait3A_66 : memref<640xf32, #tpu.memory_space<vmem_shared>>) dst(%arg10 : memref<640xf32, #tpu.memory_space<vmem>>)
      tpu.yield
    }) : () -> ()
    "tpu.region"() ({
      %run_scoped3A = tpu.sem_alloc : memref<!tpu.dma_semaphore, #tpu.memory_space<semaphore_mem>>
      %dma_start3A = tpu.memref_slice %arg5[%arg0, %mul3A_6] : memref<2x10240xf32, #tpu.memory_space<hbm>> -> memref<1x640xf32, #tpu.memory_space<hbm>>
      %dma_start3A_65 = tpu.memref_squeeze %dma_start3A : memref<1x640xf32, #tpu.memory_space<hbm>> -> memref<640xf32, #tpu.memory_space<hbm>>
      %dma_start3A_66 = tpu.memref_slice %arg5[%arg0, %mul3A_6] : memref<2x10240xf32, #tpu.memory_space<hbm>> -> memref<1x640xf32, #tpu.memory_space<hbm>>
      %dma_start3A_67 = tpu.memref_squeeze %dma_start3A_66 : memref<1x640xf32, #tpu.memory_space<hbm>> -> memref<640xf32, #tpu.memory_space<hbm>>
      tpu.enqueue_dma source(%arg10 : memref<640xf32, #tpu.memory_space<vmem>>) target(%dma_start3A_67 : memref<640xf32, #tpu.memory_space<hbm>>) target_semaphore(%run_scoped3A : memref<!tpu.dma_semaphore, #tpu.memory_space<semaphore_mem>>)
      %dma_wait3A = tpu.memref_slice %arg5[%arg0, %mul3A_6] : memref<2x10240xf32, #tpu.memory_space<hbm>> -> memref<1x640xf32, #tpu.memory_space<hbm>>
      %dma_wait3A_68 = tpu.memref_squeeze %dma_wait3A : memref<1x640xf32, #tpu.memory_space<hbm>> -> memref<640xf32, #tpu.memory_space<hbm>>
      %dma_wait3A_69 = tpu.memref_slice %arg5[%arg0, %mul3A_6] : memref<2x10240xf32, #tpu.memory_space<hbm>> -> memref<1x640xf32, #tpu.memory_space<hbm>>
      %dma_wait3A_70 = tpu.memref_squeeze %dma_wait3A_69 : memref<1x640xf32, #tpu.memory_space<hbm>> -> memref<640xf32, #tpu.memory_space<hbm>>
      tpu.wait_dma2 semaphore(%run_scoped3A : memref<!tpu.dma_semaphore, #tpu.memory_space<semaphore_mem>>) src(%arg10 : memref<640xf32, #tpu.memory_space<vmem>>) dst(%dma_wait3A_70 : memref<640xf32, #tpu.memory_space<hbm>>)
      tpu.yield
    }) : () -> ()
    "tpu.region"() ({
      %run_scoped3A = tpu.sem_alloc : memref<!tpu.dma_semaphore, #tpu.memory_space<semaphore_mem>>
      %dma_start3A = tpu.memref_slice %arg12[%mul3A_6] : memref<10240xf32, #tpu.memory_space<vmem_shared>> -> memref<640xf32, #tpu.memory_space<vmem_shared>>
      %dma_start3A_65 = tpu.memref_slice %arg12[%mul3A_6] : memref<10240xf32, #tpu.memory_space<vmem_shared>> -> memref<640xf32, #tpu.memory_space<vmem_shared>>
      tpu.enqueue_dma source(%dma_start3A_65 : memref<640xf32, #tpu.memory_space<vmem_shared>>) target(%arg10 : memref<640xf32, #tpu.memory_space<vmem>>) target_semaphore(%run_scoped3A : memref<!tpu.dma_semaphore, #tpu.memory_space<semaphore_mem>>)
      %dma_wait3A = tpu.memref_slice %arg12[%mul3A_6] : memref<10240xf32, #tpu.memory_space<vmem_shared>> -> memref<640xf32, #tpu.memory_space<vmem_shared>>
      %dma_wait3A_66 = tpu.memref_slice %arg12[%mul3A_6] : memref<10240xf32, #tpu.memory_space<vmem_shared>> -> memref<640xf32, #tpu.memory_space<vmem_shared>>
      tpu.wait_dma2 semaphore(%run_scoped3A : memref<!tpu.dma_semaphore, #tpu.memory_space<semaphore_mem>>) src(%dma_wait3A_66 : memref<640xf32, #tpu.memory_space<vmem_shared>>) dst(%arg10 : memref<640xf32, #tpu.memory_space<vmem>>)
      tpu.yield
    }) : () -> ()
    "tpu.region"() ({
      %run_scoped3A = tpu.sem_alloc : memref<!tpu.dma_semaphore, #tpu.memory_space<semaphore_mem>>
      %dma_start3A = tpu.memref_slice %arg6[%arg0, %mul3A_6] : memref<2x10240xf32, #tpu.memory_space<hbm>> -> memref<1x640xf32, #tpu.memory_space<hbm>>
      %dma_start3A_65 = tpu.memref_squeeze %dma_start3A : memref<1x640xf32, #tpu.memory_space<hbm>> -> memref<640xf32, #tpu.memory_space<hbm>>
      %dma_start3A_66 = tpu.memref_slice %arg6[%arg0, %mul3A_6] : memref<2x10240xf32, #tpu.memory_space<hbm>> -> memref<1x640xf32, #tpu.memory_space<hbm>>
      %dma_start3A_67 = tpu.memref_squeeze %dma_start3A_66 : memref<1x640xf32, #tpu.memory_space<hbm>> -> memref<640xf32, #tpu.memory_space<hbm>>
      tpu.enqueue_dma source(%arg10 : memref<640xf32, #tpu.memory_space<vmem>>) target(%dma_start3A_67 : memref<640xf32, #tpu.memory_space<hbm>>) target_semaphore(%run_scoped3A : memref<!tpu.dma_semaphore, #tpu.memory_space<semaphore_mem>>)
      %dma_wait3A = tpu.memref_slice %arg6[%arg0, %mul3A_6] : memref<2x10240xf32, #tpu.memory_space<hbm>> -> memref<1x640xf32, #tpu.memory_space<hbm>>
      %dma_wait3A_68 = tpu.memref_squeeze %dma_wait3A : memref<1x640xf32, #tpu.memory_space<hbm>> -> memref<640xf32, #tpu.memory_space<hbm>>
      %dma_wait3A_69 = tpu.memref_slice %arg6[%arg0, %mul3A_6] : memref<2x10240xf32, #tpu.memory_space<hbm>> -> memref<1x640xf32, #tpu.memory_space<hbm>>
      %dma_wait3A_70 = tpu.memref_squeeze %dma_wait3A_69 : memref<1x640xf32, #tpu.memory_space<hbm>> -> memref<640xf32, #tpu.memory_space<hbm>>
      tpu.wait_dma2 semaphore(%run_scoped3A : memref<!tpu.dma_semaphore, #tpu.memory_space<semaphore_mem>>) src(%arg10 : memref<640xf32, #tpu.memory_space<vmem>>) dst(%dma_wait3A_70 : memref<640xf32, #tpu.memory_space<hbm>>)
      tpu.yield
    }) : () -> ()
    return
  }
}

#map = affine_map<(d0, d1) -> (0, 0)>
#map1 = affine_map<(d0, d1) -> (0)>
#map2 = affine_map<(d0, d1) -> (0, 0, 0)>
module attributes {stable_mosaic.version = 14 : i64} {
  func.func @_aggregate_body(%arg0: i32, %arg1: i32, %arg2: memref<10240x64xf32, #tpu.memory_space<hbm>>, %arg3: memref<10240x64xf32, #tpu.memory_space<hbm>>, %arg4: memref<10240xf32, #tpu.memory_space<hbm>>, %arg5: memref<2560x128xi32, #tpu.memory_space<hbm>>, %arg6: memref<2560x128xi32, #tpu.memory_space<hbm>>, %arg7: memref<10240xf32, #tpu.memory_space<hbm>>, %arg8: memref<128x64xf32, #tpu.memory_space<hbm>>, %arg9: memref<2x10240x64xf32, #tpu.memory_space<hbm>>, %arg10: memref<2x10240x64xf32, #tpu.memory_space<hbm>>, %arg11: memref<2x10240xf32, #tpu.memory_space<hbm>>, %arg12: memref<128x64xf32, #tpu.memory_space<vmem>>, %arg13: memref<128x64xf32, #tpu.memory_space<vmem>>, %arg14: memref<128xf32, #tpu.memory_space<vmem>>, %arg15: memref<128xf32, #tpu.memory_space<vmem>>, %arg16: memref<2x128xi32, #tpu.memory_space<vmem>>, %arg17: memref<2x128xi32, #tpu.memory_space<vmem>>, %arg18: memref<2x128xi32, #tpu.memory_space<vmem>>, %arg19: memref<2x128xi32, #tpu.memory_space<vmem>>, %arg20: memref<10240xf32, #tpu.memory_space<vmem>>, %arg21: memref<10240x64xf32, #tpu.memory_space<vmem_shared>>, %arg22: memref<10240x64xf32, #tpu.memory_space<vmem_shared>>, %arg23: memref<10240xf32, #tpu.memory_space<vmem_shared>>, %arg24: memref<!tpu.dma_semaphore, #tpu.memory_space<semaphore_mem>>, %arg25: memref<!tpu.dma_semaphore, #tpu.memory_space<semaphore_mem>>, %arg26: memref<!tpu.dma_semaphore, #tpu.memory_space<semaphore_mem>>, %arg27: memref<!tpu.dma_semaphore, #tpu.memory_space<semaphore_mem>>, %arg28: memref<!tpu.dma_semaphore, #tpu.memory_space<semaphore_mem>>, %arg29: memref<!tpu.dma_semaphore, #tpu.memory_space<semaphore_mem>>) attributes {dimension_semantics = [#tpu.dimension_semantics<core_parallel>, #tpu.dimension_semantics<subcore_parallel>], iteration_bounds = array<i64: 2, 16>, scalar_prefetch = 0 : i64, scratch_operands = 18 : i64, tpu.core_type = #tpu.core_type<sc_vector_subcore>, window_params = [{transform_indices = #map}, {transform_indices = #map}, {transform_indices = #map1}, {transform_indices = #map}, {transform_indices = #map}, {transform_indices = #map1}, {transform_indices = #map}, {transform_indices = #map2}, {transform_indices = #map2}, {transform_indices = #map}]} {
    %mul3A = arith.constant 640 : i32
    %mul3A_0 = arith.muli %arg1, %mul3A : i32
    "tpu.region"() ({
      %run_scoped3A = tpu.sem_alloc : memref<!tpu.dma_semaphore, #tpu.memory_space<semaphore_mem>>
      %dma_start3A = arith.constant 0 : i32
      %dma_start3A_77 = tpu.memref_slice %arg7[%dma_start3A] : memref<10240xf32, #tpu.memory_space<hbm>> -> memref<128xf32, #tpu.memory_space<hbm>>
      %dma_start3A_78 = arith.constant 0 : i32
      %dma_start3A_79 = tpu.memref_slice %arg7[%dma_start3A_78] : memref<10240xf32, #tpu.memory_space<hbm>> -> memref<128xf32, #tpu.memory_space<hbm>>
      tpu.enqueue_dma source(%dma_start3A_79 : memref<128xf32, #tpu.memory_space<hbm>>) target(%arg14 : memref<128xf32, #tpu.memory_space<vmem>>) target_semaphore(%run_scoped3A : memref<!tpu.dma_semaphore, #tpu.memory_space<semaphore_mem>>)
      %dma_wait3A = arith.constant 0 : i32
      %dma_wait3A_80 = tpu.memref_slice %arg7[%dma_wait3A] : memref<10240xf32, #tpu.memory_space<hbm>> -> memref<128xf32, #tpu.memory_space<hbm>>
      %dma_wait3A_81 = arith.constant 0 : i32
      %dma_wait3A_82 = tpu.memref_slice %arg7[%dma_wait3A_81] : memref<10240xf32, #tpu.memory_space<hbm>> -> memref<128xf32, #tpu.memory_space<hbm>>
      tpu.wait_dma2 semaphore(%run_scoped3A : memref<!tpu.dma_semaphore, #tpu.memory_space<semaphore_mem>>) src(%dma_wait3A_82 : memref<128xf32, #tpu.memory_space<hbm>>) dst(%arg14 : memref<128xf32, #tpu.memory_space<vmem>>)
      tpu.yield
    }) : () -> ()
    %add3A = arith.constant 0 : i32
    %add3A_1 = arith.addi %mul3A_0, %add3A : i32
    "tpu.region"() ({
      %run_scoped3A = tpu.sem_alloc : memref<!tpu.dma_semaphore, #tpu.memory_space<semaphore_mem>>
      %dma_start3A = tpu.memref_slice %arg23[%add3A_1] : memref<10240xf32, #tpu.memory_space<vmem_shared>> -> memref<128xf32, #tpu.memory_space<vmem_shared>>
      %dma_start3A_77 = tpu.memref_slice %arg23[%add3A_1] : memref<10240xf32, #tpu.memory_space<vmem_shared>> -> memref<128xf32, #tpu.memory_space<vmem_shared>>
      tpu.enqueue_dma source(%arg14 : memref<128xf32, #tpu.memory_space<vmem>>) target(%dma_start3A_77 : memref<128xf32, #tpu.memory_space<vmem_shared>>) target_semaphore(%run_scoped3A : memref<!tpu.dma_semaphore, #tpu.memory_space<semaphore_mem>>)
      %dma_wait3A = tpu.memref_slice %arg23[%add3A_1] : memref<10240xf32, #tpu.memory_space<vmem_shared>> -> memref<128xf32, #tpu.memory_space<vmem_shared>>
      %dma_wait3A_78 = tpu.memref_slice %arg23[%add3A_1] : memref<10240xf32, #tpu.memory_space<vmem_shared>> -> memref<128xf32, #tpu.memory_space<vmem_shared>>
      tpu.wait_dma2 semaphore(%run_scoped3A : memref<!tpu.dma_semaphore, #tpu.memory_space<semaphore_mem>>) src(%arg14 : memref<128xf32, #tpu.memory_space<vmem>>) dst(%dma_wait3A_78 : memref<128xf32, #tpu.memory_space<vmem_shared>>)
      tpu.yield
    }) : () -> ()
    %add3A_2 = arith.constant 128 : i32
    %add3A_3 = arith.addi %mul3A_0, %add3A_2 : i32
    "tpu.region"() ({
      %run_scoped3A = tpu.sem_alloc : memref<!tpu.dma_semaphore, #tpu.memory_space<semaphore_mem>>
      %dma_start3A = tpu.memref_slice %arg23[%add3A_3] : memref<10240xf32, #tpu.memory_space<vmem_shared>> -> memref<128xf32, #tpu.memory_space<vmem_shared>>
      %dma_start3A_77 = tpu.memref_slice %arg23[%add3A_3] : memref<10240xf32, #tpu.memory_space<vmem_shared>> -> memref<128xf32, #tpu.memory_space<vmem_shared>>
      tpu.enqueue_dma source(%arg14 : memref<128xf32, #tpu.memory_space<vmem>>) target(%dma_start3A_77 : memref<128xf32, #tpu.memory_space<vmem_shared>>) target_semaphore(%run_scoped3A : memref<!tpu.dma_semaphore, #tpu.memory_space<semaphore_mem>>)
      %dma_wait3A = tpu.memref_slice %arg23[%add3A_3] : memref<10240xf32, #tpu.memory_space<vmem_shared>> -> memref<128xf32, #tpu.memory_space<vmem_shared>>
      %dma_wait3A_78 = tpu.memref_slice %arg23[%add3A_3] : memref<10240xf32, #tpu.memory_space<vmem_shared>> -> memref<128xf32, #tpu.memory_space<vmem_shared>>
      tpu.wait_dma2 semaphore(%run_scoped3A : memref<!tpu.dma_semaphore, #tpu.memory_space<semaphore_mem>>) src(%arg14 : memref<128xf32, #tpu.memory_space<vmem>>) dst(%dma_wait3A_78 : memref<128xf32, #tpu.memory_space<vmem_shared>>)
      tpu.yield
    }) : () -> ()
    %add3A_4 = arith.constant 256 : i32
    %add3A_5 = arith.addi %mul3A_0, %add3A_4 : i32
    "tpu.region"() ({
      %run_scoped3A = tpu.sem_alloc : memref<!tpu.dma_semaphore, #tpu.memory_space<semaphore_mem>>
      %dma_start3A = tpu.memref_slice %arg23[%add3A_5] : memref<10240xf32, #tpu.memory_space<vmem_shared>> -> memref<128xf32, #tpu.memory_space<vmem_shared>>
      %dma_start3A_77 = tpu.memref_slice %arg23[%add3A_5] : memref<10240xf32, #tpu.memory_space<vmem_shared>> -> memref<128xf32, #tpu.memory_space<vmem_shared>>
      tpu.enqueue_dma source(%arg14 : memref<128xf32, #tpu.memory_space<vmem>>) target(%dma_start3A_77 : memref<128xf32, #tpu.memory_space<vmem_shared>>) target_semaphore(%run_scoped3A : memref<!tpu.dma_semaphore, #tpu.memory_space<semaphore_mem>>)
      %dma_wait3A = tpu.memref_slice %arg23[%add3A_5] : memref<10240xf32, #tpu.memory_space<vmem_shared>> -> memref<128xf32, #tpu.memory_space<vmem_shared>>
      %dma_wait3A_78 = tpu.memref_slice %arg23[%add3A_5] : memref<10240xf32, #tpu.memory_space<vmem_shared>> -> memref<128xf32, #tpu.memory_space<vmem_shared>>
      tpu.wait_dma2 semaphore(%run_scoped3A : memref<!tpu.dma_semaphore, #tpu.memory_space<semaphore_mem>>) src(%arg14 : memref<128xf32, #tpu.memory_space<vmem>>) dst(%dma_wait3A_78 : memref<128xf32, #tpu.memory_space<vmem_shared>>)
      tpu.yield
    }) : () -> ()
    %add3A_6 = arith.constant 384 : i32
    %add3A_7 = arith.addi %mul3A_0, %add3A_6 : i32
    "tpu.region"() ({
      %run_scoped3A = tpu.sem_alloc : memref<!tpu.dma_semaphore, #tpu.memory_space<semaphore_mem>>
      %dma_start3A = tpu.memref_slice %arg23[%add3A_7] : memref<10240xf32, #tpu.memory_space<vmem_shared>> -> memref<128xf32, #tpu.memory_space<vmem_shared>>
      %dma_start3A_77 = tpu.memref_slice %arg23[%add3A_7] : memref<10240xf32, #tpu.memory_space<vmem_shared>> -> memref<128xf32, #tpu.memory_space<vmem_shared>>
      tpu.enqueue_dma source(%arg14 : memref<128xf32, #tpu.memory_space<vmem>>) target(%dma_start3A_77 : memref<128xf32, #tpu.memory_space<vmem_shared>>) target_semaphore(%run_scoped3A : memref<!tpu.dma_semaphore, #tpu.memory_space<semaphore_mem>>)
      %dma_wait3A = tpu.memref_slice %arg23[%add3A_7] : memref<10240xf32, #tpu.memory_space<vmem_shared>> -> memref<128xf32, #tpu.memory_space<vmem_shared>>
      %dma_wait3A_78 = tpu.memref_slice %arg23[%add3A_7] : memref<10240xf32, #tpu.memory_space<vmem_shared>> -> memref<128xf32, #tpu.memory_space<vmem_shared>>
      tpu.wait_dma2 semaphore(%run_scoped3A : memref<!tpu.dma_semaphore, #tpu.memory_space<semaphore_mem>>) src(%arg14 : memref<128xf32, #tpu.memory_space<vmem>>) dst(%dma_wait3A_78 : memref<128xf32, #tpu.memory_space<vmem_shared>>)
      tpu.yield
    }) : () -> ()
    %add3A_8 = arith.constant 512 : i32
    %add3A_9 = arith.addi %mul3A_0, %add3A_8 : i32
    "tpu.region"() ({
      %run_scoped3A = tpu.sem_alloc : memref<!tpu.dma_semaphore, #tpu.memory_space<semaphore_mem>>
      %dma_start3A = tpu.memref_slice %arg23[%add3A_9] : memref<10240xf32, #tpu.memory_space<vmem_shared>> -> memref<128xf32, #tpu.memory_space<vmem_shared>>
      %dma_start3A_77 = tpu.memref_slice %arg23[%add3A_9] : memref<10240xf32, #tpu.memory_space<vmem_shared>> -> memref<128xf32, #tpu.memory_space<vmem_shared>>
      tpu.enqueue_dma source(%arg14 : memref<128xf32, #tpu.memory_space<vmem>>) target(%dma_start3A_77 : memref<128xf32, #tpu.memory_space<vmem_shared>>) target_semaphore(%run_scoped3A : memref<!tpu.dma_semaphore, #tpu.memory_space<semaphore_mem>>)
      %dma_wait3A = tpu.memref_slice %arg23[%add3A_9] : memref<10240xf32, #tpu.memory_space<vmem_shared>> -> memref<128xf32, #tpu.memory_space<vmem_shared>>
      %dma_wait3A_78 = tpu.memref_slice %arg23[%add3A_9] : memref<10240xf32, #tpu.memory_space<vmem_shared>> -> memref<128xf32, #tpu.memory_space<vmem_shared>>
      tpu.wait_dma2 semaphore(%run_scoped3A : memref<!tpu.dma_semaphore, #tpu.memory_space<semaphore_mem>>) src(%arg14 : memref<128xf32, #tpu.memory_space<vmem>>) dst(%dma_wait3A_78 : memref<128xf32, #tpu.memory_space<vmem_shared>>)
      tpu.yield
    }) : () -> ()
    "tpu.region"() ({
      %run_scoped3A = tpu.sem_alloc : memref<!tpu.dma_semaphore, #tpu.memory_space<semaphore_mem>>
      tpu.enqueue_dma source(%arg4 : memref<10240xf32, #tpu.memory_space<hbm>>) target(%arg20 : memref<10240xf32, #tpu.memory_space<vmem>>) target_semaphore(%run_scoped3A : memref<!tpu.dma_semaphore, #tpu.memory_space<semaphore_mem>>)
      tpu.wait_dma2 semaphore(%run_scoped3A : memref<!tpu.dma_semaphore, #tpu.memory_space<semaphore_mem>>) src(%arg4 : memref<10240xf32, #tpu.memory_space<hbm>>) dst(%arg20 : memref<10240xf32, #tpu.memory_space<vmem>>)
      tpu.yield
    }) : () -> ()
    "tpu.region"() ({
      %run_scoped3A = tpu.sem_alloc : memref<!tpu.dma_semaphore, #tpu.memory_space<semaphore_mem>>
      tpu.enqueue_dma source(%arg8 : memref<128x64xf32, #tpu.memory_space<hbm>>) target(%arg13 : memref<128x64xf32, #tpu.memory_space<vmem>>) target_semaphore(%run_scoped3A : memref<!tpu.dma_semaphore, #tpu.memory_space<semaphore_mem>>)
      tpu.wait_dma2 semaphore(%run_scoped3A : memref<!tpu.dma_semaphore, #tpu.memory_space<semaphore_mem>>) src(%arg8 : memref<128x64xf32, #tpu.memory_space<hbm>>) dst(%arg13 : memref<128x64xf32, #tpu.memory_space<vmem>>)
      tpu.yield
    }) : () -> ()
    %add3A_10 = arith.constant 0 : i32
    %add3A_11 = arith.addi %mul3A_0, %add3A_10 : i32
    "tpu.region"() ({
      %run_scoped3A = tpu.sem_alloc : memref<!tpu.dma_semaphore, #tpu.memory_space<semaphore_mem>>
      %dma_start3A = arith.constant 0 : i32
      %dma_start3A_77 = tpu.memref_slice %arg2[%add3A_11, %dma_start3A] : memref<10240x64xf32, #tpu.memory_space<hbm>> -> memref<128x64xf32, #tpu.memory_space<hbm>>
      %dma_start3A_78 = arith.constant 0 : i32
      %dma_start3A_79 = tpu.memref_slice %arg2[%add3A_11, %dma_start3A_78] : memref<10240x64xf32, #tpu.memory_space<hbm>> -> memref<128x64xf32, #tpu.memory_space<hbm>>
      tpu.enqueue_dma source(%dma_start3A_79 : memref<128x64xf32, #tpu.memory_space<hbm>>) target(%arg12 : memref<128x64xf32, #tpu.memory_space<vmem>>) target_semaphore(%run_scoped3A : memref<!tpu.dma_semaphore, #tpu.memory_space<semaphore_mem>>)
      %dma_wait3A = arith.constant 0 : i32
      %dma_wait3A_80 = tpu.memref_slice %arg2[%add3A_11, %dma_wait3A] : memref<10240x64xf32, #tpu.memory_space<hbm>> -> memref<128x64xf32, #tpu.memory_space<hbm>>
      %dma_wait3A_81 = arith.constant 0 : i32
      %dma_wait3A_82 = tpu.memref_slice %arg2[%add3A_11, %dma_wait3A_81] : memref<10240x64xf32, #tpu.memory_space<hbm>> -> memref<128x64xf32, #tpu.memory_space<hbm>>
      tpu.wait_dma2 semaphore(%run_scoped3A : memref<!tpu.dma_semaphore, #tpu.memory_space<semaphore_mem>>) src(%dma_wait3A_82 : memref<128x64xf32, #tpu.memory_space<hbm>>) dst(%arg12 : memref<128x64xf32, #tpu.memory_space<vmem>>)
      tpu.yield
    }) : () -> ()
    "tpu.region"() ({
      %run_scoped3A = tpu.sem_alloc : memref<!tpu.dma_semaphore, #tpu.memory_space<semaphore_mem>>
      %dma_start3A = arith.constant 0 : i32
      %dma_start3A_77 = tpu.memref_slice %arg21[%add3A_11, %dma_start3A] : memref<10240x64xf32, #tpu.memory_space<vmem_shared>> -> memref<128x64xf32, #tpu.memory_space<vmem_shared>>
      %dma_start3A_78 = arith.constant 0 : i32
      %dma_start3A_79 = tpu.memref_slice %arg21[%add3A_11, %dma_start3A_78] : memref<10240x64xf32, #tpu.memory_space<vmem_shared>> -> memref<128x64xf32, #tpu.memory_space<vmem_shared>>
      tpu.enqueue_dma source(%arg12 : memref<128x64xf32, #tpu.memory_space<vmem>>) target(%dma_start3A_79 : memref<128x64xf32, #tpu.memory_space<vmem_shared>>) target_semaphore(%run_scoped3A : memref<!tpu.dma_semaphore, #tpu.memory_space<semaphore_mem>>)
      %dma_wait3A = arith.constant 0 : i32
      %dma_wait3A_80 = tpu.memref_slice %arg21[%add3A_11, %dma_wait3A] : memref<10240x64xf32, #tpu.memory_space<vmem_shared>> -> memref<128x64xf32, #tpu.memory_space<vmem_shared>>
      %dma_wait3A_81 = arith.constant 0 : i32
      %dma_wait3A_82 = tpu.memref_slice %arg21[%add3A_11, %dma_wait3A_81] : memref<10240x64xf32, #tpu.memory_space<vmem_shared>> -> memref<128x64xf32, #tpu.memory_space<vmem_shared>>
      tpu.wait_dma2 semaphore(%run_scoped3A : memref<!tpu.dma_semaphore, #tpu.memory_space<semaphore_mem>>) src(%arg12 : memref<128x64xf32, #tpu.memory_space<vmem>>) dst(%dma_wait3A_82 : memref<128x64xf32, #tpu.memory_space<vmem_shared>>)
      tpu.yield
    }) : () -> ()
    "tpu.region"() ({
      %run_scoped3A = tpu.sem_alloc : memref<!tpu.dma_semaphore, #tpu.memory_space<semaphore_mem>>
      %dma_start3A = arith.constant 0 : i32
      %dma_start3A_77 = tpu.memref_slice %arg22[%add3A_11, %dma_start3A] : memref<10240x64xf32, #tpu.memory_space<vmem_shared>> -> memref<128x64xf32, #tpu.memory_space<vmem_shared>>
      %dma_start3A_78 = arith.constant 0 : i32
      %dma_start3A_79 = tpu.memref_slice %arg22[%add3A_11, %dma_start3A_78] : memref<10240x64xf32, #tpu.memory_space<vmem_shared>> -> memref<128x64xf32, #tpu.memory_space<vmem_shared>>
      tpu.enqueue_dma source(%arg13 : memref<128x64xf32, #tpu.memory_space<vmem>>) target(%dma_start3A_79 : memref<128x64xf32, #tpu.memory_space<vmem_shared>>) target_semaphore(%run_scoped3A : memref<!tpu.dma_semaphore, #tpu.memory_space<semaphore_mem>>)
      %dma_wait3A = arith.constant 0 : i32
      %dma_wait3A_80 = tpu.memref_slice %arg22[%add3A_11, %dma_wait3A] : memref<10240x64xf32, #tpu.memory_space<vmem_shared>> -> memref<128x64xf32, #tpu.memory_space<vmem_shared>>
      %dma_wait3A_81 = arith.constant 0 : i32
      %dma_wait3A_82 = tpu.memref_slice %arg22[%add3A_11, %dma_wait3A_81] : memref<10240x64xf32, #tpu.memory_space<vmem_shared>> -> memref<128x64xf32, #tpu.memory_space<vmem_shared>>
      tpu.wait_dma2 semaphore(%run_scoped3A : memref<!tpu.dma_semaphore, #tpu.memory_space<semaphore_mem>>) src(%arg13 : memref<128x64xf32, #tpu.memory_space<vmem>>) dst(%dma_wait3A_82 : memref<128x64xf32, #tpu.memory_space<vmem_shared>>)
      tpu.yield
    }) : () -> ()
    %add3A_12 = arith.constant 128 : i32
    %add3A_13 = arith.addi %mul3A_0, %add3A_12 : i32
    "tpu.region"() ({
      %run_scoped3A = tpu.sem_alloc : memref<!tpu.dma_semaphore, #tpu.memory_space<semaphore_mem>>
      %dma_start3A = arith.constant 0 : i32
      %dma_start3A_77 = tpu.memref_slice %arg2[%add3A_13, %dma_start3A] : memref<10240x64xf32, #tpu.memory_space<hbm>> -> memref<128x64xf32, #tpu.memory_space<hbm>>
      %dma_start3A_78 = arith.constant 0 : i32
      %dma_start3A_79 = tpu.memref_slice %arg2[%add3A_13, %dma_start3A_78] : memref<10240x64xf32, #tpu.memory_space<hbm>> -> memref<128x64xf32, #tpu.memory_space<hbm>>
      tpu.enqueue_dma source(%dma_start3A_79 : memref<128x64xf32, #tpu.memory_space<hbm>>) target(%arg12 : memref<128x64xf32, #tpu.memory_space<vmem>>) target_semaphore(%run_scoped3A : memref<!tpu.dma_semaphore, #tpu.memory_space<semaphore_mem>>)
      %dma_wait3A = arith.constant 0 : i32
      %dma_wait3A_80 = tpu.memref_slice %arg2[%add3A_13, %dma_wait3A] : memref<10240x64xf32, #tpu.memory_space<hbm>> -> memref<128x64xf32, #tpu.memory_space<hbm>>
      %dma_wait3A_81 = arith.constant 0 : i32
      %dma_wait3A_82 = tpu.memref_slice %arg2[%add3A_13, %dma_wait3A_81] : memref<10240x64xf32, #tpu.memory_space<hbm>> -> memref<128x64xf32, #tpu.memory_space<hbm>>
      tpu.wait_dma2 semaphore(%run_scoped3A : memref<!tpu.dma_semaphore, #tpu.memory_space<semaphore_mem>>) src(%dma_wait3A_82 : memref<128x64xf32, #tpu.memory_space<hbm>>) dst(%arg12 : memref<128x64xf32, #tpu.memory_space<vmem>>)
      tpu.yield
    }) : () -> ()
    "tpu.region"() ({
      %run_scoped3A = tpu.sem_alloc : memref<!tpu.dma_semaphore, #tpu.memory_space<semaphore_mem>>
      %dma_start3A = arith.constant 0 : i32
      %dma_start3A_77 = tpu.memref_slice %arg21[%add3A_13, %dma_start3A] : memref<10240x64xf32, #tpu.memory_space<vmem_shared>> -> memref<128x64xf32, #tpu.memory_space<vmem_shared>>
      %dma_start3A_78 = arith.constant 0 : i32
      %dma_start3A_79 = tpu.memref_slice %arg21[%add3A_13, %dma_start3A_78] : memref<10240x64xf32, #tpu.memory_space<vmem_shared>> -> memref<128x64xf32, #tpu.memory_space<vmem_shared>>
      tpu.enqueue_dma source(%arg12 : memref<128x64xf32, #tpu.memory_space<vmem>>) target(%dma_start3A_79 : memref<128x64xf32, #tpu.memory_space<vmem_shared>>) target_semaphore(%run_scoped3A : memref<!tpu.dma_semaphore, #tpu.memory_space<semaphore_mem>>)
      %dma_wait3A = arith.constant 0 : i32
      %dma_wait3A_80 = tpu.memref_slice %arg21[%add3A_13, %dma_wait3A] : memref<10240x64xf32, #tpu.memory_space<vmem_shared>> -> memref<128x64xf32, #tpu.memory_space<vmem_shared>>
      %dma_wait3A_81 = arith.constant 0 : i32
      %dma_wait3A_82 = tpu.memref_slice %arg21[%add3A_13, %dma_wait3A_81] : memref<10240x64xf32, #tpu.memory_space<vmem_shared>> -> memref<128x64xf32, #tpu.memory_space<vmem_shared>>
      tpu.wait_dma2 semaphore(%run_scoped3A : memref<!tpu.dma_semaphore, #tpu.memory_space<semaphore_mem>>) src(%arg12 : memref<128x64xf32, #tpu.memory_space<vmem>>) dst(%dma_wait3A_82 : memref<128x64xf32, #tpu.memory_space<vmem_shared>>)
      tpu.yield
    }) : () -> ()
    "tpu.region"() ({
      %run_scoped3A = tpu.sem_alloc : memref<!tpu.dma_semaphore, #tpu.memory_space<semaphore_mem>>
      %dma_start3A = arith.constant 0 : i32
      %dma_start3A_77 = tpu.memref_slice %arg22[%add3A_13, %dma_start3A] : memref<10240x64xf32, #tpu.memory_space<vmem_shared>> -> memref<128x64xf32, #tpu.memory_space<vmem_shared>>
      %dma_start3A_78 = arith.constant 0 : i32
      %dma_start3A_79 = tpu.memref_slice %arg22[%add3A_13, %dma_start3A_78] : memref<10240x64xf32, #tpu.memory_space<vmem_shared>> -> memref<128x64xf32, #tpu.memory_space<vmem_shared>>
      tpu.enqueue_dma source(%arg13 : memref<128x64xf32, #tpu.memory_space<vmem>>) target(%dma_start3A_79 : memref<128x64xf32, #tpu.memory_space<vmem_shared>>) target_semaphore(%run_scoped3A : memref<!tpu.dma_semaphore, #tpu.memory_space<semaphore_mem>>)
      %dma_wait3A = arith.constant 0 : i32
      %dma_wait3A_80 = tpu.memref_slice %arg22[%add3A_13, %dma_wait3A] : memref<10240x64xf32, #tpu.memory_space<vmem_shared>> -> memref<128x64xf32, #tpu.memory_space<vmem_shared>>
      %dma_wait3A_81 = arith.constant 0 : i32
      %dma_wait3A_82 = tpu.memref_slice %arg22[%add3A_13, %dma_wait3A_81] : memref<10240x64xf32, #tpu.memory_space<vmem_shared>> -> memref<128x64xf32, #tpu.memory_space<vmem_shared>>
      tpu.wait_dma2 semaphore(%run_scoped3A : memref<!tpu.dma_semaphore, #tpu.memory_space<semaphore_mem>>) src(%arg13 : memref<128x64xf32, #tpu.memory_space<vmem>>) dst(%dma_wait3A_82 : memref<128x64xf32, #tpu.memory_space<vmem_shared>>)
      tpu.yield
    }) : () -> ()
    %add3A_14 = arith.constant 256 : i32
    %add3A_15 = arith.addi %mul3A_0, %add3A_14 : i32
    "tpu.region"() ({
      %run_scoped3A = tpu.sem_alloc : memref<!tpu.dma_semaphore, #tpu.memory_space<semaphore_mem>>
      %dma_start3A = arith.constant 0 : i32
      %dma_start3A_77 = tpu.memref_slice %arg2[%add3A_15, %dma_start3A] : memref<10240x64xf32, #tpu.memory_space<hbm>> -> memref<128x64xf32, #tpu.memory_space<hbm>>
      %dma_start3A_78 = arith.constant 0 : i32
      %dma_start3A_79 = tpu.memref_slice %arg2[%add3A_15, %dma_start3A_78] : memref<10240x64xf32, #tpu.memory_space<hbm>> -> memref<128x64xf32, #tpu.memory_space<hbm>>
      tpu.enqueue_dma source(%dma_start3A_79 : memref<128x64xf32, #tpu.memory_space<hbm>>) target(%arg12 : memref<128x64xf32, #tpu.memory_space<vmem>>) target_semaphore(%run_scoped3A : memref<!tpu.dma_semaphore, #tpu.memory_space<semaphore_mem>>)
      %dma_wait3A = arith.constant 0 : i32
      %dma_wait3A_80 = tpu.memref_slice %arg2[%add3A_15, %dma_wait3A] : memref<10240x64xf32, #tpu.memory_space<hbm>> -> memref<128x64xf32, #tpu.memory_space<hbm>>
      %dma_wait3A_81 = arith.constant 0 : i32
      %dma_wait3A_82 = tpu.memref_slice %arg2[%add3A_15, %dma_wait3A_81] : memref<10240x64xf32, #tpu.memory_space<hbm>> -> memref<128x64xf32, #tpu.memory_space<hbm>>
      tpu.wait_dma2 semaphore(%run_scoped3A : memref<!tpu.dma_semaphore, #tpu.memory_space<semaphore_mem>>) src(%dma_wait3A_82 : memref<128x64xf32, #tpu.memory_space<hbm>>) dst(%arg12 : memref<128x64xf32, #tpu.memory_space<vmem>>)
      tpu.yield
    }) : () -> ()
    "tpu.region"() ({
      %run_scoped3A = tpu.sem_alloc : memref<!tpu.dma_semaphore, #tpu.memory_space<semaphore_mem>>
      %dma_start3A = arith.constant 0 : i32
      %dma_start3A_77 = tpu.memref_slice %arg21[%add3A_15, %dma_start3A] : memref<10240x64xf32, #tpu.memory_space<vmem_shared>> -> memref<128x64xf32, #tpu.memory_space<vmem_shared>>
      %dma_start3A_78 = arith.constant 0 : i32
      %dma_start3A_79 = tpu.memref_slice %arg21[%add3A_15, %dma_start3A_78] : memref<10240x64xf32, #tpu.memory_space<vmem_shared>> -> memref<128x64xf32, #tpu.memory_space<vmem_shared>>
      tpu.enqueue_dma source(%arg12 : memref<128x64xf32, #tpu.memory_space<vmem>>) target(%dma_start3A_79 : memref<128x64xf32, #tpu.memory_space<vmem_shared>>) target_semaphore(%run_scoped3A : memref<!tpu.dma_semaphore, #tpu.memory_space<semaphore_mem>>)
      %dma_wait3A = arith.constant 0 : i32
      %dma_wait3A_80 = tpu.memref_slice %arg21[%add3A_15, %dma_wait3A] : memref<10240x64xf32, #tpu.memory_space<vmem_shared>> -> memref<128x64xf32, #tpu.memory_space<vmem_shared>>
      %dma_wait3A_81 = arith.constant 0 : i32
      %dma_wait3A_82 = tpu.memref_slice %arg21[%add3A_15, %dma_wait3A_81] : memref<10240x64xf32, #tpu.memory_space<vmem_shared>> -> memref<128x64xf32, #tpu.memory_space<vmem_shared>>
      tpu.wait_dma2 semaphore(%run_scoped3A : memref<!tpu.dma_semaphore, #tpu.memory_space<semaphore_mem>>) src(%arg12 : memref<128x64xf32, #tpu.memory_space<vmem>>) dst(%dma_wait3A_82 : memref<128x64xf32, #tpu.memory_space<vmem_shared>>)
      tpu.yield
    }) : () -> ()
    "tpu.region"() ({
      %run_scoped3A = tpu.sem_alloc : memref<!tpu.dma_semaphore, #tpu.memory_space<semaphore_mem>>
      %dma_start3A = arith.constant 0 : i32
      %dma_start3A_77 = tpu.memref_slice %arg22[%add3A_15, %dma_start3A] : memref<10240x64xf32, #tpu.memory_space<vmem_shared>> -> memref<128x64xf32, #tpu.memory_space<vmem_shared>>
      %dma_start3A_78 = arith.constant 0 : i32
      %dma_start3A_79 = tpu.memref_slice %arg22[%add3A_15, %dma_start3A_78] : memref<10240x64xf32, #tpu.memory_space<vmem_shared>> -> memref<128x64xf32, #tpu.memory_space<vmem_shared>>
      tpu.enqueue_dma source(%arg13 : memref<128x64xf32, #tpu.memory_space<vmem>>) target(%dma_start3A_79 : memref<128x64xf32, #tpu.memory_space<vmem_shared>>) target_semaphore(%run_scoped3A : memref<!tpu.dma_semaphore, #tpu.memory_space<semaphore_mem>>)
      %dma_wait3A = arith.constant 0 : i32
      %dma_wait3A_80 = tpu.memref_slice %arg22[%add3A_15, %dma_wait3A] : memref<10240x64xf32, #tpu.memory_space<vmem_shared>> -> memref<128x64xf32, #tpu.memory_space<vmem_shared>>
      %dma_wait3A_81 = arith.constant 0 : i32
      %dma_wait3A_82 = tpu.memref_slice %arg22[%add3A_15, %dma_wait3A_81] : memref<10240x64xf32, #tpu.memory_space<vmem_shared>> -> memref<128x64xf32, #tpu.memory_space<vmem_shared>>
      tpu.wait_dma2 semaphore(%run_scoped3A : memref<!tpu.dma_semaphore, #tpu.memory_space<semaphore_mem>>) src(%arg13 : memref<128x64xf32, #tpu.memory_space<vmem>>) dst(%dma_wait3A_82 : memref<128x64xf32, #tpu.memory_space<vmem_shared>>)
      tpu.yield
    }) : () -> ()
    %add3A_16 = arith.constant 384 : i32
    %add3A_17 = arith.addi %mul3A_0, %add3A_16 : i32
    "tpu.region"() ({
      %run_scoped3A = tpu.sem_alloc : memref<!tpu.dma_semaphore, #tpu.memory_space<semaphore_mem>>
      %dma_start3A = arith.constant 0 : i32
      %dma_start3A_77 = tpu.memref_slice %arg2[%add3A_17, %dma_start3A] : memref<10240x64xf32, #tpu.memory_space<hbm>> -> memref<128x64xf32, #tpu.memory_space<hbm>>
      %dma_start3A_78 = arith.constant 0 : i32
      %dma_start3A_79 = tpu.memref_slice %arg2[%add3A_17, %dma_start3A_78] : memref<10240x64xf32, #tpu.memory_space<hbm>> -> memref<128x64xf32, #tpu.memory_space<hbm>>
      tpu.enqueue_dma source(%dma_start3A_79 : memref<128x64xf32, #tpu.memory_space<hbm>>) target(%arg12 : memref<128x64xf32, #tpu.memory_space<vmem>>) target_semaphore(%run_scoped3A : memref<!tpu.dma_semaphore, #tpu.memory_space<semaphore_mem>>)
      %dma_wait3A = arith.constant 0 : i32
      %dma_wait3A_80 = tpu.memref_slice %arg2[%add3A_17, %dma_wait3A] : memref<10240x64xf32, #tpu.memory_space<hbm>> -> memref<128x64xf32, #tpu.memory_space<hbm>>
      %dma_wait3A_81 = arith.constant 0 : i32
      %dma_wait3A_82 = tpu.memref_slice %arg2[%add3A_17, %dma_wait3A_81] : memref<10240x64xf32, #tpu.memory_space<hbm>> -> memref<128x64xf32, #tpu.memory_space<hbm>>
      tpu.wait_dma2 semaphore(%run_scoped3A : memref<!tpu.dma_semaphore, #tpu.memory_space<semaphore_mem>>) src(%dma_wait3A_82 : memref<128x64xf32, #tpu.memory_space<hbm>>) dst(%arg12 : memref<128x64xf32, #tpu.memory_space<vmem>>)
      tpu.yield
    }) : () -> ()
    "tpu.region"() ({
      %run_scoped3A = tpu.sem_alloc : memref<!tpu.dma_semaphore, #tpu.memory_space<semaphore_mem>>
      %dma_start3A = arith.constant 0 : i32
      %dma_start3A_77 = tpu.memref_slice %arg21[%add3A_17, %dma_start3A] : memref<10240x64xf32, #tpu.memory_space<vmem_shared>> -> memref<128x64xf32, #tpu.memory_space<vmem_shared>>
      %dma_start3A_78 = arith.constant 0 : i32
      %dma_start3A_79 = tpu.memref_slice %arg21[%add3A_17, %dma_start3A_78] : memref<10240x64xf32, #tpu.memory_space<vmem_shared>> -> memref<128x64xf32, #tpu.memory_space<vmem_shared>>
      tpu.enqueue_dma source(%arg12 : memref<128x64xf32, #tpu.memory_space<vmem>>) target(%dma_start3A_79 : memref<128x64xf32, #tpu.memory_space<vmem_shared>>) target_semaphore(%run_scoped3A : memref<!tpu.dma_semaphore, #tpu.memory_space<semaphore_mem>>)
      %dma_wait3A = arith.constant 0 : i32
      %dma_wait3A_80 = tpu.memref_slice %arg21[%add3A_17, %dma_wait3A] : memref<10240x64xf32, #tpu.memory_space<vmem_shared>> -> memref<128x64xf32, #tpu.memory_space<vmem_shared>>
      %dma_wait3A_81 = arith.constant 0 : i32
      %dma_wait3A_82 = tpu.memref_slice %arg21[%add3A_17, %dma_wait3A_81] : memref<10240x64xf32, #tpu.memory_space<vmem_shared>> -> memref<128x64xf32, #tpu.memory_space<vmem_shared>>
      tpu.wait_dma2 semaphore(%run_scoped3A : memref<!tpu.dma_semaphore, #tpu.memory_space<semaphore_mem>>) src(%arg12 : memref<128x64xf32, #tpu.memory_space<vmem>>) dst(%dma_wait3A_82 : memref<128x64xf32, #tpu.memory_space<vmem_shared>>)
      tpu.yield
    }) : () -> ()
    "tpu.region"() ({
      %run_scoped3A = tpu.sem_alloc : memref<!tpu.dma_semaphore, #tpu.memory_space<semaphore_mem>>
      %dma_start3A = arith.constant 0 : i32
      %dma_start3A_77 = tpu.memref_slice %arg22[%add3A_17, %dma_start3A] : memref<10240x64xf32, #tpu.memory_space<vmem_shared>> -> memref<128x64xf32, #tpu.memory_space<vmem_shared>>
      %dma_start3A_78 = arith.constant 0 : i32
      %dma_start3A_79 = tpu.memref_slice %arg22[%add3A_17, %dma_start3A_78] : memref<10240x64xf32, #tpu.memory_space<vmem_shared>> -> memref<128x64xf32, #tpu.memory_space<vmem_shared>>
      tpu.enqueue_dma source(%arg13 : memref<128x64xf32, #tpu.memory_space<vmem>>) target(%dma_start3A_79 : memref<128x64xf32, #tpu.memory_space<vmem_shared>>) target_semaphore(%run_scoped3A : memref<!tpu.dma_semaphore, #tpu.memory_space<semaphore_mem>>)
      %dma_wait3A = arith.constant 0 : i32
      %dma_wait3A_80 = tpu.memref_slice %arg22[%add3A_17, %dma_wait3A] : memref<10240x64xf32, #tpu.memory_space<vmem_shared>> -> memref<128x64xf32, #tpu.memory_space<vmem_shared>>
      %dma_wait3A_81 = arith.constant 0 : i32
      %dma_wait3A_82 = tpu.memref_slice %arg22[%add3A_17, %dma_wait3A_81] : memref<10240x64xf32, #tpu.memory_space<vmem_shared>> -> memref<128x64xf32, #tpu.memory_space<vmem_shared>>
      tpu.wait_dma2 semaphore(%run_scoped3A : memref<!tpu.dma_semaphore, #tpu.memory_space<semaphore_mem>>) src(%arg13 : memref<128x64xf32, #tpu.memory_space<vmem>>) dst(%dma_wait3A_82 : memref<128x64xf32, #tpu.memory_space<vmem_shared>>)
      tpu.yield
    }) : () -> ()
    %add3A_18 = arith.constant 512 : i32
    %add3A_19 = arith.addi %mul3A_0, %add3A_18 : i32
    "tpu.region"() ({
      %run_scoped3A = tpu.sem_alloc : memref<!tpu.dma_semaphore, #tpu.memory_space<semaphore_mem>>
      %dma_start3A = arith.constant 0 : i32
      %dma_start3A_77 = tpu.memref_slice %arg2[%add3A_19, %dma_start3A] : memref<10240x64xf32, #tpu.memory_space<hbm>> -> memref<128x64xf32, #tpu.memory_space<hbm>>
      %dma_start3A_78 = arith.constant 0 : i32
      %dma_start3A_79 = tpu.memref_slice %arg2[%add3A_19, %dma_start3A_78] : memref<10240x64xf32, #tpu.memory_space<hbm>> -> memref<128x64xf32, #tpu.memory_space<hbm>>
      tpu.enqueue_dma source(%dma_start3A_79 : memref<128x64xf32, #tpu.memory_space<hbm>>) target(%arg12 : memref<128x64xf32, #tpu.memory_space<vmem>>) target_semaphore(%run_scoped3A : memref<!tpu.dma_semaphore, #tpu.memory_space<semaphore_mem>>)
      %dma_wait3A = arith.constant 0 : i32
      %dma_wait3A_80 = tpu.memref_slice %arg2[%add3A_19, %dma_wait3A] : memref<10240x64xf32, #tpu.memory_space<hbm>> -> memref<128x64xf32, #tpu.memory_space<hbm>>
      %dma_wait3A_81 = arith.constant 0 : i32
      %dma_wait3A_82 = tpu.memref_slice %arg2[%add3A_19, %dma_wait3A_81] : memref<10240x64xf32, #tpu.memory_space<hbm>> -> memref<128x64xf32, #tpu.memory_space<hbm>>
      tpu.wait_dma2 semaphore(%run_scoped3A : memref<!tpu.dma_semaphore, #tpu.memory_space<semaphore_mem>>) src(%dma_wait3A_82 : memref<128x64xf32, #tpu.memory_space<hbm>>) dst(%arg12 : memref<128x64xf32, #tpu.memory_space<vmem>>)
      tpu.yield
    }) : () -> ()
    "tpu.region"() ({
      %run_scoped3A = tpu.sem_alloc : memref<!tpu.dma_semaphore, #tpu.memory_space<semaphore_mem>>
      %dma_start3A = arith.constant 0 : i32
      %dma_start3A_77 = tpu.memref_slice %arg21[%add3A_19, %dma_start3A] : memref<10240x64xf32, #tpu.memory_space<vmem_shared>> -> memref<128x64xf32, #tpu.memory_space<vmem_shared>>
      %dma_start3A_78 = arith.constant 0 : i32
      %dma_start3A_79 = tpu.memref_slice %arg21[%add3A_19, %dma_start3A_78] : memref<10240x64xf32, #tpu.memory_space<vmem_shared>> -> memref<128x64xf32, #tpu.memory_space<vmem_shared>>
      tpu.enqueue_dma source(%arg12 : memref<128x64xf32, #tpu.memory_space<vmem>>) target(%dma_start3A_79 : memref<128x64xf32, #tpu.memory_space<vmem_shared>>) target_semaphore(%run_scoped3A : memref<!tpu.dma_semaphore, #tpu.memory_space<semaphore_mem>>)
      %dma_wait3A = arith.constant 0 : i32
      %dma_wait3A_80 = tpu.memref_slice %arg21[%add3A_19, %dma_wait3A] : memref<10240x64xf32, #tpu.memory_space<vmem_shared>> -> memref<128x64xf32, #tpu.memory_space<vmem_shared>>
      %dma_wait3A_81 = arith.constant 0 : i32
      %dma_wait3A_82 = tpu.memref_slice %arg21[%add3A_19, %dma_wait3A_81] : memref<10240x64xf32, #tpu.memory_space<vmem_shared>> -> memref<128x64xf32, #tpu.memory_space<vmem_shared>>
      tpu.wait_dma2 semaphore(%run_scoped3A : memref<!tpu.dma_semaphore, #tpu.memory_space<semaphore_mem>>) src(%arg12 : memref<128x64xf32, #tpu.memory_space<vmem>>) dst(%dma_wait3A_82 : memref<128x64xf32, #tpu.memory_space<vmem_shared>>)
      tpu.yield
    }) : () -> ()
    "tpu.region"() ({
      %run_scoped3A = tpu.sem_alloc : memref<!tpu.dma_semaphore, #tpu.memory_space<semaphore_mem>>
      %dma_start3A = arith.constant 0 : i32
      %dma_start3A_77 = tpu.memref_slice %arg22[%add3A_19, %dma_start3A] : memref<10240x64xf32, #tpu.memory_space<vmem_shared>> -> memref<128x64xf32, #tpu.memory_space<vmem_shared>>
      %dma_start3A_78 = arith.constant 0 : i32
      %dma_start3A_79 = tpu.memref_slice %arg22[%add3A_19, %dma_start3A_78] : memref<10240x64xf32, #tpu.memory_space<vmem_shared>> -> memref<128x64xf32, #tpu.memory_space<vmem_shared>>
      tpu.enqueue_dma source(%arg13 : memref<128x64xf32, #tpu.memory_space<vmem>>) target(%dma_start3A_79 : memref<128x64xf32, #tpu.memory_space<vmem_shared>>) target_semaphore(%run_scoped3A : memref<!tpu.dma_semaphore, #tpu.memory_space<semaphore_mem>>)
      %dma_wait3A = arith.constant 0 : i32
      %dma_wait3A_80 = tpu.memref_slice %arg22[%add3A_19, %dma_wait3A] : memref<10240x64xf32, #tpu.memory_space<vmem_shared>> -> memref<128x64xf32, #tpu.memory_space<vmem_shared>>
      %dma_wait3A_81 = arith.constant 0 : i32
      %dma_wait3A_82 = tpu.memref_slice %arg22[%add3A_19, %dma_wait3A_81] : memref<10240x64xf32, #tpu.memory_space<vmem_shared>> -> memref<128x64xf32, #tpu.memory_space<vmem_shared>>
      tpu.wait_dma2 semaphore(%run_scoped3A : memref<!tpu.dma_semaphore, #tpu.memory_space<semaphore_mem>>) src(%arg13 : memref<128x64xf32, #tpu.memory_space<vmem>>) dst(%dma_wait3A_82 : memref<128x64xf32, #tpu.memory_space<vmem_shared>>)
      tpu.yield
    }) : () -> ()
    %eq3A = arith.constant 0 : i32
    %eq3A_20 = arith.cmpi eq, %arg0, %eq3A : i32
    %convert_element_type3A = arith.extui %eq3A_20 : i1 to i32
    %cond3A = arith.constant 0 : i32
    %cond3A_21 = arith.cmpi ne, %convert_element_type3A, %cond3A : i32
    scf.if %cond3A_21 {
      %mul3A_77 = arith.constant 160 : i32
      %mul3A_78 = arith.muli %arg1, %mul3A_77 : i32
      %add3A_79 = arith.constant 0 : i32
      %add3A_80 = arith.addi %mul3A_78, %add3A_79 : i32
      %add3A_81 = arith.constant 0 : i32
      %add3A_82 = arith.addi %add3A_80, %add3A_81 : i32
      %dma_start3A = arith.constant 0 : i32
      %dma_start3A_83 = tpu.memref_slice %arg5[%add3A_82, %dma_start3A] : memref<2560x128xi32, #tpu.memory_space<hbm>> -> memref<2x128xi32, #tpu.memory_space<hbm>>
      %dma_start3A_84 = arith.constant 0 : i32
      %dma_start3A_85 = tpu.memref_slice %arg5[%add3A_82, %dma_start3A_84] : memref<2560x128xi32, #tpu.memory_space<hbm>> -> memref<2x128xi32, #tpu.memory_space<hbm>>
      tpu.enqueue_dma source(%dma_start3A_85 : memref<2x128xi32, #tpu.memory_space<hbm>>) target(%arg16 : memref<2x128xi32, #tpu.memory_space<vmem>>) target_semaphore(%arg28 : memref<!tpu.dma_semaphore, #tpu.memory_space<semaphore_mem>>)
      %dma_start3A_86 = arith.constant 0 : i32
      %dma_start3A_87 = tpu.memref_slice %arg6[%add3A_82, %dma_start3A_86] : memref<2560x128xi32, #tpu.memory_space<hbm>> -> memref<2x128xi32, #tpu.memory_space<hbm>>
      %dma_start3A_88 = arith.constant 0 : i32
      %dma_start3A_89 = tpu.memref_slice %arg6[%add3A_82, %dma_start3A_88] : memref<2560x128xi32, #tpu.memory_space<hbm>> -> memref<2x128xi32, #tpu.memory_space<hbm>>
      tpu.enqueue_dma source(%dma_start3A_89 : memref<2x128xi32, #tpu.memory_space<hbm>>) target(%arg18 : memref<2x128xi32, #tpu.memory_space<vmem>>) target_semaphore(%arg28 : memref<!tpu.dma_semaphore, #tpu.memory_space<semaphore_mem>>)
      %dma_wait3A = arith.constant 0 : i32
      %dma_wait3A_90 = arith.constant 0 : i32
      %dma_wait3A_91 = tpu.memref_slice %arg5[%dma_wait3A, %dma_wait3A_90] : memref<2560x128xi32, #tpu.memory_space<hbm>> -> memref<2x128xi32, #tpu.memory_space<hbm>>
      %dma_wait3A_92 = arith.constant 0 : i32
      %dma_wait3A_93 = arith.constant 0 : i32
      %dma_wait3A_94 = tpu.memref_slice %arg5[%dma_wait3A_92, %dma_wait3A_93] : memref<2560x128xi32, #tpu.memory_space<hbm>> -> memref<2x128xi32, #tpu.memory_space<hbm>>
      tpu.wait_dma2 semaphore(%arg28 : memref<!tpu.dma_semaphore, #tpu.memory_space<semaphore_mem>>) src(%dma_wait3A_94 : memref<2x128xi32, #tpu.memory_space<hbm>>) dst(%arg16 : memref<2x128xi32, #tpu.memory_space<vmem>>)
      %dma_wait3A_95 = arith.constant 0 : i32
      %dma_wait3A_96 = arith.constant 0 : i32
      %dma_wait3A_97 = tpu.memref_slice %arg6[%dma_wait3A_95, %dma_wait3A_96] : memref<2560x128xi32, #tpu.memory_space<hbm>> -> memref<2x128xi32, #tpu.memory_space<hbm>>
      %dma_wait3A_98 = arith.constant 0 : i32
      %dma_wait3A_99 = arith.constant 0 : i32
      %dma_wait3A_100 = tpu.memref_slice %arg6[%dma_wait3A_98, %dma_wait3A_99] : memref<2560x128xi32, #tpu.memory_space<hbm>> -> memref<2x128xi32, #tpu.memory_space<hbm>>
      tpu.wait_dma2 semaphore(%arg28 : memref<!tpu.dma_semaphore, #tpu.memory_space<semaphore_mem>>) src(%dma_wait3A_100 : memref<2x128xi32, #tpu.memory_space<hbm>>) dst(%arg18 : memref<2x128xi32, #tpu.memory_space<vmem>>)
      %mul3A_101 = arith.constant 160 : i32
      %mul3A_102 = arith.muli %arg1, %mul3A_101 : i32
      %add3A_103 = arith.constant 0 : i32
      %add3A_104 = arith.addi %mul3A_102, %add3A_103 : i32
      %add3A_105 = arith.constant 2 : i32
      %add3A_106 = arith.addi %add3A_104, %add3A_105 : i32
      %dma_start3A_107 = arith.constant 0 : i32
      %dma_start3A_108 = tpu.memref_slice %arg5[%add3A_106, %dma_start3A_107] : memref<2560x128xi32, #tpu.memory_space<hbm>> -> memref<2x128xi32, #tpu.memory_space<hbm>>
      %dma_start3A_109 = arith.constant 0 : i32
      %dma_start3A_110 = tpu.memref_slice %arg5[%add3A_106, %dma_start3A_109] : memref<2560x128xi32, #tpu.memory_space<hbm>> -> memref<2x128xi32, #tpu.memory_space<hbm>>
      tpu.enqueue_dma source(%dma_start3A_110 : memref<2x128xi32, #tpu.memory_space<hbm>>) target(%arg17 : memref<2x128xi32, #tpu.memory_space<vmem>>) target_semaphore(%arg29 : memref<!tpu.dma_semaphore, #tpu.memory_space<semaphore_mem>>)
      %dma_start3A_111 = arith.constant 0 : i32
      %dma_start3A_112 = tpu.memref_slice %arg6[%add3A_106, %dma_start3A_111] : memref<2560x128xi32, #tpu.memory_space<hbm>> -> memref<2x128xi32, #tpu.memory_space<hbm>>
      %dma_start3A_113 = arith.constant 0 : i32
      %dma_start3A_114 = tpu.memref_slice %arg6[%add3A_106, %dma_start3A_113] : memref<2560x128xi32, #tpu.memory_space<hbm>> -> memref<2x128xi32, #tpu.memory_space<hbm>>
      tpu.enqueue_dma source(%dma_start3A_114 : memref<2x128xi32, #tpu.memory_space<hbm>>) target(%arg19 : memref<2x128xi32, #tpu.memory_space<vmem>>) target_semaphore(%arg29 : memref<!tpu.dma_semaphore, #tpu.memory_space<semaphore_mem>>)
      %barrier3A = arith.constant 0 : index
      tpu.barrier barrier_id(%barrier3A)
      %dma_start3A_115 = arith.constant 0 : i32
      %dma_start3A_116 = arith.constant 0 : i32
      %dma_start3A_117 = tpu.memref_slice %arg16[%dma_start3A_115, %dma_start3A_116] : memref<2x128xi32, #tpu.memory_space<vmem>> -> memref<1x128xi32, #tpu.memory_space<vmem>>
      %dma_start3A_118 = tpu.memref_squeeze %dma_start3A_117 : memref<1x128xi32, #tpu.memory_space<vmem>> -> memref<128xi32, #tpu.memory_space<vmem>>
      %dma_start3A_119 = arith.constant 0 : i32
      %dma_start3A_120 = arith.constant 0 : i32
      %dma_start3A_121 = tpu.memref_slice %arg21[%dma_start3A_119, %dma_start3A_120] : memref<10240x64xf32, #tpu.memory_space<vmem_shared>> -> memref<10240x64xf32, #tpu.memory_space<vmem_shared>>
      tpu.enqueue_indirect_dma source(%dma_start3A_121 : memref<10240x64xf32, #tpu.memory_space<vmem_shared>>) target(%arg12 : memref<128x64xf32, #tpu.memory_space<vmem>>) offsets(%dma_start3A_118 : memref<128xi32, #tpu.memory_space<vmem>>) semaphore(%arg24 : memref<!tpu.dma_semaphore, #tpu.memory_space<semaphore_mem>>)
      %get3A = arith.constant 0 : i32
      %get3A_122 = arith.index_cast %get3A : i32 to index
      %get3A_123 = arith.constant 0 : index
      %get3A_124 = tpu.vector_load %arg18[%get3A_122, %get3A_123] {strides = array<i32>} : memref<2x128xi32, #tpu.memory_space<vmem>>, vector<16xi32>,
      %gather3A = tpu.vector_load_idx %arg20[%get3A_124] : memref<10240xf32, #tpu.memory_space<vmem>>[vector<16xi32>], vector<16xf32>,
      %swap3A = arith.constant 0 : index
      %swap3A_125 = tpu.vector_load %arg14[%swap3A] {strides = array<i32>} : memref<128xf32, #tpu.memory_space<vmem>>, vector<16xf32>,
      %swap3A_126 = vector.shape_cast %swap3A_125 : vector<16xf32> to vector<16xf32>
      %swap3A_127 = vector.shape_cast %gather3A : vector<16xf32> to vector<16xf32>
      tpu.vector_store %arg14[%swap3A], %swap3A_127 {strides = array<i32>} : memref<128xf32, #tpu.memory_space<vmem>>, vector<16xf32>,
      %get3A_128 = arith.constant 0 : i32
      %get3A_129 = arith.index_cast %get3A_128 : i32 to index
      %get3A_130 = arith.constant 16 : index
      %get3A_131 = tpu.vector_load %arg18[%get3A_129, %get3A_130] {strides = array<i32>} : memref<2x128xi32, #tpu.memory_space<vmem>>, vector<16xi32>,
      %gather3A_132 = tpu.vector_load_idx %arg20[%get3A_131] : memref<10240xf32, #tpu.memory_space<vmem>>[vector<16xi32>], vector<16xf32>,
      %swap3A_133 = arith.constant 16 : index
      %swap3A_134 = tpu.vector_load %arg14[%swap3A_133] {strides = array<i32>} : memref<128xf32, #tpu.memory_space<vmem>>, vector<16xf32>,
      %swap3A_135 = vector.shape_cast %swap3A_134 : vector<16xf32> to vector<16xf32>
      %swap3A_136 = vector.shape_cast %gather3A_132 : vector<16xf32> to vector<16xf32>
      tpu.vector_store %arg14[%swap3A_133], %swap3A_136 {strides = array<i32>} : memref<128xf32, #tpu.memory_space<vmem>>, vector<16xf32>,
      %get3A_137 = arith.constant 0 : i32
      %get3A_138 = arith.index_cast %get3A_137 : i32 to index
      %get3A_139 = arith.constant 32 : index
      %get3A_140 = tpu.vector_load %arg18[%get3A_138, %get3A_139] {strides = array<i32>} : memref<2x128xi32, #tpu.memory_space<vmem>>, vector<16xi32>,
      %gather3A_141 = tpu.vector_load_idx %arg20[%get3A_140] : memref<10240xf32, #tpu.memory_space<vmem>>[vector<16xi32>], vector<16xf32>,
      %swap3A_142 = arith.constant 32 : index
      %swap3A_143 = tpu.vector_load %arg14[%swap3A_142] {strides = array<i32>} : memref<128xf32, #tpu.memory_space<vmem>>, vector<16xf32>,
      %swap3A_144 = vector.shape_cast %swap3A_143 : vector<16xf32> to vector<16xf32>
      %swap3A_145 = vector.shape_cast %gather3A_141 : vector<16xf32> to vector<16xf32>
      tpu.vector_store %arg14[%swap3A_142], %swap3A_145 {strides = array<i32>} : memref<128xf32, #tpu.memory_space<vmem>>, vector<16xf32>,
      %get3A_146 = arith.constant 0 : i32
      %get3A_147 = arith.index_cast %get3A_146 : i32 to index
      %get3A_148 = arith.constant 48 : index
      %get3A_149 = tpu.vector_load %arg18[%get3A_147, %get3A_148] {strides = array<i32>} : memref<2x128xi32, #tpu.memory_space<vmem>>, vector<16xi32>,
      %gather3A_150 = tpu.vector_load_idx %arg20[%get3A_149] : memref<10240xf32, #tpu.memory_space<vmem>>[vector<16xi32>], vector<16xf32>,
      %swap3A_151 = arith.constant 48 : index
      %swap3A_152 = tpu.vector_load %arg14[%swap3A_151] {strides = array<i32>} : memref<128xf32, #tpu.memory_space<vmem>>, vector<16xf32>,
      %swap3A_153 = vector.shape_cast %swap3A_152 : vector<16xf32> to vector<16xf32>
      %swap3A_154 = vector.shape_cast %gather3A_150 : vector<16xf32> to vector<16xf32>
      tpu.vector_store %arg14[%swap3A_151], %swap3A_154 {strides = array<i32>} : memref<128xf32, #tpu.memory_space<vmem>>, vector<16xf32>,
      %get3A_155 = arith.constant 0 : i32
      %get3A_156 = arith.index_cast %get3A_155 : i32 to index
      %get3A_157 = arith.constant 64 : index
      %get3A_158 = tpu.vector_load %arg18[%get3A_156, %get3A_157] {strides = array<i32>} : memref<2x128xi32, #tpu.memory_space<vmem>>, vector<16xi32>,
      %gather3A_159 = tpu.vector_load_idx %arg20[%get3A_158] : memref<10240xf32, #tpu.memory_space<vmem>>[vector<16xi32>], vector<16xf32>,
      %swap3A_160 = arith.constant 64 : index
      %swap3A_161 = tpu.vector_load %arg14[%swap3A_160] {strides = array<i32>} : memref<128xf32, #tpu.memory_space<vmem>>, vector<16xf32>,
      %swap3A_162 = vector.shape_cast %swap3A_161 : vector<16xf32> to vector<16xf32>
      %swap3A_163 = vector.shape_cast %gather3A_159 : vector<16xf32> to vector<16xf32>
      tpu.vector_store %arg14[%swap3A_160], %swap3A_163 {strides = array<i32>} : memref<128xf32, #tpu.memory_space<vmem>>, vector<16xf32>,
      %get3A_164 = arith.constant 0 : i32
      %get3A_165 = arith.index_cast %get3A_164 : i32 to index
      %get3A_166 = arith.constant 80 : index
      %get3A_167 = tpu.vector_load %arg18[%get3A_165, %get3A_166] {strides = array<i32>} : memref<2x128xi32, #tpu.memory_space<vmem>>, vector<16xi32>,
      %gather3A_168 = tpu.vector_load_idx %arg20[%get3A_167] : memref<10240xf32, #tpu.memory_space<vmem>>[vector<16xi32>], vector<16xf32>,
      %swap3A_169 = arith.constant 80 : index
      %swap3A_170 = tpu.vector_load %arg14[%swap3A_169] {strides = array<i32>} : memref<128xf32, #tpu.memory_space<vmem>>, vector<16xf32>,
      %swap3A_171 = vector.shape_cast %swap3A_170 : vector<16xf32> to vector<16xf32>
      %swap3A_172 = vector.shape_cast %gather3A_168 : vector<16xf32> to vector<16xf32>
      tpu.vector_store %arg14[%swap3A_169], %swap3A_172 {strides = array<i32>} : memref<128xf32, #tpu.memory_space<vmem>>, vector<16xf32>,
      %get3A_173 = arith.constant 0 : i32
      %get3A_174 = arith.index_cast %get3A_173 : i32 to index
      %get3A_175 = arith.constant 96 : index
      %get3A_176 = tpu.vector_load %arg18[%get3A_174, %get3A_175] {strides = array<i32>} : memref<2x128xi32, #tpu.memory_space<vmem>>, vector<16xi32>,
      %gather3A_177 = tpu.vector_load_idx %arg20[%get3A_176] : memref<10240xf32, #tpu.memory_space<vmem>>[vector<16xi32>], vector<16xf32>,
      %swap3A_178 = arith.constant 96 : index
      %swap3A_179 = tpu.vector_load %arg14[%swap3A_178] {strides = array<i32>} : memref<128xf32, #tpu.memory_space<vmem>>, vector<16xf32>,
      %swap3A_180 = vector.shape_cast %swap3A_179 : vector<16xf32> to vector<16xf32>
      %swap3A_181 = vector.shape_cast %gather3A_177 : vector<16xf32> to vector<16xf32>
      tpu.vector_store %arg14[%swap3A_178], %swap3A_181 {strides = array<i32>} : memref<128xf32, #tpu.memory_space<vmem>>, vector<16xf32>,
      %get3A_182 = arith.constant 0 : i32
      %get3A_183 = arith.index_cast %get3A_182 : i32 to index
      %get3A_184 = arith.constant 112 : index
      %get3A_185 = tpu.vector_load %arg18[%get3A_183, %get3A_184] {strides = array<i32>} : memref<2x128xi32, #tpu.memory_space<vmem>>, vector<16xi32>,
      %gather3A_186 = tpu.vector_load_idx %arg20[%get3A_185] : memref<10240xf32, #tpu.memory_space<vmem>>[vector<16xi32>], vector<16xf32>,
      %swap3A_187 = arith.constant 112 : index
      %swap3A_188 = tpu.vector_load %arg14[%swap3A_187] {strides = array<i32>} : memref<128xf32, #tpu.memory_space<vmem>>, vector<16xf32>,
      %swap3A_189 = vector.shape_cast %swap3A_188 : vector<16xf32> to vector<16xf32>
      %swap3A_190 = vector.shape_cast %gather3A_186 : vector<16xf32> to vector<16xf32>
      tpu.vector_store %arg14[%swap3A_187], %swap3A_190 {strides = array<i32>} : memref<128xf32, #tpu.memory_space<vmem>>, vector<16xf32>,
      %dma_start3A_191 = arith.constant 1 : i32
      %dma_start3A_192 = arith.constant 0 : i32
      %dma_start3A_193 = tpu.memref_slice %arg16[%dma_start3A_191, %dma_start3A_192] : memref<2x128xi32, #tpu.memory_space<vmem>> -> memref<1x128xi32, #tpu.memory_space<vmem>>
      %dma_start3A_194 = tpu.memref_squeeze %dma_start3A_193 : memref<1x128xi32, #tpu.memory_space<vmem>> -> memref<128xi32, #tpu.memory_space<vmem>>
      %dma_start3A_195 = arith.constant 0 : i32
      %dma_start3A_196 = arith.constant 0 : i32
      %dma_start3A_197 = tpu.memref_slice %arg21[%dma_start3A_195, %dma_start3A_196] : memref<10240x64xf32, #tpu.memory_space<vmem_shared>> -> memref<10240x64xf32, #tpu.memory_space<vmem_shared>>
      tpu.enqueue_indirect_dma source(%dma_start3A_197 : memref<10240x64xf32, #tpu.memory_space<vmem_shared>>) target(%arg13 : memref<128x64xf32, #tpu.memory_space<vmem>>) offsets(%dma_start3A_194 : memref<128xi32, #tpu.memory_space<vmem>>) semaphore(%arg25 : memref<!tpu.dma_semaphore, #tpu.memory_space<semaphore_mem>>)
      %get3A_198 = arith.constant 1 : i32
      %get3A_199 = arith.index_cast %get3A_198 : i32 to index
      %get3A_200 = arith.constant 0 : index
      %get3A_201 = tpu.vector_load %arg18[%get3A_199, %get3A_200] {strides = array<i32>} : memref<2x128xi32, #tpu.memory_space<vmem>>, vector<16xi32>,
      %gather3A_202 = tpu.vector_load_idx %arg20[%get3A_201] : memref<10240xf32, #tpu.memory_space<vmem>>[vector<16xi32>], vector<16xf32>,
      %swap3A_203 = arith.constant 0 : index
      %swap3A_204 = tpu.vector_load %arg15[%swap3A_203] {strides = array<i32>} : memref<128xf32, #tpu.memory_space<vmem>>, vector<16xf32>,
      %swap3A_205 = vector.shape_cast %swap3A_204 : vector<16xf32> to vector<16xf32>
      %swap3A_206 = vector.shape_cast %gather3A_202 : vector<16xf32> to vector<16xf32>
      tpu.vector_store %arg15[%swap3A_203], %swap3A_206 {strides = array<i32>} : memref<128xf32, #tpu.memory_space<vmem>>, vector<16xf32>,
      %get3A_207 = arith.constant 1 : i32
      %get3A_208 = arith.index_cast %get3A_207 : i32 to index
      %get3A_209 = arith.constant 16 : index
      %get3A_210 = tpu.vector_load %arg18[%get3A_208, %get3A_209] {strides = array<i32>} : memref<2x128xi32, #tpu.memory_space<vmem>>, vector<16xi32>,
      %gather3A_211 = tpu.vector_load_idx %arg20[%get3A_210] : memref<10240xf32, #tpu.memory_space<vmem>>[vector<16xi32>], vector<16xf32>,
      %swap3A_212 = arith.constant 16 : index
      %swap3A_213 = tpu.vector_load %arg15[%swap3A_212] {strides = array<i32>} : memref<128xf32, #tpu.memory_space<vmem>>, vector<16xf32>,
      %swap3A_214 = vector.shape_cast %swap3A_213 : vector<16xf32> to vector<16xf32>
      %swap3A_215 = vector.shape_cast %gather3A_211 : vector<16xf32> to vector<16xf32>
      tpu.vector_store %arg15[%swap3A_212], %swap3A_215 {strides = array<i32>} : memref<128xf32, #tpu.memory_space<vmem>>, vector<16xf32>,
      %get3A_216 = arith.constant 1 : i32
      %get3A_217 = arith.index_cast %get3A_216 : i32 to index
      %get3A_218 = arith.constant 32 : index
      %get3A_219 = tpu.vector_load %arg18[%get3A_217, %get3A_218] {strides = array<i32>} : memref<2x128xi32, #tpu.memory_space<vmem>>, vector<16xi32>,
      %gather3A_220 = tpu.vector_load_idx %arg20[%get3A_219] : memref<10240xf32, #tpu.memory_space<vmem>>[vector<16xi32>], vector<16xf32>,
      %swap3A_221 = arith.constant 32 : index
      %swap3A_222 = tpu.vector_load %arg15[%swap3A_221] {strides = array<i32>} : memref<128xf32, #tpu.memory_space<vmem>>, vector<16xf32>,
      %swap3A_223 = vector.shape_cast %swap3A_222 : vector<16xf32> to vector<16xf32>
      %swap3A_224 = vector.shape_cast %gather3A_220 : vector<16xf32> to vector<16xf32>
      tpu.vector_store %arg15[%swap3A_221], %swap3A_224 {strides = array<i32>} : memref<128xf32, #tpu.memory_space<vmem>>, vector<16xf32>,
      %get3A_225 = arith.constant 1 : i32
      %get3A_226 = arith.index_cast %get3A_225 : i32 to index
      %get3A_227 = arith.constant 48 : index
      %get3A_228 = tpu.vector_load %arg18[%get3A_226, %get3A_227] {strides = array<i32>} : memref<2x128xi32, #tpu.memory_space<vmem>>, vector<16xi32>,
      %gather3A_229 = tpu.vector_load_idx %arg20[%get3A_228] : memref<10240xf32, #tpu.memory_space<vmem>>[vector<16xi32>], vector<16xf32>,
      %swap3A_230 = arith.constant 48 : index
      %swap3A_231 = tpu.vector_load %arg15[%swap3A_230] {strides = array<i32>} : memref<128xf32, #tpu.memory_space<vmem>>, vector<16xf32>,
      %swap3A_232 = vector.shape_cast %swap3A_231 : vector<16xf32> to vector<16xf32>
      %swap3A_233 = vector.shape_cast %gather3A_229 : vector<16xf32> to vector<16xf32>
      tpu.vector_store %arg15[%swap3A_230], %swap3A_233 {strides = array<i32>} : memref<128xf32, #tpu.memory_space<vmem>>, vector<16xf32>,
      %get3A_234 = arith.constant 1 : i32
      %get3A_235 = arith.index_cast %get3A_234 : i32 to index
      %get3A_236 = arith.constant 64 : index
      %get3A_237 = tpu.vector_load %arg18[%get3A_235, %get3A_236] {strides = array<i32>} : memref<2x128xi32, #tpu.memory_space<vmem>>, vector<16xi32>,
      %gather3A_238 = tpu.vector_load_idx %arg20[%get3A_237] : memref<10240xf32, #tpu.memory_space<vmem>>[vector<16xi32>], vector<16xf32>,
      %swap3A_239 = arith.constant 64 : index
      %swap3A_240 = tpu.vector_load %arg15[%swap3A_239] {strides = array<i32>} : memref<128xf32, #tpu.memory_space<vmem>>, vector<16xf32>,
      %swap3A_241 = vector.shape_cast %swap3A_240 : vector<16xf32> to vector<16xf32>
      %swap3A_242 = vector.shape_cast %gather3A_238 : vector<16xf32> to vector<16xf32>
      tpu.vector_store %arg15[%swap3A_239], %swap3A_242 {strides = array<i32>} : memref<128xf32, #tpu.memory_space<vmem>>, vector<16xf32>,
      %get3A_243 = arith.constant 1 : i32
      %get3A_244 = arith.index_cast %get3A_243 : i32 to index
      %get3A_245 = arith.constant 80 : index
      %get3A_246 = tpu.vector_load %arg18[%get3A_244, %get3A_245] {strides = array<i32>} : memref<2x128xi32, #tpu.memory_space<vmem>>, vector<16xi32>,
      %gather3A_247 = tpu.vector_load_idx %arg20[%get3A_246] : memref<10240xf32, #tpu.memory_space<vmem>>[vector<16xi32>], vector<16xf32>,
      %swap3A_248 = arith.constant 80 : index
      %swap3A_249 = tpu.vector_load %arg15[%swap3A_248] {strides = array<i32>} : memref<128xf32, #tpu.memory_space<vmem>>, vector<16xf32>,
      %swap3A_250 = vector.shape_cast %swap3A_249 : vector<16xf32> to vector<16xf32>
      %swap3A_251 = vector.shape_cast %gather3A_247 : vector<16xf32> to vector<16xf32>
      tpu.vector_store %arg15[%swap3A_248], %swap3A_251 {strides = array<i32>} : memref<128xf32, #tpu.memory_space<vmem>>, vector<16xf32>,
      %get3A_252 = arith.constant 1 : i32
      %get3A_253 = arith.index_cast %get3A_252 : i32 to index
      %get3A_254 = arith.constant 96 : index
      %get3A_255 = tpu.vector_load %arg18[%get3A_253, %get3A_254] {strides = array<i32>} : memref<2x128xi32, #tpu.memory_space<vmem>>, vector<16xi32>,
      %gather3A_256 = tpu.vector_load_idx %arg20[%get3A_255] : memref<10240xf32, #tpu.memory_space<vmem>>[vector<16xi32>], vector<16xf32>,
      %swap3A_257 = arith.constant 96 : index
      %swap3A_258 = tpu.vector_load %arg15[%swap3A_257] {strides = array<i32>} : memref<128xf32, #tpu.memory_space<vmem>>, vector<16xf32>,
      %swap3A_259 = vector.shape_cast %swap3A_258 : vector<16xf32> to vector<16xf32>
      %swap3A_260 = vector.shape_cast %gather3A_256 : vector<16xf32> to vector<16xf32>
      tpu.vector_store %arg15[%swap3A_257], %swap3A_260 {strides = array<i32>} : memref<128xf32, #tpu.memory_space<vmem>>, vector<16xf32>,
      %get3A_261 = arith.constant 1 : i32
      %get3A_262 = arith.index_cast %get3A_261 : i32 to index
      %get3A_263 = arith.constant 112 : index
      %get3A_264 = tpu.vector_load %arg18[%get3A_262, %get3A_263] {strides = array<i32>} : memref<2x128xi32, #tpu.memory_space<vmem>>, vector<16xi32>,
      %gather3A_265 = tpu.vector_load_idx %arg20[%get3A_264] : memref<10240xf32, #tpu.memory_space<vmem>>[vector<16xi32>], vector<16xf32>,
      %swap3A_266 = arith.constant 112 : index
      %swap3A_267 = tpu.vector_load %arg15[%swap3A_266] {strides = array<i32>} : memref<128xf32, #tpu.memory_space<vmem>>, vector<16xf32>,
      %swap3A_268 = vector.shape_cast %swap3A_267 : vector<16xf32> to vector<16xf32>
      %swap3A_269 = vector.shape_cast %gather3A_265 : vector<16xf32> to vector<16xf32>
      tpu.vector_store %arg15[%swap3A_266], %swap3A_269 {strides = array<i32>} : memref<128xf32, #tpu.memory_space<vmem>>, vector<16xf32>,
      %scan3A = arith.constant 0 : i32
      %scan3A_270 = arith.constant 0 : i32
      %scan3A_271 = arith.constant 47 : i32
      %scan3A_272 = arith.addi %scan3A_270, %scan3A_271 : i32
      %scan3A_273 = arith.constant 1 : i32
      scf.for %scan3A_276 = %scan3A_270 to %scan3A_272 step %scan3A_273  : i32 {
        %rem3A = arith.constant 2 : i32
        %rem3A_277 = arith.remsi %scan3A_276, %rem3A : i32
        %eq3A_278 = arith.constant 0 : i32
        %eq3A_279 = arith.cmpi eq, %rem3A_277, %eq3A_278 : i32
        %convert_element_type3A_280 = arith.extui %eq3A_279 : i1 to i32
        %cond3A_281 = arith.constant 0 : i32
        %cond3A_282 = arith.cmpi ne, %convert_element_type3A_280, %cond3A_281 : i32
        scf.if %cond3A_282 {
          %dma_wait3A_288 = arith.constant 0 : i32
          %dma_wait3A_289 = arith.constant 0 : i32
          %dma_wait3A_290 = tpu.memref_slice %arg2[%dma_wait3A_288, %dma_wait3A_289] : memref<10240x64xf32, #tpu.memory_space<hbm>> -> memref<128x64xf32, #tpu.memory_space<hbm>>
          %dma_wait3A_291 = arith.constant 0 : i32
          %dma_wait3A_292 = arith.constant 0 : i32
          %dma_wait3A_293 = tpu.memref_slice %arg2[%dma_wait3A_291, %dma_wait3A_292] : memref<10240x64xf32, #tpu.memory_space<hbm>> -> memref<128x64xf32, #tpu.memory_space<hbm>>
          tpu.wait_dma2 semaphore(%arg24 : memref<!tpu.dma_semaphore, #tpu.memory_space<semaphore_mem>>) src(%dma_wait3A_293 : memref<128x64xf32, #tpu.memory_space<hbm>>) dst(%arg12 : memref<128x64xf32, #tpu.memory_space<vmem>>)
          %dma_start3A_294 = arith.constant 0 : i32
          %dma_start3A_295 = arith.constant 0 : i32
          %dma_start3A_296 = tpu.memref_slice %arg18[%dma_start3A_294, %dma_start3A_295] : memref<2x128xi32, #tpu.memory_space<vmem>> -> memref<1x128xi32, #tpu.memory_space<vmem>>
          %dma_start3A_297 = tpu.memref_squeeze %dma_start3A_296 : memref<1x128xi32, #tpu.memory_space<vmem>> -> memref<128xi32, #tpu.memory_space<vmem>>
          %dma_start3A_298 = arith.constant 0 : i32
          %dma_start3A_299 = arith.constant 0 : i32
          %dma_start3A_300 = tpu.memref_slice %arg22[%dma_start3A_298, %dma_start3A_299] : memref<10240x64xf32, #tpu.memory_space<vmem_shared>> -> memref<10240x64xf32, #tpu.memory_space<vmem_shared>>
          tpu.enqueue_indirect_dma source(%arg12 : memref<128x64xf32, #tpu.memory_space<vmem>>) target(%dma_start3A_300 : memref<10240x64xf32, #tpu.memory_space<vmem_shared>>) offsets(%dma_start3A_297 : memref<128xi32, #tpu.memory_space<vmem>>) semaphore(%arg26 : memref<!tpu.dma_semaphore, #tpu.memory_space<semaphore_mem>>) {add = true}
          %dma_start3A_301 = arith.constant 0 : i32
          %dma_start3A_302 = arith.constant 0 : i32
          %dma_start3A_303 = tpu.memref_slice %arg16[%dma_start3A_301, %dma_start3A_302] : memref<2x128xi32, #tpu.memory_space<vmem>> -> memref<1x128xi32, #tpu.memory_space<vmem>>
          %dma_start3A_304 = tpu.memref_squeeze %dma_start3A_303 : memref<1x128xi32, #tpu.memory_space<vmem>> -> memref<128xi32, #tpu.memory_space<vmem>>
          %dma_start3A_305 = arith.constant 0 : i32
          %dma_start3A_306 = tpu.memref_slice %arg23[%dma_start3A_305] : memref<10240xf32, #tpu.memory_space<vmem_shared>> -> memref<10240xf32, #tpu.memory_space<vmem_shared>>
          tpu.enqueue_indirect_dma source(%arg14 : memref<128xf32, #tpu.memory_space<vmem>>) target(%dma_start3A_306 : memref<10240xf32, #tpu.memory_space<vmem_shared>>) offsets(%dma_start3A_304 : memref<128xi32, #tpu.memory_space<vmem>>) semaphore(%arg26 : memref<!tpu.dma_semaphore, #tpu.memory_space<semaphore_mem>>) {add = true}
          %dma_wait3A_307 = arith.constant 0 : i32
          %dma_wait3A_308 = arith.constant 0 : i32
          %dma_wait3A_309 = tpu.memref_slice %arg2[%dma_wait3A_307, %dma_wait3A_308] : memref<10240x64xf32, #tpu.memory_space<hbm>> -> memref<128x64xf32, #tpu.memory_space<hbm>>
          %dma_wait3A_310 = arith.constant 0 : i32
          %dma_wait3A_311 = arith.constant 0 : i32
          %dma_wait3A_312 = tpu.memref_slice %arg2[%dma_wait3A_310, %dma_wait3A_311] : memref<10240x64xf32, #tpu.memory_space<hbm>> -> memref<128x64xf32, #tpu.memory_space<hbm>>
          tpu.wait_dma2 semaphore(%arg25 : memref<!tpu.dma_semaphore, #tpu.memory_space<semaphore_mem>>) src(%dma_wait3A_312 : memref<128x64xf32, #tpu.memory_space<hbm>>) dst(%arg13 : memref<128x64xf32, #tpu.memory_space<vmem>>)
          %dma_start3A_313 = arith.constant 1 : i32
          %dma_start3A_314 = arith.constant 0 : i32
          %dma_start3A_315 = tpu.memref_slice %arg18[%dma_start3A_313, %dma_start3A_314] : memref<2x128xi32, #tpu.memory_space<vmem>> -> memref<1x128xi32, #tpu.memory_space<vmem>>
          %dma_start3A_316 = tpu.memref_squeeze %dma_start3A_315 : memref<1x128xi32, #tpu.memory_space<vmem>> -> memref<128xi32, #tpu.memory_space<vmem>>
          %dma_start3A_317 = arith.constant 0 : i32
          %dma_start3A_318 = arith.constant 0 : i32
          %dma_start3A_319 = tpu.memref_slice %arg22[%dma_start3A_317, %dma_start3A_318] : memref<10240x64xf32, #tpu.memory_space<vmem_shared>> -> memref<10240x64xf32, #tpu.memory_space<vmem_shared>>
          tpu.enqueue_indirect_dma source(%arg13 : memref<128x64xf32, #tpu.memory_space<vmem>>) target(%dma_start3A_319 : memref<10240x64xf32, #tpu.memory_space<vmem_shared>>) offsets(%dma_start3A_316 : memref<128xi32, #tpu.memory_space<vmem>>) semaphore(%arg27 : memref<!tpu.dma_semaphore, #tpu.memory_space<semaphore_mem>>) {add = true}
          %dma_start3A_320 = arith.constant 1 : i32
          %dma_start3A_321 = arith.constant 0 : i32
          %dma_start3A_322 = tpu.memref_slice %arg16[%dma_start3A_320, %dma_start3A_321] : memref<2x128xi32, #tpu.memory_space<vmem>> -> memref<1x128xi32, #tpu.memory_space<vmem>>
          %dma_start3A_323 = tpu.memref_squeeze %dma_start3A_322 : memref<1x128xi32, #tpu.memory_space<vmem>> -> memref<128xi32, #tpu.memory_space<vmem>>
          %dma_start3A_324 = arith.constant 0 : i32
          %dma_start3A_325 = tpu.memref_slice %arg23[%dma_start3A_324] : memref<10240xf32, #tpu.memory_space<vmem_shared>> -> memref<10240xf32, #tpu.memory_space<vmem_shared>>
          tpu.enqueue_indirect_dma source(%arg15 : memref<128xf32, #tpu.memory_space<vmem>>) target(%dma_start3A_325 : memref<10240xf32, #tpu.memory_space<vmem_shared>>) offsets(%dma_start3A_323 : memref<128xi32, #tpu.memory_space<vmem>>) semaphore(%arg27 : memref<!tpu.dma_semaphore, #tpu.memory_space<semaphore_mem>>) {add = true}
          %lt3A = arith.constant 46 : i32
          %lt3A_326 = arith.cmpi slt, %scan3A_276, %lt3A : i32
          %convert_element_type3A_327 = arith.extui %lt3A_326 : i1 to i32
          %cond3A_328 = arith.constant 0 : i32
          %cond3A_329 = arith.cmpi ne, %convert_element_type3A_327, %cond3A_328 : i32
          scf.if %cond3A_329 {
            %dma_wait3A_353 = arith.constant 0 : i32
            %dma_wait3A_354 = arith.constant 0 : i32
            %dma_wait3A_355 = tpu.memref_slice %arg5[%dma_wait3A_353, %dma_wait3A_354] : memref<2560x128xi32, #tpu.memory_space<hbm>> -> memref<2x128xi32, #tpu.memory_space<hbm>>
            %dma_wait3A_356 = arith.constant 0 : i32
            %dma_wait3A_357 = arith.constant 0 : i32
            %dma_wait3A_358 = tpu.memref_slice %arg5[%dma_wait3A_356, %dma_wait3A_357] : memref<2560x128xi32, #tpu.memory_space<hbm>> -> memref<2x128xi32, #tpu.memory_space<hbm>>
            tpu.wait_dma2 semaphore(%arg29 : memref<!tpu.dma_semaphore, #tpu.memory_space<semaphore_mem>>) src(%dma_wait3A_358 : memref<2x128xi32, #tpu.memory_space<hbm>>) dst(%arg17 : memref<2x128xi32, #tpu.memory_space<vmem>>)
            %dma_wait3A_359 = arith.constant 0 : i32
            %dma_wait3A_360 = arith.constant 0 : i32
            %dma_wait3A_361 = tpu.memref_slice %arg6[%dma_wait3A_359, %dma_wait3A_360] : memref<2560x128xi32, #tpu.memory_space<hbm>> -> memref<2x128xi32, #tpu.memory_space<hbm>>
            %dma_wait3A_362 = arith.constant 0 : i32
            %dma_wait3A_363 = arith.constant 0 : i32
            %dma_wait3A_364 = tpu.memref_slice %arg6[%dma_wait3A_362, %dma_wait3A_363] : memref<2560x128xi32, #tpu.memory_space<hbm>> -> memref<2x128xi32, #tpu.memory_space<hbm>>
            tpu.wait_dma2 semaphore(%arg29 : memref<!tpu.dma_semaphore, #tpu.memory_space<semaphore_mem>>) src(%dma_wait3A_364 : memref<2x128xi32, #tpu.memory_space<hbm>>) dst(%arg19 : memref<2x128xi32, #tpu.memory_space<vmem>>)
          } else {
          }
          tpu.wait_dma2 semaphore(%arg26 : memref<!tpu.dma_semaphore, #tpu.memory_space<semaphore_mem>>) src(%arg8 : memref<128x64xf32, #tpu.memory_space<hbm>>) dst(%arg12 : memref<128x64xf32, #tpu.memory_space<vmem>>)
          %dma_wait3A_330 = arith.constant 0 : i32
          %dma_wait3A_331 = tpu.memref_slice %arg7[%dma_wait3A_330] : memref<10240xf32, #tpu.memory_space<hbm>> -> memref<128xf32, #tpu.memory_space<hbm>>
          %dma_wait3A_332 = arith.constant 0 : i32
          %dma_wait3A_333 = tpu.memref_slice %arg7[%dma_wait3A_332] : memref<10240xf32, #tpu.memory_space<hbm>> -> memref<128xf32, #tpu.memory_space<hbm>>
          tpu.wait_dma2 semaphore(%arg26 : memref<!tpu.dma_semaphore, #tpu.memory_space<semaphore_mem>>) src(%dma_wait3A_333 : memref<128xf32, #tpu.memory_space<hbm>>) dst(%arg14 : memref<128xf32, #tpu.memory_space<vmem>>)
          %lt3A_334 = arith.constant 46 : i32
          %lt3A_335 = arith.cmpi slt, %scan3A_276, %lt3A_334 : i32
          %convert_element_type3A_336 = arith.extui %lt3A_335 : i1 to i32
          %cond3A_337 = arith.constant 0 : i32
          %cond3A_338 = arith.cmpi ne, %convert_element_type3A_336, %cond3A_337 : i32
          scf.if %cond3A_338 {
            %dma_start3A_353 = arith.constant 0 : i32
            %dma_start3A_354 = arith.constant 0 : i32
            %dma_start3A_355 = tpu.memref_slice %arg17[%dma_start3A_353, %dma_start3A_354] : memref<2x128xi32, #tpu.memory_space<vmem>> -> memref<1x128xi32, #tpu.memory_space<vmem>>
            %dma_start3A_356 = tpu.memref_squeeze %dma_start3A_355 : memref<1x128xi32, #tpu.memory_space<vmem>> -> memref<128xi32, #tpu.memory_space<vmem>>
            %dma_start3A_357 = arith.constant 0 : i32
            %dma_start3A_358 = arith.constant 0 : i32
            %dma_start3A_359 = tpu.memref_slice %arg21[%dma_start3A_357, %dma_start3A_358] : memref<10240x64xf32, #tpu.memory_space<vmem_shared>> -> memref<10240x64xf32, #tpu.memory_space<vmem_shared>>
            tpu.enqueue_indirect_dma source(%dma_start3A_359 : memref<10240x64xf32, #tpu.memory_space<vmem_shared>>) target(%arg12 : memref<128x64xf32, #tpu.memory_space<vmem>>) offsets(%dma_start3A_356 : memref<128xi32, #tpu.memory_space<vmem>>) semaphore(%arg24 : memref<!tpu.dma_semaphore, #tpu.memory_space<semaphore_mem>>)
            %get3A_360 = arith.constant 0 : i32
            %get3A_361 = arith.index_cast %get3A_360 : i32 to index
            %get3A_362 = arith.constant 0 : index
            %get3A_363 = tpu.vector_load %arg19[%get3A_361, %get3A_362] {strides = array<i32>} : memref<2x128xi32, #tpu.memory_space<vmem>>, vector<16xi32>,
            %gather3A_364 = tpu.vector_load_idx %arg20[%get3A_363] : memref<10240xf32, #tpu.memory_space<vmem>>[vector<16xi32>], vector<16xf32>,
            %swap3A_365 = arith.constant 0 : index
            %swap3A_366 = tpu.vector_load %arg14[%swap3A_365] {strides = array<i32>} : memref<128xf32, #tpu.memory_space<vmem>>, vector<16xf32>,
            %swap3A_367 = vector.shape_cast %swap3A_366 : vector<16xf32> to vector<16xf32>
            %swap3A_368 = vector.shape_cast %gather3A_364 : vector<16xf32> to vector<16xf32>
            tpu.vector_store %arg14[%swap3A_365], %swap3A_368 {strides = array<i32>} : memref<128xf32, #tpu.memory_space<vmem>>, vector<16xf32>,
            %get3A_369 = arith.constant 0 : i32
            %get3A_370 = arith.index_cast %get3A_369 : i32 to index
            %get3A_371 = arith.constant 16 : index
            %get3A_372 = tpu.vector_load %arg19[%get3A_370, %get3A_371] {strides = array<i32>} : memref<2x128xi32, #tpu.memory_space<vmem>>, vector<16xi32>,
            %gather3A_373 = tpu.vector_load_idx %arg20[%get3A_372] : memref<10240xf32, #tpu.memory_space<vmem>>[vector<16xi32>], vector<16xf32>,
            %swap3A_374 = arith.constant 16 : index
            %swap3A_375 = tpu.vector_load %arg14[%swap3A_374] {strides = array<i32>} : memref<128xf32, #tpu.memory_space<vmem>>, vector<16xf32>,
            %swap3A_376 = vector.shape_cast %swap3A_375 : vector<16xf32> to vector<16xf32>
            %swap3A_377 = vector.shape_cast %gather3A_373 : vector<16xf32> to vector<16xf32>
            tpu.vector_store %arg14[%swap3A_374], %swap3A_377 {strides = array<i32>} : memref<128xf32, #tpu.memory_space<vmem>>, vector<16xf32>,
            %get3A_378 = arith.constant 0 : i32
            %get3A_379 = arith.index_cast %get3A_378 : i32 to index
            %get3A_380 = arith.constant 32 : index
            %get3A_381 = tpu.vector_load %arg19[%get3A_379, %get3A_380] {strides = array<i32>} : memref<2x128xi32, #tpu.memory_space<vmem>>, vector<16xi32>,
            %gather3A_382 = tpu.vector_load_idx %arg20[%get3A_381] : memref<10240xf32, #tpu.memory_space<vmem>>[vector<16xi32>], vector<16xf32>,
            %swap3A_383 = arith.constant 32 : index
            %swap3A_384 = tpu.vector_load %arg14[%swap3A_383] {strides = array<i32>} : memref<128xf32, #tpu.memory_space<vmem>>, vector<16xf32>,
            %swap3A_385 = vector.shape_cast %swap3A_384 : vector<16xf32> to vector<16xf32>
            %swap3A_386 = vector.shape_cast %gather3A_382 : vector<16xf32> to vector<16xf32>
            tpu.vector_store %arg14[%swap3A_383], %swap3A_386 {strides = array<i32>} : memref<128xf32, #tpu.memory_space<vmem>>, vector<16xf32>,
            %get3A_387 = arith.constant 0 : i32
            %get3A_388 = arith.index_cast %get3A_387 : i32 to index
            %get3A_389 = arith.constant 48 : index
            %get3A_390 = tpu.vector_load %arg19[%get3A_388, %get3A_389] {strides = array<i32>} : memref<2x128xi32, #tpu.memory_space<vmem>>, vector<16xi32>,
            %gather3A_391 = tpu.vector_load_idx %arg20[%get3A_390] : memref<10240xf32, #tpu.memory_space<vmem>>[vector<16xi32>], vector<16xf32>,
            %swap3A_392 = arith.constant 48 : index
            %swap3A_393 = tpu.vector_load %arg14[%swap3A_392] {strides = array<i32>} : memref<128xf32, #tpu.memory_space<vmem>>, vector<16xf32>,
            %swap3A_394 = vector.shape_cast %swap3A_393 : vector<16xf32> to vector<16xf32>
            %swap3A_395 = vector.shape_cast %gather3A_391 : vector<16xf32> to vector<16xf32>
            tpu.vector_store %arg14[%swap3A_392], %swap3A_395 {strides = array<i32>} : memref<128xf32, #tpu.memory_space<vmem>>, vector<16xf32>,
            %get3A_396 = arith.constant 0 : i32
            %get3A_397 = arith.index_cast %get3A_396 : i32 to index
            %get3A_398 = arith.constant 64 : index
            %get3A_399 = tpu.vector_load %arg19[%get3A_397, %get3A_398] {strides = array<i32>} : memref<2x128xi32, #tpu.memory_space<vmem>>, vector<16xi32>,
            %gather3A_400 = tpu.vector_load_idx %arg20[%get3A_399] : memref<10240xf32, #tpu.memory_space<vmem>>[vector<16xi32>], vector<16xf32>,
            %swap3A_401 = arith.constant 64 : index
            %swap3A_402 = tpu.vector_load %arg14[%swap3A_401] {strides = array<i32>} : memref<128xf32, #tpu.memory_space<vmem>>, vector<16xf32>,
            %swap3A_403 = vector.shape_cast %swap3A_402 : vector<16xf32> to vector<16xf32>
            %swap3A_404 = vector.shape_cast %gather3A_400 : vector<16xf32> to vector<16xf32>
            tpu.vector_store %arg14[%swap3A_401], %swap3A_404 {strides = array<i32>} : memref<128xf32, #tpu.memory_space<vmem>>, vector<16xf32>,
            %get3A_405 = arith.constant 0 : i32
            %get3A_406 = arith.index_cast %get3A_405 : i32 to index
            %get3A_407 = arith.constant 80 : index
            %get3A_408 = tpu.vector_load %arg19[%get3A_406, %get3A_407] {strides = array<i32>} : memref<2x128xi32, #tpu.memory_space<vmem>>, vector<16xi32>,
            %gather3A_409 = tpu.vector_load_idx %arg20[%get3A_408] : memref<10240xf32, #tpu.memory_space<vmem>>[vector<16xi32>], vector<16xf32>,
            %swap3A_410 = arith.constant 80 : index
            %swap3A_411 = tpu.vector_load %arg14[%swap3A_410] {strides = array<i32>} : memref<128xf32, #tpu.memory_space<vmem>>, vector<16xf32>,
            %swap3A_412 = vector.shape_cast %swap3A_411 : vector<16xf32> to vector<16xf32>
            %swap3A_413 = vector.shape_cast %gather3A_409 : vector<16xf32> to vector<16xf32>
            tpu.vector_store %arg14[%swap3A_410], %swap3A_413 {strides = array<i32>} : memref<128xf32, #tpu.memory_space<vmem>>, vector<16xf32>,
            %get3A_414 = arith.constant 0 : i32
            %get3A_415 = arith.index_cast %get3A_414 : i32 to index
            %get3A_416 = arith.constant 96 : index
            %get3A_417 = tpu.vector_load %arg19[%get3A_415, %get3A_416] {strides = array<i32>} : memref<2x128xi32, #tpu.memory_space<vmem>>, vector<16xi32>,
            %gather3A_418 = tpu.vector_load_idx %arg20[%get3A_417] : memref<10240xf32, #tpu.memory_space<vmem>>[vector<16xi32>], vector<16xf32>,
            %swap3A_419 = arith.constant 96 : index
            %swap3A_420 = tpu.vector_load %arg14[%swap3A_419] {strides = array<i32>} : memref<128xf32, #tpu.memory_space<vmem>>, vector<16xf32>,
            %swap3A_421 = vector.shape_cast %swap3A_420 : vector<16xf32> to vector<16xf32>
            %swap3A_422 = vector.shape_cast %gather3A_418 : vector<16xf32> to vector<16xf32>
            tpu.vector_store %arg14[%swap3A_419], %swap3A_422 {strides = array<i32>} : memref<128xf32, #tpu.memory_space<vmem>>, vector<16xf32>,
            %get3A_423 = arith.constant 0 : i32
            %get3A_424 = arith.index_cast %get3A_423 : i32 to index
            %get3A_425 = arith.constant 112 : index
            %get3A_426 = tpu.vector_load %arg19[%get3A_424, %get3A_425] {strides = array<i32>} : memref<2x128xi32, #tpu.memory_space<vmem>>, vector<16xi32>,
            %gather3A_427 = tpu.vector_load_idx %arg20[%get3A_426] : memref<10240xf32, #tpu.memory_space<vmem>>[vector<16xi32>], vector<16xf32>,
            %swap3A_428 = arith.constant 112 : index
            %swap3A_429 = tpu.vector_load %arg14[%swap3A_428] {strides = array<i32>} : memref<128xf32, #tpu.memory_space<vmem>>, vector<16xf32>,
            %swap3A_430 = vector.shape_cast %swap3A_429 : vector<16xf32> to vector<16xf32>
            %swap3A_431 = vector.shape_cast %gather3A_427 : vector<16xf32> to vector<16xf32>
            tpu.vector_store %arg14[%swap3A_428], %swap3A_431 {strides = array<i32>} : memref<128xf32, #tpu.memory_space<vmem>>, vector<16xf32>,
          } else {
          }
          tpu.wait_dma2 semaphore(%arg27 : memref<!tpu.dma_semaphore, #tpu.memory_space<semaphore_mem>>) src(%arg8 : memref<128x64xf32, #tpu.memory_space<hbm>>) dst(%arg13 : memref<128x64xf32, #tpu.memory_space<vmem>>)
          %dma_wait3A_339 = arith.constant 0 : i32
          %dma_wait3A_340 = tpu.memref_slice %arg7[%dma_wait3A_339] : memref<10240xf32, #tpu.memory_space<hbm>> -> memref<128xf32, #tpu.memory_space<hbm>>
          %dma_wait3A_341 = arith.constant 0 : i32
          %dma_wait3A_342 = tpu.memref_slice %arg7[%dma_wait3A_341] : memref<10240xf32, #tpu.memory_space<hbm>> -> memref<128xf32, #tpu.memory_space<hbm>>
          tpu.wait_dma2 semaphore(%arg27 : memref<!tpu.dma_semaphore, #tpu.memory_space<semaphore_mem>>) src(%dma_wait3A_342 : memref<128xf32, #tpu.memory_space<hbm>>) dst(%arg15 : memref<128xf32, #tpu.memory_space<vmem>>)
          %lt3A_343 = arith.constant 46 : i32
          %lt3A_344 = arith.cmpi slt, %scan3A_276, %lt3A_343 : i32
          %convert_element_type3A_345 = arith.extui %lt3A_344 : i1 to i32
          %cond3A_346 = arith.constant 0 : i32
          %cond3A_347 = arith.cmpi ne, %convert_element_type3A_345, %cond3A_346 : i32
          scf.if %cond3A_347 {
            %dma_start3A_353 = arith.constant 1 : i32
            %dma_start3A_354 = arith.constant 0 : i32
            %dma_start3A_355 = tpu.memref_slice %arg17[%dma_start3A_353, %dma_start3A_354] : memref<2x128xi32, #tpu.memory_space<vmem>> -> memref<1x128xi32, #tpu.memory_space<vmem>>
            %dma_start3A_356 = tpu.memref_squeeze %dma_start3A_355 : memref<1x128xi32, #tpu.memory_space<vmem>> -> memref<128xi32, #tpu.memory_space<vmem>>
            %dma_start3A_357 = arith.constant 0 : i32
            %dma_start3A_358 = arith.constant 0 : i32
            %dma_start3A_359 = tpu.memref_slice %arg21[%dma_start3A_357, %dma_start3A_358] : memref<10240x64xf32, #tpu.memory_space<vmem_shared>> -> memref<10240x64xf32, #tpu.memory_space<vmem_shared>>
            tpu.enqueue_indirect_dma source(%dma_start3A_359 : memref<10240x64xf32, #tpu.memory_space<vmem_shared>>) target(%arg13 : memref<128x64xf32, #tpu.memory_space<vmem>>) offsets(%dma_start3A_356 : memref<128xi32, #tpu.memory_space<vmem>>) semaphore(%arg25 : memref<!tpu.dma_semaphore, #tpu.memory_space<semaphore_mem>>)
            %get3A_360 = arith.constant 1 : i32
            %get3A_361 = arith.index_cast %get3A_360 : i32 to index
            %get3A_362 = arith.constant 0 : index
            %get3A_363 = tpu.vector_load %arg19[%get3A_361, %get3A_362] {strides = array<i32>} : memref<2x128xi32, #tpu.memory_space<vmem>>, vector<16xi32>,
            %gather3A_364 = tpu.vector_load_idx %arg20[%get3A_363] : memref<10240xf32, #tpu.memory_space<vmem>>[vector<16xi32>], vector<16xf32>,
            %swap3A_365 = arith.constant 0 : index
            %swap3A_366 = tpu.vector_load %arg15[%swap3A_365] {strides = array<i32>} : memref<128xf32, #tpu.memory_space<vmem>>, vector<16xf32>,
            %swap3A_367 = vector.shape_cast %swap3A_366 : vector<16xf32> to vector<16xf32>
            %swap3A_368 = vector.shape_cast %gather3A_364 : vector<16xf32> to vector<16xf32>
            tpu.vector_store %arg15[%swap3A_365], %swap3A_368 {strides = array<i32>} : memref<128xf32, #tpu.memory_space<vmem>>, vector<16xf32>,
            %get3A_369 = arith.constant 1 : i32
            %get3A_370 = arith.index_cast %get3A_369 : i32 to index
            %get3A_371 = arith.constant 16 : index
            %get3A_372 = tpu.vector_load %arg19[%get3A_370, %get3A_371] {strides = array<i32>} : memref<2x128xi32, #tpu.memory_space<vmem>>, vector<16xi32>,
            %gather3A_373 = tpu.vector_load_idx %arg20[%get3A_372] : memref<10240xf32, #tpu.memory_space<vmem>>[vector<16xi32>], vector<16xf32>,
            %swap3A_374 = arith.constant 16 : index
            %swap3A_375 = tpu.vector_load %arg15[%swap3A_374] {strides = array<i32>} : memref<128xf32, #tpu.memory_space<vmem>>, vector<16xf32>,
            %swap3A_376 = vector.shape_cast %swap3A_375 : vector<16xf32> to vector<16xf32>
            %swap3A_377 = vector.shape_cast %gather3A_373 : vector<16xf32> to vector<16xf32>
            tpu.vector_store %arg15[%swap3A_374], %swap3A_377 {strides = array<i32>} : memref<128xf32, #tpu.memory_space<vmem>>, vector<16xf32>,
            %get3A_378 = arith.constant 1 : i32
            %get3A_379 = arith.index_cast %get3A_378 : i32 to index
            %get3A_380 = arith.constant 32 : index
            %get3A_381 = tpu.vector_load %arg19[%get3A_379, %get3A_380] {strides = array<i32>} : memref<2x128xi32, #tpu.memory_space<vmem>>, vector<16xi32>,
            %gather3A_382 = tpu.vector_load_idx %arg20[%get3A_381] : memref<10240xf32, #tpu.memory_space<vmem>>[vector<16xi32>], vector<16xf32>,
            %swap3A_383 = arith.constant 32 : index
            %swap3A_384 = tpu.vector_load %arg15[%swap3A_383] {strides = array<i32>} : memref<128xf32, #tpu.memory_space<vmem>>, vector<16xf32>,
            %swap3A_385 = vector.shape_cast %swap3A_384 : vector<16xf32> to vector<16xf32>
            %swap3A_386 = vector.shape_cast %gather3A_382 : vector<16xf32> to vector<16xf32>
            tpu.vector_store %arg15[%swap3A_383], %swap3A_386 {strides = array<i32>} : memref<128xf32, #tpu.memory_space<vmem>>, vector<16xf32>,
            %get3A_387 = arith.constant 1 : i32
            %get3A_388 = arith.index_cast %get3A_387 : i32 to index
            %get3A_389 = arith.constant 48 : index
            %get3A_390 = tpu.vector_load %arg19[%get3A_388, %get3A_389] {strides = array<i32>} : memref<2x128xi32, #tpu.memory_space<vmem>>, vector<16xi32>,
            %gather3A_391 = tpu.vector_load_idx %arg20[%get3A_390] : memref<10240xf32, #tpu.memory_space<vmem>>[vector<16xi32>], vector<16xf32>,
            %swap3A_392 = arith.constant 48 : index
            %swap3A_393 = tpu.vector_load %arg15[%swap3A_392] {strides = array<i32>} : memref<128xf32, #tpu.memory_space<vmem>>, vector<16xf32>,
            %swap3A_394 = vector.shape_cast %swap3A_393 : vector<16xf32> to vector<16xf32>
            %swap3A_395 = vector.shape_cast %gather3A_391 : vector<16xf32> to vector<16xf32>
            tpu.vector_store %arg15[%swap3A_392], %swap3A_395 {strides = array<i32>} : memref<128xf32, #tpu.memory_space<vmem>>, vector<16xf32>,
            %get3A_396 = arith.constant 1 : i32
            %get3A_397 = arith.index_cast %get3A_396 : i32 to index
            %get3A_398 = arith.constant 64 : index
            %get3A_399 = tpu.vector_load %arg19[%get3A_397, %get3A_398] {strides = array<i32>} : memref<2x128xi32, #tpu.memory_space<vmem>>, vector<16xi32>,
            %gather3A_400 = tpu.vector_load_idx %arg20[%get3A_399] : memref<10240xf32, #tpu.memory_space<vmem>>[vector<16xi32>], vector<16xf32>,
            %swap3A_401 = arith.constant 64 : index
            %swap3A_402 = tpu.vector_load %arg15[%swap3A_401] {strides = array<i32>} : memref<128xf32, #tpu.memory_space<vmem>>, vector<16xf32>,
            %swap3A_403 = vector.shape_cast %swap3A_402 : vector<16xf32> to vector<16xf32>
            %swap3A_404 = vector.shape_cast %gather3A_400 : vector<16xf32> to vector<16xf32>
            tpu.vector_store %arg15[%swap3A_401], %swap3A_404 {strides = array<i32>} : memref<128xf32, #tpu.memory_space<vmem>>, vector<16xf32>,
            %get3A_405 = arith.constant 1 : i32
            %get3A_406 = arith.index_cast %get3A_405 : i32 to index
            %get3A_407 = arith.constant 80 : index
            %get3A_408 = tpu.vector_load %arg19[%get3A_406, %get3A_407] {strides = array<i32>} : memref<2x128xi32, #tpu.memory_space<vmem>>, vector<16xi32>,
            %gather3A_409 = tpu.vector_load_idx %arg20[%get3A_408] : memref<10240xf32, #tpu.memory_space<vmem>>[vector<16xi32>], vector<16xf32>,
            %swap3A_410 = arith.constant 80 : index
            %swap3A_411 = tpu.vector_load %arg15[%swap3A_410] {strides = array<i32>} : memref<128xf32, #tpu.memory_space<vmem>>, vector<16xf32>,
            %swap3A_412 = vector.shape_cast %swap3A_411 : vector<16xf32> to vector<16xf32>
            %swap3A_413 = vector.shape_cast %gather3A_409 : vector<16xf32> to vector<16xf32>
            tpu.vector_store %arg15[%swap3A_410], %swap3A_413 {strides = array<i32>} : memref<128xf32, #tpu.memory_space<vmem>>, vector<16xf32>,
            %get3A_414 = arith.constant 1 : i32
            %get3A_415 = arith.index_cast %get3A_414 : i32 to index
            %get3A_416 = arith.constant 96 : index
            %get3A_417 = tpu.vector_load %arg19[%get3A_415, %get3A_416] {strides = array<i32>} : memref<2x128xi32, #tpu.memory_space<vmem>>, vector<16xi32>,
            %gather3A_418 = tpu.vector_load_idx %arg20[%get3A_417] : memref<10240xf32, #tpu.memory_space<vmem>>[vector<16xi32>], vector<16xf32>,
            %swap3A_419 = arith.constant 96 : index
            %swap3A_420 = tpu.vector_load %arg15[%swap3A_419] {strides = array<i32>} : memref<128xf32, #tpu.memory_space<vmem>>, vector<16xf32>,
            %swap3A_421 = vector.shape_cast %swap3A_420 : vector<16xf32> to vector<16xf32>
            %swap3A_422 = vector.shape_cast %gather3A_418 : vector<16xf32> to vector<16xf32>
            tpu.vector_store %arg15[%swap3A_419], %swap3A_422 {strides = array<i32>} : memref<128xf32, #tpu.memory_space<vmem>>, vector<16xf32>,
            %get3A_423 = arith.constant 1 : i32
            %get3A_424 = arith.index_cast %get3A_423 : i32 to index
            %get3A_425 = arith.constant 112 : index
            %get3A_426 = tpu.vector_load %arg19[%get3A_424, %get3A_425] {strides = array<i32>} : memref<2x128xi32, #tpu.memory_space<vmem>>, vector<16xi32>,
            %gather3A_427 = tpu.vector_load_idx %arg20[%get3A_426] : memref<10240xf32, #tpu.memory_space<vmem>>[vector<16xi32>], vector<16xf32>,
            %swap3A_428 = arith.constant 112 : index
            %swap3A_429 = tpu.vector_load %arg15[%swap3A_428] {strides = array<i32>} : memref<128xf32, #tpu.memory_space<vmem>>, vector<16xf32>,
            %swap3A_430 = vector.shape_cast %swap3A_429 : vector<16xf32> to vector<16xf32>
            %swap3A_431 = vector.shape_cast %gather3A_427 : vector<16xf32> to vector<16xf32>
            tpu.vector_store %arg15[%swap3A_428], %swap3A_431 {strides = array<i32>} : memref<128xf32, #tpu.memory_space<vmem>>, vector<16xf32>,
          } else {
          }
          %lt3A_348 = arith.constant 45 : i32
          %lt3A_349 = arith.cmpi slt, %scan3A_276, %lt3A_348 : i32
          %convert_element_type3A_350 = arith.extui %lt3A_349 : i1 to i32
          %cond3A_351 = arith.constant 0 : i32
          %cond3A_352 = arith.cmpi ne, %convert_element_type3A_350, %cond3A_351 : i32
          scf.if %cond3A_352 {
            %add3A_353 = arith.constant 2 : i32
            %add3A_354 = arith.addi %scan3A_276, %add3A_353 : i32
            %mul3A_355 = arith.constant 160 : i32
            %mul3A_356 = arith.muli %arg1, %mul3A_355 : i32
            %add3A_357 = arith.constant 0 : i32
            %add3A_358 = arith.addi %mul3A_356, %add3A_357 : i32
            %mul3A_359 = arith.constant 2 : i32
            %mul3A_360 = arith.muli %add3A_354, %mul3A_359 : i32
            %add3A_361 = arith.addi %add3A_358, %mul3A_360 : i32
            %dma_start3A_362 = arith.constant 0 : i32
            %dma_start3A_363 = tpu.memref_slice %arg5[%add3A_361, %dma_start3A_362] : memref<2560x128xi32, #tpu.memory_space<hbm>> -> memref<2x128xi32, #tpu.memory_space<hbm>>
            %dma_start3A_364 = arith.constant 0 : i32
            %dma_start3A_365 = tpu.memref_slice %arg5[%add3A_361, %dma_start3A_364] : memref<2560x128xi32, #tpu.memory_space<hbm>> -> memref<2x128xi32, #tpu.memory_space<hbm>>
            tpu.enqueue_dma source(%dma_start3A_365 : memref<2x128xi32, #tpu.memory_space<hbm>>) target(%arg16 : memref<2x128xi32, #tpu.memory_space<vmem>>) target_semaphore(%arg28 : memref<!tpu.dma_semaphore, #tpu.memory_space<semaphore_mem>>)
            %dma_start3A_366 = arith.constant 0 : i32
            %dma_start3A_367 = tpu.memref_slice %arg6[%add3A_361, %dma_start3A_366] : memref<2560x128xi32, #tpu.memory_space<hbm>> -> memref<2x128xi32, #tpu.memory_space<hbm>>
            %dma_start3A_368 = arith.constant 0 : i32
            %dma_start3A_369 = tpu.memref_slice %arg6[%add3A_361, %dma_start3A_368] : memref<2560x128xi32, #tpu.memory_space<hbm>> -> memref<2x128xi32, #tpu.memory_space<hbm>>
            tpu.enqueue_dma source(%dma_start3A_369 : memref<2x128xi32, #tpu.memory_space<hbm>>) target(%arg18 : memref<2x128xi32, #tpu.memory_space<vmem>>) target_semaphore(%arg28 : memref<!tpu.dma_semaphore, #tpu.memory_space<semaphore_mem>>)
          } else {
          }
        } else {
        }
        %eq3A_283 = arith.constant 1 : i32
        %eq3A_284 = arith.cmpi eq, %rem3A_277, %eq3A_283 : i32
        %convert_element_type3A_285 = arith.extui %eq3A_284 : i1 to i32
        %cond3A_286 = arith.constant 0 : i32
        %cond3A_287 = arith.cmpi ne, %convert_element_type3A_285, %cond3A_286 : i32
        scf.if %cond3A_287 {
          %dma_wait3A_288 = arith.constant 0 : i32
          %dma_wait3A_289 = arith.constant 0 : i32
          %dma_wait3A_290 = tpu.memref_slice %arg2[%dma_wait3A_288, %dma_wait3A_289] : memref<10240x64xf32, #tpu.memory_space<hbm>> -> memref<128x64xf32, #tpu.memory_space<hbm>>
          %dma_wait3A_291 = arith.constant 0 : i32
          %dma_wait3A_292 = arith.constant 0 : i32
          %dma_wait3A_293 = tpu.memref_slice %arg2[%dma_wait3A_291, %dma_wait3A_292] : memref<10240x64xf32, #tpu.memory_space<hbm>> -> memref<128x64xf32, #tpu.memory_space<hbm>>
          tpu.wait_dma2 semaphore(%arg24 : memref<!tpu.dma_semaphore, #tpu.memory_space<semaphore_mem>>) src(%dma_wait3A_293 : memref<128x64xf32, #tpu.memory_space<hbm>>) dst(%arg12 : memref<128x64xf32, #tpu.memory_space<vmem>>)
          %dma_start3A_294 = arith.constant 0 : i32
          %dma_start3A_295 = arith.constant 0 : i32
          %dma_start3A_296 = tpu.memref_slice %arg19[%dma_start3A_294, %dma_start3A_295] : memref<2x128xi32, #tpu.memory_space<vmem>> -> memref<1x128xi32, #tpu.memory_space<vmem>>
          %dma_start3A_297 = tpu.memref_squeeze %dma_start3A_296 : memref<1x128xi32, #tpu.memory_space<vmem>> -> memref<128xi32, #tpu.memory_space<vmem>>
          %dma_start3A_298 = arith.constant 0 : i32
          %dma_start3A_299 = arith.constant 0 : i32
          %dma_start3A_300 = tpu.memref_slice %arg22[%dma_start3A_298, %dma_start3A_299] : memref<10240x64xf32, #tpu.memory_space<vmem_shared>> -> memref<10240x64xf32, #tpu.memory_space<vmem_shared>>
          tpu.enqueue_indirect_dma source(%arg12 : memref<128x64xf32, #tpu.memory_space<vmem>>) target(%dma_start3A_300 : memref<10240x64xf32, #tpu.memory_space<vmem_shared>>) offsets(%dma_start3A_297 : memref<128xi32, #tpu.memory_space<vmem>>) semaphore(%arg26 : memref<!tpu.dma_semaphore, #tpu.memory_space<semaphore_mem>>) {add = true}
          %dma_start3A_301 = arith.constant 0 : i32
          %dma_start3A_302 = arith.constant 0 : i32
          %dma_start3A_303 = tpu.memref_slice %arg17[%dma_start3A_301, %dma_start3A_302] : memref<2x128xi32, #tpu.memory_space<vmem>> -> memref<1x128xi32, #tpu.memory_space<vmem>>
          %dma_start3A_304 = tpu.memref_squeeze %dma_start3A_303 : memref<1x128xi32, #tpu.memory_space<vmem>> -> memref<128xi32, #tpu.memory_space<vmem>>
          %dma_start3A_305 = arith.constant 0 : i32
          %dma_start3A_306 = tpu.memref_slice %arg23[%dma_start3A_305] : memref<10240xf32, #tpu.memory_space<vmem_shared>> -> memref<10240xf32, #tpu.memory_space<vmem_shared>>
          tpu.enqueue_indirect_dma source(%arg14 : memref<128xf32, #tpu.memory_space<vmem>>) target(%dma_start3A_306 : memref<10240xf32, #tpu.memory_space<vmem_shared>>) offsets(%dma_start3A_304 : memref<128xi32, #tpu.memory_space<vmem>>) semaphore(%arg26 : memref<!tpu.dma_semaphore, #tpu.memory_space<semaphore_mem>>) {add = true}
          %dma_wait3A_307 = arith.constant 0 : i32
          %dma_wait3A_308 = arith.constant 0 : i32
          %dma_wait3A_309 = tpu.memref_slice %arg2[%dma_wait3A_307, %dma_wait3A_308] : memref<10240x64xf32, #tpu.memory_space<hbm>> -> memref<128x64xf32, #tpu.memory_space<hbm>>
          %dma_wait3A_310 = arith.constant 0 : i32
          %dma_wait3A_311 = arith.constant 0 : i32
          %dma_wait3A_312 = tpu.memref_slice %arg2[%dma_wait3A_310, %dma_wait3A_311] : memref<10240x64xf32, #tpu.memory_space<hbm>> -> memref<128x64xf32, #tpu.memory_space<hbm>>
          tpu.wait_dma2 semaphore(%arg25 : memref<!tpu.dma_semaphore, #tpu.memory_space<semaphore_mem>>) src(%dma_wait3A_312 : memref<128x64xf32, #tpu.memory_space<hbm>>) dst(%arg13 : memref<128x64xf32, #tpu.memory_space<vmem>>)
          %dma_start3A_313 = arith.constant 1 : i32
          %dma_start3A_314 = arith.constant 0 : i32
          %dma_start3A_315 = tpu.memref_slice %arg19[%dma_start3A_313, %dma_start3A_314] : memref<2x128xi32, #tpu.memory_space<vmem>> -> memref<1x128xi32, #tpu.memory_space<vmem>>
          %dma_start3A_316 = tpu.memref_squeeze %dma_start3A_315 : memref<1x128xi32, #tpu.memory_space<vmem>> -> memref<128xi32, #tpu.memory_space<vmem>>
          %dma_start3A_317 = arith.constant 0 : i32
          %dma_start3A_318 = arith.constant 0 : i32
          %dma_start3A_319 = tpu.memref_slice %arg22[%dma_start3A_317, %dma_start3A_318] : memref<10240x64xf32, #tpu.memory_space<vmem_shared>> -> memref<10240x64xf32, #tpu.memory_space<vmem_shared>>
          tpu.enqueue_indirect_dma source(%arg13 : memref<128x64xf32, #tpu.memory_space<vmem>>) target(%dma_start3A_319 : memref<10240x64xf32, #tpu.memory_space<vmem_shared>>) offsets(%dma_start3A_316 : memref<128xi32, #tpu.memory_space<vmem>>) semaphore(%arg27 : memref<!tpu.dma_semaphore, #tpu.memory_space<semaphore_mem>>) {add = true}
          %dma_start3A_320 = arith.constant 1 : i32
          %dma_start3A_321 = arith.constant 0 : i32
          %dma_start3A_322 = tpu.memref_slice %arg17[%dma_start3A_320, %dma_start3A_321] : memref<2x128xi32, #tpu.memory_space<vmem>> -> memref<1x128xi32, #tpu.memory_space<vmem>>
          %dma_start3A_323 = tpu.memref_squeeze %dma_start3A_322 : memref<1x128xi32, #tpu.memory_space<vmem>> -> memref<128xi32, #tpu.memory_space<vmem>>
          %dma_start3A_324 = arith.constant 0 : i32
          %dma_start3A_325 = tpu.memref_slice %arg23[%dma_start3A_324] : memref<10240xf32, #tpu.memory_space<vmem_shared>> -> memref<10240xf32, #tpu.memory_space<vmem_shared>>
          tpu.enqueue_indirect_dma source(%arg15 : memref<128xf32, #tpu.memory_space<vmem>>) target(%dma_start3A_325 : memref<10240xf32, #tpu.memory_space<vmem_shared>>) offsets(%dma_start3A_323 : memref<128xi32, #tpu.memory_space<vmem>>) semaphore(%arg27 : memref<!tpu.dma_semaphore, #tpu.memory_space<semaphore_mem>>) {add = true}
          %lt3A = arith.constant 46 : i32
          %lt3A_326 = arith.cmpi slt, %scan3A_276, %lt3A : i32
          %convert_element_type3A_327 = arith.extui %lt3A_326 : i1 to i32
          %cond3A_328 = arith.constant 0 : i32
          %cond3A_329 = arith.cmpi ne, %convert_element_type3A_327, %cond3A_328 : i32
          scf.if %cond3A_329 {
            %dma_wait3A_353 = arith.constant 0 : i32
            %dma_wait3A_354 = arith.constant 0 : i32
            %dma_wait3A_355 = tpu.memref_slice %arg5[%dma_wait3A_353, %dma_wait3A_354] : memref<2560x128xi32, #tpu.memory_space<hbm>> -> memref<2x128xi32, #tpu.memory_space<hbm>>
            %dma_wait3A_356 = arith.constant 0 : i32
            %dma_wait3A_357 = arith.constant 0 : i32
            %dma_wait3A_358 = tpu.memref_slice %arg5[%dma_wait3A_356, %dma_wait3A_357] : memref<2560x128xi32, #tpu.memory_space<hbm>> -> memref<2x128xi32, #tpu.memory_space<hbm>>
            tpu.wait_dma2 semaphore(%arg28 : memref<!tpu.dma_semaphore, #tpu.memory_space<semaphore_mem>>) src(%dma_wait3A_358 : memref<2x128xi32, #tpu.memory_space<hbm>>) dst(%arg16 : memref<2x128xi32, #tpu.memory_space<vmem>>)
            %dma_wait3A_359 = arith.constant 0 : i32
            %dma_wait3A_360 = arith.constant 0 : i32
            %dma_wait3A_361 = tpu.memref_slice %arg6[%dma_wait3A_359, %dma_wait3A_360] : memref<2560x128xi32, #tpu.memory_space<hbm>> -> memref<2x128xi32, #tpu.memory_space<hbm>>
            %dma_wait3A_362 = arith.constant 0 : i32
            %dma_wait3A_363 = arith.constant 0 : i32
            %dma_wait3A_364 = tpu.memref_slice %arg6[%dma_wait3A_362, %dma_wait3A_363] : memref<2560x128xi32, #tpu.memory_space<hbm>> -> memref<2x128xi32, #tpu.memory_space<hbm>>
            tpu.wait_dma2 semaphore(%arg28 : memref<!tpu.dma_semaphore, #tpu.memory_space<semaphore_mem>>) src(%dma_wait3A_364 : memref<2x128xi32, #tpu.memory_space<hbm>>) dst(%arg18 : memref<2x128xi32, #tpu.memory_space<vmem>>)
          } else {
          }
          tpu.wait_dma2 semaphore(%arg26 : memref<!tpu.dma_semaphore, #tpu.memory_space<semaphore_mem>>) src(%arg8 : memref<128x64xf32, #tpu.memory_space<hbm>>) dst(%arg12 : memref<128x64xf32, #tpu.memory_space<vmem>>)
          %dma_wait3A_330 = arith.constant 0 : i32
          %dma_wait3A_331 = tpu.memref_slice %arg7[%dma_wait3A_330] : memref<10240xf32, #tpu.memory_space<hbm>> -> memref<128xf32, #tpu.memory_space<hbm>>
          %dma_wait3A_332 = arith.constant 0 : i32
          %dma_wait3A_333 = tpu.memref_slice %arg7[%dma_wait3A_332] : memref<10240xf32, #tpu.memory_space<hbm>> -> memref<128xf32, #tpu.memory_space<hbm>>
          tpu.wait_dma2 semaphore(%arg26 : memref<!tpu.dma_semaphore, #tpu.memory_space<semaphore_mem>>) src(%dma_wait3A_333 : memref<128xf32, #tpu.memory_space<hbm>>) dst(%arg14 : memref<128xf32, #tpu.memory_space<vmem>>)
          %lt3A_334 = arith.constant 46 : i32
          %lt3A_335 = arith.cmpi slt, %scan3A_276, %lt3A_334 : i32
          %convert_element_type3A_336 = arith.extui %lt3A_335 : i1 to i32
          %cond3A_337 = arith.constant 0 : i32
          %cond3A_338 = arith.cmpi ne, %convert_element_type3A_336, %cond3A_337 : i32
          scf.if %cond3A_338 {
            %dma_start3A_353 = arith.constant 0 : i32
            %dma_start3A_354 = arith.constant 0 : i32
            %dma_start3A_355 = tpu.memref_slice %arg16[%dma_start3A_353, %dma_start3A_354] : memref<2x128xi32, #tpu.memory_space<vmem>> -> memref<1x128xi32, #tpu.memory_space<vmem>>
            %dma_start3A_356 = tpu.memref_squeeze %dma_start3A_355 : memref<1x128xi32, #tpu.memory_space<vmem>> -> memref<128xi32, #tpu.memory_space<vmem>>
            %dma_start3A_357 = arith.constant 0 : i32
            %dma_start3A_358 = arith.constant 0 : i32
            %dma_start3A_359 = tpu.memref_slice %arg21[%dma_start3A_357, %dma_start3A_358] : memref<10240x64xf32, #tpu.memory_space<vmem_shared>> -> memref<10240x64xf32, #tpu.memory_space<vmem_shared>>
            tpu.enqueue_indirect_dma source(%dma_start3A_359 : memref<10240x64xf32, #tpu.memory_space<vmem_shared>>) target(%arg12 : memref<128x64xf32, #tpu.memory_space<vmem>>) offsets(%dma_start3A_356 : memref<128xi32, #tpu.memory_space<vmem>>) semaphore(%arg24 : memref<!tpu.dma_semaphore, #tpu.memory_space<semaphore_mem>>)
            %get3A_360 = arith.constant 0 : i32
            %get3A_361 = arith.index_cast %get3A_360 : i32 to index
            %get3A_362 = arith.constant 0 : index
            %get3A_363 = tpu.vector_load %arg18[%get3A_361, %get3A_362] {strides = array<i32>} : memref<2x128xi32, #tpu.memory_space<vmem>>, vector<16xi32>,
            %gather3A_364 = tpu.vector_load_idx %arg20[%get3A_363] : memref<10240xf32, #tpu.memory_space<vmem>>[vector<16xi32>], vector<16xf32>,
            %swap3A_365 = arith.constant 0 : index
            %swap3A_366 = tpu.vector_load %arg14[%swap3A_365] {strides = array<i32>} : memref<128xf32, #tpu.memory_space<vmem>>, vector<16xf32>,
            %swap3A_367 = vector.shape_cast %swap3A_366 : vector<16xf32> to vector<16xf32>
            %swap3A_368 = vector.shape_cast %gather3A_364 : vector<16xf32> to vector<16xf32>
            tpu.vector_store %arg14[%swap3A_365], %swap3A_368 {strides = array<i32>} : memref<128xf32, #tpu.memory_space<vmem>>, vector<16xf32>,
            %get3A_369 = arith.constant 0 : i32
            %get3A_370 = arith.index_cast %get3A_369 : i32 to index
            %get3A_371 = arith.constant 16 : index
            %get3A_372 = tpu.vector_load %arg18[%get3A_370, %get3A_371] {strides = array<i32>} : memref<2x128xi32, #tpu.memory_space<vmem>>, vector<16xi32>,
            %gather3A_373 = tpu.vector_load_idx %arg20[%get3A_372] : memref<10240xf32, #tpu.memory_space<vmem>>[vector<16xi32>], vector<16xf32>,
            %swap3A_374 = arith.constant 16 : index
            %swap3A_375 = tpu.vector_load %arg14[%swap3A_374] {strides = array<i32>} : memref<128xf32, #tpu.memory_space<vmem>>, vector<16xf32>,
            %swap3A_376 = vector.shape_cast %swap3A_375 : vector<16xf32> to vector<16xf32>
            %swap3A_377 = vector.shape_cast %gather3A_373 : vector<16xf32> to vector<16xf32>
            tpu.vector_store %arg14[%swap3A_374], %swap3A_377 {strides = array<i32>} : memref<128xf32, #tpu.memory_space<vmem>>, vector<16xf32>,
            %get3A_378 = arith.constant 0 : i32
            %get3A_379 = arith.index_cast %get3A_378 : i32 to index
            %get3A_380 = arith.constant 32 : index
            %get3A_381 = tpu.vector_load %arg18[%get3A_379, %get3A_380] {strides = array<i32>} : memref<2x128xi32, #tpu.memory_space<vmem>>, vector<16xi32>,
            %gather3A_382 = tpu.vector_load_idx %arg20[%get3A_381] : memref<10240xf32, #tpu.memory_space<vmem>>[vector<16xi32>], vector<16xf32>,
            %swap3A_383 = arith.constant 32 : index
            %swap3A_384 = tpu.vector_load %arg14[%swap3A_383] {strides = array<i32>} : memref<128xf32, #tpu.memory_space<vmem>>, vector<16xf32>,
            %swap3A_385 = vector.shape_cast %swap3A_384 : vector<16xf32> to vector<16xf32>
            %swap3A_386 = vector.shape_cast %gather3A_382 : vector<16xf32> to vector<16xf32>
            tpu.vector_store %arg14[%swap3A_383], %swap3A_386 {strides = array<i32>} : memref<128xf32, #tpu.memory_space<vmem>>, vector<16xf32>,
            %get3A_387 = arith.constant 0 : i32
            %get3A_388 = arith.index_cast %get3A_387 : i32 to index
            %get3A_389 = arith.constant 48 : index
            %get3A_390 = tpu.vector_load %arg18[%get3A_388, %get3A_389] {strides = array<i32>} : memref<2x128xi32, #tpu.memory_space<vmem>>, vector<16xi32>,
            %gather3A_391 = tpu.vector_load_idx %arg20[%get3A_390] : memref<10240xf32, #tpu.memory_space<vmem>>[vector<16xi32>], vector<16xf32>,
            %swap3A_392 = arith.constant 48 : index
            %swap3A_393 = tpu.vector_load %arg14[%swap3A_392] {strides = array<i32>} : memref<128xf32, #tpu.memory_space<vmem>>, vector<16xf32>,
            %swap3A_394 = vector.shape_cast %swap3A_393 : vector<16xf32> to vector<16xf32>
            %swap3A_395 = vector.shape_cast %gather3A_391 : vector<16xf32> to vector<16xf32>
            tpu.vector_store %arg14[%swap3A_392], %swap3A_395 {strides = array<i32>} : memref<128xf32, #tpu.memory_space<vmem>>, vector<16xf32>,
            %get3A_396 = arith.constant 0 : i32
            %get3A_397 = arith.index_cast %get3A_396 : i32 to index
            %get3A_398 = arith.constant 64 : index
            %get3A_399 = tpu.vector_load %arg18[%get3A_397, %get3A_398] {strides = array<i32>} : memref<2x128xi32, #tpu.memory_space<vmem>>, vector<16xi32>,
            %gather3A_400 = tpu.vector_load_idx %arg20[%get3A_399] : memref<10240xf32, #tpu.memory_space<vmem>>[vector<16xi32>], vector<16xf32>,
            %swap3A_401 = arith.constant 64 : index
            %swap3A_402 = tpu.vector_load %arg14[%swap3A_401] {strides = array<i32>} : memref<128xf32, #tpu.memory_space<vmem>>, vector<16xf32>,
            %swap3A_403 = vector.shape_cast %swap3A_402 : vector<16xf32> to vector<16xf32>
            %swap3A_404 = vector.shape_cast %gather3A_400 : vector<16xf32> to vector<16xf32>
            tpu.vector_store %arg14[%swap3A_401], %swap3A_404 {strides = array<i32>} : memref<128xf32, #tpu.memory_space<vmem>>, vector<16xf32>,
            %get3A_405 = arith.constant 0 : i32
            %get3A_406 = arith.index_cast %get3A_405 : i32 to index
            %get3A_407 = arith.constant 80 : index
            %get3A_408 = tpu.vector_load %arg18[%get3A_406, %get3A_407] {strides = array<i32>} : memref<2x128xi32, #tpu.memory_space<vmem>>, vector<16xi32>,
            %gather3A_409 = tpu.vector_load_idx %arg20[%get3A_408] : memref<10240xf32, #tpu.memory_space<vmem>>[vector<16xi32>], vector<16xf32>,
            %swap3A_410 = arith.constant 80 : index
            %swap3A_411 = tpu.vector_load %arg14[%swap3A_410] {strides = array<i32>} : memref<128xf32, #tpu.memory_space<vmem>>, vector<16xf32>,
            %swap3A_412 = vector.shape_cast %swap3A_411 : vector<16xf32> to vector<16xf32>
            %swap3A_413 = vector.shape_cast %gather3A_409 : vector<16xf32> to vector<16xf32>
            tpu.vector_store %arg14[%swap3A_410], %swap3A_413 {strides = array<i32>} : memref<128xf32, #tpu.memory_space<vmem>>, vector<16xf32>,
            %get3A_414 = arith.constant 0 : i32
            %get3A_415 = arith.index_cast %get3A_414 : i32 to index
            %get3A_416 = arith.constant 96 : index
            %get3A_417 = tpu.vector_load %arg18[%get3A_415, %get3A_416] {strides = array<i32>} : memref<2x128xi32, #tpu.memory_space<vmem>>, vector<16xi32>,
            %gather3A_418 = tpu.vector_load_idx %arg20[%get3A_417] : memref<10240xf32, #tpu.memory_space<vmem>>[vector<16xi32>], vector<16xf32>,
            %swap3A_419 = arith.constant 96 : index
            %swap3A_420 = tpu.vector_load %arg14[%swap3A_419] {strides = array<i32>} : memref<128xf32, #tpu.memory_space<vmem>>, vector<16xf32>,
            %swap3A_421 = vector.shape_cast %swap3A_420 : vector<16xf32> to vector<16xf32>
            %swap3A_422 = vector.shape_cast %gather3A_418 : vector<16xf32> to vector<16xf32>
            tpu.vector_store %arg14[%swap3A_419], %swap3A_422 {strides = array<i32>} : memref<128xf32, #tpu.memory_space<vmem>>, vector<16xf32>,
            %get3A_423 = arith.constant 0 : i32
            %get3A_424 = arith.index_cast %get3A_423 : i32 to index
            %get3A_425 = arith.constant 112 : index
            %get3A_426 = tpu.vector_load %arg18[%get3A_424, %get3A_425] {strides = array<i32>} : memref<2x128xi32, #tpu.memory_space<vmem>>, vector<16xi32>,
            %gather3A_427 = tpu.vector_load_idx %arg20[%get3A_426] : memref<10240xf32, #tpu.memory_space<vmem>>[vector<16xi32>], vector<16xf32>,
            %swap3A_428 = arith.constant 112 : index
            %swap3A_429 = tpu.vector_load %arg14[%swap3A_428] {strides = array<i32>} : memref<128xf32, #tpu.memory_space<vmem>>, vector<16xf32>,
            %swap3A_430 = vector.shape_cast %swap3A_429 : vector<16xf32> to vector<16xf32>
            %swap3A_431 = vector.shape_cast %gather3A_427 : vector<16xf32> to vector<16xf32>
            tpu.vector_store %arg14[%swap3A_428], %swap3A_431 {strides = array<i32>} : memref<128xf32, #tpu.memory_space<vmem>>, vector<16xf32>,
          } else {
          }
          tpu.wait_dma2 semaphore(%arg27 : memref<!tpu.dma_semaphore, #tpu.memory_space<semaphore_mem>>) src(%arg8 : memref<128x64xf32, #tpu.memory_space<hbm>>) dst(%arg13 : memref<128x64xf32, #tpu.memory_space<vmem>>)
          %dma_wait3A_339 = arith.constant 0 : i32
          %dma_wait3A_340 = tpu.memref_slice %arg7[%dma_wait3A_339] : memref<10240xf32, #tpu.memory_space<hbm>> -> memref<128xf32, #tpu.memory_space<hbm>>
          %dma_wait3A_341 = arith.constant 0 : i32
          %dma_wait3A_342 = tpu.memref_slice %arg7[%dma_wait3A_341] : memref<10240xf32, #tpu.memory_space<hbm>> -> memref<128xf32, #tpu.memory_space<hbm>>
          tpu.wait_dma2 semaphore(%arg27 : memref<!tpu.dma_semaphore, #tpu.memory_space<semaphore_mem>>) src(%dma_wait3A_342 : memref<128xf32, #tpu.memory_space<hbm>>) dst(%arg15 : memref<128xf32, #tpu.memory_space<vmem>>)
          %lt3A_343 = arith.constant 46 : i32
          %lt3A_344 = arith.cmpi slt, %scan3A_276, %lt3A_343 : i32
          %convert_element_type3A_345 = arith.extui %lt3A_344 : i1 to i32
          %cond3A_346 = arith.constant 0 : i32
          %cond3A_347 = arith.cmpi ne, %convert_element_type3A_345, %cond3A_346 : i32
          scf.if %cond3A_347 {
            %dma_start3A_353 = arith.constant 1 : i32
            %dma_start3A_354 = arith.constant 0 : i32
            %dma_start3A_355 = tpu.memref_slice %arg16[%dma_start3A_353, %dma_start3A_354] : memref<2x128xi32, #tpu.memory_space<vmem>> -> memref<1x128xi32, #tpu.memory_space<vmem>>
            %dma_start3A_356 = tpu.memref_squeeze %dma_start3A_355 : memref<1x128xi32, #tpu.memory_space<vmem>> -> memref<128xi32, #tpu.memory_space<vmem>>
            %dma_start3A_357 = arith.constant 0 : i32
            %dma_start3A_358 = arith.constant 0 : i32
            %dma_start3A_359 = tpu.memref_slice %arg21[%dma_start3A_357, %dma_start3A_358] : memref<10240x64xf32, #tpu.memory_space<vmem_shared>> -> memref<10240x64xf32, #tpu.memory_space<vmem_shared>>
            tpu.enqueue_indirect_dma source(%dma_start3A_359 : memref<10240x64xf32, #tpu.memory_space<vmem_shared>>) target(%arg13 : memref<128x64xf32, #tpu.memory_space<vmem>>) offsets(%dma_start3A_356 : memref<128xi32, #tpu.memory_space<vmem>>) semaphore(%arg25 : memref<!tpu.dma_semaphore, #tpu.memory_space<semaphore_mem>>)
            %get3A_360 = arith.constant 1 : i32
            %get3A_361 = arith.index_cast %get3A_360 : i32 to index
            %get3A_362 = arith.constant 0 : index
            %get3A_363 = tpu.vector_load %arg18[%get3A_361, %get3A_362] {strides = array<i32>} : memref<2x128xi32, #tpu.memory_space<vmem>>, vector<16xi32>,
            %gather3A_364 = tpu.vector_load_idx %arg20[%get3A_363] : memref<10240xf32, #tpu.memory_space<vmem>>[vector<16xi32>], vector<16xf32>,
            %swap3A_365 = arith.constant 0 : index
            %swap3A_366 = tpu.vector_load %arg15[%swap3A_365] {strides = array<i32>} : memref<128xf32, #tpu.memory_space<vmem>>, vector<16xf32>,
            %swap3A_367 = vector.shape_cast %swap3A_366 : vector<16xf32> to vector<16xf32>
            %swap3A_368 = vector.shape_cast %gather3A_364 : vector<16xf32> to vector<16xf32>
            tpu.vector_store %arg15[%swap3A_365], %swap3A_368 {strides = array<i32>} : memref<128xf32, #tpu.memory_space<vmem>>, vector<16xf32>,
            %get3A_369 = arith.constant 1 : i32
            %get3A_370 = arith.index_cast %get3A_369 : i32 to index
            %get3A_371 = arith.constant 16 : index
            %get3A_372 = tpu.vector_load %arg18[%get3A_370, %get3A_371] {strides = array<i32>} : memref<2x128xi32, #tpu.memory_space<vmem>>, vector<16xi32>,
            %gather3A_373 = tpu.vector_load_idx %arg20[%get3A_372] : memref<10240xf32, #tpu.memory_space<vmem>>[vector<16xi32>], vector<16xf32>,
            %swap3A_374 = arith.constant 16 : index
            %swap3A_375 = tpu.vector_load %arg15[%swap3A_374] {strides = array<i32>} : memref<128xf32, #tpu.memory_space<vmem>>, vector<16xf32>,
            %swap3A_376 = vector.shape_cast %swap3A_375 : vector<16xf32> to vector<16xf32>
            %swap3A_377 = vector.shape_cast %gather3A_373 : vector<16xf32> to vector<16xf32>
            tpu.vector_store %arg15[%swap3A_374], %swap3A_377 {strides = array<i32>} : memref<128xf32, #tpu.memory_space<vmem>>, vector<16xf32>,
            %get3A_378 = arith.constant 1 : i32
            %get3A_379 = arith.index_cast %get3A_378 : i32 to index
            %get3A_380 = arith.constant 32 : index
            %get3A_381 = tpu.vector_load %arg18[%get3A_379, %get3A_380] {strides = array<i32>} : memref<2x128xi32, #tpu.memory_space<vmem>>, vector<16xi32>,
            %gather3A_382 = tpu.vector_load_idx %arg20[%get3A_381] : memref<10240xf32, #tpu.memory_space<vmem>>[vector<16xi32>], vector<16xf32>,
            %swap3A_383 = arith.constant 32 : index
            %swap3A_384 = tpu.vector_load %arg15[%swap3A_383] {strides = array<i32>} : memref<128xf32, #tpu.memory_space<vmem>>, vector<16xf32>,
            %swap3A_385 = vector.shape_cast %swap3A_384 : vector<16xf32> to vector<16xf32>
            %swap3A_386 = vector.shape_cast %gather3A_382 : vector<16xf32> to vector<16xf32>
            tpu.vector_store %arg15[%swap3A_383], %swap3A_386 {strides = array<i32>} : memref<128xf32, #tpu.memory_space<vmem>>, vector<16xf32>,
            %get3A_387 = arith.constant 1 : i32
            %get3A_388 = arith.index_cast %get3A_387 : i32 to index
            %get3A_389 = arith.constant 48 : index
            %get3A_390 = tpu.vector_load %arg18[%get3A_388, %get3A_389] {strides = array<i32>} : memref<2x128xi32, #tpu.memory_space<vmem>>, vector<16xi32>,
            %gather3A_391 = tpu.vector_load_idx %arg20[%get3A_390] : memref<10240xf32, #tpu.memory_space<vmem>>[vector<16xi32>], vector<16xf32>,
            %swap3A_392 = arith.constant 48 : index
            %swap3A_393 = tpu.vector_load %arg15[%swap3A_392] {strides = array<i32>} : memref<128xf32, #tpu.memory_space<vmem>>, vector<16xf32>,
            %swap3A_394 = vector.shape_cast %swap3A_393 : vector<16xf32> to vector<16xf32>
            %swap3A_395 = vector.shape_cast %gather3A_391 : vector<16xf32> to vector<16xf32>
            tpu.vector_store %arg15[%swap3A_392], %swap3A_395 {strides = array<i32>} : memref<128xf32, #tpu.memory_space<vmem>>, vector<16xf32>,
            %get3A_396 = arith.constant 1 : i32
            %get3A_397 = arith.index_cast %get3A_396 : i32 to index
            %get3A_398 = arith.constant 64 : index
            %get3A_399 = tpu.vector_load %arg18[%get3A_397, %get3A_398] {strides = array<i32>} : memref<2x128xi32, #tpu.memory_space<vmem>>, vector<16xi32>,
            %gather3A_400 = tpu.vector_load_idx %arg20[%get3A_399] : memref<10240xf32, #tpu.memory_space<vmem>>[vector<16xi32>], vector<16xf32>,
            %swap3A_401 = arith.constant 64 : index
            %swap3A_402 = tpu.vector_load %arg15[%swap3A_401] {strides = array<i32>} : memref<128xf32, #tpu.memory_space<vmem>>, vector<16xf32>,
            %swap3A_403 = vector.shape_cast %swap3A_402 : vector<16xf32> to vector<16xf32>
            %swap3A_404 = vector.shape_cast %gather3A_400 : vector<16xf32> to vector<16xf32>
            tpu.vector_store %arg15[%swap3A_401], %swap3A_404 {strides = array<i32>} : memref<128xf32, #tpu.memory_space<vmem>>, vector<16xf32>,
            %get3A_405 = arith.constant 1 : i32
            %get3A_406 = arith.index_cast %get3A_405 : i32 to index
            %get3A_407 = arith.constant 80 : index
            %get3A_408 = tpu.vector_load %arg18[%get3A_406, %get3A_407] {strides = array<i32>} : memref<2x128xi32, #tpu.memory_space<vmem>>, vector<16xi32>,
            %gather3A_409 = tpu.vector_load_idx %arg20[%get3A_408] : memref<10240xf32, #tpu.memory_space<vmem>>[vector<16xi32>], vector<16xf32>,
            %swap3A_410 = arith.constant 80 : index
            %swap3A_411 = tpu.vector_load %arg15[%swap3A_410] {strides = array<i32>} : memref<128xf32, #tpu.memory_space<vmem>>, vector<16xf32>,
            %swap3A_412 = vector.shape_cast %swap3A_411 : vector<16xf32> to vector<16xf32>
            %swap3A_413 = vector.shape_cast %gather3A_409 : vector<16xf32> to vector<16xf32>
            tpu.vector_store %arg15[%swap3A_410], %swap3A_413 {strides = array<i32>} : memref<128xf32, #tpu.memory_space<vmem>>, vector<16xf32>,
            %get3A_414 = arith.constant 1 : i32
            %get3A_415 = arith.index_cast %get3A_414 : i32 to index
            %get3A_416 = arith.constant 96 : index
            %get3A_417 = tpu.vector_load %arg18[%get3A_415, %get3A_416] {strides = array<i32>} : memref<2x128xi32, #tpu.memory_space<vmem>>, vector<16xi32>,
            %gather3A_418 = tpu.vector_load_idx %arg20[%get3A_417] : memref<10240xf32, #tpu.memory_space<vmem>>[vector<16xi32>], vector<16xf32>,
            %swap3A_419 = arith.constant 96 : index
            %swap3A_420 = tpu.vector_load %arg15[%swap3A_419] {strides = array<i32>} : memref<128xf32, #tpu.memory_space<vmem>>, vector<16xf32>,
            %swap3A_421 = vector.shape_cast %swap3A_420 : vector<16xf32> to vector<16xf32>
            %swap3A_422 = vector.shape_cast %gather3A_418 : vector<16xf32> to vector<16xf32>
            tpu.vector_store %arg15[%swap3A_419], %swap3A_422 {strides = array<i32>} : memref<128xf32, #tpu.memory_space<vmem>>, vector<16xf32>,
            %get3A_423 = arith.constant 1 : i32
            %get3A_424 = arith.index_cast %get3A_423 : i32 to index
            %get3A_425 = arith.constant 112 : index
            %get3A_426 = tpu.vector_load %arg18[%get3A_424, %get3A_425] {strides = array<i32>} : memref<2x128xi32, #tpu.memory_space<vmem>>, vector<16xi32>,
            %gather3A_427 = tpu.vector_load_idx %arg20[%get3A_426] : memref<10240xf32, #tpu.memory_space<vmem>>[vector<16xi32>], vector<16xf32>,
            %swap3A_428 = arith.constant 112 : index
            %swap3A_429 = tpu.vector_load %arg15[%swap3A_428] {strides = array<i32>} : memref<128xf32, #tpu.memory_space<vmem>>, vector<16xf32>,
            %swap3A_430 = vector.shape_cast %swap3A_429 : vector<16xf32> to vector<16xf32>
            %swap3A_431 = vector.shape_cast %gather3A_427 : vector<16xf32> to vector<16xf32>
            tpu.vector_store %arg15[%swap3A_428], %swap3A_431 {strides = array<i32>} : memref<128xf32, #tpu.memory_space<vmem>>, vector<16xf32>,
          } else {
          }
          %lt3A_348 = arith.constant 45 : i32
          %lt3A_349 = arith.cmpi slt, %scan3A_276, %lt3A_348 : i32
          %convert_element_type3A_350 = arith.extui %lt3A_349 : i1 to i32
          %cond3A_351 = arith.constant 0 : i32
          %cond3A_352 = arith.cmpi ne, %convert_element_type3A_350, %cond3A_351 : i32
          scf.if %cond3A_352 {
            %add3A_353 = arith.constant 2 : i32
            %add3A_354 = arith.addi %scan3A_276, %add3A_353 : i32
            %mul3A_355 = arith.constant 160 : i32
            %mul3A_356 = arith.muli %arg1, %mul3A_355 : i32
            %add3A_357 = arith.constant 0 : i32
            %add3A_358 = arith.addi %mul3A_356, %add3A_357 : i32
            %mul3A_359 = arith.constant 2 : i32
            %mul3A_360 = arith.muli %add3A_354, %mul3A_359 : i32
            %add3A_361 = arith.addi %add3A_358, %mul3A_360 : i32
            %dma_start3A_362 = arith.constant 0 : i32
            %dma_start3A_363 = tpu.memref_slice %arg5[%add3A_361, %dma_start3A_362] : memref<2560x128xi32, #tpu.memory_space<hbm>> -> memref<2x128xi32, #tpu.memory_space<hbm>>
            %dma_start3A_364 = arith.constant 0 : i32
            %dma_start3A_365 = tpu.memref_slice %arg5[%add3A_361, %dma_start3A_364] : memref<2560x128xi32, #tpu.memory_space<hbm>> -> memref<2x128xi32, #tpu.memory_space<hbm>>
            tpu.enqueue_dma source(%dma_start3A_365 : memref<2x128xi32, #tpu.memory_space<hbm>>) target(%arg17 : memref<2x128xi32, #tpu.memory_space<vmem>>) target_semaphore(%arg29 : memref<!tpu.dma_semaphore, #tpu.memory_space<semaphore_mem>>)
            %dma_start3A_366 = arith.constant 0 : i32
            %dma_start3A_367 = tpu.memref_slice %arg6[%add3A_361, %dma_start3A_366] : memref<2560x128xi32, #tpu.memory_space<hbm>> -> memref<2x128xi32, #tpu.memory_space<hbm>>
            %dma_start3A_368 = arith.constant 0 : i32
            %dma_start3A_369 = tpu.memref_slice %arg6[%add3A_361, %dma_start3A_368] : memref<2560x128xi32, #tpu.memory_space<hbm>> -> memref<2x128xi32, #tpu.memory_space<hbm>>
            tpu.enqueue_dma source(%dma_start3A_369 : memref<2x128xi32, #tpu.memory_space<hbm>>) target(%arg19 : memref<2x128xi32, #tpu.memory_space<vmem>>) target_semaphore(%arg29 : memref<!tpu.dma_semaphore, #tpu.memory_space<semaphore_mem>>)
          } else {
          }
        } else {
        }
      }
      %scan3A_274 = arith.constant 47 : i32
      %barrier3A_275 = arith.constant 0 : index
      tpu.barrier barrier_id(%barrier3A_275)
    } else {
    }
    %eq3A_22 = arith.constant 1 : i32
    %eq3A_23 = arith.cmpi eq, %arg0, %eq3A_22 : i32
    %convert_element_type3A_24 = arith.extui %eq3A_23 : i1 to i32
    %cond3A_25 = arith.constant 0 : i32
    %cond3A_26 = arith.cmpi ne, %convert_element_type3A_24, %cond3A_25 : i32
    scf.if %cond3A_26 {
      %mul3A_77 = arith.constant 160 : i32
      %mul3A_78 = arith.muli %arg1, %mul3A_77 : i32
      %add3A_79 = arith.constant 94 : i32
      %add3A_80 = arith.addi %mul3A_78, %add3A_79 : i32
      %add3A_81 = arith.constant 0 : i32
      %add3A_82 = arith.addi %add3A_80, %add3A_81 : i32
      %dma_start3A = arith.constant 0 : i32
      %dma_start3A_83 = tpu.memref_slice %arg5[%add3A_82, %dma_start3A] : memref<2560x128xi32, #tpu.memory_space<hbm>> -> memref<2x128xi32, #tpu.memory_space<hbm>>
      %dma_start3A_84 = arith.constant 0 : i32
      %dma_start3A_85 = tpu.memref_slice %arg5[%add3A_82, %dma_start3A_84] : memref<2560x128xi32, #tpu.memory_space<hbm>> -> memref<2x128xi32, #tpu.memory_space<hbm>>
      tpu.enqueue_dma source(%dma_start3A_85 : memref<2x128xi32, #tpu.memory_space<hbm>>) target(%arg16 : memref<2x128xi32, #tpu.memory_space<vmem>>) target_semaphore(%arg28 : memref<!tpu.dma_semaphore, #tpu.memory_space<semaphore_mem>>)
      %dma_start3A_86 = arith.constant 0 : i32
      %dma_start3A_87 = tpu.memref_slice %arg6[%add3A_82, %dma_start3A_86] : memref<2560x128xi32, #tpu.memory_space<hbm>> -> memref<2x128xi32, #tpu.memory_space<hbm>>
      %dma_start3A_88 = arith.constant 0 : i32
      %dma_start3A_89 = tpu.memref_slice %arg6[%add3A_82, %dma_start3A_88] : memref<2560x128xi32, #tpu.memory_space<hbm>> -> memref<2x128xi32, #tpu.memory_space<hbm>>
      tpu.enqueue_dma source(%dma_start3A_89 : memref<2x128xi32, #tpu.memory_space<hbm>>) target(%arg18 : memref<2x128xi32, #tpu.memory_space<vmem>>) target_semaphore(%arg28 : memref<!tpu.dma_semaphore, #tpu.memory_space<semaphore_mem>>)
      %dma_wait3A = arith.constant 0 : i32
      %dma_wait3A_90 = arith.constant 0 : i32
      %dma_wait3A_91 = tpu.memref_slice %arg5[%dma_wait3A, %dma_wait3A_90] : memref<2560x128xi32, #tpu.memory_space<hbm>> -> memref<2x128xi32, #tpu.memory_space<hbm>>
      %dma_wait3A_92 = arith.constant 0 : i32
      %dma_wait3A_93 = arith.constant 0 : i32
      %dma_wait3A_94 = tpu.memref_slice %arg5[%dma_wait3A_92, %dma_wait3A_93] : memref<2560x128xi32, #tpu.memory_space<hbm>> -> memref<2x128xi32, #tpu.memory_space<hbm>>
      tpu.wait_dma2 semaphore(%arg28 : memref<!tpu.dma_semaphore, #tpu.memory_space<semaphore_mem>>) src(%dma_wait3A_94 : memref<2x128xi32, #tpu.memory_space<hbm>>) dst(%arg16 : memref<2x128xi32, #tpu.memory_space<vmem>>)
      %dma_wait3A_95 = arith.constant 0 : i32
      %dma_wait3A_96 = arith.constant 0 : i32
      %dma_wait3A_97 = tpu.memref_slice %arg6[%dma_wait3A_95, %dma_wait3A_96] : memref<2560x128xi32, #tpu.memory_space<hbm>> -> memref<2x128xi32, #tpu.memory_space<hbm>>
      %dma_wait3A_98 = arith.constant 0 : i32
      %dma_wait3A_99 = arith.constant 0 : i32
      %dma_wait3A_100 = tpu.memref_slice %arg6[%dma_wait3A_98, %dma_wait3A_99] : memref<2560x128xi32, #tpu.memory_space<hbm>> -> memref<2x128xi32, #tpu.memory_space<hbm>>
      tpu.wait_dma2 semaphore(%arg28 : memref<!tpu.dma_semaphore, #tpu.memory_space<semaphore_mem>>) src(%dma_wait3A_100 : memref<2x128xi32, #tpu.memory_space<hbm>>) dst(%arg18 : memref<2x128xi32, #tpu.memory_space<vmem>>)
      %mul3A_101 = arith.constant 160 : i32
      %mul3A_102 = arith.muli %arg1, %mul3A_101 : i32
      %add3A_103 = arith.constant 94 : i32
      %add3A_104 = arith.addi %mul3A_102, %add3A_103 : i32
      %add3A_105 = arith.constant 2 : i32
      %add3A_106 = arith.addi %add3A_104, %add3A_105 : i32
      %dma_start3A_107 = arith.constant 0 : i32
      %dma_start3A_108 = tpu.memref_slice %arg5[%add3A_106, %dma_start3A_107] : memref<2560x128xi32, #tpu.memory_space<hbm>> -> memref<2x128xi32, #tpu.memory_space<hbm>>
      %dma_start3A_109 = arith.constant 0 : i32
      %dma_start3A_110 = tpu.memref_slice %arg5[%add3A_106, %dma_start3A_109] : memref<2560x128xi32, #tpu.memory_space<hbm>> -> memref<2x128xi32, #tpu.memory_space<hbm>>
      tpu.enqueue_dma source(%dma_start3A_110 : memref<2x128xi32, #tpu.memory_space<hbm>>) target(%arg17 : memref<2x128xi32, #tpu.memory_space<vmem>>) target_semaphore(%arg29 : memref<!tpu.dma_semaphore, #tpu.memory_space<semaphore_mem>>)
      %dma_start3A_111 = arith.constant 0 : i32
      %dma_start3A_112 = tpu.memref_slice %arg6[%add3A_106, %dma_start3A_111] : memref<2560x128xi32, #tpu.memory_space<hbm>> -> memref<2x128xi32, #tpu.memory_space<hbm>>
      %dma_start3A_113 = arith.constant 0 : i32
      %dma_start3A_114 = tpu.memref_slice %arg6[%add3A_106, %dma_start3A_113] : memref<2560x128xi32, #tpu.memory_space<hbm>> -> memref<2x128xi32, #tpu.memory_space<hbm>>
      tpu.enqueue_dma source(%dma_start3A_114 : memref<2x128xi32, #tpu.memory_space<hbm>>) target(%arg19 : memref<2x128xi32, #tpu.memory_space<vmem>>) target_semaphore(%arg29 : memref<!tpu.dma_semaphore, #tpu.memory_space<semaphore_mem>>)
      %barrier3A = arith.constant 0 : index
      tpu.barrier barrier_id(%barrier3A)
      %dma_start3A_115 = arith.constant 0 : i32
      %dma_start3A_116 = arith.constant 0 : i32
      %dma_start3A_117 = tpu.memref_slice %arg16[%dma_start3A_115, %dma_start3A_116] : memref<2x128xi32, #tpu.memory_space<vmem>> -> memref<1x128xi32, #tpu.memory_space<vmem>>
      %dma_start3A_118 = tpu.memref_squeeze %dma_start3A_117 : memref<1x128xi32, #tpu.memory_space<vmem>> -> memref<128xi32, #tpu.memory_space<vmem>>
      %dma_start3A_119 = arith.constant 0 : i32
      %dma_start3A_120 = arith.constant 0 : i32
      %dma_start3A_121 = tpu.memref_slice %arg21[%dma_start3A_119, %dma_start3A_120] : memref<10240x64xf32, #tpu.memory_space<vmem_shared>> -> memref<10240x64xf32, #tpu.memory_space<vmem_shared>>
      tpu.enqueue_indirect_dma source(%dma_start3A_121 : memref<10240x64xf32, #tpu.memory_space<vmem_shared>>) target(%arg12 : memref<128x64xf32, #tpu.memory_space<vmem>>) offsets(%dma_start3A_118 : memref<128xi32, #tpu.memory_space<vmem>>) semaphore(%arg24 : memref<!tpu.dma_semaphore, #tpu.memory_space<semaphore_mem>>)
      %get3A = arith.constant 0 : i32
      %get3A_122 = arith.index_cast %get3A : i32 to index
      %get3A_123 = arith.constant 0 : index
      %get3A_124 = tpu.vector_load %arg18[%get3A_122, %get3A_123] {strides = array<i32>} : memref<2x128xi32, #tpu.memory_space<vmem>>, vector<16xi32>,
      %gather3A = tpu.vector_load_idx %arg20[%get3A_124] : memref<10240xf32, #tpu.memory_space<vmem>>[vector<16xi32>], vector<16xf32>,
      %swap3A = arith.constant 0 : index
      %swap3A_125 = tpu.vector_load %arg14[%swap3A] {strides = array<i32>} : memref<128xf32, #tpu.memory_space<vmem>>, vector<16xf32>,
      %swap3A_126 = vector.shape_cast %swap3A_125 : vector<16xf32> to vector<16xf32>
      %swap3A_127 = vector.shape_cast %gather3A : vector<16xf32> to vector<16xf32>
      tpu.vector_store %arg14[%swap3A], %swap3A_127 {strides = array<i32>} : memref<128xf32, #tpu.memory_space<vmem>>, vector<16xf32>,
      %get3A_128 = arith.constant 0 : i32
      %get3A_129 = arith.index_cast %get3A_128 : i32 to index
      %get3A_130 = arith.constant 16 : index
      %get3A_131 = tpu.vector_load %arg18[%get3A_129, %get3A_130] {strides = array<i32>} : memref<2x128xi32, #tpu.memory_space<vmem>>, vector<16xi32>,
      %gather3A_132 = tpu.vector_load_idx %arg20[%get3A_131] : memref<10240xf32, #tpu.memory_space<vmem>>[vector<16xi32>], vector<16xf32>,
      %swap3A_133 = arith.constant 16 : index
      %swap3A_134 = tpu.vector_load %arg14[%swap3A_133] {strides = array<i32>} : memref<128xf32, #tpu.memory_space<vmem>>, vector<16xf32>,
      %swap3A_135 = vector.shape_cast %swap3A_134 : vector<16xf32> to vector<16xf32>
      %swap3A_136 = vector.shape_cast %gather3A_132 : vector<16xf32> to vector<16xf32>
      tpu.vector_store %arg14[%swap3A_133], %swap3A_136 {strides = array<i32>} : memref<128xf32, #tpu.memory_space<vmem>>, vector<16xf32>,
      %get3A_137 = arith.constant 0 : i32
      %get3A_138 = arith.index_cast %get3A_137 : i32 to index
      %get3A_139 = arith.constant 32 : index
      %get3A_140 = tpu.vector_load %arg18[%get3A_138, %get3A_139] {strides = array<i32>} : memref<2x128xi32, #tpu.memory_space<vmem>>, vector<16xi32>,
      %gather3A_141 = tpu.vector_load_idx %arg20[%get3A_140] : memref<10240xf32, #tpu.memory_space<vmem>>[vector<16xi32>], vector<16xf32>,
      %swap3A_142 = arith.constant 32 : index
      %swap3A_143 = tpu.vector_load %arg14[%swap3A_142] {strides = array<i32>} : memref<128xf32, #tpu.memory_space<vmem>>, vector<16xf32>,
      %swap3A_144 = vector.shape_cast %swap3A_143 : vector<16xf32> to vector<16xf32>
      %swap3A_145 = vector.shape_cast %gather3A_141 : vector<16xf32> to vector<16xf32>
      tpu.vector_store %arg14[%swap3A_142], %swap3A_145 {strides = array<i32>} : memref<128xf32, #tpu.memory_space<vmem>>, vector<16xf32>,
      %get3A_146 = arith.constant 0 : i32
      %get3A_147 = arith.index_cast %get3A_146 : i32 to index
      %get3A_148 = arith.constant 48 : index
      %get3A_149 = tpu.vector_load %arg18[%get3A_147, %get3A_148] {strides = array<i32>} : memref<2x128xi32, #tpu.memory_space<vmem>>, vector<16xi32>,
      %gather3A_150 = tpu.vector_load_idx %arg20[%get3A_149] : memref<10240xf32, #tpu.memory_space<vmem>>[vector<16xi32>], vector<16xf32>,
      %swap3A_151 = arith.constant 48 : index
      %swap3A_152 = tpu.vector_load %arg14[%swap3A_151] {strides = array<i32>} : memref<128xf32, #tpu.memory_space<vmem>>, vector<16xf32>,
      %swap3A_153 = vector.shape_cast %swap3A_152 : vector<16xf32> to vector<16xf32>
      %swap3A_154 = vector.shape_cast %gather3A_150 : vector<16xf32> to vector<16xf32>
      tpu.vector_store %arg14[%swap3A_151], %swap3A_154 {strides = array<i32>} : memref<128xf32, #tpu.memory_space<vmem>>, vector<16xf32>,
      %get3A_155 = arith.constant 0 : i32
      %get3A_156 = arith.index_cast %get3A_155 : i32 to index
      %get3A_157 = arith.constant 64 : index
      %get3A_158 = tpu.vector_load %arg18[%get3A_156, %get3A_157] {strides = array<i32>} : memref<2x128xi32, #tpu.memory_space<vmem>>, vector<16xi32>,
      %gather3A_159 = tpu.vector_load_idx %arg20[%get3A_158] : memref<10240xf32, #tpu.memory_space<vmem>>[vector<16xi32>], vector<16xf32>,
      %swap3A_160 = arith.constant 64 : index
      %swap3A_161 = tpu.vector_load %arg14[%swap3A_160] {strides = array<i32>} : memref<128xf32, #tpu.memory_space<vmem>>, vector<16xf32>,
      %swap3A_162 = vector.shape_cast %swap3A_161 : vector<16xf32> to vector<16xf32>
      %swap3A_163 = vector.shape_cast %gather3A_159 : vector<16xf32> to vector<16xf32>
      tpu.vector_store %arg14[%swap3A_160], %swap3A_163 {strides = array<i32>} : memref<128xf32, #tpu.memory_space<vmem>>, vector<16xf32>,
      %get3A_164 = arith.constant 0 : i32
      %get3A_165 = arith.index_cast %get3A_164 : i32 to index
      %get3A_166 = arith.constant 80 : index
      %get3A_167 = tpu.vector_load %arg18[%get3A_165, %get3A_166] {strides = array<i32>} : memref<2x128xi32, #tpu.memory_space<vmem>>, vector<16xi32>,
      %gather3A_168 = tpu.vector_load_idx %arg20[%get3A_167] : memref<10240xf32, #tpu.memory_space<vmem>>[vector<16xi32>], vector<16xf32>,
      %swap3A_169 = arith.constant 80 : index
      %swap3A_170 = tpu.vector_load %arg14[%swap3A_169] {strides = array<i32>} : memref<128xf32, #tpu.memory_space<vmem>>, vector<16xf32>,
      %swap3A_171 = vector.shape_cast %swap3A_170 : vector<16xf32> to vector<16xf32>
      %swap3A_172 = vector.shape_cast %gather3A_168 : vector<16xf32> to vector<16xf32>
      tpu.vector_store %arg14[%swap3A_169], %swap3A_172 {strides = array<i32>} : memref<128xf32, #tpu.memory_space<vmem>>, vector<16xf32>,
      %get3A_173 = arith.constant 0 : i32
      %get3A_174 = arith.index_cast %get3A_173 : i32 to index
      %get3A_175 = arith.constant 96 : index
      %get3A_176 = tpu.vector_load %arg18[%get3A_174, %get3A_175] {strides = array<i32>} : memref<2x128xi32, #tpu.memory_space<vmem>>, vector<16xi32>,
      %gather3A_177 = tpu.vector_load_idx %arg20[%get3A_176] : memref<10240xf32, #tpu.memory_space<vmem>>[vector<16xi32>], vector<16xf32>,
      %swap3A_178 = arith.constant 96 : index
      %swap3A_179 = tpu.vector_load %arg14[%swap3A_178] {strides = array<i32>} : memref<128xf32, #tpu.memory_space<vmem>>, vector<16xf32>,
      %swap3A_180 = vector.shape_cast %swap3A_179 : vector<16xf32> to vector<16xf32>
      %swap3A_181 = vector.shape_cast %gather3A_177 : vector<16xf32> to vector<16xf32>
      tpu.vector_store %arg14[%swap3A_178], %swap3A_181 {strides = array<i32>} : memref<128xf32, #tpu.memory_space<vmem>>, vector<16xf32>,
      %get3A_182 = arith.constant 0 : i32
      %get3A_183 = arith.index_cast %get3A_182 : i32 to index
      %get3A_184 = arith.constant 112 : index
      %get3A_185 = tpu.vector_load %arg18[%get3A_183, %get3A_184] {strides = array<i32>} : memref<2x128xi32, #tpu.memory_space<vmem>>, vector<16xi32>,
      %gather3A_186 = tpu.vector_load_idx %arg20[%get3A_185] : memref<10240xf32, #tpu.memory_space<vmem>>[vector<16xi32>], vector<16xf32>,
      %swap3A_187 = arith.constant 112 : index
      %swap3A_188 = tpu.vector_load %arg14[%swap3A_187] {strides = array<i32>} : memref<128xf32, #tpu.memory_space<vmem>>, vector<16xf32>,
      %swap3A_189 = vector.shape_cast %swap3A_188 : vector<16xf32> to vector<16xf32>
      %swap3A_190 = vector.shape_cast %gather3A_186 : vector<16xf32> to vector<16xf32>
      tpu.vector_store %arg14[%swap3A_187], %swap3A_190 {strides = array<i32>} : memref<128xf32, #tpu.memory_space<vmem>>, vector<16xf32>,
      %dma_start3A_191 = arith.constant 1 : i32
      %dma_start3A_192 = arith.constant 0 : i32
      %dma_start3A_193 = tpu.memref_slice %arg16[%dma_start3A_191, %dma_start3A_192] : memref<2x128xi32, #tpu.memory_space<vmem>> -> memref<1x128xi32, #tpu.memory_space<vmem>>
      %dma_start3A_194 = tpu.memref_squeeze %dma_start3A_193 : memref<1x128xi32, #tpu.memory_space<vmem>> -> memref<128xi32, #tpu.memory_space<vmem>>
      %dma_start3A_195 = arith.constant 0 : i32
      %dma_start3A_196 = arith.constant 0 : i32
      %dma_start3A_197 = tpu.memref_slice %arg21[%dma_start3A_195, %dma_start3A_196] : memref<10240x64xf32, #tpu.memory_space<vmem_shared>> -> memref<10240x64xf32, #tpu.memory_space<vmem_shared>>
      tpu.enqueue_indirect_dma source(%dma_start3A_197 : memref<10240x64xf32, #tpu.memory_space<vmem_shared>>) target(%arg13 : memref<128x64xf32, #tpu.memory_space<vmem>>) offsets(%dma_start3A_194 : memref<128xi32, #tpu.memory_space<vmem>>) semaphore(%arg25 : memref<!tpu.dma_semaphore, #tpu.memory_space<semaphore_mem>>)
      %get3A_198 = arith.constant 1 : i32
      %get3A_199 = arith.index_cast %get3A_198 : i32 to index
      %get3A_200 = arith.constant 0 : index
      %get3A_201 = tpu.vector_load %arg18[%get3A_199, %get3A_200] {strides = array<i32>} : memref<2x128xi32, #tpu.memory_space<vmem>>, vector<16xi32>,
      %gather3A_202 = tpu.vector_load_idx %arg20[%get3A_201] : memref<10240xf32, #tpu.memory_space<vmem>>[vector<16xi32>], vector<16xf32>,
      %swap3A_203 = arith.constant 0 : index
      %swap3A_204 = tpu.vector_load %arg15[%swap3A_203] {strides = array<i32>} : memref<128xf32, #tpu.memory_space<vmem>>, vector<16xf32>,
      %swap3A_205 = vector.shape_cast %swap3A_204 : vector<16xf32> to vector<16xf32>
      %swap3A_206 = vector.shape_cast %gather3A_202 : vector<16xf32> to vector<16xf32>
      tpu.vector_store %arg15[%swap3A_203], %swap3A_206 {strides = array<i32>} : memref<128xf32, #tpu.memory_space<vmem>>, vector<16xf32>,
      %get3A_207 = arith.constant 1 : i32
      %get3A_208 = arith.index_cast %get3A_207 : i32 to index
      %get3A_209 = arith.constant 16 : index
      %get3A_210 = tpu.vector_load %arg18[%get3A_208, %get3A_209] {strides = array<i32>} : memref<2x128xi32, #tpu.memory_space<vmem>>, vector<16xi32>,
      %gather3A_211 = tpu.vector_load_idx %arg20[%get3A_210] : memref<10240xf32, #tpu.memory_space<vmem>>[vector<16xi32>], vector<16xf32>,
      %swap3A_212 = arith.constant 16 : index
      %swap3A_213 = tpu.vector_load %arg15[%swap3A_212] {strides = array<i32>} : memref<128xf32, #tpu.memory_space<vmem>>, vector<16xf32>,
      %swap3A_214 = vector.shape_cast %swap3A_213 : vector<16xf32> to vector<16xf32>
      %swap3A_215 = vector.shape_cast %gather3A_211 : vector<16xf32> to vector<16xf32>
      tpu.vector_store %arg15[%swap3A_212], %swap3A_215 {strides = array<i32>} : memref<128xf32, #tpu.memory_space<vmem>>, vector<16xf32>,
      %get3A_216 = arith.constant 1 : i32
      %get3A_217 = arith.index_cast %get3A_216 : i32 to index
      %get3A_218 = arith.constant 32 : index
      %get3A_219 = tpu.vector_load %arg18[%get3A_217, %get3A_218] {strides = array<i32>} : memref<2x128xi32, #tpu.memory_space<vmem>>, vector<16xi32>,
      %gather3A_220 = tpu.vector_load_idx %arg20[%get3A_219] : memref<10240xf32, #tpu.memory_space<vmem>>[vector<16xi32>], vector<16xf32>,
      %swap3A_221 = arith.constant 32 : index
      %swap3A_222 = tpu.vector_load %arg15[%swap3A_221] {strides = array<i32>} : memref<128xf32, #tpu.memory_space<vmem>>, vector<16xf32>,
      %swap3A_223 = vector.shape_cast %swap3A_222 : vector<16xf32> to vector<16xf32>
      %swap3A_224 = vector.shape_cast %gather3A_220 : vector<16xf32> to vector<16xf32>
      tpu.vector_store %arg15[%swap3A_221], %swap3A_224 {strides = array<i32>} : memref<128xf32, #tpu.memory_space<vmem>>, vector<16xf32>,
      %get3A_225 = arith.constant 1 : i32
      %get3A_226 = arith.index_cast %get3A_225 : i32 to index
      %get3A_227 = arith.constant 48 : index
      %get3A_228 = tpu.vector_load %arg18[%get3A_226, %get3A_227] {strides = array<i32>} : memref<2x128xi32, #tpu.memory_space<vmem>>, vector<16xi32>,
      %gather3A_229 = tpu.vector_load_idx %arg20[%get3A_228] : memref<10240xf32, #tpu.memory_space<vmem>>[vector<16xi32>], vector<16xf32>,
      %swap3A_230 = arith.constant 48 : index
      %swap3A_231 = tpu.vector_load %arg15[%swap3A_230] {strides = array<i32>} : memref<128xf32, #tpu.memory_space<vmem>>, vector<16xf32>,
      %swap3A_232 = vector.shape_cast %swap3A_231 : vector<16xf32> to vector<16xf32>
      %swap3A_233 = vector.shape_cast %gather3A_229 : vector<16xf32> to vector<16xf32>
      tpu.vector_store %arg15[%swap3A_230], %swap3A_233 {strides = array<i32>} : memref<128xf32, #tpu.memory_space<vmem>>, vector<16xf32>,
      %get3A_234 = arith.constant 1 : i32
      %get3A_235 = arith.index_cast %get3A_234 : i32 to index
      %get3A_236 = arith.constant 64 : index
      %get3A_237 = tpu.vector_load %arg18[%get3A_235, %get3A_236] {strides = array<i32>} : memref<2x128xi32, #tpu.memory_space<vmem>>, vector<16xi32>,
      %gather3A_238 = tpu.vector_load_idx %arg20[%get3A_237] : memref<10240xf32, #tpu.memory_space<vmem>>[vector<16xi32>], vector<16xf32>,
      %swap3A_239 = arith.constant 64 : index
      %swap3A_240 = tpu.vector_load %arg15[%swap3A_239] {strides = array<i32>} : memref<128xf32, #tpu.memory_space<vmem>>, vector<16xf32>,
      %swap3A_241 = vector.shape_cast %swap3A_240 : vector<16xf32> to vector<16xf32>
      %swap3A_242 = vector.shape_cast %gather3A_238 : vector<16xf32> to vector<16xf32>
      tpu.vector_store %arg15[%swap3A_239], %swap3A_242 {strides = array<i32>} : memref<128xf32, #tpu.memory_space<vmem>>, vector<16xf32>,
      %get3A_243 = arith.constant 1 : i32
      %get3A_244 = arith.index_cast %get3A_243 : i32 to index
      %get3A_245 = arith.constant 80 : index
      %get3A_246 = tpu.vector_load %arg18[%get3A_244, %get3A_245] {strides = array<i32>} : memref<2x128xi32, #tpu.memory_space<vmem>>, vector<16xi32>,
      %gather3A_247 = tpu.vector_load_idx %arg20[%get3A_246] : memref<10240xf32, #tpu.memory_space<vmem>>[vector<16xi32>], vector<16xf32>,
      %swap3A_248 = arith.constant 80 : index
      %swap3A_249 = tpu.vector_load %arg15[%swap3A_248] {strides = array<i32>} : memref<128xf32, #tpu.memory_space<vmem>>, vector<16xf32>,
      %swap3A_250 = vector.shape_cast %swap3A_249 : vector<16xf32> to vector<16xf32>
      %swap3A_251 = vector.shape_cast %gather3A_247 : vector<16xf32> to vector<16xf32>
      tpu.vector_store %arg15[%swap3A_248], %swap3A_251 {strides = array<i32>} : memref<128xf32, #tpu.memory_space<vmem>>, vector<16xf32>,
      %get3A_252 = arith.constant 1 : i32
      %get3A_253 = arith.index_cast %get3A_252 : i32 to index
      %get3A_254 = arith.constant 96 : index
      %get3A_255 = tpu.vector_load %arg18[%get3A_253, %get3A_254] {strides = array<i32>} : memref<2x128xi32, #tpu.memory_space<vmem>>, vector<16xi32>,
      %gather3A_256 = tpu.vector_load_idx %arg20[%get3A_255] : memref<10240xf32, #tpu.memory_space<vmem>>[vector<16xi32>], vector<16xf32>,
      %swap3A_257 = arith.constant 96 : index
      %swap3A_258 = tpu.vector_load %arg15[%swap3A_257] {strides = array<i32>} : memref<128xf32, #tpu.memory_space<vmem>>, vector<16xf32>,
      %swap3A_259 = vector.shape_cast %swap3A_258 : vector<16xf32> to vector<16xf32>
      %swap3A_260 = vector.shape_cast %gather3A_256 : vector<16xf32> to vector<16xf32>
      tpu.vector_store %arg15[%swap3A_257], %swap3A_260 {strides = array<i32>} : memref<128xf32, #tpu.memory_space<vmem>>, vector<16xf32>,
      %get3A_261 = arith.constant 1 : i32
      %get3A_262 = arith.index_cast %get3A_261 : i32 to index
      %get3A_263 = arith.constant 112 : index
      %get3A_264 = tpu.vector_load %arg18[%get3A_262, %get3A_263] {strides = array<i32>} : memref<2x128xi32, #tpu.memory_space<vmem>>, vector<16xi32>,
      %gather3A_265 = tpu.vector_load_idx %arg20[%get3A_264] : memref<10240xf32, #tpu.memory_space<vmem>>[vector<16xi32>], vector<16xf32>,
      %swap3A_266 = arith.constant 112 : index
      %swap3A_267 = tpu.vector_load %arg15[%swap3A_266] {strides = array<i32>} : memref<128xf32, #tpu.memory_space<vmem>>, vector<16xf32>,
      %swap3A_268 = vector.shape_cast %swap3A_267 : vector<16xf32> to vector<16xf32>
      %swap3A_269 = vector.shape_cast %gather3A_265 : vector<16xf32> to vector<16xf32>
      tpu.vector_store %arg15[%swap3A_266], %swap3A_269 {strides = array<i32>} : memref<128xf32, #tpu.memory_space<vmem>>, vector<16xf32>,
      %scan3A = arith.constant 0 : i32
      %scan3A_270 = arith.constant 0 : i32
      %scan3A_271 = arith.constant 33 : i32
      %scan3A_272 = arith.addi %scan3A_270, %scan3A_271 : i32
      %scan3A_273 = arith.constant 1 : i32
      scf.for %scan3A_276 = %scan3A_270 to %scan3A_272 step %scan3A_273  : i32 {
        %rem3A = arith.constant 2 : i32
        %rem3A_277 = arith.remsi %scan3A_276, %rem3A : i32
        %eq3A_278 = arith.constant 0 : i32
        %eq3A_279 = arith.cmpi eq, %rem3A_277, %eq3A_278 : i32
        %convert_element_type3A_280 = arith.extui %eq3A_279 : i1 to i32
        %cond3A_281 = arith.constant 0 : i32
        %cond3A_282 = arith.cmpi ne, %convert_element_type3A_280, %cond3A_281 : i32
        scf.if %cond3A_282 {
          %dma_wait3A_288 = arith.constant 0 : i32
          %dma_wait3A_289 = arith.constant 0 : i32
          %dma_wait3A_290 = tpu.memref_slice %arg2[%dma_wait3A_288, %dma_wait3A_289] : memref<10240x64xf32, #tpu.memory_space<hbm>> -> memref<128x64xf32, #tpu.memory_space<hbm>>
          %dma_wait3A_291 = arith.constant 0 : i32
          %dma_wait3A_292 = arith.constant 0 : i32
          %dma_wait3A_293 = tpu.memref_slice %arg2[%dma_wait3A_291, %dma_wait3A_292] : memref<10240x64xf32, #tpu.memory_space<hbm>> -> memref<128x64xf32, #tpu.memory_space<hbm>>
          tpu.wait_dma2 semaphore(%arg24 : memref<!tpu.dma_semaphore, #tpu.memory_space<semaphore_mem>>) src(%dma_wait3A_293 : memref<128x64xf32, #tpu.memory_space<hbm>>) dst(%arg12 : memref<128x64xf32, #tpu.memory_space<vmem>>)
          %dma_start3A_294 = arith.constant 0 : i32
          %dma_start3A_295 = arith.constant 0 : i32
          %dma_start3A_296 = tpu.memref_slice %arg18[%dma_start3A_294, %dma_start3A_295] : memref<2x128xi32, #tpu.memory_space<vmem>> -> memref<1x128xi32, #tpu.memory_space<vmem>>
          %dma_start3A_297 = tpu.memref_squeeze %dma_start3A_296 : memref<1x128xi32, #tpu.memory_space<vmem>> -> memref<128xi32, #tpu.memory_space<vmem>>
          %dma_start3A_298 = arith.constant 0 : i32
          %dma_start3A_299 = arith.constant 0 : i32
          %dma_start3A_300 = tpu.memref_slice %arg22[%dma_start3A_298, %dma_start3A_299] : memref<10240x64xf32, #tpu.memory_space<vmem_shared>> -> memref<10240x64xf32, #tpu.memory_space<vmem_shared>>
          tpu.enqueue_indirect_dma source(%arg12 : memref<128x64xf32, #tpu.memory_space<vmem>>) target(%dma_start3A_300 : memref<10240x64xf32, #tpu.memory_space<vmem_shared>>) offsets(%dma_start3A_297 : memref<128xi32, #tpu.memory_space<vmem>>) semaphore(%arg26 : memref<!tpu.dma_semaphore, #tpu.memory_space<semaphore_mem>>) {add = true}
          %dma_start3A_301 = arith.constant 0 : i32
          %dma_start3A_302 = arith.constant 0 : i32
          %dma_start3A_303 = tpu.memref_slice %arg16[%dma_start3A_301, %dma_start3A_302] : memref<2x128xi32, #tpu.memory_space<vmem>> -> memref<1x128xi32, #tpu.memory_space<vmem>>
          %dma_start3A_304 = tpu.memref_squeeze %dma_start3A_303 : memref<1x128xi32, #tpu.memory_space<vmem>> -> memref<128xi32, #tpu.memory_space<vmem>>
          %dma_start3A_305 = arith.constant 0 : i32
          %dma_start3A_306 = tpu.memref_slice %arg23[%dma_start3A_305] : memref<10240xf32, #tpu.memory_space<vmem_shared>> -> memref<10240xf32, #tpu.memory_space<vmem_shared>>
          tpu.enqueue_indirect_dma source(%arg14 : memref<128xf32, #tpu.memory_space<vmem>>) target(%dma_start3A_306 : memref<10240xf32, #tpu.memory_space<vmem_shared>>) offsets(%dma_start3A_304 : memref<128xi32, #tpu.memory_space<vmem>>) semaphore(%arg26 : memref<!tpu.dma_semaphore, #tpu.memory_space<semaphore_mem>>) {add = true}
          %dma_wait3A_307 = arith.constant 0 : i32
          %dma_wait3A_308 = arith.constant 0 : i32
          %dma_wait3A_309 = tpu.memref_slice %arg2[%dma_wait3A_307, %dma_wait3A_308] : memref<10240x64xf32, #tpu.memory_space<hbm>> -> memref<128x64xf32, #tpu.memory_space<hbm>>
          %dma_wait3A_310 = arith.constant 0 : i32
          %dma_wait3A_311 = arith.constant 0 : i32
          %dma_wait3A_312 = tpu.memref_slice %arg2[%dma_wait3A_310, %dma_wait3A_311] : memref<10240x64xf32, #tpu.memory_space<hbm>> -> memref<128x64xf32, #tpu.memory_space<hbm>>
          tpu.wait_dma2 semaphore(%arg25 : memref<!tpu.dma_semaphore, #tpu.memory_space<semaphore_mem>>) src(%dma_wait3A_312 : memref<128x64xf32, #tpu.memory_space<hbm>>) dst(%arg13 : memref<128x64xf32, #tpu.memory_space<vmem>>)
          %dma_start3A_313 = arith.constant 1 : i32
          %dma_start3A_314 = arith.constant 0 : i32
          %dma_start3A_315 = tpu.memref_slice %arg18[%dma_start3A_313, %dma_start3A_314] : memref<2x128xi32, #tpu.memory_space<vmem>> -> memref<1x128xi32, #tpu.memory_space<vmem>>
          %dma_start3A_316 = tpu.memref_squeeze %dma_start3A_315 : memref<1x128xi32, #tpu.memory_space<vmem>> -> memref<128xi32, #tpu.memory_space<vmem>>
          %dma_start3A_317 = arith.constant 0 : i32
          %dma_start3A_318 = arith.constant 0 : i32
          %dma_start3A_319 = tpu.memref_slice %arg22[%dma_start3A_317, %dma_start3A_318] : memref<10240x64xf32, #tpu.memory_space<vmem_shared>> -> memref<10240x64xf32, #tpu.memory_space<vmem_shared>>
          tpu.enqueue_indirect_dma source(%arg13 : memref<128x64xf32, #tpu.memory_space<vmem>>) target(%dma_start3A_319 : memref<10240x64xf32, #tpu.memory_space<vmem_shared>>) offsets(%dma_start3A_316 : memref<128xi32, #tpu.memory_space<vmem>>) semaphore(%arg27 : memref<!tpu.dma_semaphore, #tpu.memory_space<semaphore_mem>>) {add = true}
          %dma_start3A_320 = arith.constant 1 : i32
          %dma_start3A_321 = arith.constant 0 : i32
          %dma_start3A_322 = tpu.memref_slice %arg16[%dma_start3A_320, %dma_start3A_321] : memref<2x128xi32, #tpu.memory_space<vmem>> -> memref<1x128xi32, #tpu.memory_space<vmem>>
          %dma_start3A_323 = tpu.memref_squeeze %dma_start3A_322 : memref<1x128xi32, #tpu.memory_space<vmem>> -> memref<128xi32, #tpu.memory_space<vmem>>
          %dma_start3A_324 = arith.constant 0 : i32
          %dma_start3A_325 = tpu.memref_slice %arg23[%dma_start3A_324] : memref<10240xf32, #tpu.memory_space<vmem_shared>> -> memref<10240xf32, #tpu.memory_space<vmem_shared>>
          tpu.enqueue_indirect_dma source(%arg15 : memref<128xf32, #tpu.memory_space<vmem>>) target(%dma_start3A_325 : memref<10240xf32, #tpu.memory_space<vmem_shared>>) offsets(%dma_start3A_323 : memref<128xi32, #tpu.memory_space<vmem>>) semaphore(%arg27 : memref<!tpu.dma_semaphore, #tpu.memory_space<semaphore_mem>>) {add = true}
          %lt3A = arith.constant 32 : i32
          %lt3A_326 = arith.cmpi slt, %scan3A_276, %lt3A : i32
          %convert_element_type3A_327 = arith.extui %lt3A_326 : i1 to i32
          %cond3A_328 = arith.constant 0 : i32
          %cond3A_329 = arith.cmpi ne, %convert_element_type3A_327, %cond3A_328 : i32
          scf.if %cond3A_329 {
            %dma_wait3A_353 = arith.constant 0 : i32
            %dma_wait3A_354 = arith.constant 0 : i32
            %dma_wait3A_355 = tpu.memref_slice %arg5[%dma_wait3A_353, %dma_wait3A_354] : memref<2560x128xi32, #tpu.memory_space<hbm>> -> memref<2x128xi32, #tpu.memory_space<hbm>>
            %dma_wait3A_356 = arith.constant 0 : i32
            %dma_wait3A_357 = arith.constant 0 : i32
            %dma_wait3A_358 = tpu.memref_slice %arg5[%dma_wait3A_356, %dma_wait3A_357] : memref<2560x128xi32, #tpu.memory_space<hbm>> -> memref<2x128xi32, #tpu.memory_space<hbm>>
            tpu.wait_dma2 semaphore(%arg29 : memref<!tpu.dma_semaphore, #tpu.memory_space<semaphore_mem>>) src(%dma_wait3A_358 : memref<2x128xi32, #tpu.memory_space<hbm>>) dst(%arg17 : memref<2x128xi32, #tpu.memory_space<vmem>>)
            %dma_wait3A_359 = arith.constant 0 : i32
            %dma_wait3A_360 = arith.constant 0 : i32
            %dma_wait3A_361 = tpu.memref_slice %arg6[%dma_wait3A_359, %dma_wait3A_360] : memref<2560x128xi32, #tpu.memory_space<hbm>> -> memref<2x128xi32, #tpu.memory_space<hbm>>
            %dma_wait3A_362 = arith.constant 0 : i32
            %dma_wait3A_363 = arith.constant 0 : i32
            %dma_wait3A_364 = tpu.memref_slice %arg6[%dma_wait3A_362, %dma_wait3A_363] : memref<2560x128xi32, #tpu.memory_space<hbm>> -> memref<2x128xi32, #tpu.memory_space<hbm>>
            tpu.wait_dma2 semaphore(%arg29 : memref<!tpu.dma_semaphore, #tpu.memory_space<semaphore_mem>>) src(%dma_wait3A_364 : memref<2x128xi32, #tpu.memory_space<hbm>>) dst(%arg19 : memref<2x128xi32, #tpu.memory_space<vmem>>)
          } else {
          }
          tpu.wait_dma2 semaphore(%arg26 : memref<!tpu.dma_semaphore, #tpu.memory_space<semaphore_mem>>) src(%arg8 : memref<128x64xf32, #tpu.memory_space<hbm>>) dst(%arg12 : memref<128x64xf32, #tpu.memory_space<vmem>>)
          %dma_wait3A_330 = arith.constant 0 : i32
          %dma_wait3A_331 = tpu.memref_slice %arg7[%dma_wait3A_330] : memref<10240xf32, #tpu.memory_space<hbm>> -> memref<128xf32, #tpu.memory_space<hbm>>
          %dma_wait3A_332 = arith.constant 0 : i32
          %dma_wait3A_333 = tpu.memref_slice %arg7[%dma_wait3A_332] : memref<10240xf32, #tpu.memory_space<hbm>> -> memref<128xf32, #tpu.memory_space<hbm>>
          tpu.wait_dma2 semaphore(%arg26 : memref<!tpu.dma_semaphore, #tpu.memory_space<semaphore_mem>>) src(%dma_wait3A_333 : memref<128xf32, #tpu.memory_space<hbm>>) dst(%arg14 : memref<128xf32, #tpu.memory_space<vmem>>)
          %lt3A_334 = arith.constant 32 : i32
          %lt3A_335 = arith.cmpi slt, %scan3A_276, %lt3A_334 : i32
          %convert_element_type3A_336 = arith.extui %lt3A_335 : i1 to i32
          %cond3A_337 = arith.constant 0 : i32
          %cond3A_338 = arith.cmpi ne, %convert_element_type3A_336, %cond3A_337 : i32
          scf.if %cond3A_338 {
            %dma_start3A_353 = arith.constant 0 : i32
            %dma_start3A_354 = arith.constant 0 : i32
            %dma_start3A_355 = tpu.memref_slice %arg17[%dma_start3A_353, %dma_start3A_354] : memref<2x128xi32, #tpu.memory_space<vmem>> -> memref<1x128xi32, #tpu.memory_space<vmem>>
            %dma_start3A_356 = tpu.memref_squeeze %dma_start3A_355 : memref<1x128xi32, #tpu.memory_space<vmem>> -> memref<128xi32, #tpu.memory_space<vmem>>
            %dma_start3A_357 = arith.constant 0 : i32
            %dma_start3A_358 = arith.constant 0 : i32
            %dma_start3A_359 = tpu.memref_slice %arg21[%dma_start3A_357, %dma_start3A_358] : memref<10240x64xf32, #tpu.memory_space<vmem_shared>> -> memref<10240x64xf32, #tpu.memory_space<vmem_shared>>
            tpu.enqueue_indirect_dma source(%dma_start3A_359 : memref<10240x64xf32, #tpu.memory_space<vmem_shared>>) target(%arg12 : memref<128x64xf32, #tpu.memory_space<vmem>>) offsets(%dma_start3A_356 : memref<128xi32, #tpu.memory_space<vmem>>) semaphore(%arg24 : memref<!tpu.dma_semaphore, #tpu.memory_space<semaphore_mem>>)
            %get3A_360 = arith.constant 0 : i32
            %get3A_361 = arith.index_cast %get3A_360 : i32 to index
            %get3A_362 = arith.constant 0 : index
            %get3A_363 = tpu.vector_load %arg19[%get3A_361, %get3A_362] {strides = array<i32>} : memref<2x128xi32, #tpu.memory_space<vmem>>, vector<16xi32>,
            %gather3A_364 = tpu.vector_load_idx %arg20[%get3A_363] : memref<10240xf32, #tpu.memory_space<vmem>>[vector<16xi32>], vector<16xf32>,
            %swap3A_365 = arith.constant 0 : index
            %swap3A_366 = tpu.vector_load %arg14[%swap3A_365] {strides = array<i32>} : memref<128xf32, #tpu.memory_space<vmem>>, vector<16xf32>,
            %swap3A_367 = vector.shape_cast %swap3A_366 : vector<16xf32> to vector<16xf32>
            %swap3A_368 = vector.shape_cast %gather3A_364 : vector<16xf32> to vector<16xf32>
            tpu.vector_store %arg14[%swap3A_365], %swap3A_368 {strides = array<i32>} : memref<128xf32, #tpu.memory_space<vmem>>, vector<16xf32>,
            %get3A_369 = arith.constant 0 : i32
            %get3A_370 = arith.index_cast %get3A_369 : i32 to index
            %get3A_371 = arith.constant 16 : index
            %get3A_372 = tpu.vector_load %arg19[%get3A_370, %get3A_371] {strides = array<i32>} : memref<2x128xi32, #tpu.memory_space<vmem>>, vector<16xi32>,
            %gather3A_373 = tpu.vector_load_idx %arg20[%get3A_372] : memref<10240xf32, #tpu.memory_space<vmem>>[vector<16xi32>], vector<16xf32>,
            %swap3A_374 = arith.constant 16 : index
            %swap3A_375 = tpu.vector_load %arg14[%swap3A_374] {strides = array<i32>} : memref<128xf32, #tpu.memory_space<vmem>>, vector<16xf32>,
            %swap3A_376 = vector.shape_cast %swap3A_375 : vector<16xf32> to vector<16xf32>
            %swap3A_377 = vector.shape_cast %gather3A_373 : vector<16xf32> to vector<16xf32>
            tpu.vector_store %arg14[%swap3A_374], %swap3A_377 {strides = array<i32>} : memref<128xf32, #tpu.memory_space<vmem>>, vector<16xf32>,
            %get3A_378 = arith.constant 0 : i32
            %get3A_379 = arith.index_cast %get3A_378 : i32 to index
            %get3A_380 = arith.constant 32 : index
            %get3A_381 = tpu.vector_load %arg19[%get3A_379, %get3A_380] {strides = array<i32>} : memref<2x128xi32, #tpu.memory_space<vmem>>, vector<16xi32>,
            %gather3A_382 = tpu.vector_load_idx %arg20[%get3A_381] : memref<10240xf32, #tpu.memory_space<vmem>>[vector<16xi32>], vector<16xf32>,
            %swap3A_383 = arith.constant 32 : index
            %swap3A_384 = tpu.vector_load %arg14[%swap3A_383] {strides = array<i32>} : memref<128xf32, #tpu.memory_space<vmem>>, vector<16xf32>,
            %swap3A_385 = vector.shape_cast %swap3A_384 : vector<16xf32> to vector<16xf32>
            %swap3A_386 = vector.shape_cast %gather3A_382 : vector<16xf32> to vector<16xf32>
            tpu.vector_store %arg14[%swap3A_383], %swap3A_386 {strides = array<i32>} : memref<128xf32, #tpu.memory_space<vmem>>, vector<16xf32>,
            %get3A_387 = arith.constant 0 : i32
            %get3A_388 = arith.index_cast %get3A_387 : i32 to index
            %get3A_389 = arith.constant 48 : index
            %get3A_390 = tpu.vector_load %arg19[%get3A_388, %get3A_389] {strides = array<i32>} : memref<2x128xi32, #tpu.memory_space<vmem>>, vector<16xi32>,
            %gather3A_391 = tpu.vector_load_idx %arg20[%get3A_390] : memref<10240xf32, #tpu.memory_space<vmem>>[vector<16xi32>], vector<16xf32>,
            %swap3A_392 = arith.constant 48 : index
            %swap3A_393 = tpu.vector_load %arg14[%swap3A_392] {strides = array<i32>} : memref<128xf32, #tpu.memory_space<vmem>>, vector<16xf32>,
            %swap3A_394 = vector.shape_cast %swap3A_393 : vector<16xf32> to vector<16xf32>
            %swap3A_395 = vector.shape_cast %gather3A_391 : vector<16xf32> to vector<16xf32>
            tpu.vector_store %arg14[%swap3A_392], %swap3A_395 {strides = array<i32>} : memref<128xf32, #tpu.memory_space<vmem>>, vector<16xf32>,
            %get3A_396 = arith.constant 0 : i32
            %get3A_397 = arith.index_cast %get3A_396 : i32 to index
            %get3A_398 = arith.constant 64 : index
            %get3A_399 = tpu.vector_load %arg19[%get3A_397, %get3A_398] {strides = array<i32>} : memref<2x128xi32, #tpu.memory_space<vmem>>, vector<16xi32>,
            %gather3A_400 = tpu.vector_load_idx %arg20[%get3A_399] : memref<10240xf32, #tpu.memory_space<vmem>>[vector<16xi32>], vector<16xf32>,
            %swap3A_401 = arith.constant 64 : index
            %swap3A_402 = tpu.vector_load %arg14[%swap3A_401] {strides = array<i32>} : memref<128xf32, #tpu.memory_space<vmem>>, vector<16xf32>,
            %swap3A_403 = vector.shape_cast %swap3A_402 : vector<16xf32> to vector<16xf32>
            %swap3A_404 = vector.shape_cast %gather3A_400 : vector<16xf32> to vector<16xf32>
            tpu.vector_store %arg14[%swap3A_401], %swap3A_404 {strides = array<i32>} : memref<128xf32, #tpu.memory_space<vmem>>, vector<16xf32>,
            %get3A_405 = arith.constant 0 : i32
            %get3A_406 = arith.index_cast %get3A_405 : i32 to index
            %get3A_407 = arith.constant 80 : index
            %get3A_408 = tpu.vector_load %arg19[%get3A_406, %get3A_407] {strides = array<i32>} : memref<2x128xi32, #tpu.memory_space<vmem>>, vector<16xi32>,
            %gather3A_409 = tpu.vector_load_idx %arg20[%get3A_408] : memref<10240xf32, #tpu.memory_space<vmem>>[vector<16xi32>], vector<16xf32>,
            %swap3A_410 = arith.constant 80 : index
            %swap3A_411 = tpu.vector_load %arg14[%swap3A_410] {strides = array<i32>} : memref<128xf32, #tpu.memory_space<vmem>>, vector<16xf32>,
            %swap3A_412 = vector.shape_cast %swap3A_411 : vector<16xf32> to vector<16xf32>
            %swap3A_413 = vector.shape_cast %gather3A_409 : vector<16xf32> to vector<16xf32>
            tpu.vector_store %arg14[%swap3A_410], %swap3A_413 {strides = array<i32>} : memref<128xf32, #tpu.memory_space<vmem>>, vector<16xf32>,
            %get3A_414 = arith.constant 0 : i32
            %get3A_415 = arith.index_cast %get3A_414 : i32 to index
            %get3A_416 = arith.constant 96 : index
            %get3A_417 = tpu.vector_load %arg19[%get3A_415, %get3A_416] {strides = array<i32>} : memref<2x128xi32, #tpu.memory_space<vmem>>, vector<16xi32>,
            %gather3A_418 = tpu.vector_load_idx %arg20[%get3A_417] : memref<10240xf32, #tpu.memory_space<vmem>>[vector<16xi32>], vector<16xf32>,
            %swap3A_419 = arith.constant 96 : index
            %swap3A_420 = tpu.vector_load %arg14[%swap3A_419] {strides = array<i32>} : memref<128xf32, #tpu.memory_space<vmem>>, vector<16xf32>,
            %swap3A_421 = vector.shape_cast %swap3A_420 : vector<16xf32> to vector<16xf32>
            %swap3A_422 = vector.shape_cast %gather3A_418 : vector<16xf32> to vector<16xf32>
            tpu.vector_store %arg14[%swap3A_419], %swap3A_422 {strides = array<i32>} : memref<128xf32, #tpu.memory_space<vmem>>, vector<16xf32>,
            %get3A_423 = arith.constant 0 : i32
            %get3A_424 = arith.index_cast %get3A_423 : i32 to index
            %get3A_425 = arith.constant 112 : index
            %get3A_426 = tpu.vector_load %arg19[%get3A_424, %get3A_425] {strides = array<i32>} : memref<2x128xi32, #tpu.memory_space<vmem>>, vector<16xi32>,
            %gather3A_427 = tpu.vector_load_idx %arg20[%get3A_426] : memref<10240xf32, #tpu.memory_space<vmem>>[vector<16xi32>], vector<16xf32>,
            %swap3A_428 = arith.constant 112 : index
            %swap3A_429 = tpu.vector_load %arg14[%swap3A_428] {strides = array<i32>} : memref<128xf32, #tpu.memory_space<vmem>>, vector<16xf32>,
            %swap3A_430 = vector.shape_cast %swap3A_429 : vector<16xf32> to vector<16xf32>
            %swap3A_431 = vector.shape_cast %gather3A_427 : vector<16xf32> to vector<16xf32>
            tpu.vector_store %arg14[%swap3A_428], %swap3A_431 {strides = array<i32>} : memref<128xf32, #tpu.memory_space<vmem>>, vector<16xf32>,
          } else {
          }
          tpu.wait_dma2 semaphore(%arg27 : memref<!tpu.dma_semaphore, #tpu.memory_space<semaphore_mem>>) src(%arg8 : memref<128x64xf32, #tpu.memory_space<hbm>>) dst(%arg13 : memref<128x64xf32, #tpu.memory_space<vmem>>)
          %dma_wait3A_339 = arith.constant 0 : i32
          %dma_wait3A_340 = tpu.memref_slice %arg7[%dma_wait3A_339] : memref<10240xf32, #tpu.memory_space<hbm>> -> memref<128xf32, #tpu.memory_space<hbm>>
          %dma_wait3A_341 = arith.constant 0 : i32
          %dma_wait3A_342 = tpu.memref_slice %arg7[%dma_wait3A_341] : memref<10240xf32, #tpu.memory_space<hbm>> -> memref<128xf32, #tpu.memory_space<hbm>>
          tpu.wait_dma2 semaphore(%arg27 : memref<!tpu.dma_semaphore, #tpu.memory_space<semaphore_mem>>) src(%dma_wait3A_342 : memref<128xf32, #tpu.memory_space<hbm>>) dst(%arg15 : memref<128xf32, #tpu.memory_space<vmem>>)
          %lt3A_343 = arith.constant 32 : i32
          %lt3A_344 = arith.cmpi slt, %scan3A_276, %lt3A_343 : i32
          %convert_element_type3A_345 = arith.extui %lt3A_344 : i1 to i32
          %cond3A_346 = arith.constant 0 : i32
          %cond3A_347 = arith.cmpi ne, %convert_element_type3A_345, %cond3A_346 : i32
          scf.if %cond3A_347 {
            %dma_start3A_353 = arith.constant 1 : i32
            %dma_start3A_354 = arith.constant 0 : i32
            %dma_start3A_355 = tpu.memref_slice %arg17[%dma_start3A_353, %dma_start3A_354] : memref<2x128xi32, #tpu.memory_space<vmem>> -> memref<1x128xi32, #tpu.memory_space<vmem>>
            %dma_start3A_356 = tpu.memref_squeeze %dma_start3A_355 : memref<1x128xi32, #tpu.memory_space<vmem>> -> memref<128xi32, #tpu.memory_space<vmem>>
            %dma_start3A_357 = arith.constant 0 : i32
            %dma_start3A_358 = arith.constant 0 : i32
            %dma_start3A_359 = tpu.memref_slice %arg21[%dma_start3A_357, %dma_start3A_358] : memref<10240x64xf32, #tpu.memory_space<vmem_shared>> -> memref<10240x64xf32, #tpu.memory_space<vmem_shared>>
            tpu.enqueue_indirect_dma source(%dma_start3A_359 : memref<10240x64xf32, #tpu.memory_space<vmem_shared>>) target(%arg13 : memref<128x64xf32, #tpu.memory_space<vmem>>) offsets(%dma_start3A_356 : memref<128xi32, #tpu.memory_space<vmem>>) semaphore(%arg25 : memref<!tpu.dma_semaphore, #tpu.memory_space<semaphore_mem>>)
            %get3A_360 = arith.constant 1 : i32
            %get3A_361 = arith.index_cast %get3A_360 : i32 to index
            %get3A_362 = arith.constant 0 : index
            %get3A_363 = tpu.vector_load %arg19[%get3A_361, %get3A_362] {strides = array<i32>} : memref<2x128xi32, #tpu.memory_space<vmem>>, vector<16xi32>,
            %gather3A_364 = tpu.vector_load_idx %arg20[%get3A_363] : memref<10240xf32, #tpu.memory_space<vmem>>[vector<16xi32>], vector<16xf32>,
            %swap3A_365 = arith.constant 0 : index
            %swap3A_366 = tpu.vector_load %arg15[%swap3A_365] {strides = array<i32>} : memref<128xf32, #tpu.memory_space<vmem>>, vector<16xf32>,
            %swap3A_367 = vector.shape_cast %swap3A_366 : vector<16xf32> to vector<16xf32>
            %swap3A_368 = vector.shape_cast %gather3A_364 : vector<16xf32> to vector<16xf32>
            tpu.vector_store %arg15[%swap3A_365], %swap3A_368 {strides = array<i32>} : memref<128xf32, #tpu.memory_space<vmem>>, vector<16xf32>,
            %get3A_369 = arith.constant 1 : i32
            %get3A_370 = arith.index_cast %get3A_369 : i32 to index
            %get3A_371 = arith.constant 16 : index
            %get3A_372 = tpu.vector_load %arg19[%get3A_370, %get3A_371] {strides = array<i32>} : memref<2x128xi32, #tpu.memory_space<vmem>>, vector<16xi32>,
            %gather3A_373 = tpu.vector_load_idx %arg20[%get3A_372] : memref<10240xf32, #tpu.memory_space<vmem>>[vector<16xi32>], vector<16xf32>,
            %swap3A_374 = arith.constant 16 : index
            %swap3A_375 = tpu.vector_load %arg15[%swap3A_374] {strides = array<i32>} : memref<128xf32, #tpu.memory_space<vmem>>, vector<16xf32>,
            %swap3A_376 = vector.shape_cast %swap3A_375 : vector<16xf32> to vector<16xf32>
            %swap3A_377 = vector.shape_cast %gather3A_373 : vector<16xf32> to vector<16xf32>
            tpu.vector_store %arg15[%swap3A_374], %swap3A_377 {strides = array<i32>} : memref<128xf32, #tpu.memory_space<vmem>>, vector<16xf32>,
            %get3A_378 = arith.constant 1 : i32
            %get3A_379 = arith.index_cast %get3A_378 : i32 to index
            %get3A_380 = arith.constant 32 : index
            %get3A_381 = tpu.vector_load %arg19[%get3A_379, %get3A_380] {strides = array<i32>} : memref<2x128xi32, #tpu.memory_space<vmem>>, vector<16xi32>,
            %gather3A_382 = tpu.vector_load_idx %arg20[%get3A_381] : memref<10240xf32, #tpu.memory_space<vmem>>[vector<16xi32>], vector<16xf32>,
            %swap3A_383 = arith.constant 32 : index
            %swap3A_384 = tpu.vector_load %arg15[%swap3A_383] {strides = array<i32>} : memref<128xf32, #tpu.memory_space<vmem>>, vector<16xf32>,
            %swap3A_385 = vector.shape_cast %swap3A_384 : vector<16xf32> to vector<16xf32>
            %swap3A_386 = vector.shape_cast %gather3A_382 : vector<16xf32> to vector<16xf32>
            tpu.vector_store %arg15[%swap3A_383], %swap3A_386 {strides = array<i32>} : memref<128xf32, #tpu.memory_space<vmem>>, vector<16xf32>,
            %get3A_387 = arith.constant 1 : i32
            %get3A_388 = arith.index_cast %get3A_387 : i32 to index
            %get3A_389 = arith.constant 48 : index
            %get3A_390 = tpu.vector_load %arg19[%get3A_388, %get3A_389] {strides = array<i32>} : memref<2x128xi32, #tpu.memory_space<vmem>>, vector<16xi32>,
            %gather3A_391 = tpu.vector_load_idx %arg20[%get3A_390] : memref<10240xf32, #tpu.memory_space<vmem>>[vector<16xi32>], vector<16xf32>,
            %swap3A_392 = arith.constant 48 : index
            %swap3A_393 = tpu.vector_load %arg15[%swap3A_392] {strides = array<i32>} : memref<128xf32, #tpu.memory_space<vmem>>, vector<16xf32>,
            %swap3A_394 = vector.shape_cast %swap3A_393 : vector<16xf32> to vector<16xf32>
            %swap3A_395 = vector.shape_cast %gather3A_391 : vector<16xf32> to vector<16xf32>
            tpu.vector_store %arg15[%swap3A_392], %swap3A_395 {strides = array<i32>} : memref<128xf32, #tpu.memory_space<vmem>>, vector<16xf32>,
            %get3A_396 = arith.constant 1 : i32
            %get3A_397 = arith.index_cast %get3A_396 : i32 to index
            %get3A_398 = arith.constant 64 : index
            %get3A_399 = tpu.vector_load %arg19[%get3A_397, %get3A_398] {strides = array<i32>} : memref<2x128xi32, #tpu.memory_space<vmem>>, vector<16xi32>,
            %gather3A_400 = tpu.vector_load_idx %arg20[%get3A_399] : memref<10240xf32, #tpu.memory_space<vmem>>[vector<16xi32>], vector<16xf32>,
            %swap3A_401 = arith.constant 64 : index
            %swap3A_402 = tpu.vector_load %arg15[%swap3A_401] {strides = array<i32>} : memref<128xf32, #tpu.memory_space<vmem>>, vector<16xf32>,
            %swap3A_403 = vector.shape_cast %swap3A_402 : vector<16xf32> to vector<16xf32>
            %swap3A_404 = vector.shape_cast %gather3A_400 : vector<16xf32> to vector<16xf32>
            tpu.vector_store %arg15[%swap3A_401], %swap3A_404 {strides = array<i32>} : memref<128xf32, #tpu.memory_space<vmem>>, vector<16xf32>,
            %get3A_405 = arith.constant 1 : i32
            %get3A_406 = arith.index_cast %get3A_405 : i32 to index
            %get3A_407 = arith.constant 80 : index
            %get3A_408 = tpu.vector_load %arg19[%get3A_406, %get3A_407] {strides = array<i32>} : memref<2x128xi32, #tpu.memory_space<vmem>>, vector<16xi32>,
            %gather3A_409 = tpu.vector_load_idx %arg20[%get3A_408] : memref<10240xf32, #tpu.memory_space<vmem>>[vector<16xi32>], vector<16xf32>,
            %swap3A_410 = arith.constant 80 : index
            %swap3A_411 = tpu.vector_load %arg15[%swap3A_410] {strides = array<i32>} : memref<128xf32, #tpu.memory_space<vmem>>, vector<16xf32>,
            %swap3A_412 = vector.shape_cast %swap3A_411 : vector<16xf32> to vector<16xf32>
            %swap3A_413 = vector.shape_cast %gather3A_409 : vector<16xf32> to vector<16xf32>
            tpu.vector_store %arg15[%swap3A_410], %swap3A_413 {strides = array<i32>} : memref<128xf32, #tpu.memory_space<vmem>>, vector<16xf32>,
            %get3A_414 = arith.constant 1 : i32
            %get3A_415 = arith.index_cast %get3A_414 : i32 to index
            %get3A_416 = arith.constant 96 : index
            %get3A_417 = tpu.vector_load %arg19[%get3A_415, %get3A_416] {strides = array<i32>} : memref<2x128xi32, #tpu.memory_space<vmem>>, vector<16xi32>,
            %gather3A_418 = tpu.vector_load_idx %arg20[%get3A_417] : memref<10240xf32, #tpu.memory_space<vmem>>[vector<16xi32>], vector<16xf32>,
            %swap3A_419 = arith.constant 96 : index
            %swap3A_420 = tpu.vector_load %arg15[%swap3A_419] {strides = array<i32>} : memref<128xf32, #tpu.memory_space<vmem>>, vector<16xf32>,
            %swap3A_421 = vector.shape_cast %swap3A_420 : vector<16xf32> to vector<16xf32>
            %swap3A_422 = vector.shape_cast %gather3A_418 : vector<16xf32> to vector<16xf32>
            tpu.vector_store %arg15[%swap3A_419], %swap3A_422 {strides = array<i32>} : memref<128xf32, #tpu.memory_space<vmem>>, vector<16xf32>,
            %get3A_423 = arith.constant 1 : i32
            %get3A_424 = arith.index_cast %get3A_423 : i32 to index
            %get3A_425 = arith.constant 112 : index
            %get3A_426 = tpu.vector_load %arg19[%get3A_424, %get3A_425] {strides = array<i32>} : memref<2x128xi32, #tpu.memory_space<vmem>>, vector<16xi32>,
            %gather3A_427 = tpu.vector_load_idx %arg20[%get3A_426] : memref<10240xf32, #tpu.memory_space<vmem>>[vector<16xi32>], vector<16xf32>,
            %swap3A_428 = arith.constant 112 : index
            %swap3A_429 = tpu.vector_load %arg15[%swap3A_428] {strides = array<i32>} : memref<128xf32, #tpu.memory_space<vmem>>, vector<16xf32>,
            %swap3A_430 = vector.shape_cast %swap3A_429 : vector<16xf32> to vector<16xf32>
            %swap3A_431 = vector.shape_cast %gather3A_427 : vector<16xf32> to vector<16xf32>
            tpu.vector_store %arg15[%swap3A_428], %swap3A_431 {strides = array<i32>} : memref<128xf32, #tpu.memory_space<vmem>>, vector<16xf32>,
          } else {
          }
          %lt3A_348 = arith.constant 31 : i32
          %lt3A_349 = arith.cmpi slt, %scan3A_276, %lt3A_348 : i32
          %convert_element_type3A_350 = arith.extui %lt3A_349 : i1 to i32
          %cond3A_351 = arith.constant 0 : i32
          %cond3A_352 = arith.cmpi ne, %convert_element_type3A_350, %cond3A_351 : i32
          scf.if %cond3A_352 {
            %add3A_353 = arith.constant 2 : i32
            %add3A_354 = arith.addi %scan3A_276, %add3A_353 : i32
            %mul3A_355 = arith.constant 160 : i32
            %mul3A_356 = arith.muli %arg1, %mul3A_355 : i32
            %add3A_357 = arith.constant 94 : i32
            %add3A_358 = arith.addi %mul3A_356, %add3A_357 : i32
            %mul3A_359 = arith.constant 2 : i32
            %mul3A_360 = arith.muli %add3A_354, %mul3A_359 : i32
            %add3A_361 = arith.addi %add3A_358, %mul3A_360 : i32
            %dma_start3A_362 = arith.constant 0 : i32
            %dma_start3A_363 = tpu.memref_slice %arg5[%add3A_361, %dma_start3A_362] : memref<2560x128xi32, #tpu.memory_space<hbm>> -> memref<2x128xi32, #tpu.memory_space<hbm>>
            %dma_start3A_364 = arith.constant 0 : i32
            %dma_start3A_365 = tpu.memref_slice %arg5[%add3A_361, %dma_start3A_364] : memref<2560x128xi32, #tpu.memory_space<hbm>> -> memref<2x128xi32, #tpu.memory_space<hbm>>
            tpu.enqueue_dma source(%dma_start3A_365 : memref<2x128xi32, #tpu.memory_space<hbm>>) target(%arg16 : memref<2x128xi32, #tpu.memory_space<vmem>>) target_semaphore(%arg28 : memref<!tpu.dma_semaphore, #tpu.memory_space<semaphore_mem>>)
            %dma_start3A_366 = arith.constant 0 : i32
            %dma_start3A_367 = tpu.memref_slice %arg6[%add3A_361, %dma_start3A_366] : memref<2560x128xi32, #tpu.memory_space<hbm>> -> memref<2x128xi32, #tpu.memory_space<hbm>>
            %dma_start3A_368 = arith.constant 0 : i32
            %dma_start3A_369 = tpu.memref_slice %arg6[%add3A_361, %dma_start3A_368] : memref<2560x128xi32, #tpu.memory_space<hbm>> -> memref<2x128xi32, #tpu.memory_space<hbm>>
            tpu.enqueue_dma source(%dma_start3A_369 : memref<2x128xi32, #tpu.memory_space<hbm>>) target(%arg18 : memref<2x128xi32, #tpu.memory_space<vmem>>) target_semaphore(%arg28 : memref<!tpu.dma_semaphore, #tpu.memory_space<semaphore_mem>>)
          } else {
          }
        } else {
        }
        %eq3A_283 = arith.constant 1 : i32
        %eq3A_284 = arith.cmpi eq, %rem3A_277, %eq3A_283 : i32
        %convert_element_type3A_285 = arith.extui %eq3A_284 : i1 to i32
        %cond3A_286 = arith.constant 0 : i32
        %cond3A_287 = arith.cmpi ne, %convert_element_type3A_285, %cond3A_286 : i32
        scf.if %cond3A_287 {
          %dma_wait3A_288 = arith.constant 0 : i32
          %dma_wait3A_289 = arith.constant 0 : i32
          %dma_wait3A_290 = tpu.memref_slice %arg2[%dma_wait3A_288, %dma_wait3A_289] : memref<10240x64xf32, #tpu.memory_space<hbm>> -> memref<128x64xf32, #tpu.memory_space<hbm>>
          %dma_wait3A_291 = arith.constant 0 : i32
          %dma_wait3A_292 = arith.constant 0 : i32
          %dma_wait3A_293 = tpu.memref_slice %arg2[%dma_wait3A_291, %dma_wait3A_292] : memref<10240x64xf32, #tpu.memory_space<hbm>> -> memref<128x64xf32, #tpu.memory_space<hbm>>
          tpu.wait_dma2 semaphore(%arg24 : memref<!tpu.dma_semaphore, #tpu.memory_space<semaphore_mem>>) src(%dma_wait3A_293 : memref<128x64xf32, #tpu.memory_space<hbm>>) dst(%arg12 : memref<128x64xf32, #tpu.memory_space<vmem>>)
          %dma_start3A_294 = arith.constant 0 : i32
          %dma_start3A_295 = arith.constant 0 : i32
          %dma_start3A_296 = tpu.memref_slice %arg19[%dma_start3A_294, %dma_start3A_295] : memref<2x128xi32, #tpu.memory_space<vmem>> -> memref<1x128xi32, #tpu.memory_space<vmem>>
          %dma_start3A_297 = tpu.memref_squeeze %dma_start3A_296 : memref<1x128xi32, #tpu.memory_space<vmem>> -> memref<128xi32, #tpu.memory_space<vmem>>
          %dma_start3A_298 = arith.constant 0 : i32
          %dma_start3A_299 = arith.constant 0 : i32
          %dma_start3A_300 = tpu.memref_slice %arg22[%dma_start3A_298, %dma_start3A_299] : memref<10240x64xf32, #tpu.memory_space<vmem_shared>> -> memref<10240x64xf32, #tpu.memory_space<vmem_shared>>
          tpu.enqueue_indirect_dma source(%arg12 : memref<128x64xf32, #tpu.memory_space<vmem>>) target(%dma_start3A_300 : memref<10240x64xf32, #tpu.memory_space<vmem_shared>>) offsets(%dma_start3A_297 : memref<128xi32, #tpu.memory_space<vmem>>) semaphore(%arg26 : memref<!tpu.dma_semaphore, #tpu.memory_space<semaphore_mem>>) {add = true}
          %dma_start3A_301 = arith.constant 0 : i32
          %dma_start3A_302 = arith.constant 0 : i32
          %dma_start3A_303 = tpu.memref_slice %arg17[%dma_start3A_301, %dma_start3A_302] : memref<2x128xi32, #tpu.memory_space<vmem>> -> memref<1x128xi32, #tpu.memory_space<vmem>>
          %dma_start3A_304 = tpu.memref_squeeze %dma_start3A_303 : memref<1x128xi32, #tpu.memory_space<vmem>> -> memref<128xi32, #tpu.memory_space<vmem>>
          %dma_start3A_305 = arith.constant 0 : i32
          %dma_start3A_306 = tpu.memref_slice %arg23[%dma_start3A_305] : memref<10240xf32, #tpu.memory_space<vmem_shared>> -> memref<10240xf32, #tpu.memory_space<vmem_shared>>
          tpu.enqueue_indirect_dma source(%arg14 : memref<128xf32, #tpu.memory_space<vmem>>) target(%dma_start3A_306 : memref<10240xf32, #tpu.memory_space<vmem_shared>>) offsets(%dma_start3A_304 : memref<128xi32, #tpu.memory_space<vmem>>) semaphore(%arg26 : memref<!tpu.dma_semaphore, #tpu.memory_space<semaphore_mem>>) {add = true}
          %dma_wait3A_307 = arith.constant 0 : i32
          %dma_wait3A_308 = arith.constant 0 : i32
          %dma_wait3A_309 = tpu.memref_slice %arg2[%dma_wait3A_307, %dma_wait3A_308] : memref<10240x64xf32, #tpu.memory_space<hbm>> -> memref<128x64xf32, #tpu.memory_space<hbm>>
          %dma_wait3A_310 = arith.constant 0 : i32
          %dma_wait3A_311 = arith.constant 0 : i32
          %dma_wait3A_312 = tpu.memref_slice %arg2[%dma_wait3A_310, %dma_wait3A_311] : memref<10240x64xf32, #tpu.memory_space<hbm>> -> memref<128x64xf32, #tpu.memory_space<hbm>>
          tpu.wait_dma2 semaphore(%arg25 : memref<!tpu.dma_semaphore, #tpu.memory_space<semaphore_mem>>) src(%dma_wait3A_312 : memref<128x64xf32, #tpu.memory_space<hbm>>) dst(%arg13 : memref<128x64xf32, #tpu.memory_space<vmem>>)
          %dma_start3A_313 = arith.constant 1 : i32
          %dma_start3A_314 = arith.constant 0 : i32
          %dma_start3A_315 = tpu.memref_slice %arg19[%dma_start3A_313, %dma_start3A_314] : memref<2x128xi32, #tpu.memory_space<vmem>> -> memref<1x128xi32, #tpu.memory_space<vmem>>
          %dma_start3A_316 = tpu.memref_squeeze %dma_start3A_315 : memref<1x128xi32, #tpu.memory_space<vmem>> -> memref<128xi32, #tpu.memory_space<vmem>>
          %dma_start3A_317 = arith.constant 0 : i32
          %dma_start3A_318 = arith.constant 0 : i32
          %dma_start3A_319 = tpu.memref_slice %arg22[%dma_start3A_317, %dma_start3A_318] : memref<10240x64xf32, #tpu.memory_space<vmem_shared>> -> memref<10240x64xf32, #tpu.memory_space<vmem_shared>>
          tpu.enqueue_indirect_dma source(%arg13 : memref<128x64xf32, #tpu.memory_space<vmem>>) target(%dma_start3A_319 : memref<10240x64xf32, #tpu.memory_space<vmem_shared>>) offsets(%dma_start3A_316 : memref<128xi32, #tpu.memory_space<vmem>>) semaphore(%arg27 : memref<!tpu.dma_semaphore, #tpu.memory_space<semaphore_mem>>) {add = true}
          %dma_start3A_320 = arith.constant 1 : i32
          %dma_start3A_321 = arith.constant 0 : i32
          %dma_start3A_322 = tpu.memref_slice %arg17[%dma_start3A_320, %dma_start3A_321] : memref<2x128xi32, #tpu.memory_space<vmem>> -> memref<1x128xi32, #tpu.memory_space<vmem>>
          %dma_start3A_323 = tpu.memref_squeeze %dma_start3A_322 : memref<1x128xi32, #tpu.memory_space<vmem>> -> memref<128xi32, #tpu.memory_space<vmem>>
          %dma_start3A_324 = arith.constant 0 : i32
          %dma_start3A_325 = tpu.memref_slice %arg23[%dma_start3A_324] : memref<10240xf32, #tpu.memory_space<vmem_shared>> -> memref<10240xf32, #tpu.memory_space<vmem_shared>>
          tpu.enqueue_indirect_dma source(%arg15 : memref<128xf32, #tpu.memory_space<vmem>>) target(%dma_start3A_325 : memref<10240xf32, #tpu.memory_space<vmem_shared>>) offsets(%dma_start3A_323 : memref<128xi32, #tpu.memory_space<vmem>>) semaphore(%arg27 : memref<!tpu.dma_semaphore, #tpu.memory_space<semaphore_mem>>) {add = true}
          %lt3A = arith.constant 32 : i32
          %lt3A_326 = arith.cmpi slt, %scan3A_276, %lt3A : i32
          %convert_element_type3A_327 = arith.extui %lt3A_326 : i1 to i32
          %cond3A_328 = arith.constant 0 : i32
          %cond3A_329 = arith.cmpi ne, %convert_element_type3A_327, %cond3A_328 : i32
          scf.if %cond3A_329 {
            %dma_wait3A_353 = arith.constant 0 : i32
            %dma_wait3A_354 = arith.constant 0 : i32
            %dma_wait3A_355 = tpu.memref_slice %arg5[%dma_wait3A_353, %dma_wait3A_354] : memref<2560x128xi32, #tpu.memory_space<hbm>> -> memref<2x128xi32, #tpu.memory_space<hbm>>
            %dma_wait3A_356 = arith.constant 0 : i32
            %dma_wait3A_357 = arith.constant 0 : i32
            %dma_wait3A_358 = tpu.memref_slice %arg5[%dma_wait3A_356, %dma_wait3A_357] : memref<2560x128xi32, #tpu.memory_space<hbm>> -> memref<2x128xi32, #tpu.memory_space<hbm>>
            tpu.wait_dma2 semaphore(%arg28 : memref<!tpu.dma_semaphore, #tpu.memory_space<semaphore_mem>>) src(%dma_wait3A_358 : memref<2x128xi32, #tpu.memory_space<hbm>>) dst(%arg16 : memref<2x128xi32, #tpu.memory_space<vmem>>)
            %dma_wait3A_359 = arith.constant 0 : i32
            %dma_wait3A_360 = arith.constant 0 : i32
            %dma_wait3A_361 = tpu.memref_slice %arg6[%dma_wait3A_359, %dma_wait3A_360] : memref<2560x128xi32, #tpu.memory_space<hbm>> -> memref<2x128xi32, #tpu.memory_space<hbm>>
            %dma_wait3A_362 = arith.constant 0 : i32
            %dma_wait3A_363 = arith.constant 0 : i32
            %dma_wait3A_364 = tpu.memref_slice %arg6[%dma_wait3A_362, %dma_wait3A_363] : memref<2560x128xi32, #tpu.memory_space<hbm>> -> memref<2x128xi32, #tpu.memory_space<hbm>>
            tpu.wait_dma2 semaphore(%arg28 : memref<!tpu.dma_semaphore, #tpu.memory_space<semaphore_mem>>) src(%dma_wait3A_364 : memref<2x128xi32, #tpu.memory_space<hbm>>) dst(%arg18 : memref<2x128xi32, #tpu.memory_space<vmem>>)
          } else {
          }
          tpu.wait_dma2 semaphore(%arg26 : memref<!tpu.dma_semaphore, #tpu.memory_space<semaphore_mem>>) src(%arg8 : memref<128x64xf32, #tpu.memory_space<hbm>>) dst(%arg12 : memref<128x64xf32, #tpu.memory_space<vmem>>)
          %dma_wait3A_330 = arith.constant 0 : i32
          %dma_wait3A_331 = tpu.memref_slice %arg7[%dma_wait3A_330] : memref<10240xf32, #tpu.memory_space<hbm>> -> memref<128xf32, #tpu.memory_space<hbm>>
          %dma_wait3A_332 = arith.constant 0 : i32
          %dma_wait3A_333 = tpu.memref_slice %arg7[%dma_wait3A_332] : memref<10240xf32, #tpu.memory_space<hbm>> -> memref<128xf32, #tpu.memory_space<hbm>>
          tpu.wait_dma2 semaphore(%arg26 : memref<!tpu.dma_semaphore, #tpu.memory_space<semaphore_mem>>) src(%dma_wait3A_333 : memref<128xf32, #tpu.memory_space<hbm>>) dst(%arg14 : memref<128xf32, #tpu.memory_space<vmem>>)
          %lt3A_334 = arith.constant 32 : i32
          %lt3A_335 = arith.cmpi slt, %scan3A_276, %lt3A_334 : i32
          %convert_element_type3A_336 = arith.extui %lt3A_335 : i1 to i32
          %cond3A_337 = arith.constant 0 : i32
          %cond3A_338 = arith.cmpi ne, %convert_element_type3A_336, %cond3A_337 : i32
          scf.if %cond3A_338 {
            %dma_start3A_353 = arith.constant 0 : i32
            %dma_start3A_354 = arith.constant 0 : i32
            %dma_start3A_355 = tpu.memref_slice %arg16[%dma_start3A_353, %dma_start3A_354] : memref<2x128xi32, #tpu.memory_space<vmem>> -> memref<1x128xi32, #tpu.memory_space<vmem>>
            %dma_start3A_356 = tpu.memref_squeeze %dma_start3A_355 : memref<1x128xi32, #tpu.memory_space<vmem>> -> memref<128xi32, #tpu.memory_space<vmem>>
            %dma_start3A_357 = arith.constant 0 : i32
            %dma_start3A_358 = arith.constant 0 : i32
            %dma_start3A_359 = tpu.memref_slice %arg21[%dma_start3A_357, %dma_start3A_358] : memref<10240x64xf32, #tpu.memory_space<vmem_shared>> -> memref<10240x64xf32, #tpu.memory_space<vmem_shared>>
            tpu.enqueue_indirect_dma source(%dma_start3A_359 : memref<10240x64xf32, #tpu.memory_space<vmem_shared>>) target(%arg12 : memref<128x64xf32, #tpu.memory_space<vmem>>) offsets(%dma_start3A_356 : memref<128xi32, #tpu.memory_space<vmem>>) semaphore(%arg24 : memref<!tpu.dma_semaphore, #tpu.memory_space<semaphore_mem>>)
            %get3A_360 = arith.constant 0 : i32
            %get3A_361 = arith.index_cast %get3A_360 : i32 to index
            %get3A_362 = arith.constant 0 : index
            %get3A_363 = tpu.vector_load %arg18[%get3A_361, %get3A_362] {strides = array<i32>} : memref<2x128xi32, #tpu.memory_space<vmem>>, vector<16xi32>,
            %gather3A_364 = tpu.vector_load_idx %arg20[%get3A_363] : memref<10240xf32, #tpu.memory_space<vmem>>[vector<16xi32>], vector<16xf32>,
            %swap3A_365 = arith.constant 0 : index
            %swap3A_366 = tpu.vector_load %arg14[%swap3A_365] {strides = array<i32>} : memref<128xf32, #tpu.memory_space<vmem>>, vector<16xf32>,
            %swap3A_367 = vector.shape_cast %swap3A_366 : vector<16xf32> to vector<16xf32>
            %swap3A_368 = vector.shape_cast %gather3A_364 : vector<16xf32> to vector<16xf32>
            tpu.vector_store %arg14[%swap3A_365], %swap3A_368 {strides = array<i32>} : memref<128xf32, #tpu.memory_space<vmem>>, vector<16xf32>,
            %get3A_369 = arith.constant 0 : i32
            %get3A_370 = arith.index_cast %get3A_369 : i32 to index
            %get3A_371 = arith.constant 16 : index
            %get3A_372 = tpu.vector_load %arg18[%get3A_370, %get3A_371] {strides = array<i32>} : memref<2x128xi32, #tpu.memory_space<vmem>>, vector<16xi32>,
            %gather3A_373 = tpu.vector_load_idx %arg20[%get3A_372] : memref<10240xf32, #tpu.memory_space<vmem>>[vector<16xi32>], vector<16xf32>,
            %swap3A_374 = arith.constant 16 : index
            %swap3A_375 = tpu.vector_load %arg14[%swap3A_374] {strides = array<i32>} : memref<128xf32, #tpu.memory_space<vmem>>, vector<16xf32>,
            %swap3A_376 = vector.shape_cast %swap3A_375 : vector<16xf32> to vector<16xf32>
            %swap3A_377 = vector.shape_cast %gather3A_373 : vector<16xf32> to vector<16xf32>
            tpu.vector_store %arg14[%swap3A_374], %swap3A_377 {strides = array<i32>} : memref<128xf32, #tpu.memory_space<vmem>>, vector<16xf32>,
            %get3A_378 = arith.constant 0 : i32
            %get3A_379 = arith.index_cast %get3A_378 : i32 to index
            %get3A_380 = arith.constant 32 : index
            %get3A_381 = tpu.vector_load %arg18[%get3A_379, %get3A_380] {strides = array<i32>} : memref<2x128xi32, #tpu.memory_space<vmem>>, vector<16xi32>,
            %gather3A_382 = tpu.vector_load_idx %arg20[%get3A_381] : memref<10240xf32, #tpu.memory_space<vmem>>[vector<16xi32>], vector<16xf32>,
            %swap3A_383 = arith.constant 32 : index
            %swap3A_384 = tpu.vector_load %arg14[%swap3A_383] {strides = array<i32>} : memref<128xf32, #tpu.memory_space<vmem>>, vector<16xf32>,
            %swap3A_385 = vector.shape_cast %swap3A_384 : vector<16xf32> to vector<16xf32>
            %swap3A_386 = vector.shape_cast %gather3A_382 : vector<16xf32> to vector<16xf32>
            tpu.vector_store %arg14[%swap3A_383], %swap3A_386 {strides = array<i32>} : memref<128xf32, #tpu.memory_space<vmem>>, vector<16xf32>,
            %get3A_387 = arith.constant 0 : i32
            %get3A_388 = arith.index_cast %get3A_387 : i32 to index
            %get3A_389 = arith.constant 48 : index
            %get3A_390 = tpu.vector_load %arg18[%get3A_388, %get3A_389] {strides = array<i32>} : memref<2x128xi32, #tpu.memory_space<vmem>>, vector<16xi32>,
            %gather3A_391 = tpu.vector_load_idx %arg20[%get3A_390] : memref<10240xf32, #tpu.memory_space<vmem>>[vector<16xi32>], vector<16xf32>,
            %swap3A_392 = arith.constant 48 : index
            %swap3A_393 = tpu.vector_load %arg14[%swap3A_392] {strides = array<i32>} : memref<128xf32, #tpu.memory_space<vmem>>, vector<16xf32>,
            %swap3A_394 = vector.shape_cast %swap3A_393 : vector<16xf32> to vector<16xf32>
            %swap3A_395 = vector.shape_cast %gather3A_391 : vector<16xf32> to vector<16xf32>
            tpu.vector_store %arg14[%swap3A_392], %swap3A_395 {strides = array<i32>} : memref<128xf32, #tpu.memory_space<vmem>>, vector<16xf32>,
            %get3A_396 = arith.constant 0 : i32
            %get3A_397 = arith.index_cast %get3A_396 : i32 to index
            %get3A_398 = arith.constant 64 : index
            %get3A_399 = tpu.vector_load %arg18[%get3A_397, %get3A_398] {strides = array<i32>} : memref<2x128xi32, #tpu.memory_space<vmem>>, vector<16xi32>,
            %gather3A_400 = tpu.vector_load_idx %arg20[%get3A_399] : memref<10240xf32, #tpu.memory_space<vmem>>[vector<16xi32>], vector<16xf32>,
            %swap3A_401 = arith.constant 64 : index
            %swap3A_402 = tpu.vector_load %arg14[%swap3A_401] {strides = array<i32>} : memref<128xf32, #tpu.memory_space<vmem>>, vector<16xf32>,
            %swap3A_403 = vector.shape_cast %swap3A_402 : vector<16xf32> to vector<16xf32>
            %swap3A_404 = vector.shape_cast %gather3A_400 : vector<16xf32> to vector<16xf32>
            tpu.vector_store %arg14[%swap3A_401], %swap3A_404 {strides = array<i32>} : memref<128xf32, #tpu.memory_space<vmem>>, vector<16xf32>,
            %get3A_405 = arith.constant 0 : i32
            %get3A_406 = arith.index_cast %get3A_405 : i32 to index
            %get3A_407 = arith.constant 80 : index
            %get3A_408 = tpu.vector_load %arg18[%get3A_406, %get3A_407] {strides = array<i32>} : memref<2x128xi32, #tpu.memory_space<vmem>>, vector<16xi32>,
            %gather3A_409 = tpu.vector_load_idx %arg20[%get3A_408] : memref<10240xf32, #tpu.memory_space<vmem>>[vector<16xi32>], vector<16xf32>,
            %swap3A_410 = arith.constant 80 : index
            %swap3A_411 = tpu.vector_load %arg14[%swap3A_410] {strides = array<i32>} : memref<128xf32, #tpu.memory_space<vmem>>, vector<16xf32>,
            %swap3A_412 = vector.shape_cast %swap3A_411 : vector<16xf32> to vector<16xf32>
            %swap3A_413 = vector.shape_cast %gather3A_409 : vector<16xf32> to vector<16xf32>
            tpu.vector_store %arg14[%swap3A_410], %swap3A_413 {strides = array<i32>} : memref<128xf32, #tpu.memory_space<vmem>>, vector<16xf32>,
            %get3A_414 = arith.constant 0 : i32
            %get3A_415 = arith.index_cast %get3A_414 : i32 to index
            %get3A_416 = arith.constant 96 : index
            %get3A_417 = tpu.vector_load %arg18[%get3A_415, %get3A_416] {strides = array<i32>} : memref<2x128xi32, #tpu.memory_space<vmem>>, vector<16xi32>,
            %gather3A_418 = tpu.vector_load_idx %arg20[%get3A_417] : memref<10240xf32, #tpu.memory_space<vmem>>[vector<16xi32>], vector<16xf32>,
            %swap3A_419 = arith.constant 96 : index
            %swap3A_420 = tpu.vector_load %arg14[%swap3A_419] {strides = array<i32>} : memref<128xf32, #tpu.memory_space<vmem>>, vector<16xf32>,
            %swap3A_421 = vector.shape_cast %swap3A_420 : vector<16xf32> to vector<16xf32>
            %swap3A_422 = vector.shape_cast %gather3A_418 : vector<16xf32> to vector<16xf32>
            tpu.vector_store %arg14[%swap3A_419], %swap3A_422 {strides = array<i32>} : memref<128xf32, #tpu.memory_space<vmem>>, vector<16xf32>,
            %get3A_423 = arith.constant 0 : i32
            %get3A_424 = arith.index_cast %get3A_423 : i32 to index
            %get3A_425 = arith.constant 112 : index
            %get3A_426 = tpu.vector_load %arg18[%get3A_424, %get3A_425] {strides = array<i32>} : memref<2x128xi32, #tpu.memory_space<vmem>>, vector<16xi32>,
            %gather3A_427 = tpu.vector_load_idx %arg20[%get3A_426] : memref<10240xf32, #tpu.memory_space<vmem>>[vector<16xi32>], vector<16xf32>,
            %swap3A_428 = arith.constant 112 : index
            %swap3A_429 = tpu.vector_load %arg14[%swap3A_428] {strides = array<i32>} : memref<128xf32, #tpu.memory_space<vmem>>, vector<16xf32>,
            %swap3A_430 = vector.shape_cast %swap3A_429 : vector<16xf32> to vector<16xf32>
            %swap3A_431 = vector.shape_cast %gather3A_427 : vector<16xf32> to vector<16xf32>
            tpu.vector_store %arg14[%swap3A_428], %swap3A_431 {strides = array<i32>} : memref<128xf32, #tpu.memory_space<vmem>>, vector<16xf32>,
          } else {
          }
          tpu.wait_dma2 semaphore(%arg27 : memref<!tpu.dma_semaphore, #tpu.memory_space<semaphore_mem>>) src(%arg8 : memref<128x64xf32, #tpu.memory_space<hbm>>) dst(%arg13 : memref<128x64xf32, #tpu.memory_space<vmem>>)
          %dma_wait3A_339 = arith.constant 0 : i32
          %dma_wait3A_340 = tpu.memref_slice %arg7[%dma_wait3A_339] : memref<10240xf32, #tpu.memory_space<hbm>> -> memref<128xf32, #tpu.memory_space<hbm>>
          %dma_wait3A_341 = arith.constant 0 : i32
          %dma_wait3A_342 = tpu.memref_slice %arg7[%dma_wait3A_341] : memref<10240xf32, #tpu.memory_space<hbm>> -> memref<128xf32, #tpu.memory_space<hbm>>
          tpu.wait_dma2 semaphore(%arg27 : memref<!tpu.dma_semaphore, #tpu.memory_space<semaphore_mem>>) src(%dma_wait3A_342 : memref<128xf32, #tpu.memory_space<hbm>>) dst(%arg15 : memref<128xf32, #tpu.memory_space<vmem>>)
          %lt3A_343 = arith.constant 32 : i32
          %lt3A_344 = arith.cmpi slt, %scan3A_276, %lt3A_343 : i32
          %convert_element_type3A_345 = arith.extui %lt3A_344 : i1 to i32
          %cond3A_346 = arith.constant 0 : i32
          %cond3A_347 = arith.cmpi ne, %convert_element_type3A_345, %cond3A_346 : i32
          scf.if %cond3A_347 {
            %dma_start3A_353 = arith.constant 1 : i32
            %dma_start3A_354 = arith.constant 0 : i32
            %dma_start3A_355 = tpu.memref_slice %arg16[%dma_start3A_353, %dma_start3A_354] : memref<2x128xi32, #tpu.memory_space<vmem>> -> memref<1x128xi32, #tpu.memory_space<vmem>>
            %dma_start3A_356 = tpu.memref_squeeze %dma_start3A_355 : memref<1x128xi32, #tpu.memory_space<vmem>> -> memref<128xi32, #tpu.memory_space<vmem>>
            %dma_start3A_357 = arith.constant 0 : i32
            %dma_start3A_358 = arith.constant 0 : i32
            %dma_start3A_359 = tpu.memref_slice %arg21[%dma_start3A_357, %dma_start3A_358] : memref<10240x64xf32, #tpu.memory_space<vmem_shared>> -> memref<10240x64xf32, #tpu.memory_space<vmem_shared>>
            tpu.enqueue_indirect_dma source(%dma_start3A_359 : memref<10240x64xf32, #tpu.memory_space<vmem_shared>>) target(%arg13 : memref<128x64xf32, #tpu.memory_space<vmem>>) offsets(%dma_start3A_356 : memref<128xi32, #tpu.memory_space<vmem>>) semaphore(%arg25 : memref<!tpu.dma_semaphore, #tpu.memory_space<semaphore_mem>>)
            %get3A_360 = arith.constant 1 : i32
            %get3A_361 = arith.index_cast %get3A_360 : i32 to index
            %get3A_362 = arith.constant 0 : index
            %get3A_363 = tpu.vector_load %arg18[%get3A_361, %get3A_362] {strides = array<i32>} : memref<2x128xi32, #tpu.memory_space<vmem>>, vector<16xi32>,
            %gather3A_364 = tpu.vector_load_idx %arg20[%get3A_363] : memref<10240xf32, #tpu.memory_space<vmem>>[vector<16xi32>], vector<16xf32>,
            %swap3A_365 = arith.constant 0 : index
            %swap3A_366 = tpu.vector_load %arg15[%swap3A_365] {strides = array<i32>} : memref<128xf32, #tpu.memory_space<vmem>>, vector<16xf32>,
            %swap3A_367 = vector.shape_cast %swap3A_366 : vector<16xf32> to vector<16xf32>
            %swap3A_368 = vector.shape_cast %gather3A_364 : vector<16xf32> to vector<16xf32>
            tpu.vector_store %arg15[%swap3A_365], %swap3A_368 {strides = array<i32>} : memref<128xf32, #tpu.memory_space<vmem>>, vector<16xf32>,
            %get3A_369 = arith.constant 1 : i32
            %get3A_370 = arith.index_cast %get3A_369 : i32 to index
            %get3A_371 = arith.constant 16 : index
            %get3A_372 = tpu.vector_load %arg18[%get3A_370, %get3A_371] {strides = array<i32>} : memref<2x128xi32, #tpu.memory_space<vmem>>, vector<16xi32>,
            %gather3A_373 = tpu.vector_load_idx %arg20[%get3A_372] : memref<10240xf32, #tpu.memory_space<vmem>>[vector<16xi32>], vector<16xf32>,
            %swap3A_374 = arith.constant 16 : index
            %swap3A_375 = tpu.vector_load %arg15[%swap3A_374] {strides = array<i32>} : memref<128xf32, #tpu.memory_space<vmem>>, vector<16xf32>,
            %swap3A_376 = vector.shape_cast %swap3A_375 : vector<16xf32> to vector<16xf32>
            %swap3A_377 = vector.shape_cast %gather3A_373 : vector<16xf32> to vector<16xf32>
            tpu.vector_store %arg15[%swap3A_374], %swap3A_377 {strides = array<i32>} : memref<128xf32, #tpu.memory_space<vmem>>, vector<16xf32>,
            %get3A_378 = arith.constant 1 : i32
            %get3A_379 = arith.index_cast %get3A_378 : i32 to index
            %get3A_380 = arith.constant 32 : index
            %get3A_381 = tpu.vector_load %arg18[%get3A_379, %get3A_380] {strides = array<i32>} : memref<2x128xi32, #tpu.memory_space<vmem>>, vector<16xi32>,
            %gather3A_382 = tpu.vector_load_idx %arg20[%get3A_381] : memref<10240xf32, #tpu.memory_space<vmem>>[vector<16xi32>], vector<16xf32>,
            %swap3A_383 = arith.constant 32 : index
            %swap3A_384 = tpu.vector_load %arg15[%swap3A_383] {strides = array<i32>} : memref<128xf32, #tpu.memory_space<vmem>>, vector<16xf32>,
            %swap3A_385 = vector.shape_cast %swap3A_384 : vector<16xf32> to vector<16xf32>
            %swap3A_386 = vector.shape_cast %gather3A_382 : vector<16xf32> to vector<16xf32>
            tpu.vector_store %arg15[%swap3A_383], %swap3A_386 {strides = array<i32>} : memref<128xf32, #tpu.memory_space<vmem>>, vector<16xf32>,
            %get3A_387 = arith.constant 1 : i32
            %get3A_388 = arith.index_cast %get3A_387 : i32 to index
            %get3A_389 = arith.constant 48 : index
            %get3A_390 = tpu.vector_load %arg18[%get3A_388, %get3A_389] {strides = array<i32>} : memref<2x128xi32, #tpu.memory_space<vmem>>, vector<16xi32>,
            %gather3A_391 = tpu.vector_load_idx %arg20[%get3A_390] : memref<10240xf32, #tpu.memory_space<vmem>>[vector<16xi32>], vector<16xf32>,
            %swap3A_392 = arith.constant 48 : index
            %swap3A_393 = tpu.vector_load %arg15[%swap3A_392] {strides = array<i32>} : memref<128xf32, #tpu.memory_space<vmem>>, vector<16xf32>,
            %swap3A_394 = vector.shape_cast %swap3A_393 : vector<16xf32> to vector<16xf32>
            %swap3A_395 = vector.shape_cast %gather3A_391 : vector<16xf32> to vector<16xf32>
            tpu.vector_store %arg15[%swap3A_392], %swap3A_395 {strides = array<i32>} : memref<128xf32, #tpu.memory_space<vmem>>, vector<16xf32>,
            %get3A_396 = arith.constant 1 : i32
            %get3A_397 = arith.index_cast %get3A_396 : i32 to index
            %get3A_398 = arith.constant 64 : index
            %get3A_399 = tpu.vector_load %arg18[%get3A_397, %get3A_398] {strides = array<i32>} : memref<2x128xi32, #tpu.memory_space<vmem>>, vector<16xi32>,
            %gather3A_400 = tpu.vector_load_idx %arg20[%get3A_399] : memref<10240xf32, #tpu.memory_space<vmem>>[vector<16xi32>], vector<16xf32>,
            %swap3A_401 = arith.constant 64 : index
            %swap3A_402 = tpu.vector_load %arg15[%swap3A_401] {strides = array<i32>} : memref<128xf32, #tpu.memory_space<vmem>>, vector<16xf32>,
            %swap3A_403 = vector.shape_cast %swap3A_402 : vector<16xf32> to vector<16xf32>
            %swap3A_404 = vector.shape_cast %gather3A_400 : vector<16xf32> to vector<16xf32>
            tpu.vector_store %arg15[%swap3A_401], %swap3A_404 {strides = array<i32>} : memref<128xf32, #tpu.memory_space<vmem>>, vector<16xf32>,
            %get3A_405 = arith.constant 1 : i32
            %get3A_406 = arith.index_cast %get3A_405 : i32 to index
            %get3A_407 = arith.constant 80 : index
            %get3A_408 = tpu.vector_load %arg18[%get3A_406, %get3A_407] {strides = array<i32>} : memref<2x128xi32, #tpu.memory_space<vmem>>, vector<16xi32>,
            %gather3A_409 = tpu.vector_load_idx %arg20[%get3A_408] : memref<10240xf32, #tpu.memory_space<vmem>>[vector<16xi32>], vector<16xf32>,
            %swap3A_410 = arith.constant 80 : index
            %swap3A_411 = tpu.vector_load %arg15[%swap3A_410] {strides = array<i32>} : memref<128xf32, #tpu.memory_space<vmem>>, vector<16xf32>,
            %swap3A_412 = vector.shape_cast %swap3A_411 : vector<16xf32> to vector<16xf32>
            %swap3A_413 = vector.shape_cast %gather3A_409 : vector<16xf32> to vector<16xf32>
            tpu.vector_store %arg15[%swap3A_410], %swap3A_413 {strides = array<i32>} : memref<128xf32, #tpu.memory_space<vmem>>, vector<16xf32>,
            %get3A_414 = arith.constant 1 : i32
            %get3A_415 = arith.index_cast %get3A_414 : i32 to index
            %get3A_416 = arith.constant 96 : index
            %get3A_417 = tpu.vector_load %arg18[%get3A_415, %get3A_416] {strides = array<i32>} : memref<2x128xi32, #tpu.memory_space<vmem>>, vector<16xi32>,
            %gather3A_418 = tpu.vector_load_idx %arg20[%get3A_417] : memref<10240xf32, #tpu.memory_space<vmem>>[vector<16xi32>], vector<16xf32>,
            %swap3A_419 = arith.constant 96 : index
            %swap3A_420 = tpu.vector_load %arg15[%swap3A_419] {strides = array<i32>} : memref<128xf32, #tpu.memory_space<vmem>>, vector<16xf32>,
            %swap3A_421 = vector.shape_cast %swap3A_420 : vector<16xf32> to vector<16xf32>
            %swap3A_422 = vector.shape_cast %gather3A_418 : vector<16xf32> to vector<16xf32>
            tpu.vector_store %arg15[%swap3A_419], %swap3A_422 {strides = array<i32>} : memref<128xf32, #tpu.memory_space<vmem>>, vector<16xf32>,
            %get3A_423 = arith.constant 1 : i32
            %get3A_424 = arith.index_cast %get3A_423 : i32 to index
            %get3A_425 = arith.constant 112 : index
            %get3A_426 = tpu.vector_load %arg18[%get3A_424, %get3A_425] {strides = array<i32>} : memref<2x128xi32, #tpu.memory_space<vmem>>, vector<16xi32>,
            %gather3A_427 = tpu.vector_load_idx %arg20[%get3A_426] : memref<10240xf32, #tpu.memory_space<vmem>>[vector<16xi32>], vector<16xf32>,
            %swap3A_428 = arith.constant 112 : index
            %swap3A_429 = tpu.vector_load %arg15[%swap3A_428] {strides = array<i32>} : memref<128xf32, #tpu.memory_space<vmem>>, vector<16xf32>,
            %swap3A_430 = vector.shape_cast %swap3A_429 : vector<16xf32> to vector<16xf32>
            %swap3A_431 = vector.shape_cast %gather3A_427 : vector<16xf32> to vector<16xf32>
            tpu.vector_store %arg15[%swap3A_428], %swap3A_431 {strides = array<i32>} : memref<128xf32, #tpu.memory_space<vmem>>, vector<16xf32>,
          } else {
          }
          %lt3A_348 = arith.constant 31 : i32
          %lt3A_349 = arith.cmpi slt, %scan3A_276, %lt3A_348 : i32
          %convert_element_type3A_350 = arith.extui %lt3A_349 : i1 to i32
          %cond3A_351 = arith.constant 0 : i32
          %cond3A_352 = arith.cmpi ne, %convert_element_type3A_350, %cond3A_351 : i32
          scf.if %cond3A_352 {
            %add3A_353 = arith.constant 2 : i32
            %add3A_354 = arith.addi %scan3A_276, %add3A_353 : i32
            %mul3A_355 = arith.constant 160 : i32
            %mul3A_356 = arith.muli %arg1, %mul3A_355 : i32
            %add3A_357 = arith.constant 94 : i32
            %add3A_358 = arith.addi %mul3A_356, %add3A_357 : i32
            %mul3A_359 = arith.constant 2 : i32
            %mul3A_360 = arith.muli %add3A_354, %mul3A_359 : i32
            %add3A_361 = arith.addi %add3A_358, %mul3A_360 : i32
            %dma_start3A_362 = arith.constant 0 : i32
            %dma_start3A_363 = tpu.memref_slice %arg5[%add3A_361, %dma_start3A_362] : memref<2560x128xi32, #tpu.memory_space<hbm>> -> memref<2x128xi32, #tpu.memory_space<hbm>>
            %dma_start3A_364 = arith.constant 0 : i32
            %dma_start3A_365 = tpu.memref_slice %arg5[%add3A_361, %dma_start3A_364] : memref<2560x128xi32, #tpu.memory_space<hbm>> -> memref<2x128xi32, #tpu.memory_space<hbm>>
            tpu.enqueue_dma source(%dma_start3A_365 : memref<2x128xi32, #tpu.memory_space<hbm>>) target(%arg17 : memref<2x128xi32, #tpu.memory_space<vmem>>) target_semaphore(%arg29 : memref<!tpu.dma_semaphore, #tpu.memory_space<semaphore_mem>>)
            %dma_start3A_366 = arith.constant 0 : i32
            %dma_start3A_367 = tpu.memref_slice %arg6[%add3A_361, %dma_start3A_366] : memref<2560x128xi32, #tpu.memory_space<hbm>> -> memref<2x128xi32, #tpu.memory_space<hbm>>
            %dma_start3A_368 = arith.constant 0 : i32
            %dma_start3A_369 = tpu.memref_slice %arg6[%add3A_361, %dma_start3A_368] : memref<2560x128xi32, #tpu.memory_space<hbm>> -> memref<2x128xi32, #tpu.memory_space<hbm>>
            tpu.enqueue_dma source(%dma_start3A_369 : memref<2x128xi32, #tpu.memory_space<hbm>>) target(%arg19 : memref<2x128xi32, #tpu.memory_space<vmem>>) target_semaphore(%arg29 : memref<!tpu.dma_semaphore, #tpu.memory_space<semaphore_mem>>)
          } else {
          }
        } else {
        }
      }
      %scan3A_274 = arith.constant 33 : i32
      %barrier3A_275 = arith.constant 0 : index
      tpu.barrier barrier_id(%barrier3A_275)
    } else {
    }
    %add3A_27 = arith.constant 0 : i32
    %add3A_28 = arith.addi %mul3A_0, %add3A_27 : i32
    "tpu.region"() ({
      %run_scoped3A = tpu.sem_alloc : memref<!tpu.dma_semaphore, #tpu.memory_space<semaphore_mem>>
      %dma_start3A = arith.constant 0 : i32
      %dma_start3A_77 = tpu.memref_slice %arg22[%add3A_28, %dma_start3A] : memref<10240x64xf32, #tpu.memory_space<vmem_shared>> -> memref<128x64xf32, #tpu.memory_space<vmem_shared>>
      %dma_start3A_78 = arith.constant 0 : i32
      %dma_start3A_79 = tpu.memref_slice %arg22[%add3A_28, %dma_start3A_78] : memref<10240x64xf32, #tpu.memory_space<vmem_shared>> -> memref<128x64xf32, #tpu.memory_space<vmem_shared>>
      tpu.enqueue_dma source(%dma_start3A_79 : memref<128x64xf32, #tpu.memory_space<vmem_shared>>) target(%arg12 : memref<128x64xf32, #tpu.memory_space<vmem>>) target_semaphore(%run_scoped3A : memref<!tpu.dma_semaphore, #tpu.memory_space<semaphore_mem>>)
      %dma_wait3A = arith.constant 0 : i32
      %dma_wait3A_80 = tpu.memref_slice %arg22[%add3A_28, %dma_wait3A] : memref<10240x64xf32, #tpu.memory_space<vmem_shared>> -> memref<128x64xf32, #tpu.memory_space<vmem_shared>>
      %dma_wait3A_81 = arith.constant 0 : i32
      %dma_wait3A_82 = tpu.memref_slice %arg22[%add3A_28, %dma_wait3A_81] : memref<10240x64xf32, #tpu.memory_space<vmem_shared>> -> memref<128x64xf32, #tpu.memory_space<vmem_shared>>
      tpu.wait_dma2 semaphore(%run_scoped3A : memref<!tpu.dma_semaphore, #tpu.memory_space<semaphore_mem>>) src(%dma_wait3A_82 : memref<128x64xf32, #tpu.memory_space<vmem_shared>>) dst(%arg12 : memref<128x64xf32, #tpu.memory_space<vmem>>)
      tpu.yield
    }) : () -> ()
    "tpu.region"() ({
      %run_scoped3A = tpu.sem_alloc : memref<!tpu.dma_semaphore, #tpu.memory_space<semaphore_mem>>
      %dma_start3A = arith.constant 0 : i32
      %dma_start3A_77 = tpu.memref_slice %arg9[%arg0, %add3A_28, %dma_start3A] : memref<2x10240x64xf32, #tpu.memory_space<hbm>> -> memref<1x128x64xf32, #tpu.memory_space<hbm>>
      %dma_start3A_78 = tpu.memref_squeeze %dma_start3A_77 : memref<1x128x64xf32, #tpu.memory_space<hbm>> -> memref<128x64xf32, #tpu.memory_space<hbm>>
      %dma_start3A_79 = arith.constant 0 : i32
      %dma_start3A_80 = tpu.memref_slice %arg9[%arg0, %add3A_28, %dma_start3A_79] : memref<2x10240x64xf32, #tpu.memory_space<hbm>> -> memref<1x128x64xf32, #tpu.memory_space<hbm>>
      %dma_start3A_81 = tpu.memref_squeeze %dma_start3A_80 : memref<1x128x64xf32, #tpu.memory_space<hbm>> -> memref<128x64xf32, #tpu.memory_space<hbm>>
      tpu.enqueue_dma source(%arg12 : memref<128x64xf32, #tpu.memory_space<vmem>>) target(%dma_start3A_81 : memref<128x64xf32, #tpu.memory_space<hbm>>) target_semaphore(%run_scoped3A : memref<!tpu.dma_semaphore, #tpu.memory_space<semaphore_mem>>)
      %dma_wait3A = arith.constant 0 : i32
      %dma_wait3A_82 = tpu.memref_slice %arg9[%arg0, %add3A_28, %dma_wait3A] : memref<2x10240x64xf32, #tpu.memory_space<hbm>> -> memref<1x128x64xf32, #tpu.memory_space<hbm>>
      %dma_wait3A_83 = tpu.memref_squeeze %dma_wait3A_82 : memref<1x128x64xf32, #tpu.memory_space<hbm>> -> memref<128x64xf32, #tpu.memory_space<hbm>>
      %dma_wait3A_84 = arith.constant 0 : i32
      %dma_wait3A_85 = tpu.memref_slice %arg9[%arg0, %add3A_28, %dma_wait3A_84] : memref<2x10240x64xf32, #tpu.memory_space<hbm>> -> memref<1x128x64xf32, #tpu.memory_space<hbm>>
      %dma_wait3A_86 = tpu.memref_squeeze %dma_wait3A_85 : memref<1x128x64xf32, #tpu.memory_space<hbm>> -> memref<128x64xf32, #tpu.memory_space<hbm>>
      tpu.wait_dma2 semaphore(%run_scoped3A : memref<!tpu.dma_semaphore, #tpu.memory_space<semaphore_mem>>) src(%arg12 : memref<128x64xf32, #tpu.memory_space<vmem>>) dst(%dma_wait3A_86 : memref<128x64xf32, #tpu.memory_space<hbm>>)
      tpu.yield
    }) : () -> ()
    %add3A_29 = arith.constant 128 : i32
    %add3A_30 = arith.addi %mul3A_0, %add3A_29 : i32
    "tpu.region"() ({
      %run_scoped3A = tpu.sem_alloc : memref<!tpu.dma_semaphore, #tpu.memory_space<semaphore_mem>>
      %dma_start3A = arith.constant 0 : i32
      %dma_start3A_77 = tpu.memref_slice %arg22[%add3A_30, %dma_start3A] : memref<10240x64xf32, #tpu.memory_space<vmem_shared>> -> memref<128x64xf32, #tpu.memory_space<vmem_shared>>
      %dma_start3A_78 = arith.constant 0 : i32
      %dma_start3A_79 = tpu.memref_slice %arg22[%add3A_30, %dma_start3A_78] : memref<10240x64xf32, #tpu.memory_space<vmem_shared>> -> memref<128x64xf32, #tpu.memory_space<vmem_shared>>
      tpu.enqueue_dma source(%dma_start3A_79 : memref<128x64xf32, #tpu.memory_space<vmem_shared>>) target(%arg12 : memref<128x64xf32, #tpu.memory_space<vmem>>) target_semaphore(%run_scoped3A : memref<!tpu.dma_semaphore, #tpu.memory_space<semaphore_mem>>)
      %dma_wait3A = arith.constant 0 : i32
      %dma_wait3A_80 = tpu.memref_slice %arg22[%add3A_30, %dma_wait3A] : memref<10240x64xf32, #tpu.memory_space<vmem_shared>> -> memref<128x64xf32, #tpu.memory_space<vmem_shared>>
      %dma_wait3A_81 = arith.constant 0 : i32
      %dma_wait3A_82 = tpu.memref_slice %arg22[%add3A_30, %dma_wait3A_81] : memref<10240x64xf32, #tpu.memory_space<vmem_shared>> -> memref<128x64xf32, #tpu.memory_space<vmem_shared>>
      tpu.wait_dma2 semaphore(%run_scoped3A : memref<!tpu.dma_semaphore, #tpu.memory_space<semaphore_mem>>) src(%dma_wait3A_82 : memref<128x64xf32, #tpu.memory_space<vmem_shared>>) dst(%arg12 : memref<128x64xf32, #tpu.memory_space<vmem>>)
      tpu.yield
    }) : () -> ()
    "tpu.region"() ({
      %run_scoped3A = tpu.sem_alloc : memref<!tpu.dma_semaphore, #tpu.memory_space<semaphore_mem>>
      %dma_start3A = arith.constant 0 : i32
      %dma_start3A_77 = tpu.memref_slice %arg9[%arg0, %add3A_30, %dma_start3A] : memref<2x10240x64xf32, #tpu.memory_space<hbm>> -> memref<1x128x64xf32, #tpu.memory_space<hbm>>
      %dma_start3A_78 = tpu.memref_squeeze %dma_start3A_77 : memref<1x128x64xf32, #tpu.memory_space<hbm>> -> memref<128x64xf32, #tpu.memory_space<hbm>>
      %dma_start3A_79 = arith.constant 0 : i32
      %dma_start3A_80 = tpu.memref_slice %arg9[%arg0, %add3A_30, %dma_start3A_79] : memref<2x10240x64xf32, #tpu.memory_space<hbm>> -> memref<1x128x64xf32, #tpu.memory_space<hbm>>
      %dma_start3A_81 = tpu.memref_squeeze %dma_start3A_80 : memref<1x128x64xf32, #tpu.memory_space<hbm>> -> memref<128x64xf32, #tpu.memory_space<hbm>>
      tpu.enqueue_dma source(%arg12 : memref<128x64xf32, #tpu.memory_space<vmem>>) target(%dma_start3A_81 : memref<128x64xf32, #tpu.memory_space<hbm>>) target_semaphore(%run_scoped3A : memref<!tpu.dma_semaphore, #tpu.memory_space<semaphore_mem>>)
      %dma_wait3A = arith.constant 0 : i32
      %dma_wait3A_82 = tpu.memref_slice %arg9[%arg0, %add3A_30, %dma_wait3A] : memref<2x10240x64xf32, #tpu.memory_space<hbm>> -> memref<1x128x64xf32, #tpu.memory_space<hbm>>
      %dma_wait3A_83 = tpu.memref_squeeze %dma_wait3A_82 : memref<1x128x64xf32, #tpu.memory_space<hbm>> -> memref<128x64xf32, #tpu.memory_space<hbm>>
      %dma_wait3A_84 = arith.constant 0 : i32
      %dma_wait3A_85 = tpu.memref_slice %arg9[%arg0, %add3A_30, %dma_wait3A_84] : memref<2x10240x64xf32, #tpu.memory_space<hbm>> -> memref<1x128x64xf32, #tpu.memory_space<hbm>>
      %dma_wait3A_86 = tpu.memref_squeeze %dma_wait3A_85 : memref<1x128x64xf32, #tpu.memory_space<hbm>> -> memref<128x64xf32, #tpu.memory_space<hbm>>
      tpu.wait_dma2 semaphore(%run_scoped3A : memref<!tpu.dma_semaphore, #tpu.memory_space<semaphore_mem>>) src(%arg12 : memref<128x64xf32, #tpu.memory_space<vmem>>) dst(%dma_wait3A_86 : memref<128x64xf32, #tpu.memory_space<hbm>>)
      tpu.yield
    }) : () -> ()
    %add3A_31 = arith.constant 256 : i32
    %add3A_32 = arith.addi %mul3A_0, %add3A_31 : i32
    "tpu.region"() ({
      %run_scoped3A = tpu.sem_alloc : memref<!tpu.dma_semaphore, #tpu.memory_space<semaphore_mem>>
      %dma_start3A = arith.constant 0 : i32
      %dma_start3A_77 = tpu.memref_slice %arg22[%add3A_32, %dma_start3A] : memref<10240x64xf32, #tpu.memory_space<vmem_shared>> -> memref<128x64xf32, #tpu.memory_space<vmem_shared>>
      %dma_start3A_78 = arith.constant 0 : i32
      %dma_start3A_79 = tpu.memref_slice %arg22[%add3A_32, %dma_start3A_78] : memref<10240x64xf32, #tpu.memory_space<vmem_shared>> -> memref<128x64xf32, #tpu.memory_space<vmem_shared>>
      tpu.enqueue_dma source(%dma_start3A_79 : memref<128x64xf32, #tpu.memory_space<vmem_shared>>) target(%arg12 : memref<128x64xf32, #tpu.memory_space<vmem>>) target_semaphore(%run_scoped3A : memref<!tpu.dma_semaphore, #tpu.memory_space<semaphore_mem>>)
      %dma_wait3A = arith.constant 0 : i32
      %dma_wait3A_80 = tpu.memref_slice %arg22[%add3A_32, %dma_wait3A] : memref<10240x64xf32, #tpu.memory_space<vmem_shared>> -> memref<128x64xf32, #tpu.memory_space<vmem_shared>>
      %dma_wait3A_81 = arith.constant 0 : i32
      %dma_wait3A_82 = tpu.memref_slice %arg22[%add3A_32, %dma_wait3A_81] : memref<10240x64xf32, #tpu.memory_space<vmem_shared>> -> memref<128x64xf32, #tpu.memory_space<vmem_shared>>
      tpu.wait_dma2 semaphore(%run_scoped3A : memref<!tpu.dma_semaphore, #tpu.memory_space<semaphore_mem>>) src(%dma_wait3A_82 : memref<128x64xf32, #tpu.memory_space<vmem_shared>>) dst(%arg12 : memref<128x64xf32, #tpu.memory_space<vmem>>)
      tpu.yield
    }) : () -> ()
    "tpu.region"() ({
      %run_scoped3A = tpu.sem_alloc : memref<!tpu.dma_semaphore, #tpu.memory_space<semaphore_mem>>
      %dma_start3A = arith.constant 0 : i32
      %dma_start3A_77 = tpu.memref_slice %arg9[%arg0, %add3A_32, %dma_start3A] : memref<2x10240x64xf32, #tpu.memory_space<hbm>> -> memref<1x128x64xf32, #tpu.memory_space<hbm>>
      %dma_start3A_78 = tpu.memref_squeeze %dma_start3A_77 : memref<1x128x64xf32, #tpu.memory_space<hbm>> -> memref<128x64xf32, #tpu.memory_space<hbm>>
      %dma_start3A_79 = arith.constant 0 : i32
      %dma_start3A_80 = tpu.memref_slice %arg9[%arg0, %add3A_32, %dma_start3A_79] : memref<2x10240x64xf32, #tpu.memory_space<hbm>> -> memref<1x128x64xf32, #tpu.memory_space<hbm>>
      %dma_start3A_81 = tpu.memref_squeeze %dma_start3A_80 : memref<1x128x64xf32, #tpu.memory_space<hbm>> -> memref<128x64xf32, #tpu.memory_space<hbm>>
      tpu.enqueue_dma source(%arg12 : memref<128x64xf32, #tpu.memory_space<vmem>>) target(%dma_start3A_81 : memref<128x64xf32, #tpu.memory_space<hbm>>) target_semaphore(%run_scoped3A : memref<!tpu.dma_semaphore, #tpu.memory_space<semaphore_mem>>)
      %dma_wait3A = arith.constant 0 : i32
      %dma_wait3A_82 = tpu.memref_slice %arg9[%arg0, %add3A_32, %dma_wait3A] : memref<2x10240x64xf32, #tpu.memory_space<hbm>> -> memref<1x128x64xf32, #tpu.memory_space<hbm>>
      %dma_wait3A_83 = tpu.memref_squeeze %dma_wait3A_82 : memref<1x128x64xf32, #tpu.memory_space<hbm>> -> memref<128x64xf32, #tpu.memory_space<hbm>>
      %dma_wait3A_84 = arith.constant 0 : i32
      %dma_wait3A_85 = tpu.memref_slice %arg9[%arg0, %add3A_32, %dma_wait3A_84] : memref<2x10240x64xf32, #tpu.memory_space<hbm>> -> memref<1x128x64xf32, #tpu.memory_space<hbm>>
      %dma_wait3A_86 = tpu.memref_squeeze %dma_wait3A_85 : memref<1x128x64xf32, #tpu.memory_space<hbm>> -> memref<128x64xf32, #tpu.memory_space<hbm>>
      tpu.wait_dma2 semaphore(%run_scoped3A : memref<!tpu.dma_semaphore, #tpu.memory_space<semaphore_mem>>) src(%arg12 : memref<128x64xf32, #tpu.memory_space<vmem>>) dst(%dma_wait3A_86 : memref<128x64xf32, #tpu.memory_space<hbm>>)
      tpu.yield
    }) : () -> ()
    %add3A_33 = arith.constant 384 : i32
    %add3A_34 = arith.addi %mul3A_0, %add3A_33 : i32
    "tpu.region"() ({
      %run_scoped3A = tpu.sem_alloc : memref<!tpu.dma_semaphore, #tpu.memory_space<semaphore_mem>>
      %dma_start3A = arith.constant 0 : i32
      %dma_start3A_77 = tpu.memref_slice %arg22[%add3A_34, %dma_start3A] : memref<10240x64xf32, #tpu.memory_space<vmem_shared>> -> memref<128x64xf32, #tpu.memory_space<vmem_shared>>
      %dma_start3A_78 = arith.constant 0 : i32
      %dma_start3A_79 = tpu.memref_slice %arg22[%add3A_34, %dma_start3A_78] : memref<10240x64xf32, #tpu.memory_space<vmem_shared>> -> memref<128x64xf32, #tpu.memory_space<vmem_shared>>
      tpu.enqueue_dma source(%dma_start3A_79 : memref<128x64xf32, #tpu.memory_space<vmem_shared>>) target(%arg12 : memref<128x64xf32, #tpu.memory_space<vmem>>) target_semaphore(%run_scoped3A : memref<!tpu.dma_semaphore, #tpu.memory_space<semaphore_mem>>)
      %dma_wait3A = arith.constant 0 : i32
      %dma_wait3A_80 = tpu.memref_slice %arg22[%add3A_34, %dma_wait3A] : memref<10240x64xf32, #tpu.memory_space<vmem_shared>> -> memref<128x64xf32, #tpu.memory_space<vmem_shared>>
      %dma_wait3A_81 = arith.constant 0 : i32
      %dma_wait3A_82 = tpu.memref_slice %arg22[%add3A_34, %dma_wait3A_81] : memref<10240x64xf32, #tpu.memory_space<vmem_shared>> -> memref<128x64xf32, #tpu.memory_space<vmem_shared>>
      tpu.wait_dma2 semaphore(%run_scoped3A : memref<!tpu.dma_semaphore, #tpu.memory_space<semaphore_mem>>) src(%dma_wait3A_82 : memref<128x64xf32, #tpu.memory_space<vmem_shared>>) dst(%arg12 : memref<128x64xf32, #tpu.memory_space<vmem>>)
      tpu.yield
    }) : () -> ()
    "tpu.region"() ({
      %run_scoped3A = tpu.sem_alloc : memref<!tpu.dma_semaphore, #tpu.memory_space<semaphore_mem>>
      %dma_start3A = arith.constant 0 : i32
      %dma_start3A_77 = tpu.memref_slice %arg9[%arg0, %add3A_34, %dma_start3A] : memref<2x10240x64xf32, #tpu.memory_space<hbm>> -> memref<1x128x64xf32, #tpu.memory_space<hbm>>
      %dma_start3A_78 = tpu.memref_squeeze %dma_start3A_77 : memref<1x128x64xf32, #tpu.memory_space<hbm>> -> memref<128x64xf32, #tpu.memory_space<hbm>>
      %dma_start3A_79 = arith.constant 0 : i32
      %dma_start3A_80 = tpu.memref_slice %arg9[%arg0, %add3A_34, %dma_start3A_79] : memref<2x10240x64xf32, #tpu.memory_space<hbm>> -> memref<1x128x64xf32, #tpu.memory_space<hbm>>
      %dma_start3A_81 = tpu.memref_squeeze %dma_start3A_80 : memref<1x128x64xf32, #tpu.memory_space<hbm>> -> memref<128x64xf32, #tpu.memory_space<hbm>>
      tpu.enqueue_dma source(%arg12 : memref<128x64xf32, #tpu.memory_space<vmem>>) target(%dma_start3A_81 : memref<128x64xf32, #tpu.memory_space<hbm>>) target_semaphore(%run_scoped3A : memref<!tpu.dma_semaphore, #tpu.memory_space<semaphore_mem>>)
      %dma_wait3A = arith.constant 0 : i32
      %dma_wait3A_82 = tpu.memref_slice %arg9[%arg0, %add3A_34, %dma_wait3A] : memref<2x10240x64xf32, #tpu.memory_space<hbm>> -> memref<1x128x64xf32, #tpu.memory_space<hbm>>
      %dma_wait3A_83 = tpu.memref_squeeze %dma_wait3A_82 : memref<1x128x64xf32, #tpu.memory_space<hbm>> -> memref<128x64xf32, #tpu.memory_space<hbm>>
      %dma_wait3A_84 = arith.constant 0 : i32
      %dma_wait3A_85 = tpu.memref_slice %arg9[%arg0, %add3A_34, %dma_wait3A_84] : memref<2x10240x64xf32, #tpu.memory_space<hbm>> -> memref<1x128x64xf32, #tpu.memory_space<hbm>>
      %dma_wait3A_86 = tpu.memref_squeeze %dma_wait3A_85 : memref<1x128x64xf32, #tpu.memory_space<hbm>> -> memref<128x64xf32, #tpu.memory_space<hbm>>
      tpu.wait_dma2 semaphore(%run_scoped3A : memref<!tpu.dma_semaphore, #tpu.memory_space<semaphore_mem>>) src(%arg12 : memref<128x64xf32, #tpu.memory_space<vmem>>) dst(%dma_wait3A_86 : memref<128x64xf32, #tpu.memory_space<hbm>>)
      tpu.yield
    }) : () -> ()
    %add3A_35 = arith.constant 512 : i32
    %add3A_36 = arith.addi %mul3A_0, %add3A_35 : i32
    "tpu.region"() ({
      %run_scoped3A = tpu.sem_alloc : memref<!tpu.dma_semaphore, #tpu.memory_space<semaphore_mem>>
      %dma_start3A = arith.constant 0 : i32
      %dma_start3A_77 = tpu.memref_slice %arg22[%add3A_36, %dma_start3A] : memref<10240x64xf32, #tpu.memory_space<vmem_shared>> -> memref<128x64xf32, #tpu.memory_space<vmem_shared>>
      %dma_start3A_78 = arith.constant 0 : i32
      %dma_start3A_79 = tpu.memref_slice %arg22[%add3A_36, %dma_start3A_78] : memref<10240x64xf32, #tpu.memory_space<vmem_shared>> -> memref<128x64xf32, #tpu.memory_space<vmem_shared>>
      tpu.enqueue_dma source(%dma_start3A_79 : memref<128x64xf32, #tpu.memory_space<vmem_shared>>) target(%arg12 : memref<128x64xf32, #tpu.memory_space<vmem>>) target_semaphore(%run_scoped3A : memref<!tpu.dma_semaphore, #tpu.memory_space<semaphore_mem>>)
      %dma_wait3A = arith.constant 0 : i32
      %dma_wait3A_80 = tpu.memref_slice %arg22[%add3A_36, %dma_wait3A] : memref<10240x64xf32, #tpu.memory_space<vmem_shared>> -> memref<128x64xf32, #tpu.memory_space<vmem_shared>>
      %dma_wait3A_81 = arith.constant 0 : i32
      %dma_wait3A_82 = tpu.memref_slice %arg22[%add3A_36, %dma_wait3A_81] : memref<10240x64xf32, #tpu.memory_space<vmem_shared>> -> memref<128x64xf32, #tpu.memory_space<vmem_shared>>
      tpu.wait_dma2 semaphore(%run_scoped3A : memref<!tpu.dma_semaphore, #tpu.memory_space<semaphore_mem>>) src(%dma_wait3A_82 : memref<128x64xf32, #tpu.memory_space<vmem_shared>>) dst(%arg12 : memref<128x64xf32, #tpu.memory_space<vmem>>)
      tpu.yield
    }) : () -> ()
    "tpu.region"() ({
      %run_scoped3A = tpu.sem_alloc : memref<!tpu.dma_semaphore, #tpu.memory_space<semaphore_mem>>
      %dma_start3A = arith.constant 0 : i32
      %dma_start3A_77 = tpu.memref_slice %arg9[%arg0, %add3A_36, %dma_start3A] : memref<2x10240x64xf32, #tpu.memory_space<hbm>> -> memref<1x128x64xf32, #tpu.memory_space<hbm>>
      %dma_start3A_78 = tpu.memref_squeeze %dma_start3A_77 : memref<1x128x64xf32, #tpu.memory_space<hbm>> -> memref<128x64xf32, #tpu.memory_space<hbm>>
      %dma_start3A_79 = arith.constant 0 : i32
      %dma_start3A_80 = tpu.memref_slice %arg9[%arg0, %add3A_36, %dma_start3A_79] : memref<2x10240x64xf32, #tpu.memory_space<hbm>> -> memref<1x128x64xf32, #tpu.memory_space<hbm>>
      %dma_start3A_81 = tpu.memref_squeeze %dma_start3A_80 : memref<1x128x64xf32, #tpu.memory_space<hbm>> -> memref<128x64xf32, #tpu.memory_space<hbm>>
      tpu.enqueue_dma source(%arg12 : memref<128x64xf32, #tpu.memory_space<vmem>>) target(%dma_start3A_81 : memref<128x64xf32, #tpu.memory_space<hbm>>) target_semaphore(%run_scoped3A : memref<!tpu.dma_semaphore, #tpu.memory_space<semaphore_mem>>)
      %dma_wait3A = arith.constant 0 : i32
      %dma_wait3A_82 = tpu.memref_slice %arg9[%arg0, %add3A_36, %dma_wait3A] : memref<2x10240x64xf32, #tpu.memory_space<hbm>> -> memref<1x128x64xf32, #tpu.memory_space<hbm>>
      %dma_wait3A_83 = tpu.memref_squeeze %dma_wait3A_82 : memref<1x128x64xf32, #tpu.memory_space<hbm>> -> memref<128x64xf32, #tpu.memory_space<hbm>>
      %dma_wait3A_84 = arith.constant 0 : i32
      %dma_wait3A_85 = tpu.memref_slice %arg9[%arg0, %add3A_36, %dma_wait3A_84] : memref<2x10240x64xf32, #tpu.memory_space<hbm>> -> memref<1x128x64xf32, #tpu.memory_space<hbm>>
      %dma_wait3A_86 = tpu.memref_squeeze %dma_wait3A_85 : memref<1x128x64xf32, #tpu.memory_space<hbm>> -> memref<128x64xf32, #tpu.memory_space<hbm>>
      tpu.wait_dma2 semaphore(%run_scoped3A : memref<!tpu.dma_semaphore, #tpu.memory_space<semaphore_mem>>) src(%arg12 : memref<128x64xf32, #tpu.memory_space<vmem>>) dst(%dma_wait3A_86 : memref<128x64xf32, #tpu.memory_space<hbm>>)
      tpu.yield
    }) : () -> ()
    "tpu.region"() ({
      %run_scoped3A = tpu.sem_alloc : memref<!tpu.dma_semaphore, #tpu.memory_space<semaphore_mem>>
      tpu.enqueue_dma source(%arg8 : memref<128x64xf32, #tpu.memory_space<hbm>>) target(%arg13 : memref<128x64xf32, #tpu.memory_space<vmem>>) target_semaphore(%run_scoped3A : memref<!tpu.dma_semaphore, #tpu.memory_space<semaphore_mem>>)
      tpu.wait_dma2 semaphore(%run_scoped3A : memref<!tpu.dma_semaphore, #tpu.memory_space<semaphore_mem>>) src(%arg8 : memref<128x64xf32, #tpu.memory_space<hbm>>) dst(%arg13 : memref<128x64xf32, #tpu.memory_space<vmem>>)
      tpu.yield
    }) : () -> ()
    %add3A_37 = arith.constant 0 : i32
    %add3A_38 = arith.addi %mul3A_0, %add3A_37 : i32
    "tpu.region"() ({
      %run_scoped3A = tpu.sem_alloc : memref<!tpu.dma_semaphore, #tpu.memory_space<semaphore_mem>>
      %dma_start3A = arith.constant 0 : i32
      %dma_start3A_77 = tpu.memref_slice %arg3[%add3A_38, %dma_start3A] : memref<10240x64xf32, #tpu.memory_space<hbm>> -> memref<128x64xf32, #tpu.memory_space<hbm>>
      %dma_start3A_78 = arith.constant 0 : i32
      %dma_start3A_79 = tpu.memref_slice %arg3[%add3A_38, %dma_start3A_78] : memref<10240x64xf32, #tpu.memory_space<hbm>> -> memref<128x64xf32, #tpu.memory_space<hbm>>
      tpu.enqueue_dma source(%dma_start3A_79 : memref<128x64xf32, #tpu.memory_space<hbm>>) target(%arg12 : memref<128x64xf32, #tpu.memory_space<vmem>>) target_semaphore(%run_scoped3A : memref<!tpu.dma_semaphore, #tpu.memory_space<semaphore_mem>>)
      %dma_wait3A = arith.constant 0 : i32
      %dma_wait3A_80 = tpu.memref_slice %arg3[%add3A_38, %dma_wait3A] : memref<10240x64xf32, #tpu.memory_space<hbm>> -> memref<128x64xf32, #tpu.memory_space<hbm>>
      %dma_wait3A_81 = arith.constant 0 : i32
      %dma_wait3A_82 = tpu.memref_slice %arg3[%add3A_38, %dma_wait3A_81] : memref<10240x64xf32, #tpu.memory_space<hbm>> -> memref<128x64xf32, #tpu.memory_space<hbm>>
      tpu.wait_dma2 semaphore(%run_scoped3A : memref<!tpu.dma_semaphore, #tpu.memory_space<semaphore_mem>>) src(%dma_wait3A_82 : memref<128x64xf32, #tpu.memory_space<hbm>>) dst(%arg12 : memref<128x64xf32, #tpu.memory_space<vmem>>)
      tpu.yield
    }) : () -> ()
    "tpu.region"() ({
      %run_scoped3A = tpu.sem_alloc : memref<!tpu.dma_semaphore, #tpu.memory_space<semaphore_mem>>
      %dma_start3A = arith.constant 0 : i32
      %dma_start3A_77 = tpu.memref_slice %arg21[%add3A_38, %dma_start3A] : memref<10240x64xf32, #tpu.memory_space<vmem_shared>> -> memref<128x64xf32, #tpu.memory_space<vmem_shared>>
      %dma_start3A_78 = arith.constant 0 : i32
      %dma_start3A_79 = tpu.memref_slice %arg21[%add3A_38, %dma_start3A_78] : memref<10240x64xf32, #tpu.memory_space<vmem_shared>> -> memref<128x64xf32, #tpu.memory_space<vmem_shared>>
      tpu.enqueue_dma source(%arg12 : memref<128x64xf32, #tpu.memory_space<vmem>>) target(%dma_start3A_79 : memref<128x64xf32, #tpu.memory_space<vmem_shared>>) target_semaphore(%run_scoped3A : memref<!tpu.dma_semaphore, #tpu.memory_space<semaphore_mem>>)
      %dma_wait3A = arith.constant 0 : i32
      %dma_wait3A_80 = tpu.memref_slice %arg21[%add3A_38, %dma_wait3A] : memref<10240x64xf32, #tpu.memory_space<vmem_shared>> -> memref<128x64xf32, #tpu.memory_space<vmem_shared>>
      %dma_wait3A_81 = arith.constant 0 : i32
      %dma_wait3A_82 = tpu.memref_slice %arg21[%add3A_38, %dma_wait3A_81] : memref<10240x64xf32, #tpu.memory_space<vmem_shared>> -> memref<128x64xf32, #tpu.memory_space<vmem_shared>>
      tpu.wait_dma2 semaphore(%run_scoped3A : memref<!tpu.dma_semaphore, #tpu.memory_space<semaphore_mem>>) src(%arg12 : memref<128x64xf32, #tpu.memory_space<vmem>>) dst(%dma_wait3A_82 : memref<128x64xf32, #tpu.memory_space<vmem_shared>>)
      tpu.yield
    }) : () -> ()
    "tpu.region"() ({
      %run_scoped3A = tpu.sem_alloc : memref<!tpu.dma_semaphore, #tpu.memory_space<semaphore_mem>>
      %dma_start3A = arith.constant 0 : i32
      %dma_start3A_77 = tpu.memref_slice %arg22[%add3A_38, %dma_start3A] : memref<10240x64xf32, #tpu.memory_space<vmem_shared>> -> memref<128x64xf32, #tpu.memory_space<vmem_shared>>
      %dma_start3A_78 = arith.constant 0 : i32
      %dma_start3A_79 = tpu.memref_slice %arg22[%add3A_38, %dma_start3A_78] : memref<10240x64xf32, #tpu.memory_space<vmem_shared>> -> memref<128x64xf32, #tpu.memory_space<vmem_shared>>
      tpu.enqueue_dma source(%arg13 : memref<128x64xf32, #tpu.memory_space<vmem>>) target(%dma_start3A_79 : memref<128x64xf32, #tpu.memory_space<vmem_shared>>) target_semaphore(%run_scoped3A : memref<!tpu.dma_semaphore, #tpu.memory_space<semaphore_mem>>)
      %dma_wait3A = arith.constant 0 : i32
      %dma_wait3A_80 = tpu.memref_slice %arg22[%add3A_38, %dma_wait3A] : memref<10240x64xf32, #tpu.memory_space<vmem_shared>> -> memref<128x64xf32, #tpu.memory_space<vmem_shared>>
      %dma_wait3A_81 = arith.constant 0 : i32
      %dma_wait3A_82 = tpu.memref_slice %arg22[%add3A_38, %dma_wait3A_81] : memref<10240x64xf32, #tpu.memory_space<vmem_shared>> -> memref<128x64xf32, #tpu.memory_space<vmem_shared>>
      tpu.wait_dma2 semaphore(%run_scoped3A : memref<!tpu.dma_semaphore, #tpu.memory_space<semaphore_mem>>) src(%arg13 : memref<128x64xf32, #tpu.memory_space<vmem>>) dst(%dma_wait3A_82 : memref<128x64xf32, #tpu.memory_space<vmem_shared>>)
      tpu.yield
    }) : () -> ()
    %add3A_39 = arith.constant 128 : i32
    %add3A_40 = arith.addi %mul3A_0, %add3A_39 : i32
    "tpu.region"() ({
      %run_scoped3A = tpu.sem_alloc : memref<!tpu.dma_semaphore, #tpu.memory_space<semaphore_mem>>
      %dma_start3A = arith.constant 0 : i32
      %dma_start3A_77 = tpu.memref_slice %arg3[%add3A_40, %dma_start3A] : memref<10240x64xf32, #tpu.memory_space<hbm>> -> memref<128x64xf32, #tpu.memory_space<hbm>>
      %dma_start3A_78 = arith.constant 0 : i32
      %dma_start3A_79 = tpu.memref_slice %arg3[%add3A_40, %dma_start3A_78] : memref<10240x64xf32, #tpu.memory_space<hbm>> -> memref<128x64xf32, #tpu.memory_space<hbm>>
      tpu.enqueue_dma source(%dma_start3A_79 : memref<128x64xf32, #tpu.memory_space<hbm>>) target(%arg12 : memref<128x64xf32, #tpu.memory_space<vmem>>) target_semaphore(%run_scoped3A : memref<!tpu.dma_semaphore, #tpu.memory_space<semaphore_mem>>)
      %dma_wait3A = arith.constant 0 : i32
      %dma_wait3A_80 = tpu.memref_slice %arg3[%add3A_40, %dma_wait3A] : memref<10240x64xf32, #tpu.memory_space<hbm>> -> memref<128x64xf32, #tpu.memory_space<hbm>>
      %dma_wait3A_81 = arith.constant 0 : i32
      %dma_wait3A_82 = tpu.memref_slice %arg3[%add3A_40, %dma_wait3A_81] : memref<10240x64xf32, #tpu.memory_space<hbm>> -> memref<128x64xf32, #tpu.memory_space<hbm>>
      tpu.wait_dma2 semaphore(%run_scoped3A : memref<!tpu.dma_semaphore, #tpu.memory_space<semaphore_mem>>) src(%dma_wait3A_82 : memref<128x64xf32, #tpu.memory_space<hbm>>) dst(%arg12 : memref<128x64xf32, #tpu.memory_space<vmem>>)
      tpu.yield
    }) : () -> ()
    "tpu.region"() ({
      %run_scoped3A = tpu.sem_alloc : memref<!tpu.dma_semaphore, #tpu.memory_space<semaphore_mem>>
      %dma_start3A = arith.constant 0 : i32
      %dma_start3A_77 = tpu.memref_slice %arg21[%add3A_40, %dma_start3A] : memref<10240x64xf32, #tpu.memory_space<vmem_shared>> -> memref<128x64xf32, #tpu.memory_space<vmem_shared>>
      %dma_start3A_78 = arith.constant 0 : i32
      %dma_start3A_79 = tpu.memref_slice %arg21[%add3A_40, %dma_start3A_78] : memref<10240x64xf32, #tpu.memory_space<vmem_shared>> -> memref<128x64xf32, #tpu.memory_space<vmem_shared>>
      tpu.enqueue_dma source(%arg12 : memref<128x64xf32, #tpu.memory_space<vmem>>) target(%dma_start3A_79 : memref<128x64xf32, #tpu.memory_space<vmem_shared>>) target_semaphore(%run_scoped3A : memref<!tpu.dma_semaphore, #tpu.memory_space<semaphore_mem>>)
      %dma_wait3A = arith.constant 0 : i32
      %dma_wait3A_80 = tpu.memref_slice %arg21[%add3A_40, %dma_wait3A] : memref<10240x64xf32, #tpu.memory_space<vmem_shared>> -> memref<128x64xf32, #tpu.memory_space<vmem_shared>>
      %dma_wait3A_81 = arith.constant 0 : i32
      %dma_wait3A_82 = tpu.memref_slice %arg21[%add3A_40, %dma_wait3A_81] : memref<10240x64xf32, #tpu.memory_space<vmem_shared>> -> memref<128x64xf32, #tpu.memory_space<vmem_shared>>
      tpu.wait_dma2 semaphore(%run_scoped3A : memref<!tpu.dma_semaphore, #tpu.memory_space<semaphore_mem>>) src(%arg12 : memref<128x64xf32, #tpu.memory_space<vmem>>) dst(%dma_wait3A_82 : memref<128x64xf32, #tpu.memory_space<vmem_shared>>)
      tpu.yield
    }) : () -> ()
    "tpu.region"() ({
      %run_scoped3A = tpu.sem_alloc : memref<!tpu.dma_semaphore, #tpu.memory_space<semaphore_mem>>
      %dma_start3A = arith.constant 0 : i32
      %dma_start3A_77 = tpu.memref_slice %arg22[%add3A_40, %dma_start3A] : memref<10240x64xf32, #tpu.memory_space<vmem_shared>> -> memref<128x64xf32, #tpu.memory_space<vmem_shared>>
      %dma_start3A_78 = arith.constant 0 : i32
      %dma_start3A_79 = tpu.memref_slice %arg22[%add3A_40, %dma_start3A_78] : memref<10240x64xf32, #tpu.memory_space<vmem_shared>> -> memref<128x64xf32, #tpu.memory_space<vmem_shared>>
      tpu.enqueue_dma source(%arg13 : memref<128x64xf32, #tpu.memory_space<vmem>>) target(%dma_start3A_79 : memref<128x64xf32, #tpu.memory_space<vmem_shared>>) target_semaphore(%run_scoped3A : memref<!tpu.dma_semaphore, #tpu.memory_space<semaphore_mem>>)
      %dma_wait3A = arith.constant 0 : i32
      %dma_wait3A_80 = tpu.memref_slice %arg22[%add3A_40, %dma_wait3A] : memref<10240x64xf32, #tpu.memory_space<vmem_shared>> -> memref<128x64xf32, #tpu.memory_space<vmem_shared>>
      %dma_wait3A_81 = arith.constant 0 : i32
      %dma_wait3A_82 = tpu.memref_slice %arg22[%add3A_40, %dma_wait3A_81] : memref<10240x64xf32, #tpu.memory_space<vmem_shared>> -> memref<128x64xf32, #tpu.memory_space<vmem_shared>>
      tpu.wait_dma2 semaphore(%run_scoped3A : memref<!tpu.dma_semaphore, #tpu.memory_space<semaphore_mem>>) src(%arg13 : memref<128x64xf32, #tpu.memory_space<vmem>>) dst(%dma_wait3A_82 : memref<128x64xf32, #tpu.memory_space<vmem_shared>>)
      tpu.yield
    }) : () -> ()
    %add3A_41 = arith.constant 256 : i32
    %add3A_42 = arith.addi %mul3A_0, %add3A_41 : i32
    "tpu.region"() ({
      %run_scoped3A = tpu.sem_alloc : memref<!tpu.dma_semaphore, #tpu.memory_space<semaphore_mem>>
      %dma_start3A = arith.constant 0 : i32
      %dma_start3A_77 = tpu.memref_slice %arg3[%add3A_42, %dma_start3A] : memref<10240x64xf32, #tpu.memory_space<hbm>> -> memref<128x64xf32, #tpu.memory_space<hbm>>
      %dma_start3A_78 = arith.constant 0 : i32
      %dma_start3A_79 = tpu.memref_slice %arg3[%add3A_42, %dma_start3A_78] : memref<10240x64xf32, #tpu.memory_space<hbm>> -> memref<128x64xf32, #tpu.memory_space<hbm>>
      tpu.enqueue_dma source(%dma_start3A_79 : memref<128x64xf32, #tpu.memory_space<hbm>>) target(%arg12 : memref<128x64xf32, #tpu.memory_space<vmem>>) target_semaphore(%run_scoped3A : memref<!tpu.dma_semaphore, #tpu.memory_space<semaphore_mem>>)
      %dma_wait3A = arith.constant 0 : i32
      %dma_wait3A_80 = tpu.memref_slice %arg3[%add3A_42, %dma_wait3A] : memref<10240x64xf32, #tpu.memory_space<hbm>> -> memref<128x64xf32, #tpu.memory_space<hbm>>
      %dma_wait3A_81 = arith.constant 0 : i32
      %dma_wait3A_82 = tpu.memref_slice %arg3[%add3A_42, %dma_wait3A_81] : memref<10240x64xf32, #tpu.memory_space<hbm>> -> memref<128x64xf32, #tpu.memory_space<hbm>>
      tpu.wait_dma2 semaphore(%run_scoped3A : memref<!tpu.dma_semaphore, #tpu.memory_space<semaphore_mem>>) src(%dma_wait3A_82 : memref<128x64xf32, #tpu.memory_space<hbm>>) dst(%arg12 : memref<128x64xf32, #tpu.memory_space<vmem>>)
      tpu.yield
    }) : () -> ()
    "tpu.region"() ({
      %run_scoped3A = tpu.sem_alloc : memref<!tpu.dma_semaphore, #tpu.memory_space<semaphore_mem>>
      %dma_start3A = arith.constant 0 : i32
      %dma_start3A_77 = tpu.memref_slice %arg21[%add3A_42, %dma_start3A] : memref<10240x64xf32, #tpu.memory_space<vmem_shared>> -> memref<128x64xf32, #tpu.memory_space<vmem_shared>>
      %dma_start3A_78 = arith.constant 0 : i32
      %dma_start3A_79 = tpu.memref_slice %arg21[%add3A_42, %dma_start3A_78] : memref<10240x64xf32, #tpu.memory_space<vmem_shared>> -> memref<128x64xf32, #tpu.memory_space<vmem_shared>>
      tpu.enqueue_dma source(%arg12 : memref<128x64xf32, #tpu.memory_space<vmem>>) target(%dma_start3A_79 : memref<128x64xf32, #tpu.memory_space<vmem_shared>>) target_semaphore(%run_scoped3A : memref<!tpu.dma_semaphore, #tpu.memory_space<semaphore_mem>>)
      %dma_wait3A = arith.constant 0 : i32
      %dma_wait3A_80 = tpu.memref_slice %arg21[%add3A_42, %dma_wait3A] : memref<10240x64xf32, #tpu.memory_space<vmem_shared>> -> memref<128x64xf32, #tpu.memory_space<vmem_shared>>
      %dma_wait3A_81 = arith.constant 0 : i32
      %dma_wait3A_82 = tpu.memref_slice %arg21[%add3A_42, %dma_wait3A_81] : memref<10240x64xf32, #tpu.memory_space<vmem_shared>> -> memref<128x64xf32, #tpu.memory_space<vmem_shared>>
      tpu.wait_dma2 semaphore(%run_scoped3A : memref<!tpu.dma_semaphore, #tpu.memory_space<semaphore_mem>>) src(%arg12 : memref<128x64xf32, #tpu.memory_space<vmem>>) dst(%dma_wait3A_82 : memref<128x64xf32, #tpu.memory_space<vmem_shared>>)
      tpu.yield
    }) : () -> ()
    "tpu.region"() ({
      %run_scoped3A = tpu.sem_alloc : memref<!tpu.dma_semaphore, #tpu.memory_space<semaphore_mem>>
      %dma_start3A = arith.constant 0 : i32
      %dma_start3A_77 = tpu.memref_slice %arg22[%add3A_42, %dma_start3A] : memref<10240x64xf32, #tpu.memory_space<vmem_shared>> -> memref<128x64xf32, #tpu.memory_space<vmem_shared>>
      %dma_start3A_78 = arith.constant 0 : i32
      %dma_start3A_79 = tpu.memref_slice %arg22[%add3A_42, %dma_start3A_78] : memref<10240x64xf32, #tpu.memory_space<vmem_shared>> -> memref<128x64xf32, #tpu.memory_space<vmem_shared>>
      tpu.enqueue_dma source(%arg13 : memref<128x64xf32, #tpu.memory_space<vmem>>) target(%dma_start3A_79 : memref<128x64xf32, #tpu.memory_space<vmem_shared>>) target_semaphore(%run_scoped3A : memref<!tpu.dma_semaphore, #tpu.memory_space<semaphore_mem>>)
      %dma_wait3A = arith.constant 0 : i32
      %dma_wait3A_80 = tpu.memref_slice %arg22[%add3A_42, %dma_wait3A] : memref<10240x64xf32, #tpu.memory_space<vmem_shared>> -> memref<128x64xf32, #tpu.memory_space<vmem_shared>>
      %dma_wait3A_81 = arith.constant 0 : i32
      %dma_wait3A_82 = tpu.memref_slice %arg22[%add3A_42, %dma_wait3A_81] : memref<10240x64xf32, #tpu.memory_space<vmem_shared>> -> memref<128x64xf32, #tpu.memory_space<vmem_shared>>
      tpu.wait_dma2 semaphore(%run_scoped3A : memref<!tpu.dma_semaphore, #tpu.memory_space<semaphore_mem>>) src(%arg13 : memref<128x64xf32, #tpu.memory_space<vmem>>) dst(%dma_wait3A_82 : memref<128x64xf32, #tpu.memory_space<vmem_shared>>)
      tpu.yield
    }) : () -> ()
    %add3A_43 = arith.constant 384 : i32
    %add3A_44 = arith.addi %mul3A_0, %add3A_43 : i32
    "tpu.region"() ({
      %run_scoped3A = tpu.sem_alloc : memref<!tpu.dma_semaphore, #tpu.memory_space<semaphore_mem>>
      %dma_start3A = arith.constant 0 : i32
      %dma_start3A_77 = tpu.memref_slice %arg3[%add3A_44, %dma_start3A] : memref<10240x64xf32, #tpu.memory_space<hbm>> -> memref<128x64xf32, #tpu.memory_space<hbm>>
      %dma_start3A_78 = arith.constant 0 : i32
      %dma_start3A_79 = tpu.memref_slice %arg3[%add3A_44, %dma_start3A_78] : memref<10240x64xf32, #tpu.memory_space<hbm>> -> memref<128x64xf32, #tpu.memory_space<hbm>>
      tpu.enqueue_dma source(%dma_start3A_79 : memref<128x64xf32, #tpu.memory_space<hbm>>) target(%arg12 : memref<128x64xf32, #tpu.memory_space<vmem>>) target_semaphore(%run_scoped3A : memref<!tpu.dma_semaphore, #tpu.memory_space<semaphore_mem>>)
      %dma_wait3A = arith.constant 0 : i32
      %dma_wait3A_80 = tpu.memref_slice %arg3[%add3A_44, %dma_wait3A] : memref<10240x64xf32, #tpu.memory_space<hbm>> -> memref<128x64xf32, #tpu.memory_space<hbm>>
      %dma_wait3A_81 = arith.constant 0 : i32
      %dma_wait3A_82 = tpu.memref_slice %arg3[%add3A_44, %dma_wait3A_81] : memref<10240x64xf32, #tpu.memory_space<hbm>> -> memref<128x64xf32, #tpu.memory_space<hbm>>
      tpu.wait_dma2 semaphore(%run_scoped3A : memref<!tpu.dma_semaphore, #tpu.memory_space<semaphore_mem>>) src(%dma_wait3A_82 : memref<128x64xf32, #tpu.memory_space<hbm>>) dst(%arg12 : memref<128x64xf32, #tpu.memory_space<vmem>>)
      tpu.yield
    }) : () -> ()
    "tpu.region"() ({
      %run_scoped3A = tpu.sem_alloc : memref<!tpu.dma_semaphore, #tpu.memory_space<semaphore_mem>>
      %dma_start3A = arith.constant 0 : i32
      %dma_start3A_77 = tpu.memref_slice %arg21[%add3A_44, %dma_start3A] : memref<10240x64xf32, #tpu.memory_space<vmem_shared>> -> memref<128x64xf32, #tpu.memory_space<vmem_shared>>
      %dma_start3A_78 = arith.constant 0 : i32
      %dma_start3A_79 = tpu.memref_slice %arg21[%add3A_44, %dma_start3A_78] : memref<10240x64xf32, #tpu.memory_space<vmem_shared>> -> memref<128x64xf32, #tpu.memory_space<vmem_shared>>
      tpu.enqueue_dma source(%arg12 : memref<128x64xf32, #tpu.memory_space<vmem>>) target(%dma_start3A_79 : memref<128x64xf32, #tpu.memory_space<vmem_shared>>) target_semaphore(%run_scoped3A : memref<!tpu.dma_semaphore, #tpu.memory_space<semaphore_mem>>)
      %dma_wait3A = arith.constant 0 : i32
      %dma_wait3A_80 = tpu.memref_slice %arg21[%add3A_44, %dma_wait3A] : memref<10240x64xf32, #tpu.memory_space<vmem_shared>> -> memref<128x64xf32, #tpu.memory_space<vmem_shared>>
      %dma_wait3A_81 = arith.constant 0 : i32
      %dma_wait3A_82 = tpu.memref_slice %arg21[%add3A_44, %dma_wait3A_81] : memref<10240x64xf32, #tpu.memory_space<vmem_shared>> -> memref<128x64xf32, #tpu.memory_space<vmem_shared>>
      tpu.wait_dma2 semaphore(%run_scoped3A : memref<!tpu.dma_semaphore, #tpu.memory_space<semaphore_mem>>) src(%arg12 : memref<128x64xf32, #tpu.memory_space<vmem>>) dst(%dma_wait3A_82 : memref<128x64xf32, #tpu.memory_space<vmem_shared>>)
      tpu.yield
    }) : () -> ()
    "tpu.region"() ({
      %run_scoped3A = tpu.sem_alloc : memref<!tpu.dma_semaphore, #tpu.memory_space<semaphore_mem>>
      %dma_start3A = arith.constant 0 : i32
      %dma_start3A_77 = tpu.memref_slice %arg22[%add3A_44, %dma_start3A] : memref<10240x64xf32, #tpu.memory_space<vmem_shared>> -> memref<128x64xf32, #tpu.memory_space<vmem_shared>>
      %dma_start3A_78 = arith.constant 0 : i32
      %dma_start3A_79 = tpu.memref_slice %arg22[%add3A_44, %dma_start3A_78] : memref<10240x64xf32, #tpu.memory_space<vmem_shared>> -> memref<128x64xf32, #tpu.memory_space<vmem_shared>>
      tpu.enqueue_dma source(%arg13 : memref<128x64xf32, #tpu.memory_space<vmem>>) target(%dma_start3A_79 : memref<128x64xf32, #tpu.memory_space<vmem_shared>>) target_semaphore(%run_scoped3A : memref<!tpu.dma_semaphore, #tpu.memory_space<semaphore_mem>>)
      %dma_wait3A = arith.constant 0 : i32
      %dma_wait3A_80 = tpu.memref_slice %arg22[%add3A_44, %dma_wait3A] : memref<10240x64xf32, #tpu.memory_space<vmem_shared>> -> memref<128x64xf32, #tpu.memory_space<vmem_shared>>
      %dma_wait3A_81 = arith.constant 0 : i32
      %dma_wait3A_82 = tpu.memref_slice %arg22[%add3A_44, %dma_wait3A_81] : memref<10240x64xf32, #tpu.memory_space<vmem_shared>> -> memref<128x64xf32, #tpu.memory_space<vmem_shared>>
      tpu.wait_dma2 semaphore(%run_scoped3A : memref<!tpu.dma_semaphore, #tpu.memory_space<semaphore_mem>>) src(%arg13 : memref<128x64xf32, #tpu.memory_space<vmem>>) dst(%dma_wait3A_82 : memref<128x64xf32, #tpu.memory_space<vmem_shared>>)
      tpu.yield
    }) : () -> ()
    %add3A_45 = arith.constant 512 : i32
    %add3A_46 = arith.addi %mul3A_0, %add3A_45 : i32
    "tpu.region"() ({
      %run_scoped3A = tpu.sem_alloc : memref<!tpu.dma_semaphore, #tpu.memory_space<semaphore_mem>>
      %dma_start3A = arith.constant 0 : i32
      %dma_start3A_77 = tpu.memref_slice %arg3[%add3A_46, %dma_start3A] : memref<10240x64xf32, #tpu.memory_space<hbm>> -> memref<128x64xf32, #tpu.memory_space<hbm>>
      %dma_start3A_78 = arith.constant 0 : i32
      %dma_start3A_79 = tpu.memref_slice %arg3[%add3A_46, %dma_start3A_78] : memref<10240x64xf32, #tpu.memory_space<hbm>> -> memref<128x64xf32, #tpu.memory_space<hbm>>
      tpu.enqueue_dma source(%dma_start3A_79 : memref<128x64xf32, #tpu.memory_space<hbm>>) target(%arg12 : memref<128x64xf32, #tpu.memory_space<vmem>>) target_semaphore(%run_scoped3A : memref<!tpu.dma_semaphore, #tpu.memory_space<semaphore_mem>>)
      %dma_wait3A = arith.constant 0 : i32
      %dma_wait3A_80 = tpu.memref_slice %arg3[%add3A_46, %dma_wait3A] : memref<10240x64xf32, #tpu.memory_space<hbm>> -> memref<128x64xf32, #tpu.memory_space<hbm>>
      %dma_wait3A_81 = arith.constant 0 : i32
      %dma_wait3A_82 = tpu.memref_slice %arg3[%add3A_46, %dma_wait3A_81] : memref<10240x64xf32, #tpu.memory_space<hbm>> -> memref<128x64xf32, #tpu.memory_space<hbm>>
      tpu.wait_dma2 semaphore(%run_scoped3A : memref<!tpu.dma_semaphore, #tpu.memory_space<semaphore_mem>>) src(%dma_wait3A_82 : memref<128x64xf32, #tpu.memory_space<hbm>>) dst(%arg12 : memref<128x64xf32, #tpu.memory_space<vmem>>)
      tpu.yield
    }) : () -> ()
    "tpu.region"() ({
      %run_scoped3A = tpu.sem_alloc : memref<!tpu.dma_semaphore, #tpu.memory_space<semaphore_mem>>
      %dma_start3A = arith.constant 0 : i32
      %dma_start3A_77 = tpu.memref_slice %arg21[%add3A_46, %dma_start3A] : memref<10240x64xf32, #tpu.memory_space<vmem_shared>> -> memref<128x64xf32, #tpu.memory_space<vmem_shared>>
      %dma_start3A_78 = arith.constant 0 : i32
      %dma_start3A_79 = tpu.memref_slice %arg21[%add3A_46, %dma_start3A_78] : memref<10240x64xf32, #tpu.memory_space<vmem_shared>> -> memref<128x64xf32, #tpu.memory_space<vmem_shared>>
      tpu.enqueue_dma source(%arg12 : memref<128x64xf32, #tpu.memory_space<vmem>>) target(%dma_start3A_79 : memref<128x64xf32, #tpu.memory_space<vmem_shared>>) target_semaphore(%run_scoped3A : memref<!tpu.dma_semaphore, #tpu.memory_space<semaphore_mem>>)
      %dma_wait3A = arith.constant 0 : i32
      %dma_wait3A_80 = tpu.memref_slice %arg21[%add3A_46, %dma_wait3A] : memref<10240x64xf32, #tpu.memory_space<vmem_shared>> -> memref<128x64xf32, #tpu.memory_space<vmem_shared>>
      %dma_wait3A_81 = arith.constant 0 : i32
      %dma_wait3A_82 = tpu.memref_slice %arg21[%add3A_46, %dma_wait3A_81] : memref<10240x64xf32, #tpu.memory_space<vmem_shared>> -> memref<128x64xf32, #tpu.memory_space<vmem_shared>>
      tpu.wait_dma2 semaphore(%run_scoped3A : memref<!tpu.dma_semaphore, #tpu.memory_space<semaphore_mem>>) src(%arg12 : memref<128x64xf32, #tpu.memory_space<vmem>>) dst(%dma_wait3A_82 : memref<128x64xf32, #tpu.memory_space<vmem_shared>>)
      tpu.yield
    }) : () -> ()
    "tpu.region"() ({
      %run_scoped3A = tpu.sem_alloc : memref<!tpu.dma_semaphore, #tpu.memory_space<semaphore_mem>>
      %dma_start3A = arith.constant 0 : i32
      %dma_start3A_77 = tpu.memref_slice %arg22[%add3A_46, %dma_start3A] : memref<10240x64xf32, #tpu.memory_space<vmem_shared>> -> memref<128x64xf32, #tpu.memory_space<vmem_shared>>
      %dma_start3A_78 = arith.constant 0 : i32
      %dma_start3A_79 = tpu.memref_slice %arg22[%add3A_46, %dma_start3A_78] : memref<10240x64xf32, #tpu.memory_space<vmem_shared>> -> memref<128x64xf32, #tpu.memory_space<vmem_shared>>
      tpu.enqueue_dma source(%arg13 : memref<128x64xf32, #tpu.memory_space<vmem>>) target(%dma_start3A_79 : memref<128x64xf32, #tpu.memory_space<vmem_shared>>) target_semaphore(%run_scoped3A : memref<!tpu.dma_semaphore, #tpu.memory_space<semaphore_mem>>)
      %dma_wait3A = arith.constant 0 : i32
      %dma_wait3A_80 = tpu.memref_slice %arg22[%add3A_46, %dma_wait3A] : memref<10240x64xf32, #tpu.memory_space<vmem_shared>> -> memref<128x64xf32, #tpu.memory_space<vmem_shared>>
      %dma_wait3A_81 = arith.constant 0 : i32
      %dma_wait3A_82 = tpu.memref_slice %arg22[%add3A_46, %dma_wait3A_81] : memref<10240x64xf32, #tpu.memory_space<vmem_shared>> -> memref<128x64xf32, #tpu.memory_space<vmem_shared>>
      tpu.wait_dma2 semaphore(%run_scoped3A : memref<!tpu.dma_semaphore, #tpu.memory_space<semaphore_mem>>) src(%arg13 : memref<128x64xf32, #tpu.memory_space<vmem>>) dst(%dma_wait3A_82 : memref<128x64xf32, #tpu.memory_space<vmem_shared>>)
      tpu.yield
    }) : () -> ()
    %eq3A_47 = arith.constant 0 : i32
    %eq3A_48 = arith.cmpi eq, %arg0, %eq3A_47 : i32
    %convert_element_type3A_49 = arith.extui %eq3A_48 : i1 to i32
    %cond3A_50 = arith.constant 0 : i32
    %cond3A_51 = arith.cmpi ne, %convert_element_type3A_49, %cond3A_50 : i32
    scf.if %cond3A_51 {
      %mul3A_77 = arith.constant 160 : i32
      %mul3A_78 = arith.muli %arg1, %mul3A_77 : i32
      %add3A_79 = arith.constant 0 : i32
      %add3A_80 = arith.addi %mul3A_78, %add3A_79 : i32
      %add3A_81 = arith.constant 0 : i32
      %add3A_82 = arith.addi %add3A_80, %add3A_81 : i32
      %dma_start3A = arith.constant 0 : i32
      %dma_start3A_83 = tpu.memref_slice %arg5[%add3A_82, %dma_start3A] : memref<2560x128xi32, #tpu.memory_space<hbm>> -> memref<2x128xi32, #tpu.memory_space<hbm>>
      %dma_start3A_84 = arith.constant 0 : i32
      %dma_start3A_85 = tpu.memref_slice %arg5[%add3A_82, %dma_start3A_84] : memref<2560x128xi32, #tpu.memory_space<hbm>> -> memref<2x128xi32, #tpu.memory_space<hbm>>
      tpu.enqueue_dma source(%dma_start3A_85 : memref<2x128xi32, #tpu.memory_space<hbm>>) target(%arg16 : memref<2x128xi32, #tpu.memory_space<vmem>>) target_semaphore(%arg28 : memref<!tpu.dma_semaphore, #tpu.memory_space<semaphore_mem>>)
      %dma_start3A_86 = arith.constant 0 : i32
      %dma_start3A_87 = tpu.memref_slice %arg6[%add3A_82, %dma_start3A_86] : memref<2560x128xi32, #tpu.memory_space<hbm>> -> memref<2x128xi32, #tpu.memory_space<hbm>>
      %dma_start3A_88 = arith.constant 0 : i32
      %dma_start3A_89 = tpu.memref_slice %arg6[%add3A_82, %dma_start3A_88] : memref<2560x128xi32, #tpu.memory_space<hbm>> -> memref<2x128xi32, #tpu.memory_space<hbm>>
      tpu.enqueue_dma source(%dma_start3A_89 : memref<2x128xi32, #tpu.memory_space<hbm>>) target(%arg18 : memref<2x128xi32, #tpu.memory_space<vmem>>) target_semaphore(%arg28 : memref<!tpu.dma_semaphore, #tpu.memory_space<semaphore_mem>>)
      %dma_wait3A = arith.constant 0 : i32
      %dma_wait3A_90 = arith.constant 0 : i32
      %dma_wait3A_91 = tpu.memref_slice %arg5[%dma_wait3A, %dma_wait3A_90] : memref<2560x128xi32, #tpu.memory_space<hbm>> -> memref<2x128xi32, #tpu.memory_space<hbm>>
      %dma_wait3A_92 = arith.constant 0 : i32
      %dma_wait3A_93 = arith.constant 0 : i32
      %dma_wait3A_94 = tpu.memref_slice %arg5[%dma_wait3A_92, %dma_wait3A_93] : memref<2560x128xi32, #tpu.memory_space<hbm>> -> memref<2x128xi32, #tpu.memory_space<hbm>>
      tpu.wait_dma2 semaphore(%arg28 : memref<!tpu.dma_semaphore, #tpu.memory_space<semaphore_mem>>) src(%dma_wait3A_94 : memref<2x128xi32, #tpu.memory_space<hbm>>) dst(%arg16 : memref<2x128xi32, #tpu.memory_space<vmem>>)
      %dma_wait3A_95 = arith.constant 0 : i32
      %dma_wait3A_96 = arith.constant 0 : i32
      %dma_wait3A_97 = tpu.memref_slice %arg6[%dma_wait3A_95, %dma_wait3A_96] : memref<2560x128xi32, #tpu.memory_space<hbm>> -> memref<2x128xi32, #tpu.memory_space<hbm>>
      %dma_wait3A_98 = arith.constant 0 : i32
      %dma_wait3A_99 = arith.constant 0 : i32
      %dma_wait3A_100 = tpu.memref_slice %arg6[%dma_wait3A_98, %dma_wait3A_99] : memref<2560x128xi32, #tpu.memory_space<hbm>> -> memref<2x128xi32, #tpu.memory_space<hbm>>
      tpu.wait_dma2 semaphore(%arg28 : memref<!tpu.dma_semaphore, #tpu.memory_space<semaphore_mem>>) src(%dma_wait3A_100 : memref<2x128xi32, #tpu.memory_space<hbm>>) dst(%arg18 : memref<2x128xi32, #tpu.memory_space<vmem>>)
      %mul3A_101 = arith.constant 160 : i32
      %mul3A_102 = arith.muli %arg1, %mul3A_101 : i32
      %add3A_103 = arith.constant 0 : i32
      %add3A_104 = arith.addi %mul3A_102, %add3A_103 : i32
      %add3A_105 = arith.constant 2 : i32
      %add3A_106 = arith.addi %add3A_104, %add3A_105 : i32
      %dma_start3A_107 = arith.constant 0 : i32
      %dma_start3A_108 = tpu.memref_slice %arg5[%add3A_106, %dma_start3A_107] : memref<2560x128xi32, #tpu.memory_space<hbm>> -> memref<2x128xi32, #tpu.memory_space<hbm>>
      %dma_start3A_109 = arith.constant 0 : i32
      %dma_start3A_110 = tpu.memref_slice %arg5[%add3A_106, %dma_start3A_109] : memref<2560x128xi32, #tpu.memory_space<hbm>> -> memref<2x128xi32, #tpu.memory_space<hbm>>
      tpu.enqueue_dma source(%dma_start3A_110 : memref<2x128xi32, #tpu.memory_space<hbm>>) target(%arg17 : memref<2x128xi32, #tpu.memory_space<vmem>>) target_semaphore(%arg29 : memref<!tpu.dma_semaphore, #tpu.memory_space<semaphore_mem>>)
      %dma_start3A_111 = arith.constant 0 : i32
      %dma_start3A_112 = tpu.memref_slice %arg6[%add3A_106, %dma_start3A_111] : memref<2560x128xi32, #tpu.memory_space<hbm>> -> memref<2x128xi32, #tpu.memory_space<hbm>>
      %dma_start3A_113 = arith.constant 0 : i32
      %dma_start3A_114 = tpu.memref_slice %arg6[%add3A_106, %dma_start3A_113] : memref<2560x128xi32, #tpu.memory_space<hbm>> -> memref<2x128xi32, #tpu.memory_space<hbm>>
      tpu.enqueue_dma source(%dma_start3A_114 : memref<2x128xi32, #tpu.memory_space<hbm>>) target(%arg19 : memref<2x128xi32, #tpu.memory_space<vmem>>) target_semaphore(%arg29 : memref<!tpu.dma_semaphore, #tpu.memory_space<semaphore_mem>>)
      %barrier3A = arith.constant 0 : index
      tpu.barrier barrier_id(%barrier3A)
      %dma_start3A_115 = arith.constant 0 : i32
      %dma_start3A_116 = arith.constant 0 : i32
      %dma_start3A_117 = tpu.memref_slice %arg16[%dma_start3A_115, %dma_start3A_116] : memref<2x128xi32, #tpu.memory_space<vmem>> -> memref<1x128xi32, #tpu.memory_space<vmem>>
      %dma_start3A_118 = tpu.memref_squeeze %dma_start3A_117 : memref<1x128xi32, #tpu.memory_space<vmem>> -> memref<128xi32, #tpu.memory_space<vmem>>
      %dma_start3A_119 = arith.constant 0 : i32
      %dma_start3A_120 = arith.constant 0 : i32
      %dma_start3A_121 = tpu.memref_slice %arg21[%dma_start3A_119, %dma_start3A_120] : memref<10240x64xf32, #tpu.memory_space<vmem_shared>> -> memref<10240x64xf32, #tpu.memory_space<vmem_shared>>
      tpu.enqueue_indirect_dma source(%dma_start3A_121 : memref<10240x64xf32, #tpu.memory_space<vmem_shared>>) target(%arg12 : memref<128x64xf32, #tpu.memory_space<vmem>>) offsets(%dma_start3A_118 : memref<128xi32, #tpu.memory_space<vmem>>) semaphore(%arg24 : memref<!tpu.dma_semaphore, #tpu.memory_space<semaphore_mem>>)
      %dma_start3A_122 = arith.constant 1 : i32
      %dma_start3A_123 = arith.constant 0 : i32
      %dma_start3A_124 = tpu.memref_slice %arg16[%dma_start3A_122, %dma_start3A_123] : memref<2x128xi32, #tpu.memory_space<vmem>> -> memref<1x128xi32, #tpu.memory_space<vmem>>
      %dma_start3A_125 = tpu.memref_squeeze %dma_start3A_124 : memref<1x128xi32, #tpu.memory_space<vmem>> -> memref<128xi32, #tpu.memory_space<vmem>>
      %dma_start3A_126 = arith.constant 0 : i32
      %dma_start3A_127 = arith.constant 0 : i32
      %dma_start3A_128 = tpu.memref_slice %arg21[%dma_start3A_126, %dma_start3A_127] : memref<10240x64xf32, #tpu.memory_space<vmem_shared>> -> memref<10240x64xf32, #tpu.memory_space<vmem_shared>>
      tpu.enqueue_indirect_dma source(%dma_start3A_128 : memref<10240x64xf32, #tpu.memory_space<vmem_shared>>) target(%arg13 : memref<128x64xf32, #tpu.memory_space<vmem>>) offsets(%dma_start3A_125 : memref<128xi32, #tpu.memory_space<vmem>>) semaphore(%arg25 : memref<!tpu.dma_semaphore, #tpu.memory_space<semaphore_mem>>)
      %scan3A = arith.constant 0 : i32
      %scan3A_129 = arith.constant 0 : i32
      %scan3A_130 = arith.constant 47 : i32
      %scan3A_131 = arith.addi %scan3A_129, %scan3A_130 : i32
      %scan3A_132 = arith.constant 1 : i32
      scf.for %scan3A_135 = %scan3A_129 to %scan3A_131 step %scan3A_132  : i32 {
        %rem3A = arith.constant 2 : i32
        %rem3A_136 = arith.remsi %scan3A_135, %rem3A : i32
        %eq3A_137 = arith.constant 0 : i32
        %eq3A_138 = arith.cmpi eq, %rem3A_136, %eq3A_137 : i32
        %convert_element_type3A_139 = arith.extui %eq3A_138 : i1 to i32
        %cond3A_140 = arith.constant 0 : i32
        %cond3A_141 = arith.cmpi ne, %convert_element_type3A_139, %cond3A_140 : i32
        scf.if %cond3A_141 {
          %dma_wait3A_147 = arith.constant 0 : i32
          %dma_wait3A_148 = arith.constant 0 : i32
          %dma_wait3A_149 = tpu.memref_slice %arg2[%dma_wait3A_147, %dma_wait3A_148] : memref<10240x64xf32, #tpu.memory_space<hbm>> -> memref<128x64xf32, #tpu.memory_space<hbm>>
          %dma_wait3A_150 = arith.constant 0 : i32
          %dma_wait3A_151 = arith.constant 0 : i32
          %dma_wait3A_152 = tpu.memref_slice %arg2[%dma_wait3A_150, %dma_wait3A_151] : memref<10240x64xf32, #tpu.memory_space<hbm>> -> memref<128x64xf32, #tpu.memory_space<hbm>>
          tpu.wait_dma2 semaphore(%arg24 : memref<!tpu.dma_semaphore, #tpu.memory_space<semaphore_mem>>) src(%dma_wait3A_152 : memref<128x64xf32, #tpu.memory_space<hbm>>) dst(%arg12 : memref<128x64xf32, #tpu.memory_space<vmem>>)
          %dma_start3A_153 = arith.constant 0 : i32
          %dma_start3A_154 = arith.constant 0 : i32
          %dma_start3A_155 = tpu.memref_slice %arg18[%dma_start3A_153, %dma_start3A_154] : memref<2x128xi32, #tpu.memory_space<vmem>> -> memref<1x128xi32, #tpu.memory_space<vmem>>
          %dma_start3A_156 = tpu.memref_squeeze %dma_start3A_155 : memref<1x128xi32, #tpu.memory_space<vmem>> -> memref<128xi32, #tpu.memory_space<vmem>>
          %dma_start3A_157 = arith.constant 0 : i32
          %dma_start3A_158 = arith.constant 0 : i32
          %dma_start3A_159 = tpu.memref_slice %arg22[%dma_start3A_157, %dma_start3A_158] : memref<10240x64xf32, #tpu.memory_space<vmem_shared>> -> memref<10240x64xf32, #tpu.memory_space<vmem_shared>>
          tpu.enqueue_indirect_dma source(%arg12 : memref<128x64xf32, #tpu.memory_space<vmem>>) target(%dma_start3A_159 : memref<10240x64xf32, #tpu.memory_space<vmem_shared>>) offsets(%dma_start3A_156 : memref<128xi32, #tpu.memory_space<vmem>>) semaphore(%arg26 : memref<!tpu.dma_semaphore, #tpu.memory_space<semaphore_mem>>) {add = true}
          %dma_wait3A_160 = arith.constant 0 : i32
          %dma_wait3A_161 = arith.constant 0 : i32
          %dma_wait3A_162 = tpu.memref_slice %arg2[%dma_wait3A_160, %dma_wait3A_161] : memref<10240x64xf32, #tpu.memory_space<hbm>> -> memref<128x64xf32, #tpu.memory_space<hbm>>
          %dma_wait3A_163 = arith.constant 0 : i32
          %dma_wait3A_164 = arith.constant 0 : i32
          %dma_wait3A_165 = tpu.memref_slice %arg2[%dma_wait3A_163, %dma_wait3A_164] : memref<10240x64xf32, #tpu.memory_space<hbm>> -> memref<128x64xf32, #tpu.memory_space<hbm>>
          tpu.wait_dma2 semaphore(%arg25 : memref<!tpu.dma_semaphore, #tpu.memory_space<semaphore_mem>>) src(%dma_wait3A_165 : memref<128x64xf32, #tpu.memory_space<hbm>>) dst(%arg13 : memref<128x64xf32, #tpu.memory_space<vmem>>)
          %dma_start3A_166 = arith.constant 1 : i32
          %dma_start3A_167 = arith.constant 0 : i32
          %dma_start3A_168 = tpu.memref_slice %arg18[%dma_start3A_166, %dma_start3A_167] : memref<2x128xi32, #tpu.memory_space<vmem>> -> memref<1x128xi32, #tpu.memory_space<vmem>>
          %dma_start3A_169 = tpu.memref_squeeze %dma_start3A_168 : memref<1x128xi32, #tpu.memory_space<vmem>> -> memref<128xi32, #tpu.memory_space<vmem>>
          %dma_start3A_170 = arith.constant 0 : i32
          %dma_start3A_171 = arith.constant 0 : i32
          %dma_start3A_172 = tpu.memref_slice %arg22[%dma_start3A_170, %dma_start3A_171] : memref<10240x64xf32, #tpu.memory_space<vmem_shared>> -> memref<10240x64xf32, #tpu.memory_space<vmem_shared>>
          tpu.enqueue_indirect_dma source(%arg13 : memref<128x64xf32, #tpu.memory_space<vmem>>) target(%dma_start3A_172 : memref<10240x64xf32, #tpu.memory_space<vmem_shared>>) offsets(%dma_start3A_169 : memref<128xi32, #tpu.memory_space<vmem>>) semaphore(%arg27 : memref<!tpu.dma_semaphore, #tpu.memory_space<semaphore_mem>>) {add = true}
          %lt3A = arith.constant 46 : i32
          %lt3A_173 = arith.cmpi slt, %scan3A_135, %lt3A : i32
          %convert_element_type3A_174 = arith.extui %lt3A_173 : i1 to i32
          %cond3A_175 = arith.constant 0 : i32
          %cond3A_176 = arith.cmpi ne, %convert_element_type3A_174, %cond3A_175 : i32
          scf.if %cond3A_176 {
            %dma_wait3A_192 = arith.constant 0 : i32
            %dma_wait3A_193 = arith.constant 0 : i32
            %dma_wait3A_194 = tpu.memref_slice %arg5[%dma_wait3A_192, %dma_wait3A_193] : memref<2560x128xi32, #tpu.memory_space<hbm>> -> memref<2x128xi32, #tpu.memory_space<hbm>>
            %dma_wait3A_195 = arith.constant 0 : i32
            %dma_wait3A_196 = arith.constant 0 : i32
            %dma_wait3A_197 = tpu.memref_slice %arg5[%dma_wait3A_195, %dma_wait3A_196] : memref<2560x128xi32, #tpu.memory_space<hbm>> -> memref<2x128xi32, #tpu.memory_space<hbm>>
            tpu.wait_dma2 semaphore(%arg29 : memref<!tpu.dma_semaphore, #tpu.memory_space<semaphore_mem>>) src(%dma_wait3A_197 : memref<2x128xi32, #tpu.memory_space<hbm>>) dst(%arg17 : memref<2x128xi32, #tpu.memory_space<vmem>>)
            %dma_wait3A_198 = arith.constant 0 : i32
            %dma_wait3A_199 = arith.constant 0 : i32
            %dma_wait3A_200 = tpu.memref_slice %arg6[%dma_wait3A_198, %dma_wait3A_199] : memref<2560x128xi32, #tpu.memory_space<hbm>> -> memref<2x128xi32, #tpu.memory_space<hbm>>
            %dma_wait3A_201 = arith.constant 0 : i32
            %dma_wait3A_202 = arith.constant 0 : i32
            %dma_wait3A_203 = tpu.memref_slice %arg6[%dma_wait3A_201, %dma_wait3A_202] : memref<2560x128xi32, #tpu.memory_space<hbm>> -> memref<2x128xi32, #tpu.memory_space<hbm>>
            tpu.wait_dma2 semaphore(%arg29 : memref<!tpu.dma_semaphore, #tpu.memory_space<semaphore_mem>>) src(%dma_wait3A_203 : memref<2x128xi32, #tpu.memory_space<hbm>>) dst(%arg19 : memref<2x128xi32, #tpu.memory_space<vmem>>)
          } else {
          }
          tpu.wait_dma2 semaphore(%arg26 : memref<!tpu.dma_semaphore, #tpu.memory_space<semaphore_mem>>) src(%arg8 : memref<128x64xf32, #tpu.memory_space<hbm>>) dst(%arg12 : memref<128x64xf32, #tpu.memory_space<vmem>>)
          %lt3A_177 = arith.constant 46 : i32
          %lt3A_178 = arith.cmpi slt, %scan3A_135, %lt3A_177 : i32
          %convert_element_type3A_179 = arith.extui %lt3A_178 : i1 to i32
          %cond3A_180 = arith.constant 0 : i32
          %cond3A_181 = arith.cmpi ne, %convert_element_type3A_179, %cond3A_180 : i32
          scf.if %cond3A_181 {
            %dma_start3A_192 = arith.constant 0 : i32
            %dma_start3A_193 = arith.constant 0 : i32
            %dma_start3A_194 = tpu.memref_slice %arg17[%dma_start3A_192, %dma_start3A_193] : memref<2x128xi32, #tpu.memory_space<vmem>> -> memref<1x128xi32, #tpu.memory_space<vmem>>
            %dma_start3A_195 = tpu.memref_squeeze %dma_start3A_194 : memref<1x128xi32, #tpu.memory_space<vmem>> -> memref<128xi32, #tpu.memory_space<vmem>>
            %dma_start3A_196 = arith.constant 0 : i32
            %dma_start3A_197 = arith.constant 0 : i32
            %dma_start3A_198 = tpu.memref_slice %arg21[%dma_start3A_196, %dma_start3A_197] : memref<10240x64xf32, #tpu.memory_space<vmem_shared>> -> memref<10240x64xf32, #tpu.memory_space<vmem_shared>>
            tpu.enqueue_indirect_dma source(%dma_start3A_198 : memref<10240x64xf32, #tpu.memory_space<vmem_shared>>) target(%arg12 : memref<128x64xf32, #tpu.memory_space<vmem>>) offsets(%dma_start3A_195 : memref<128xi32, #tpu.memory_space<vmem>>) semaphore(%arg24 : memref<!tpu.dma_semaphore, #tpu.memory_space<semaphore_mem>>)
          } else {
          }
          tpu.wait_dma2 semaphore(%arg27 : memref<!tpu.dma_semaphore, #tpu.memory_space<semaphore_mem>>) src(%arg8 : memref<128x64xf32, #tpu.memory_space<hbm>>) dst(%arg13 : memref<128x64xf32, #tpu.memory_space<vmem>>)
          %lt3A_182 = arith.constant 46 : i32
          %lt3A_183 = arith.cmpi slt, %scan3A_135, %lt3A_182 : i32
          %convert_element_type3A_184 = arith.extui %lt3A_183 : i1 to i32
          %cond3A_185 = arith.constant 0 : i32
          %cond3A_186 = arith.cmpi ne, %convert_element_type3A_184, %cond3A_185 : i32
          scf.if %cond3A_186 {
            %dma_start3A_192 = arith.constant 1 : i32
            %dma_start3A_193 = arith.constant 0 : i32
            %dma_start3A_194 = tpu.memref_slice %arg17[%dma_start3A_192, %dma_start3A_193] : memref<2x128xi32, #tpu.memory_space<vmem>> -> memref<1x128xi32, #tpu.memory_space<vmem>>
            %dma_start3A_195 = tpu.memref_squeeze %dma_start3A_194 : memref<1x128xi32, #tpu.memory_space<vmem>> -> memref<128xi32, #tpu.memory_space<vmem>>
            %dma_start3A_196 = arith.constant 0 : i32
            %dma_start3A_197 = arith.constant 0 : i32
            %dma_start3A_198 = tpu.memref_slice %arg21[%dma_start3A_196, %dma_start3A_197] : memref<10240x64xf32, #tpu.memory_space<vmem_shared>> -> memref<10240x64xf32, #tpu.memory_space<vmem_shared>>
            tpu.enqueue_indirect_dma source(%dma_start3A_198 : memref<10240x64xf32, #tpu.memory_space<vmem_shared>>) target(%arg13 : memref<128x64xf32, #tpu.memory_space<vmem>>) offsets(%dma_start3A_195 : memref<128xi32, #tpu.memory_space<vmem>>) semaphore(%arg25 : memref<!tpu.dma_semaphore, #tpu.memory_space<semaphore_mem>>)
          } else {
          }
          %lt3A_187 = arith.constant 45 : i32
          %lt3A_188 = arith.cmpi slt, %scan3A_135, %lt3A_187 : i32
          %convert_element_type3A_189 = arith.extui %lt3A_188 : i1 to i32
          %cond3A_190 = arith.constant 0 : i32
          %cond3A_191 = arith.cmpi ne, %convert_element_type3A_189, %cond3A_190 : i32
          scf.if %cond3A_191 {
            %add3A_192 = arith.constant 2 : i32
            %add3A_193 = arith.addi %scan3A_135, %add3A_192 : i32
            %mul3A_194 = arith.constant 160 : i32
            %mul3A_195 = arith.muli %arg1, %mul3A_194 : i32
            %add3A_196 = arith.constant 0 : i32
            %add3A_197 = arith.addi %mul3A_195, %add3A_196 : i32
            %mul3A_198 = arith.constant 2 : i32
            %mul3A_199 = arith.muli %add3A_193, %mul3A_198 : i32
            %add3A_200 = arith.addi %add3A_197, %mul3A_199 : i32
            %dma_start3A_201 = arith.constant 0 : i32
            %dma_start3A_202 = tpu.memref_slice %arg5[%add3A_200, %dma_start3A_201] : memref<2560x128xi32, #tpu.memory_space<hbm>> -> memref<2x128xi32, #tpu.memory_space<hbm>>
            %dma_start3A_203 = arith.constant 0 : i32
            %dma_start3A_204 = tpu.memref_slice %arg5[%add3A_200, %dma_start3A_203] : memref<2560x128xi32, #tpu.memory_space<hbm>> -> memref<2x128xi32, #tpu.memory_space<hbm>>
            tpu.enqueue_dma source(%dma_start3A_204 : memref<2x128xi32, #tpu.memory_space<hbm>>) target(%arg16 : memref<2x128xi32, #tpu.memory_space<vmem>>) target_semaphore(%arg28 : memref<!tpu.dma_semaphore, #tpu.memory_space<semaphore_mem>>)
            %dma_start3A_205 = arith.constant 0 : i32
            %dma_start3A_206 = tpu.memref_slice %arg6[%add3A_200, %dma_start3A_205] : memref<2560x128xi32, #tpu.memory_space<hbm>> -> memref<2x128xi32, #tpu.memory_space<hbm>>
            %dma_start3A_207 = arith.constant 0 : i32
            %dma_start3A_208 = tpu.memref_slice %arg6[%add3A_200, %dma_start3A_207] : memref<2560x128xi32, #tpu.memory_space<hbm>> -> memref<2x128xi32, #tpu.memory_space<hbm>>
            tpu.enqueue_dma source(%dma_start3A_208 : memref<2x128xi32, #tpu.memory_space<hbm>>) target(%arg18 : memref<2x128xi32, #tpu.memory_space<vmem>>) target_semaphore(%arg28 : memref<!tpu.dma_semaphore, #tpu.memory_space<semaphore_mem>>)
          } else {
          }
        } else {
        }
        %eq3A_142 = arith.constant 1 : i32
        %eq3A_143 = arith.cmpi eq, %rem3A_136, %eq3A_142 : i32
        %convert_element_type3A_144 = arith.extui %eq3A_143 : i1 to i32
        %cond3A_145 = arith.constant 0 : i32
        %cond3A_146 = arith.cmpi ne, %convert_element_type3A_144, %cond3A_145 : i32
        scf.if %cond3A_146 {
          %dma_wait3A_147 = arith.constant 0 : i32
          %dma_wait3A_148 = arith.constant 0 : i32
          %dma_wait3A_149 = tpu.memref_slice %arg2[%dma_wait3A_147, %dma_wait3A_148] : memref<10240x64xf32, #tpu.memory_space<hbm>> -> memref<128x64xf32, #tpu.memory_space<hbm>>
          %dma_wait3A_150 = arith.constant 0 : i32
          %dma_wait3A_151 = arith.constant 0 : i32
          %dma_wait3A_152 = tpu.memref_slice %arg2[%dma_wait3A_150, %dma_wait3A_151] : memref<10240x64xf32, #tpu.memory_space<hbm>> -> memref<128x64xf32, #tpu.memory_space<hbm>>
          tpu.wait_dma2 semaphore(%arg24 : memref<!tpu.dma_semaphore, #tpu.memory_space<semaphore_mem>>) src(%dma_wait3A_152 : memref<128x64xf32, #tpu.memory_space<hbm>>) dst(%arg12 : memref<128x64xf32, #tpu.memory_space<vmem>>)
          %dma_start3A_153 = arith.constant 0 : i32
          %dma_start3A_154 = arith.constant 0 : i32
          %dma_start3A_155 = tpu.memref_slice %arg19[%dma_start3A_153, %dma_start3A_154] : memref<2x128xi32, #tpu.memory_space<vmem>> -> memref<1x128xi32, #tpu.memory_space<vmem>>
          %dma_start3A_156 = tpu.memref_squeeze %dma_start3A_155 : memref<1x128xi32, #tpu.memory_space<vmem>> -> memref<128xi32, #tpu.memory_space<vmem>>
          %dma_start3A_157 = arith.constant 0 : i32
          %dma_start3A_158 = arith.constant 0 : i32
          %dma_start3A_159 = tpu.memref_slice %arg22[%dma_start3A_157, %dma_start3A_158] : memref<10240x64xf32, #tpu.memory_space<vmem_shared>> -> memref<10240x64xf32, #tpu.memory_space<vmem_shared>>
          tpu.enqueue_indirect_dma source(%arg12 : memref<128x64xf32, #tpu.memory_space<vmem>>) target(%dma_start3A_159 : memref<10240x64xf32, #tpu.memory_space<vmem_shared>>) offsets(%dma_start3A_156 : memref<128xi32, #tpu.memory_space<vmem>>) semaphore(%arg26 : memref<!tpu.dma_semaphore, #tpu.memory_space<semaphore_mem>>) {add = true}
          %dma_wait3A_160 = arith.constant 0 : i32
          %dma_wait3A_161 = arith.constant 0 : i32
          %dma_wait3A_162 = tpu.memref_slice %arg2[%dma_wait3A_160, %dma_wait3A_161] : memref<10240x64xf32, #tpu.memory_space<hbm>> -> memref<128x64xf32, #tpu.memory_space<hbm>>
          %dma_wait3A_163 = arith.constant 0 : i32
          %dma_wait3A_164 = arith.constant 0 : i32
          %dma_wait3A_165 = tpu.memref_slice %arg2[%dma_wait3A_163, %dma_wait3A_164] : memref<10240x64xf32, #tpu.memory_space<hbm>> -> memref<128x64xf32, #tpu.memory_space<hbm>>
          tpu.wait_dma2 semaphore(%arg25 : memref<!tpu.dma_semaphore, #tpu.memory_space<semaphore_mem>>) src(%dma_wait3A_165 : memref<128x64xf32, #tpu.memory_space<hbm>>) dst(%arg13 : memref<128x64xf32, #tpu.memory_space<vmem>>)
          %dma_start3A_166 = arith.constant 1 : i32
          %dma_start3A_167 = arith.constant 0 : i32
          %dma_start3A_168 = tpu.memref_slice %arg19[%dma_start3A_166, %dma_start3A_167] : memref<2x128xi32, #tpu.memory_space<vmem>> -> memref<1x128xi32, #tpu.memory_space<vmem>>
          %dma_start3A_169 = tpu.memref_squeeze %dma_start3A_168 : memref<1x128xi32, #tpu.memory_space<vmem>> -> memref<128xi32, #tpu.memory_space<vmem>>
          %dma_start3A_170 = arith.constant 0 : i32
          %dma_start3A_171 = arith.constant 0 : i32
          %dma_start3A_172 = tpu.memref_slice %arg22[%dma_start3A_170, %dma_start3A_171] : memref<10240x64xf32, #tpu.memory_space<vmem_shared>> -> memref<10240x64xf32, #tpu.memory_space<vmem_shared>>
          tpu.enqueue_indirect_dma source(%arg13 : memref<128x64xf32, #tpu.memory_space<vmem>>) target(%dma_start3A_172 : memref<10240x64xf32, #tpu.memory_space<vmem_shared>>) offsets(%dma_start3A_169 : memref<128xi32, #tpu.memory_space<vmem>>) semaphore(%arg27 : memref<!tpu.dma_semaphore, #tpu.memory_space<semaphore_mem>>) {add = true}
          %lt3A = arith.constant 46 : i32
          %lt3A_173 = arith.cmpi slt, %scan3A_135, %lt3A : i32
          %convert_element_type3A_174 = arith.extui %lt3A_173 : i1 to i32
          %cond3A_175 = arith.constant 0 : i32
          %cond3A_176 = arith.cmpi ne, %convert_element_type3A_174, %cond3A_175 : i32
          scf.if %cond3A_176 {
            %dma_wait3A_192 = arith.constant 0 : i32
            %dma_wait3A_193 = arith.constant 0 : i32
            %dma_wait3A_194 = tpu.memref_slice %arg5[%dma_wait3A_192, %dma_wait3A_193] : memref<2560x128xi32, #tpu.memory_space<hbm>> -> memref<2x128xi32, #tpu.memory_space<hbm>>
            %dma_wait3A_195 = arith.constant 0 : i32
            %dma_wait3A_196 = arith.constant 0 : i32
            %dma_wait3A_197 = tpu.memref_slice %arg5[%dma_wait3A_195, %dma_wait3A_196] : memref<2560x128xi32, #tpu.memory_space<hbm>> -> memref<2x128xi32, #tpu.memory_space<hbm>>
            tpu.wait_dma2 semaphore(%arg28 : memref<!tpu.dma_semaphore, #tpu.memory_space<semaphore_mem>>) src(%dma_wait3A_197 : memref<2x128xi32, #tpu.memory_space<hbm>>) dst(%arg16 : memref<2x128xi32, #tpu.memory_space<vmem>>)
            %dma_wait3A_198 = arith.constant 0 : i32
            %dma_wait3A_199 = arith.constant 0 : i32
            %dma_wait3A_200 = tpu.memref_slice %arg6[%dma_wait3A_198, %dma_wait3A_199] : memref<2560x128xi32, #tpu.memory_space<hbm>> -> memref<2x128xi32, #tpu.memory_space<hbm>>
            %dma_wait3A_201 = arith.constant 0 : i32
            %dma_wait3A_202 = arith.constant 0 : i32
            %dma_wait3A_203 = tpu.memref_slice %arg6[%dma_wait3A_201, %dma_wait3A_202] : memref<2560x128xi32, #tpu.memory_space<hbm>> -> memref<2x128xi32, #tpu.memory_space<hbm>>
            tpu.wait_dma2 semaphore(%arg28 : memref<!tpu.dma_semaphore, #tpu.memory_space<semaphore_mem>>) src(%dma_wait3A_203 : memref<2x128xi32, #tpu.memory_space<hbm>>) dst(%arg18 : memref<2x128xi32, #tpu.memory_space<vmem>>)
          } else {
          }
          tpu.wait_dma2 semaphore(%arg26 : memref<!tpu.dma_semaphore, #tpu.memory_space<semaphore_mem>>) src(%arg8 : memref<128x64xf32, #tpu.memory_space<hbm>>) dst(%arg12 : memref<128x64xf32, #tpu.memory_space<vmem>>)
          %lt3A_177 = arith.constant 46 : i32
          %lt3A_178 = arith.cmpi slt, %scan3A_135, %lt3A_177 : i32
          %convert_element_type3A_179 = arith.extui %lt3A_178 : i1 to i32
          %cond3A_180 = arith.constant 0 : i32
          %cond3A_181 = arith.cmpi ne, %convert_element_type3A_179, %cond3A_180 : i32
          scf.if %cond3A_181 {
            %dma_start3A_192 = arith.constant 0 : i32
            %dma_start3A_193 = arith.constant 0 : i32
            %dma_start3A_194 = tpu.memref_slice %arg16[%dma_start3A_192, %dma_start3A_193] : memref<2x128xi32, #tpu.memory_space<vmem>> -> memref<1x128xi32, #tpu.memory_space<vmem>>
            %dma_start3A_195 = tpu.memref_squeeze %dma_start3A_194 : memref<1x128xi32, #tpu.memory_space<vmem>> -> memref<128xi32, #tpu.memory_space<vmem>>
            %dma_start3A_196 = arith.constant 0 : i32
            %dma_start3A_197 = arith.constant 0 : i32
            %dma_start3A_198 = tpu.memref_slice %arg21[%dma_start3A_196, %dma_start3A_197] : memref<10240x64xf32, #tpu.memory_space<vmem_shared>> -> memref<10240x64xf32, #tpu.memory_space<vmem_shared>>
            tpu.enqueue_indirect_dma source(%dma_start3A_198 : memref<10240x64xf32, #tpu.memory_space<vmem_shared>>) target(%arg12 : memref<128x64xf32, #tpu.memory_space<vmem>>) offsets(%dma_start3A_195 : memref<128xi32, #tpu.memory_space<vmem>>) semaphore(%arg24 : memref<!tpu.dma_semaphore, #tpu.memory_space<semaphore_mem>>)
          } else {
          }
          tpu.wait_dma2 semaphore(%arg27 : memref<!tpu.dma_semaphore, #tpu.memory_space<semaphore_mem>>) src(%arg8 : memref<128x64xf32, #tpu.memory_space<hbm>>) dst(%arg13 : memref<128x64xf32, #tpu.memory_space<vmem>>)
          %lt3A_182 = arith.constant 46 : i32
          %lt3A_183 = arith.cmpi slt, %scan3A_135, %lt3A_182 : i32
          %convert_element_type3A_184 = arith.extui %lt3A_183 : i1 to i32
          %cond3A_185 = arith.constant 0 : i32
          %cond3A_186 = arith.cmpi ne, %convert_element_type3A_184, %cond3A_185 : i32
          scf.if %cond3A_186 {
            %dma_start3A_192 = arith.constant 1 : i32
            %dma_start3A_193 = arith.constant 0 : i32
            %dma_start3A_194 = tpu.memref_slice %arg16[%dma_start3A_192, %dma_start3A_193] : memref<2x128xi32, #tpu.memory_space<vmem>> -> memref<1x128xi32, #tpu.memory_space<vmem>>
            %dma_start3A_195 = tpu.memref_squeeze %dma_start3A_194 : memref<1x128xi32, #tpu.memory_space<vmem>> -> memref<128xi32, #tpu.memory_space<vmem>>
            %dma_start3A_196 = arith.constant 0 : i32
            %dma_start3A_197 = arith.constant 0 : i32
            %dma_start3A_198 = tpu.memref_slice %arg21[%dma_start3A_196, %dma_start3A_197] : memref<10240x64xf32, #tpu.memory_space<vmem_shared>> -> memref<10240x64xf32, #tpu.memory_space<vmem_shared>>
            tpu.enqueue_indirect_dma source(%dma_start3A_198 : memref<10240x64xf32, #tpu.memory_space<vmem_shared>>) target(%arg13 : memref<128x64xf32, #tpu.memory_space<vmem>>) offsets(%dma_start3A_195 : memref<128xi32, #tpu.memory_space<vmem>>) semaphore(%arg25 : memref<!tpu.dma_semaphore, #tpu.memory_space<semaphore_mem>>)
          } else {
          }
          %lt3A_187 = arith.constant 45 : i32
          %lt3A_188 = arith.cmpi slt, %scan3A_135, %lt3A_187 : i32
          %convert_element_type3A_189 = arith.extui %lt3A_188 : i1 to i32
          %cond3A_190 = arith.constant 0 : i32
          %cond3A_191 = arith.cmpi ne, %convert_element_type3A_189, %cond3A_190 : i32
          scf.if %cond3A_191 {
            %add3A_192 = arith.constant 2 : i32
            %add3A_193 = arith.addi %scan3A_135, %add3A_192 : i32
            %mul3A_194 = arith.constant 160 : i32
            %mul3A_195 = arith.muli %arg1, %mul3A_194 : i32
            %add3A_196 = arith.constant 0 : i32
            %add3A_197 = arith.addi %mul3A_195, %add3A_196 : i32
            %mul3A_198 = arith.constant 2 : i32
            %mul3A_199 = arith.muli %add3A_193, %mul3A_198 : i32
            %add3A_200 = arith.addi %add3A_197, %mul3A_199 : i32
            %dma_start3A_201 = arith.constant 0 : i32
            %dma_start3A_202 = tpu.memref_slice %arg5[%add3A_200, %dma_start3A_201] : memref<2560x128xi32, #tpu.memory_space<hbm>> -> memref<2x128xi32, #tpu.memory_space<hbm>>
            %dma_start3A_203 = arith.constant 0 : i32
            %dma_start3A_204 = tpu.memref_slice %arg5[%add3A_200, %dma_start3A_203] : memref<2560x128xi32, #tpu.memory_space<hbm>> -> memref<2x128xi32, #tpu.memory_space<hbm>>
            tpu.enqueue_dma source(%dma_start3A_204 : memref<2x128xi32, #tpu.memory_space<hbm>>) target(%arg17 : memref<2x128xi32, #tpu.memory_space<vmem>>) target_semaphore(%arg29 : memref<!tpu.dma_semaphore, #tpu.memory_space<semaphore_mem>>)
            %dma_start3A_205 = arith.constant 0 : i32
            %dma_start3A_206 = tpu.memref_slice %arg6[%add3A_200, %dma_start3A_205] : memref<2560x128xi32, #tpu.memory_space<hbm>> -> memref<2x128xi32, #tpu.memory_space<hbm>>
            %dma_start3A_207 = arith.constant 0 : i32
            %dma_start3A_208 = tpu.memref_slice %arg6[%add3A_200, %dma_start3A_207] : memref<2560x128xi32, #tpu.memory_space<hbm>> -> memref<2x128xi32, #tpu.memory_space<hbm>>
            tpu.enqueue_dma source(%dma_start3A_208 : memref<2x128xi32, #tpu.memory_space<hbm>>) target(%arg19 : memref<2x128xi32, #tpu.memory_space<vmem>>) target_semaphore(%arg29 : memref<!tpu.dma_semaphore, #tpu.memory_space<semaphore_mem>>)
          } else {
          }
        } else {
        }
      }
      %scan3A_133 = arith.constant 47 : i32
      %barrier3A_134 = arith.constant 0 : index
      tpu.barrier barrier_id(%barrier3A_134)
    } else {
    }
    %eq3A_52 = arith.constant 1 : i32
    %eq3A_53 = arith.cmpi eq, %arg0, %eq3A_52 : i32
    %convert_element_type3A_54 = arith.extui %eq3A_53 : i1 to i32
    %cond3A_55 = arith.constant 0 : i32
    %cond3A_56 = arith.cmpi ne, %convert_element_type3A_54, %cond3A_55 : i32
    scf.if %cond3A_56 {
      %mul3A_77 = arith.constant 160 : i32
      %mul3A_78 = arith.muli %arg1, %mul3A_77 : i32
      %add3A_79 = arith.constant 94 : i32
      %add3A_80 = arith.addi %mul3A_78, %add3A_79 : i32
      %add3A_81 = arith.constant 0 : i32
      %add3A_82 = arith.addi %add3A_80, %add3A_81 : i32
      %dma_start3A = arith.constant 0 : i32
      %dma_start3A_83 = tpu.memref_slice %arg5[%add3A_82, %dma_start3A] : memref<2560x128xi32, #tpu.memory_space<hbm>> -> memref<2x128xi32, #tpu.memory_space<hbm>>
      %dma_start3A_84 = arith.constant 0 : i32
      %dma_start3A_85 = tpu.memref_slice %arg5[%add3A_82, %dma_start3A_84] : memref<2560x128xi32, #tpu.memory_space<hbm>> -> memref<2x128xi32, #tpu.memory_space<hbm>>
      tpu.enqueue_dma source(%dma_start3A_85 : memref<2x128xi32, #tpu.memory_space<hbm>>) target(%arg16 : memref<2x128xi32, #tpu.memory_space<vmem>>) target_semaphore(%arg28 : memref<!tpu.dma_semaphore, #tpu.memory_space<semaphore_mem>>)
      %dma_start3A_86 = arith.constant 0 : i32
      %dma_start3A_87 = tpu.memref_slice %arg6[%add3A_82, %dma_start3A_86] : memref<2560x128xi32, #tpu.memory_space<hbm>> -> memref<2x128xi32, #tpu.memory_space<hbm>>
      %dma_start3A_88 = arith.constant 0 : i32
      %dma_start3A_89 = tpu.memref_slice %arg6[%add3A_82, %dma_start3A_88] : memref<2560x128xi32, #tpu.memory_space<hbm>> -> memref<2x128xi32, #tpu.memory_space<hbm>>
      tpu.enqueue_dma source(%dma_start3A_89 : memref<2x128xi32, #tpu.memory_space<hbm>>) target(%arg18 : memref<2x128xi32, #tpu.memory_space<vmem>>) target_semaphore(%arg28 : memref<!tpu.dma_semaphore, #tpu.memory_space<semaphore_mem>>)
      %dma_wait3A = arith.constant 0 : i32
      %dma_wait3A_90 = arith.constant 0 : i32
      %dma_wait3A_91 = tpu.memref_slice %arg5[%dma_wait3A, %dma_wait3A_90] : memref<2560x128xi32, #tpu.memory_space<hbm>> -> memref<2x128xi32, #tpu.memory_space<hbm>>
      %dma_wait3A_92 = arith.constant 0 : i32
      %dma_wait3A_93 = arith.constant 0 : i32
      %dma_wait3A_94 = tpu.memref_slice %arg5[%dma_wait3A_92, %dma_wait3A_93] : memref<2560x128xi32, #tpu.memory_space<hbm>> -> memref<2x128xi32, #tpu.memory_space<hbm>>
      tpu.wait_dma2 semaphore(%arg28 : memref<!tpu.dma_semaphore, #tpu.memory_space<semaphore_mem>>) src(%dma_wait3A_94 : memref<2x128xi32, #tpu.memory_space<hbm>>) dst(%arg16 : memref<2x128xi32, #tpu.memory_space<vmem>>)
      %dma_wait3A_95 = arith.constant 0 : i32
      %dma_wait3A_96 = arith.constant 0 : i32
      %dma_wait3A_97 = tpu.memref_slice %arg6[%dma_wait3A_95, %dma_wait3A_96] : memref<2560x128xi32, #tpu.memory_space<hbm>> -> memref<2x128xi32, #tpu.memory_space<hbm>>
      %dma_wait3A_98 = arith.constant 0 : i32
      %dma_wait3A_99 = arith.constant 0 : i32
      %dma_wait3A_100 = tpu.memref_slice %arg6[%dma_wait3A_98, %dma_wait3A_99] : memref<2560x128xi32, #tpu.memory_space<hbm>> -> memref<2x128xi32, #tpu.memory_space<hbm>>
      tpu.wait_dma2 semaphore(%arg28 : memref<!tpu.dma_semaphore, #tpu.memory_space<semaphore_mem>>) src(%dma_wait3A_100 : memref<2x128xi32, #tpu.memory_space<hbm>>) dst(%arg18 : memref<2x128xi32, #tpu.memory_space<vmem>>)
      %mul3A_101 = arith.constant 160 : i32
      %mul3A_102 = arith.muli %arg1, %mul3A_101 : i32
      %add3A_103 = arith.constant 94 : i32
      %add3A_104 = arith.addi %mul3A_102, %add3A_103 : i32
      %add3A_105 = arith.constant 2 : i32
      %add3A_106 = arith.addi %add3A_104, %add3A_105 : i32
      %dma_start3A_107 = arith.constant 0 : i32
      %dma_start3A_108 = tpu.memref_slice %arg5[%add3A_106, %dma_start3A_107] : memref<2560x128xi32, #tpu.memory_space<hbm>> -> memref<2x128xi32, #tpu.memory_space<hbm>>
      %dma_start3A_109 = arith.constant 0 : i32
      %dma_start3A_110 = tpu.memref_slice %arg5[%add3A_106, %dma_start3A_109] : memref<2560x128xi32, #tpu.memory_space<hbm>> -> memref<2x128xi32, #tpu.memory_space<hbm>>
      tpu.enqueue_dma source(%dma_start3A_110 : memref<2x128xi32, #tpu.memory_space<hbm>>) target(%arg17 : memref<2x128xi32, #tpu.memory_space<vmem>>) target_semaphore(%arg29 : memref<!tpu.dma_semaphore, #tpu.memory_space<semaphore_mem>>)
      %dma_start3A_111 = arith.constant 0 : i32
      %dma_start3A_112 = tpu.memref_slice %arg6[%add3A_106, %dma_start3A_111] : memref<2560x128xi32, #tpu.memory_space<hbm>> -> memref<2x128xi32, #tpu.memory_space<hbm>>
      %dma_start3A_113 = arith.constant 0 : i32
      %dma_start3A_114 = tpu.memref_slice %arg6[%add3A_106, %dma_start3A_113] : memref<2560x128xi32, #tpu.memory_space<hbm>> -> memref<2x128xi32, #tpu.memory_space<hbm>>
      tpu.enqueue_dma source(%dma_start3A_114 : memref<2x128xi32, #tpu.memory_space<hbm>>) target(%arg19 : memref<2x128xi32, #tpu.memory_space<vmem>>) target_semaphore(%arg29 : memref<!tpu.dma_semaphore, #tpu.memory_space<semaphore_mem>>)
      %barrier3A = arith.constant 0 : index
      tpu.barrier barrier_id(%barrier3A)
      %dma_start3A_115 = arith.constant 0 : i32
      %dma_start3A_116 = arith.constant 0 : i32
      %dma_start3A_117 = tpu.memref_slice %arg16[%dma_start3A_115, %dma_start3A_116] : memref<2x128xi32, #tpu.memory_space<vmem>> -> memref<1x128xi32, #tpu.memory_space<vmem>>
      %dma_start3A_118 = tpu.memref_squeeze %dma_start3A_117 : memref<1x128xi32, #tpu.memory_space<vmem>> -> memref<128xi32, #tpu.memory_space<vmem>>
      %dma_start3A_119 = arith.constant 0 : i32
      %dma_start3A_120 = arith.constant 0 : i32
      %dma_start3A_121 = tpu.memref_slice %arg21[%dma_start3A_119, %dma_start3A_120] : memref<10240x64xf32, #tpu.memory_space<vmem_shared>> -> memref<10240x64xf32, #tpu.memory_space<vmem_shared>>
      tpu.enqueue_indirect_dma source(%dma_start3A_121 : memref<10240x64xf32, #tpu.memory_space<vmem_shared>>) target(%arg12 : memref<128x64xf32, #tpu.memory_space<vmem>>) offsets(%dma_start3A_118 : memref<128xi32, #tpu.memory_space<vmem>>) semaphore(%arg24 : memref<!tpu.dma_semaphore, #tpu.memory_space<semaphore_mem>>)
      %dma_start3A_122 = arith.constant 1 : i32
      %dma_start3A_123 = arith.constant 0 : i32
      %dma_start3A_124 = tpu.memref_slice %arg16[%dma_start3A_122, %dma_start3A_123] : memref<2x128xi32, #tpu.memory_space<vmem>> -> memref<1x128xi32, #tpu.memory_space<vmem>>
      %dma_start3A_125 = tpu.memref_squeeze %dma_start3A_124 : memref<1x128xi32, #tpu.memory_space<vmem>> -> memref<128xi32, #tpu.memory_space<vmem>>
      %dma_start3A_126 = arith.constant 0 : i32
      %dma_start3A_127 = arith.constant 0 : i32
      %dma_start3A_128 = tpu.memref_slice %arg21[%dma_start3A_126, %dma_start3A_127] : memref<10240x64xf32, #tpu.memory_space<vmem_shared>> -> memref<10240x64xf32, #tpu.memory_space<vmem_shared>>
      tpu.enqueue_indirect_dma source(%dma_start3A_128 : memref<10240x64xf32, #tpu.memory_space<vmem_shared>>) target(%arg13 : memref<128x64xf32, #tpu.memory_space<vmem>>) offsets(%dma_start3A_125 : memref<128xi32, #tpu.memory_space<vmem>>) semaphore(%arg25 : memref<!tpu.dma_semaphore, #tpu.memory_space<semaphore_mem>>)
      %scan3A = arith.constant 0 : i32
      %scan3A_129 = arith.constant 0 : i32
      %scan3A_130 = arith.constant 33 : i32
      %scan3A_131 = arith.addi %scan3A_129, %scan3A_130 : i32
      %scan3A_132 = arith.constant 1 : i32
      scf.for %scan3A_135 = %scan3A_129 to %scan3A_131 step %scan3A_132  : i32 {
        %rem3A = arith.constant 2 : i32
        %rem3A_136 = arith.remsi %scan3A_135, %rem3A : i32
        %eq3A_137 = arith.constant 0 : i32
        %eq3A_138 = arith.cmpi eq, %rem3A_136, %eq3A_137 : i32
        %convert_element_type3A_139 = arith.extui %eq3A_138 : i1 to i32
        %cond3A_140 = arith.constant 0 : i32
        %cond3A_141 = arith.cmpi ne, %convert_element_type3A_139, %cond3A_140 : i32
        scf.if %cond3A_141 {
          %dma_wait3A_147 = arith.constant 0 : i32
          %dma_wait3A_148 = arith.constant 0 : i32
          %dma_wait3A_149 = tpu.memref_slice %arg2[%dma_wait3A_147, %dma_wait3A_148] : memref<10240x64xf32, #tpu.memory_space<hbm>> -> memref<128x64xf32, #tpu.memory_space<hbm>>
          %dma_wait3A_150 = arith.constant 0 : i32
          %dma_wait3A_151 = arith.constant 0 : i32
          %dma_wait3A_152 = tpu.memref_slice %arg2[%dma_wait3A_150, %dma_wait3A_151] : memref<10240x64xf32, #tpu.memory_space<hbm>> -> memref<128x64xf32, #tpu.memory_space<hbm>>
          tpu.wait_dma2 semaphore(%arg24 : memref<!tpu.dma_semaphore, #tpu.memory_space<semaphore_mem>>) src(%dma_wait3A_152 : memref<128x64xf32, #tpu.memory_space<hbm>>) dst(%arg12 : memref<128x64xf32, #tpu.memory_space<vmem>>)
          %dma_start3A_153 = arith.constant 0 : i32
          %dma_start3A_154 = arith.constant 0 : i32
          %dma_start3A_155 = tpu.memref_slice %arg18[%dma_start3A_153, %dma_start3A_154] : memref<2x128xi32, #tpu.memory_space<vmem>> -> memref<1x128xi32, #tpu.memory_space<vmem>>
          %dma_start3A_156 = tpu.memref_squeeze %dma_start3A_155 : memref<1x128xi32, #tpu.memory_space<vmem>> -> memref<128xi32, #tpu.memory_space<vmem>>
          %dma_start3A_157 = arith.constant 0 : i32
          %dma_start3A_158 = arith.constant 0 : i32
          %dma_start3A_159 = tpu.memref_slice %arg22[%dma_start3A_157, %dma_start3A_158] : memref<10240x64xf32, #tpu.memory_space<vmem_shared>> -> memref<10240x64xf32, #tpu.memory_space<vmem_shared>>
          tpu.enqueue_indirect_dma source(%arg12 : memref<128x64xf32, #tpu.memory_space<vmem>>) target(%dma_start3A_159 : memref<10240x64xf32, #tpu.memory_space<vmem_shared>>) offsets(%dma_start3A_156 : memref<128xi32, #tpu.memory_space<vmem>>) semaphore(%arg26 : memref<!tpu.dma_semaphore, #tpu.memory_space<semaphore_mem>>) {add = true}
          %dma_wait3A_160 = arith.constant 0 : i32
          %dma_wait3A_161 = arith.constant 0 : i32
          %dma_wait3A_162 = tpu.memref_slice %arg2[%dma_wait3A_160, %dma_wait3A_161] : memref<10240x64xf32, #tpu.memory_space<hbm>> -> memref<128x64xf32, #tpu.memory_space<hbm>>
          %dma_wait3A_163 = arith.constant 0 : i32
          %dma_wait3A_164 = arith.constant 0 : i32
          %dma_wait3A_165 = tpu.memref_slice %arg2[%dma_wait3A_163, %dma_wait3A_164] : memref<10240x64xf32, #tpu.memory_space<hbm>> -> memref<128x64xf32, #tpu.memory_space<hbm>>
          tpu.wait_dma2 semaphore(%arg25 : memref<!tpu.dma_semaphore, #tpu.memory_space<semaphore_mem>>) src(%dma_wait3A_165 : memref<128x64xf32, #tpu.memory_space<hbm>>) dst(%arg13 : memref<128x64xf32, #tpu.memory_space<vmem>>)
          %dma_start3A_166 = arith.constant 1 : i32
          %dma_start3A_167 = arith.constant 0 : i32
          %dma_start3A_168 = tpu.memref_slice %arg18[%dma_start3A_166, %dma_start3A_167] : memref<2x128xi32, #tpu.memory_space<vmem>> -> memref<1x128xi32, #tpu.memory_space<vmem>>
          %dma_start3A_169 = tpu.memref_squeeze %dma_start3A_168 : memref<1x128xi32, #tpu.memory_space<vmem>> -> memref<128xi32, #tpu.memory_space<vmem>>
          %dma_start3A_170 = arith.constant 0 : i32
          %dma_start3A_171 = arith.constant 0 : i32
          %dma_start3A_172 = tpu.memref_slice %arg22[%dma_start3A_170, %dma_start3A_171] : memref<10240x64xf32, #tpu.memory_space<vmem_shared>> -> memref<10240x64xf32, #tpu.memory_space<vmem_shared>>
          tpu.enqueue_indirect_dma source(%arg13 : memref<128x64xf32, #tpu.memory_space<vmem>>) target(%dma_start3A_172 : memref<10240x64xf32, #tpu.memory_space<vmem_shared>>) offsets(%dma_start3A_169 : memref<128xi32, #tpu.memory_space<vmem>>) semaphore(%arg27 : memref<!tpu.dma_semaphore, #tpu.memory_space<semaphore_mem>>) {add = true}
          %lt3A = arith.constant 32 : i32
          %lt3A_173 = arith.cmpi slt, %scan3A_135, %lt3A : i32
          %convert_element_type3A_174 = arith.extui %lt3A_173 : i1 to i32
          %cond3A_175 = arith.constant 0 : i32
          %cond3A_176 = arith.cmpi ne, %convert_element_type3A_174, %cond3A_175 : i32
          scf.if %cond3A_176 {
            %dma_wait3A_192 = arith.constant 0 : i32
            %dma_wait3A_193 = arith.constant 0 : i32
            %dma_wait3A_194 = tpu.memref_slice %arg5[%dma_wait3A_192, %dma_wait3A_193] : memref<2560x128xi32, #tpu.memory_space<hbm>> -> memref<2x128xi32, #tpu.memory_space<hbm>>
            %dma_wait3A_195 = arith.constant 0 : i32
            %dma_wait3A_196 = arith.constant 0 : i32
            %dma_wait3A_197 = tpu.memref_slice %arg5[%dma_wait3A_195, %dma_wait3A_196] : memref<2560x128xi32, #tpu.memory_space<hbm>> -> memref<2x128xi32, #tpu.memory_space<hbm>>
            tpu.wait_dma2 semaphore(%arg29 : memref<!tpu.dma_semaphore, #tpu.memory_space<semaphore_mem>>) src(%dma_wait3A_197 : memref<2x128xi32, #tpu.memory_space<hbm>>) dst(%arg17 : memref<2x128xi32, #tpu.memory_space<vmem>>)
            %dma_wait3A_198 = arith.constant 0 : i32
            %dma_wait3A_199 = arith.constant 0 : i32
            %dma_wait3A_200 = tpu.memref_slice %arg6[%dma_wait3A_198, %dma_wait3A_199] : memref<2560x128xi32, #tpu.memory_space<hbm>> -> memref<2x128xi32, #tpu.memory_space<hbm>>
            %dma_wait3A_201 = arith.constant 0 : i32
            %dma_wait3A_202 = arith.constant 0 : i32
            %dma_wait3A_203 = tpu.memref_slice %arg6[%dma_wait3A_201, %dma_wait3A_202] : memref<2560x128xi32, #tpu.memory_space<hbm>> -> memref<2x128xi32, #tpu.memory_space<hbm>>
            tpu.wait_dma2 semaphore(%arg29 : memref<!tpu.dma_semaphore, #tpu.memory_space<semaphore_mem>>) src(%dma_wait3A_203 : memref<2x128xi32, #tpu.memory_space<hbm>>) dst(%arg19 : memref<2x128xi32, #tpu.memory_space<vmem>>)
          } else {
          }
          tpu.wait_dma2 semaphore(%arg26 : memref<!tpu.dma_semaphore, #tpu.memory_space<semaphore_mem>>) src(%arg8 : memref<128x64xf32, #tpu.memory_space<hbm>>) dst(%arg12 : memref<128x64xf32, #tpu.memory_space<vmem>>)
          %lt3A_177 = arith.constant 32 : i32
          %lt3A_178 = arith.cmpi slt, %scan3A_135, %lt3A_177 : i32
          %convert_element_type3A_179 = arith.extui %lt3A_178 : i1 to i32
          %cond3A_180 = arith.constant 0 : i32
          %cond3A_181 = arith.cmpi ne, %convert_element_type3A_179, %cond3A_180 : i32
          scf.if %cond3A_181 {
            %dma_start3A_192 = arith.constant 0 : i32
            %dma_start3A_193 = arith.constant 0 : i32
            %dma_start3A_194 = tpu.memref_slice %arg17[%dma_start3A_192, %dma_start3A_193] : memref<2x128xi32, #tpu.memory_space<vmem>> -> memref<1x128xi32, #tpu.memory_space<vmem>>
            %dma_start3A_195 = tpu.memref_squeeze %dma_start3A_194 : memref<1x128xi32, #tpu.memory_space<vmem>> -> memref<128xi32, #tpu.memory_space<vmem>>
            %dma_start3A_196 = arith.constant 0 : i32
            %dma_start3A_197 = arith.constant 0 : i32
            %dma_start3A_198 = tpu.memref_slice %arg21[%dma_start3A_196, %dma_start3A_197] : memref<10240x64xf32, #tpu.memory_space<vmem_shared>> -> memref<10240x64xf32, #tpu.memory_space<vmem_shared>>
            tpu.enqueue_indirect_dma source(%dma_start3A_198 : memref<10240x64xf32, #tpu.memory_space<vmem_shared>>) target(%arg12 : memref<128x64xf32, #tpu.memory_space<vmem>>) offsets(%dma_start3A_195 : memref<128xi32, #tpu.memory_space<vmem>>) semaphore(%arg24 : memref<!tpu.dma_semaphore, #tpu.memory_space<semaphore_mem>>)
          } else {
          }
          tpu.wait_dma2 semaphore(%arg27 : memref<!tpu.dma_semaphore, #tpu.memory_space<semaphore_mem>>) src(%arg8 : memref<128x64xf32, #tpu.memory_space<hbm>>) dst(%arg13 : memref<128x64xf32, #tpu.memory_space<vmem>>)
          %lt3A_182 = arith.constant 32 : i32
          %lt3A_183 = arith.cmpi slt, %scan3A_135, %lt3A_182 : i32
          %convert_element_type3A_184 = arith.extui %lt3A_183 : i1 to i32
          %cond3A_185 = arith.constant 0 : i32
          %cond3A_186 = arith.cmpi ne, %convert_element_type3A_184, %cond3A_185 : i32
          scf.if %cond3A_186 {
            %dma_start3A_192 = arith.constant 1 : i32
            %dma_start3A_193 = arith.constant 0 : i32
            %dma_start3A_194 = tpu.memref_slice %arg17[%dma_start3A_192, %dma_start3A_193] : memref<2x128xi32, #tpu.memory_space<vmem>> -> memref<1x128xi32, #tpu.memory_space<vmem>>
            %dma_start3A_195 = tpu.memref_squeeze %dma_start3A_194 : memref<1x128xi32, #tpu.memory_space<vmem>> -> memref<128xi32, #tpu.memory_space<vmem>>
            %dma_start3A_196 = arith.constant 0 : i32
            %dma_start3A_197 = arith.constant 0 : i32
            %dma_start3A_198 = tpu.memref_slice %arg21[%dma_start3A_196, %dma_start3A_197] : memref<10240x64xf32, #tpu.memory_space<vmem_shared>> -> memref<10240x64xf32, #tpu.memory_space<vmem_shared>>
            tpu.enqueue_indirect_dma source(%dma_start3A_198 : memref<10240x64xf32, #tpu.memory_space<vmem_shared>>) target(%arg13 : memref<128x64xf32, #tpu.memory_space<vmem>>) offsets(%dma_start3A_195 : memref<128xi32, #tpu.memory_space<vmem>>) semaphore(%arg25 : memref<!tpu.dma_semaphore, #tpu.memory_space<semaphore_mem>>)
          } else {
          }
          %lt3A_187 = arith.constant 31 : i32
          %lt3A_188 = arith.cmpi slt, %scan3A_135, %lt3A_187 : i32
          %convert_element_type3A_189 = arith.extui %lt3A_188 : i1 to i32
          %cond3A_190 = arith.constant 0 : i32
          %cond3A_191 = arith.cmpi ne, %convert_element_type3A_189, %cond3A_190 : i32
          scf.if %cond3A_191 {
            %add3A_192 = arith.constant 2 : i32
            %add3A_193 = arith.addi %scan3A_135, %add3A_192 : i32
            %mul3A_194 = arith.constant 160 : i32
            %mul3A_195 = arith.muli %arg1, %mul3A_194 : i32
            %add3A_196 = arith.constant 94 : i32
            %add3A_197 = arith.addi %mul3A_195, %add3A_196 : i32
            %mul3A_198 = arith.constant 2 : i32
            %mul3A_199 = arith.muli %add3A_193, %mul3A_198 : i32
            %add3A_200 = arith.addi %add3A_197, %mul3A_199 : i32
            %dma_start3A_201 = arith.constant 0 : i32
            %dma_start3A_202 = tpu.memref_slice %arg5[%add3A_200, %dma_start3A_201] : memref<2560x128xi32, #tpu.memory_space<hbm>> -> memref<2x128xi32, #tpu.memory_space<hbm>>
            %dma_start3A_203 = arith.constant 0 : i32
            %dma_start3A_204 = tpu.memref_slice %arg5[%add3A_200, %dma_start3A_203] : memref<2560x128xi32, #tpu.memory_space<hbm>> -> memref<2x128xi32, #tpu.memory_space<hbm>>
            tpu.enqueue_dma source(%dma_start3A_204 : memref<2x128xi32, #tpu.memory_space<hbm>>) target(%arg16 : memref<2x128xi32, #tpu.memory_space<vmem>>) target_semaphore(%arg28 : memref<!tpu.dma_semaphore, #tpu.memory_space<semaphore_mem>>)
            %dma_start3A_205 = arith.constant 0 : i32
            %dma_start3A_206 = tpu.memref_slice %arg6[%add3A_200, %dma_start3A_205] : memref<2560x128xi32, #tpu.memory_space<hbm>> -> memref<2x128xi32, #tpu.memory_space<hbm>>
            %dma_start3A_207 = arith.constant 0 : i32
            %dma_start3A_208 = tpu.memref_slice %arg6[%add3A_200, %dma_start3A_207] : memref<2560x128xi32, #tpu.memory_space<hbm>> -> memref<2x128xi32, #tpu.memory_space<hbm>>
            tpu.enqueue_dma source(%dma_start3A_208 : memref<2x128xi32, #tpu.memory_space<hbm>>) target(%arg18 : memref<2x128xi32, #tpu.memory_space<vmem>>) target_semaphore(%arg28 : memref<!tpu.dma_semaphore, #tpu.memory_space<semaphore_mem>>)
          } else {
          }
        } else {
        }
        %eq3A_142 = arith.constant 1 : i32
        %eq3A_143 = arith.cmpi eq, %rem3A_136, %eq3A_142 : i32
        %convert_element_type3A_144 = arith.extui %eq3A_143 : i1 to i32
        %cond3A_145 = arith.constant 0 : i32
        %cond3A_146 = arith.cmpi ne, %convert_element_type3A_144, %cond3A_145 : i32
        scf.if %cond3A_146 {
          %dma_wait3A_147 = arith.constant 0 : i32
          %dma_wait3A_148 = arith.constant 0 : i32
          %dma_wait3A_149 = tpu.memref_slice %arg2[%dma_wait3A_147, %dma_wait3A_148] : memref<10240x64xf32, #tpu.memory_space<hbm>> -> memref<128x64xf32, #tpu.memory_space<hbm>>
          %dma_wait3A_150 = arith.constant 0 : i32
          %dma_wait3A_151 = arith.constant 0 : i32
          %dma_wait3A_152 = tpu.memref_slice %arg2[%dma_wait3A_150, %dma_wait3A_151] : memref<10240x64xf32, #tpu.memory_space<hbm>> -> memref<128x64xf32, #tpu.memory_space<hbm>>
          tpu.wait_dma2 semaphore(%arg24 : memref<!tpu.dma_semaphore, #tpu.memory_space<semaphore_mem>>) src(%dma_wait3A_152 : memref<128x64xf32, #tpu.memory_space<hbm>>) dst(%arg12 : memref<128x64xf32, #tpu.memory_space<vmem>>)
          %dma_start3A_153 = arith.constant 0 : i32
          %dma_start3A_154 = arith.constant 0 : i32
          %dma_start3A_155 = tpu.memref_slice %arg19[%dma_start3A_153, %dma_start3A_154] : memref<2x128xi32, #tpu.memory_space<vmem>> -> memref<1x128xi32, #tpu.memory_space<vmem>>
          %dma_start3A_156 = tpu.memref_squeeze %dma_start3A_155 : memref<1x128xi32, #tpu.memory_space<vmem>> -> memref<128xi32, #tpu.memory_space<vmem>>
          %dma_start3A_157 = arith.constant 0 : i32
          %dma_start3A_158 = arith.constant 0 : i32
          %dma_start3A_159 = tpu.memref_slice %arg22[%dma_start3A_157, %dma_start3A_158] : memref<10240x64xf32, #tpu.memory_space<vmem_shared>> -> memref<10240x64xf32, #tpu.memory_space<vmem_shared>>
          tpu.enqueue_indirect_dma source(%arg12 : memref<128x64xf32, #tpu.memory_space<vmem>>) target(%dma_start3A_159 : memref<10240x64xf32, #tpu.memory_space<vmem_shared>>) offsets(%dma_start3A_156 : memref<128xi32, #tpu.memory_space<vmem>>) semaphore(%arg26 : memref<!tpu.dma_semaphore, #tpu.memory_space<semaphore_mem>>) {add = true}
          %dma_wait3A_160 = arith.constant 0 : i32
          %dma_wait3A_161 = arith.constant 0 : i32
          %dma_wait3A_162 = tpu.memref_slice %arg2[%dma_wait3A_160, %dma_wait3A_161] : memref<10240x64xf32, #tpu.memory_space<hbm>> -> memref<128x64xf32, #tpu.memory_space<hbm>>
          %dma_wait3A_163 = arith.constant 0 : i32
          %dma_wait3A_164 = arith.constant 0 : i32
          %dma_wait3A_165 = tpu.memref_slice %arg2[%dma_wait3A_163, %dma_wait3A_164] : memref<10240x64xf32, #tpu.memory_space<hbm>> -> memref<128x64xf32, #tpu.memory_space<hbm>>
          tpu.wait_dma2 semaphore(%arg25 : memref<!tpu.dma_semaphore, #tpu.memory_space<semaphore_mem>>) src(%dma_wait3A_165 : memref<128x64xf32, #tpu.memory_space<hbm>>) dst(%arg13 : memref<128x64xf32, #tpu.memory_space<vmem>>)
          %dma_start3A_166 = arith.constant 1 : i32
          %dma_start3A_167 = arith.constant 0 : i32
          %dma_start3A_168 = tpu.memref_slice %arg19[%dma_start3A_166, %dma_start3A_167] : memref<2x128xi32, #tpu.memory_space<vmem>> -> memref<1x128xi32, #tpu.memory_space<vmem>>
          %dma_start3A_169 = tpu.memref_squeeze %dma_start3A_168 : memref<1x128xi32, #tpu.memory_space<vmem>> -> memref<128xi32, #tpu.memory_space<vmem>>
          %dma_start3A_170 = arith.constant 0 : i32
          %dma_start3A_171 = arith.constant 0 : i32
          %dma_start3A_172 = tpu.memref_slice %arg22[%dma_start3A_170, %dma_start3A_171] : memref<10240x64xf32, #tpu.memory_space<vmem_shared>> -> memref<10240x64xf32, #tpu.memory_space<vmem_shared>>
          tpu.enqueue_indirect_dma source(%arg13 : memref<128x64xf32, #tpu.memory_space<vmem>>) target(%dma_start3A_172 : memref<10240x64xf32, #tpu.memory_space<vmem_shared>>) offsets(%dma_start3A_169 : memref<128xi32, #tpu.memory_space<vmem>>) semaphore(%arg27 : memref<!tpu.dma_semaphore, #tpu.memory_space<semaphore_mem>>) {add = true}
          %lt3A = arith.constant 32 : i32
          %lt3A_173 = arith.cmpi slt, %scan3A_135, %lt3A : i32
          %convert_element_type3A_174 = arith.extui %lt3A_173 : i1 to i32
          %cond3A_175 = arith.constant 0 : i32
          %cond3A_176 = arith.cmpi ne, %convert_element_type3A_174, %cond3A_175 : i32
          scf.if %cond3A_176 {
            %dma_wait3A_192 = arith.constant 0 : i32
            %dma_wait3A_193 = arith.constant 0 : i32
            %dma_wait3A_194 = tpu.memref_slice %arg5[%dma_wait3A_192, %dma_wait3A_193] : memref<2560x128xi32, #tpu.memory_space<hbm>> -> memref<2x128xi32, #tpu.memory_space<hbm>>
            %dma_wait3A_195 = arith.constant 0 : i32
            %dma_wait3A_196 = arith.constant 0 : i32
            %dma_wait3A_197 = tpu.memref_slice %arg5[%dma_wait3A_195, %dma_wait3A_196] : memref<2560x128xi32, #tpu.memory_space<hbm>> -> memref<2x128xi32, #tpu.memory_space<hbm>>
            tpu.wait_dma2 semaphore(%arg28 : memref<!tpu.dma_semaphore, #tpu.memory_space<semaphore_mem>>) src(%dma_wait3A_197 : memref<2x128xi32, #tpu.memory_space<hbm>>) dst(%arg16 : memref<2x128xi32, #tpu.memory_space<vmem>>)
            %dma_wait3A_198 = arith.constant 0 : i32
            %dma_wait3A_199 = arith.constant 0 : i32
            %dma_wait3A_200 = tpu.memref_slice %arg6[%dma_wait3A_198, %dma_wait3A_199] : memref<2560x128xi32, #tpu.memory_space<hbm>> -> memref<2x128xi32, #tpu.memory_space<hbm>>
            %dma_wait3A_201 = arith.constant 0 : i32
            %dma_wait3A_202 = arith.constant 0 : i32
            %dma_wait3A_203 = tpu.memref_slice %arg6[%dma_wait3A_201, %dma_wait3A_202] : memref<2560x128xi32, #tpu.memory_space<hbm>> -> memref<2x128xi32, #tpu.memory_space<hbm>>
            tpu.wait_dma2 semaphore(%arg28 : memref<!tpu.dma_semaphore, #tpu.memory_space<semaphore_mem>>) src(%dma_wait3A_203 : memref<2x128xi32, #tpu.memory_space<hbm>>) dst(%arg18 : memref<2x128xi32, #tpu.memory_space<vmem>>)
          } else {
          }
          tpu.wait_dma2 semaphore(%arg26 : memref<!tpu.dma_semaphore, #tpu.memory_space<semaphore_mem>>) src(%arg8 : memref<128x64xf32, #tpu.memory_space<hbm>>) dst(%arg12 : memref<128x64xf32, #tpu.memory_space<vmem>>)
          %lt3A_177 = arith.constant 32 : i32
          %lt3A_178 = arith.cmpi slt, %scan3A_135, %lt3A_177 : i32
          %convert_element_type3A_179 = arith.extui %lt3A_178 : i1 to i32
          %cond3A_180 = arith.constant 0 : i32
          %cond3A_181 = arith.cmpi ne, %convert_element_type3A_179, %cond3A_180 : i32
          scf.if %cond3A_181 {
            %dma_start3A_192 = arith.constant 0 : i32
            %dma_start3A_193 = arith.constant 0 : i32
            %dma_start3A_194 = tpu.memref_slice %arg16[%dma_start3A_192, %dma_start3A_193] : memref<2x128xi32, #tpu.memory_space<vmem>> -> memref<1x128xi32, #tpu.memory_space<vmem>>
            %dma_start3A_195 = tpu.memref_squeeze %dma_start3A_194 : memref<1x128xi32, #tpu.memory_space<vmem>> -> memref<128xi32, #tpu.memory_space<vmem>>
            %dma_start3A_196 = arith.constant 0 : i32
            %dma_start3A_197 = arith.constant 0 : i32
            %dma_start3A_198 = tpu.memref_slice %arg21[%dma_start3A_196, %dma_start3A_197] : memref<10240x64xf32, #tpu.memory_space<vmem_shared>> -> memref<10240x64xf32, #tpu.memory_space<vmem_shared>>
            tpu.enqueue_indirect_dma source(%dma_start3A_198 : memref<10240x64xf32, #tpu.memory_space<vmem_shared>>) target(%arg12 : memref<128x64xf32, #tpu.memory_space<vmem>>) offsets(%dma_start3A_195 : memref<128xi32, #tpu.memory_space<vmem>>) semaphore(%arg24 : memref<!tpu.dma_semaphore, #tpu.memory_space<semaphore_mem>>)
          } else {
          }
          tpu.wait_dma2 semaphore(%arg27 : memref<!tpu.dma_semaphore, #tpu.memory_space<semaphore_mem>>) src(%arg8 : memref<128x64xf32, #tpu.memory_space<hbm>>) dst(%arg13 : memref<128x64xf32, #tpu.memory_space<vmem>>)
          %lt3A_182 = arith.constant 32 : i32
          %lt3A_183 = arith.cmpi slt, %scan3A_135, %lt3A_182 : i32
          %convert_element_type3A_184 = arith.extui %lt3A_183 : i1 to i32
          %cond3A_185 = arith.constant 0 : i32
          %cond3A_186 = arith.cmpi ne, %convert_element_type3A_184, %cond3A_185 : i32
          scf.if %cond3A_186 {
            %dma_start3A_192 = arith.constant 1 : i32
            %dma_start3A_193 = arith.constant 0 : i32
            %dma_start3A_194 = tpu.memref_slice %arg16[%dma_start3A_192, %dma_start3A_193] : memref<2x128xi32, #tpu.memory_space<vmem>> -> memref<1x128xi32, #tpu.memory_space<vmem>>
            %dma_start3A_195 = tpu.memref_squeeze %dma_start3A_194 : memref<1x128xi32, #tpu.memory_space<vmem>> -> memref<128xi32, #tpu.memory_space<vmem>>
            %dma_start3A_196 = arith.constant 0 : i32
            %dma_start3A_197 = arith.constant 0 : i32
            %dma_start3A_198 = tpu.memref_slice %arg21[%dma_start3A_196, %dma_start3A_197] : memref<10240x64xf32, #tpu.memory_space<vmem_shared>> -> memref<10240x64xf32, #tpu.memory_space<vmem_shared>>
            tpu.enqueue_indirect_dma source(%dma_start3A_198 : memref<10240x64xf32, #tpu.memory_space<vmem_shared>>) target(%arg13 : memref<128x64xf32, #tpu.memory_space<vmem>>) offsets(%dma_start3A_195 : memref<128xi32, #tpu.memory_space<vmem>>) semaphore(%arg25 : memref<!tpu.dma_semaphore, #tpu.memory_space<semaphore_mem>>)
          } else {
          }
          %lt3A_187 = arith.constant 31 : i32
          %lt3A_188 = arith.cmpi slt, %scan3A_135, %lt3A_187 : i32
          %convert_element_type3A_189 = arith.extui %lt3A_188 : i1 to i32
          %cond3A_190 = arith.constant 0 : i32
          %cond3A_191 = arith.cmpi ne, %convert_element_type3A_189, %cond3A_190 : i32
          scf.if %cond3A_191 {
            %add3A_192 = arith.constant 2 : i32
            %add3A_193 = arith.addi %scan3A_135, %add3A_192 : i32
            %mul3A_194 = arith.constant 160 : i32
            %mul3A_195 = arith.muli %arg1, %mul3A_194 : i32
            %add3A_196 = arith.constant 94 : i32
            %add3A_197 = arith.addi %mul3A_195, %add3A_196 : i32
            %mul3A_198 = arith.constant 2 : i32
            %mul3A_199 = arith.muli %add3A_193, %mul3A_198 : i32
            %add3A_200 = arith.addi %add3A_197, %mul3A_199 : i32
            %dma_start3A_201 = arith.constant 0 : i32
            %dma_start3A_202 = tpu.memref_slice %arg5[%add3A_200, %dma_start3A_201] : memref<2560x128xi32, #tpu.memory_space<hbm>> -> memref<2x128xi32, #tpu.memory_space<hbm>>
            %dma_start3A_203 = arith.constant 0 : i32
            %dma_start3A_204 = tpu.memref_slice %arg5[%add3A_200, %dma_start3A_203] : memref<2560x128xi32, #tpu.memory_space<hbm>> -> memref<2x128xi32, #tpu.memory_space<hbm>>
            tpu.enqueue_dma source(%dma_start3A_204 : memref<2x128xi32, #tpu.memory_space<hbm>>) target(%arg17 : memref<2x128xi32, #tpu.memory_space<vmem>>) target_semaphore(%arg29 : memref<!tpu.dma_semaphore, #tpu.memory_space<semaphore_mem>>)
            %dma_start3A_205 = arith.constant 0 : i32
            %dma_start3A_206 = tpu.memref_slice %arg6[%add3A_200, %dma_start3A_205] : memref<2560x128xi32, #tpu.memory_space<hbm>> -> memref<2x128xi32, #tpu.memory_space<hbm>>
            %dma_start3A_207 = arith.constant 0 : i32
            %dma_start3A_208 = tpu.memref_slice %arg6[%add3A_200, %dma_start3A_207] : memref<2560x128xi32, #tpu.memory_space<hbm>> -> memref<2x128xi32, #tpu.memory_space<hbm>>
            tpu.enqueue_dma source(%dma_start3A_208 : memref<2x128xi32, #tpu.memory_space<hbm>>) target(%arg19 : memref<2x128xi32, #tpu.memory_space<vmem>>) target_semaphore(%arg29 : memref<!tpu.dma_semaphore, #tpu.memory_space<semaphore_mem>>)
          } else {
          }
        } else {
        }
      }
      %scan3A_133 = arith.constant 33 : i32
      %barrier3A_134 = arith.constant 0 : index
      tpu.barrier barrier_id(%barrier3A_134)
    } else {
    }
    %add3A_57 = arith.constant 0 : i32
    %add3A_58 = arith.addi %mul3A_0, %add3A_57 : i32
    "tpu.region"() ({
      %run_scoped3A = tpu.sem_alloc : memref<!tpu.dma_semaphore, #tpu.memory_space<semaphore_mem>>
      %dma_start3A = arith.constant 0 : i32
      %dma_start3A_77 = tpu.memref_slice %arg22[%add3A_58, %dma_start3A] : memref<10240x64xf32, #tpu.memory_space<vmem_shared>> -> memref<128x64xf32, #tpu.memory_space<vmem_shared>>
      %dma_start3A_78 = arith.constant 0 : i32
      %dma_start3A_79 = tpu.memref_slice %arg22[%add3A_58, %dma_start3A_78] : memref<10240x64xf32, #tpu.memory_space<vmem_shared>> -> memref<128x64xf32, #tpu.memory_space<vmem_shared>>
      tpu.enqueue_dma source(%dma_start3A_79 : memref<128x64xf32, #tpu.memory_space<vmem_shared>>) target(%arg12 : memref<128x64xf32, #tpu.memory_space<vmem>>) target_semaphore(%run_scoped3A : memref<!tpu.dma_semaphore, #tpu.memory_space<semaphore_mem>>)
      %dma_wait3A = arith.constant 0 : i32
      %dma_wait3A_80 = tpu.memref_slice %arg22[%add3A_58, %dma_wait3A] : memref<10240x64xf32, #tpu.memory_space<vmem_shared>> -> memref<128x64xf32, #tpu.memory_space<vmem_shared>>
      %dma_wait3A_81 = arith.constant 0 : i32
      %dma_wait3A_82 = tpu.memref_slice %arg22[%add3A_58, %dma_wait3A_81] : memref<10240x64xf32, #tpu.memory_space<vmem_shared>> -> memref<128x64xf32, #tpu.memory_space<vmem_shared>>
      tpu.wait_dma2 semaphore(%run_scoped3A : memref<!tpu.dma_semaphore, #tpu.memory_space<semaphore_mem>>) src(%dma_wait3A_82 : memref<128x64xf32, #tpu.memory_space<vmem_shared>>) dst(%arg12 : memref<128x64xf32, #tpu.memory_space<vmem>>)
      tpu.yield
    }) : () -> ()
    "tpu.region"() ({
      %run_scoped3A = tpu.sem_alloc : memref<!tpu.dma_semaphore, #tpu.memory_space<semaphore_mem>>
      %dma_start3A = arith.constant 0 : i32
      %dma_start3A_77 = tpu.memref_slice %arg10[%arg0, %add3A_58, %dma_start3A] : memref<2x10240x64xf32, #tpu.memory_space<hbm>> -> memref<1x128x64xf32, #tpu.memory_space<hbm>>
      %dma_start3A_78 = tpu.memref_squeeze %dma_start3A_77 : memref<1x128x64xf32, #tpu.memory_space<hbm>> -> memref<128x64xf32, #tpu.memory_space<hbm>>
      %dma_start3A_79 = arith.constant 0 : i32
      %dma_start3A_80 = tpu.memref_slice %arg10[%arg0, %add3A_58, %dma_start3A_79] : memref<2x10240x64xf32, #tpu.memory_space<hbm>> -> memref<1x128x64xf32, #tpu.memory_space<hbm>>
      %dma_start3A_81 = tpu.memref_squeeze %dma_start3A_80 : memref<1x128x64xf32, #tpu.memory_space<hbm>> -> memref<128x64xf32, #tpu.memory_space<hbm>>
      tpu.enqueue_dma source(%arg12 : memref<128x64xf32, #tpu.memory_space<vmem>>) target(%dma_start3A_81 : memref<128x64xf32, #tpu.memory_space<hbm>>) target_semaphore(%run_scoped3A : memref<!tpu.dma_semaphore, #tpu.memory_space<semaphore_mem>>)
      %dma_wait3A = arith.constant 0 : i32
      %dma_wait3A_82 = tpu.memref_slice %arg10[%arg0, %add3A_58, %dma_wait3A] : memref<2x10240x64xf32, #tpu.memory_space<hbm>> -> memref<1x128x64xf32, #tpu.memory_space<hbm>>
      %dma_wait3A_83 = tpu.memref_squeeze %dma_wait3A_82 : memref<1x128x64xf32, #tpu.memory_space<hbm>> -> memref<128x64xf32, #tpu.memory_space<hbm>>
      %dma_wait3A_84 = arith.constant 0 : i32
      %dma_wait3A_85 = tpu.memref_slice %arg10[%arg0, %add3A_58, %dma_wait3A_84] : memref<2x10240x64xf32, #tpu.memory_space<hbm>> -> memref<1x128x64xf32, #tpu.memory_space<hbm>>
      %dma_wait3A_86 = tpu.memref_squeeze %dma_wait3A_85 : memref<1x128x64xf32, #tpu.memory_space<hbm>> -> memref<128x64xf32, #tpu.memory_space<hbm>>
      tpu.wait_dma2 semaphore(%run_scoped3A : memref<!tpu.dma_semaphore, #tpu.memory_space<semaphore_mem>>) src(%arg12 : memref<128x64xf32, #tpu.memory_space<vmem>>) dst(%dma_wait3A_86 : memref<128x64xf32, #tpu.memory_space<hbm>>)
      tpu.yield
    }) : () -> ()
    %add3A_59 = arith.constant 128 : i32
    %add3A_60 = arith.addi %mul3A_0, %add3A_59 : i32
    "tpu.region"() ({
      %run_scoped3A = tpu.sem_alloc : memref<!tpu.dma_semaphore, #tpu.memory_space<semaphore_mem>>
      %dma_start3A = arith.constant 0 : i32
      %dma_start3A_77 = tpu.memref_slice %arg22[%add3A_60, %dma_start3A] : memref<10240x64xf32, #tpu.memory_space<vmem_shared>> -> memref<128x64xf32, #tpu.memory_space<vmem_shared>>
      %dma_start3A_78 = arith.constant 0 : i32
      %dma_start3A_79 = tpu.memref_slice %arg22[%add3A_60, %dma_start3A_78] : memref<10240x64xf32, #tpu.memory_space<vmem_shared>> -> memref<128x64xf32, #tpu.memory_space<vmem_shared>>
      tpu.enqueue_dma source(%dma_start3A_79 : memref<128x64xf32, #tpu.memory_space<vmem_shared>>) target(%arg12 : memref<128x64xf32, #tpu.memory_space<vmem>>) target_semaphore(%run_scoped3A : memref<!tpu.dma_semaphore, #tpu.memory_space<semaphore_mem>>)
      %dma_wait3A = arith.constant 0 : i32
      %dma_wait3A_80 = tpu.memref_slice %arg22[%add3A_60, %dma_wait3A] : memref<10240x64xf32, #tpu.memory_space<vmem_shared>> -> memref<128x64xf32, #tpu.memory_space<vmem_shared>>
      %dma_wait3A_81 = arith.constant 0 : i32
      %dma_wait3A_82 = tpu.memref_slice %arg22[%add3A_60, %dma_wait3A_81] : memref<10240x64xf32, #tpu.memory_space<vmem_shared>> -> memref<128x64xf32, #tpu.memory_space<vmem_shared>>
      tpu.wait_dma2 semaphore(%run_scoped3A : memref<!tpu.dma_semaphore, #tpu.memory_space<semaphore_mem>>) src(%dma_wait3A_82 : memref<128x64xf32, #tpu.memory_space<vmem_shared>>) dst(%arg12 : memref<128x64xf32, #tpu.memory_space<vmem>>)
      tpu.yield
    }) : () -> ()
    "tpu.region"() ({
      %run_scoped3A = tpu.sem_alloc : memref<!tpu.dma_semaphore, #tpu.memory_space<semaphore_mem>>
      %dma_start3A = arith.constant 0 : i32
      %dma_start3A_77 = tpu.memref_slice %arg10[%arg0, %add3A_60, %dma_start3A] : memref<2x10240x64xf32, #tpu.memory_space<hbm>> -> memref<1x128x64xf32, #tpu.memory_space<hbm>>
      %dma_start3A_78 = tpu.memref_squeeze %dma_start3A_77 : memref<1x128x64xf32, #tpu.memory_space<hbm>> -> memref<128x64xf32, #tpu.memory_space<hbm>>
      %dma_start3A_79 = arith.constant 0 : i32
      %dma_start3A_80 = tpu.memref_slice %arg10[%arg0, %add3A_60, %dma_start3A_79] : memref<2x10240x64xf32, #tpu.memory_space<hbm>> -> memref<1x128x64xf32, #tpu.memory_space<hbm>>
      %dma_start3A_81 = tpu.memref_squeeze %dma_start3A_80 : memref<1x128x64xf32, #tpu.memory_space<hbm>> -> memref<128x64xf32, #tpu.memory_space<hbm>>
      tpu.enqueue_dma source(%arg12 : memref<128x64xf32, #tpu.memory_space<vmem>>) target(%dma_start3A_81 : memref<128x64xf32, #tpu.memory_space<hbm>>) target_semaphore(%run_scoped3A : memref<!tpu.dma_semaphore, #tpu.memory_space<semaphore_mem>>)
      %dma_wait3A = arith.constant 0 : i32
      %dma_wait3A_82 = tpu.memref_slice %arg10[%arg0, %add3A_60, %dma_wait3A] : memref<2x10240x64xf32, #tpu.memory_space<hbm>> -> memref<1x128x64xf32, #tpu.memory_space<hbm>>
      %dma_wait3A_83 = tpu.memref_squeeze %dma_wait3A_82 : memref<1x128x64xf32, #tpu.memory_space<hbm>> -> memref<128x64xf32, #tpu.memory_space<hbm>>
      %dma_wait3A_84 = arith.constant 0 : i32
      %dma_wait3A_85 = tpu.memref_slice %arg10[%arg0, %add3A_60, %dma_wait3A_84] : memref<2x10240x64xf32, #tpu.memory_space<hbm>> -> memref<1x128x64xf32, #tpu.memory_space<hbm>>
      %dma_wait3A_86 = tpu.memref_squeeze %dma_wait3A_85 : memref<1x128x64xf32, #tpu.memory_space<hbm>> -> memref<128x64xf32, #tpu.memory_space<hbm>>
      tpu.wait_dma2 semaphore(%run_scoped3A : memref<!tpu.dma_semaphore, #tpu.memory_space<semaphore_mem>>) src(%arg12 : memref<128x64xf32, #tpu.memory_space<vmem>>) dst(%dma_wait3A_86 : memref<128x64xf32, #tpu.memory_space<hbm>>)
      tpu.yield
    }) : () -> ()
    %add3A_61 = arith.constant 256 : i32
    %add3A_62 = arith.addi %mul3A_0, %add3A_61 : i32
    "tpu.region"() ({
      %run_scoped3A = tpu.sem_alloc : memref<!tpu.dma_semaphore, #tpu.memory_space<semaphore_mem>>
      %dma_start3A = arith.constant 0 : i32
      %dma_start3A_77 = tpu.memref_slice %arg22[%add3A_62, %dma_start3A] : memref<10240x64xf32, #tpu.memory_space<vmem_shared>> -> memref<128x64xf32, #tpu.memory_space<vmem_shared>>
      %dma_start3A_78 = arith.constant 0 : i32
      %dma_start3A_79 = tpu.memref_slice %arg22[%add3A_62, %dma_start3A_78] : memref<10240x64xf32, #tpu.memory_space<vmem_shared>> -> memref<128x64xf32, #tpu.memory_space<vmem_shared>>
      tpu.enqueue_dma source(%dma_start3A_79 : memref<128x64xf32, #tpu.memory_space<vmem_shared>>) target(%arg12 : memref<128x64xf32, #tpu.memory_space<vmem>>) target_semaphore(%run_scoped3A : memref<!tpu.dma_semaphore, #tpu.memory_space<semaphore_mem>>)
      %dma_wait3A = arith.constant 0 : i32
      %dma_wait3A_80 = tpu.memref_slice %arg22[%add3A_62, %dma_wait3A] : memref<10240x64xf32, #tpu.memory_space<vmem_shared>> -> memref<128x64xf32, #tpu.memory_space<vmem_shared>>
      %dma_wait3A_81 = arith.constant 0 : i32
      %dma_wait3A_82 = tpu.memref_slice %arg22[%add3A_62, %dma_wait3A_81] : memref<10240x64xf32, #tpu.memory_space<vmem_shared>> -> memref<128x64xf32, #tpu.memory_space<vmem_shared>>
      tpu.wait_dma2 semaphore(%run_scoped3A : memref<!tpu.dma_semaphore, #tpu.memory_space<semaphore_mem>>) src(%dma_wait3A_82 : memref<128x64xf32, #tpu.memory_space<vmem_shared>>) dst(%arg12 : memref<128x64xf32, #tpu.memory_space<vmem>>)
      tpu.yield
    }) : () -> ()
    "tpu.region"() ({
      %run_scoped3A = tpu.sem_alloc : memref<!tpu.dma_semaphore, #tpu.memory_space<semaphore_mem>>
      %dma_start3A = arith.constant 0 : i32
      %dma_start3A_77 = tpu.memref_slice %arg10[%arg0, %add3A_62, %dma_start3A] : memref<2x10240x64xf32, #tpu.memory_space<hbm>> -> memref<1x128x64xf32, #tpu.memory_space<hbm>>
      %dma_start3A_78 = tpu.memref_squeeze %dma_start3A_77 : memref<1x128x64xf32, #tpu.memory_space<hbm>> -> memref<128x64xf32, #tpu.memory_space<hbm>>
      %dma_start3A_79 = arith.constant 0 : i32
      %dma_start3A_80 = tpu.memref_slice %arg10[%arg0, %add3A_62, %dma_start3A_79] : memref<2x10240x64xf32, #tpu.memory_space<hbm>> -> memref<1x128x64xf32, #tpu.memory_space<hbm>>
      %dma_start3A_81 = tpu.memref_squeeze %dma_start3A_80 : memref<1x128x64xf32, #tpu.memory_space<hbm>> -> memref<128x64xf32, #tpu.memory_space<hbm>>
      tpu.enqueue_dma source(%arg12 : memref<128x64xf32, #tpu.memory_space<vmem>>) target(%dma_start3A_81 : memref<128x64xf32, #tpu.memory_space<hbm>>) target_semaphore(%run_scoped3A : memref<!tpu.dma_semaphore, #tpu.memory_space<semaphore_mem>>)
      %dma_wait3A = arith.constant 0 : i32
      %dma_wait3A_82 = tpu.memref_slice %arg10[%arg0, %add3A_62, %dma_wait3A] : memref<2x10240x64xf32, #tpu.memory_space<hbm>> -> memref<1x128x64xf32, #tpu.memory_space<hbm>>
      %dma_wait3A_83 = tpu.memref_squeeze %dma_wait3A_82 : memref<1x128x64xf32, #tpu.memory_space<hbm>> -> memref<128x64xf32, #tpu.memory_space<hbm>>
      %dma_wait3A_84 = arith.constant 0 : i32
      %dma_wait3A_85 = tpu.memref_slice %arg10[%arg0, %add3A_62, %dma_wait3A_84] : memref<2x10240x64xf32, #tpu.memory_space<hbm>> -> memref<1x128x64xf32, #tpu.memory_space<hbm>>
      %dma_wait3A_86 = tpu.memref_squeeze %dma_wait3A_85 : memref<1x128x64xf32, #tpu.memory_space<hbm>> -> memref<128x64xf32, #tpu.memory_space<hbm>>
      tpu.wait_dma2 semaphore(%run_scoped3A : memref<!tpu.dma_semaphore, #tpu.memory_space<semaphore_mem>>) src(%arg12 : memref<128x64xf32, #tpu.memory_space<vmem>>) dst(%dma_wait3A_86 : memref<128x64xf32, #tpu.memory_space<hbm>>)
      tpu.yield
    }) : () -> ()
    %add3A_63 = arith.constant 384 : i32
    %add3A_64 = arith.addi %mul3A_0, %add3A_63 : i32
    "tpu.region"() ({
      %run_scoped3A = tpu.sem_alloc : memref<!tpu.dma_semaphore, #tpu.memory_space<semaphore_mem>>
      %dma_start3A = arith.constant 0 : i32
      %dma_start3A_77 = tpu.memref_slice %arg22[%add3A_64, %dma_start3A] : memref<10240x64xf32, #tpu.memory_space<vmem_shared>> -> memref<128x64xf32, #tpu.memory_space<vmem_shared>>
      %dma_start3A_78 = arith.constant 0 : i32
      %dma_start3A_79 = tpu.memref_slice %arg22[%add3A_64, %dma_start3A_78] : memref<10240x64xf32, #tpu.memory_space<vmem_shared>> -> memref<128x64xf32, #tpu.memory_space<vmem_shared>>
      tpu.enqueue_dma source(%dma_start3A_79 : memref<128x64xf32, #tpu.memory_space<vmem_shared>>) target(%arg12 : memref<128x64xf32, #tpu.memory_space<vmem>>) target_semaphore(%run_scoped3A : memref<!tpu.dma_semaphore, #tpu.memory_space<semaphore_mem>>)
      %dma_wait3A = arith.constant 0 : i32
      %dma_wait3A_80 = tpu.memref_slice %arg22[%add3A_64, %dma_wait3A] : memref<10240x64xf32, #tpu.memory_space<vmem_shared>> -> memref<128x64xf32, #tpu.memory_space<vmem_shared>>
      %dma_wait3A_81 = arith.constant 0 : i32
      %dma_wait3A_82 = tpu.memref_slice %arg22[%add3A_64, %dma_wait3A_81] : memref<10240x64xf32, #tpu.memory_space<vmem_shared>> -> memref<128x64xf32, #tpu.memory_space<vmem_shared>>
      tpu.wait_dma2 semaphore(%run_scoped3A : memref<!tpu.dma_semaphore, #tpu.memory_space<semaphore_mem>>) src(%dma_wait3A_82 : memref<128x64xf32, #tpu.memory_space<vmem_shared>>) dst(%arg12 : memref<128x64xf32, #tpu.memory_space<vmem>>)
      tpu.yield
    }) : () -> ()
    "tpu.region"() ({
      %run_scoped3A = tpu.sem_alloc : memref<!tpu.dma_semaphore, #tpu.memory_space<semaphore_mem>>
      %dma_start3A = arith.constant 0 : i32
      %dma_start3A_77 = tpu.memref_slice %arg10[%arg0, %add3A_64, %dma_start3A] : memref<2x10240x64xf32, #tpu.memory_space<hbm>> -> memref<1x128x64xf32, #tpu.memory_space<hbm>>
      %dma_start3A_78 = tpu.memref_squeeze %dma_start3A_77 : memref<1x128x64xf32, #tpu.memory_space<hbm>> -> memref<128x64xf32, #tpu.memory_space<hbm>>
      %dma_start3A_79 = arith.constant 0 : i32
      %dma_start3A_80 = tpu.memref_slice %arg10[%arg0, %add3A_64, %dma_start3A_79] : memref<2x10240x64xf32, #tpu.memory_space<hbm>> -> memref<1x128x64xf32, #tpu.memory_space<hbm>>
      %dma_start3A_81 = tpu.memref_squeeze %dma_start3A_80 : memref<1x128x64xf32, #tpu.memory_space<hbm>> -> memref<128x64xf32, #tpu.memory_space<hbm>>
      tpu.enqueue_dma source(%arg12 : memref<128x64xf32, #tpu.memory_space<vmem>>) target(%dma_start3A_81 : memref<128x64xf32, #tpu.memory_space<hbm>>) target_semaphore(%run_scoped3A : memref<!tpu.dma_semaphore, #tpu.memory_space<semaphore_mem>>)
      %dma_wait3A = arith.constant 0 : i32
      %dma_wait3A_82 = tpu.memref_slice %arg10[%arg0, %add3A_64, %dma_wait3A] : memref<2x10240x64xf32, #tpu.memory_space<hbm>> -> memref<1x128x64xf32, #tpu.memory_space<hbm>>
      %dma_wait3A_83 = tpu.memref_squeeze %dma_wait3A_82 : memref<1x128x64xf32, #tpu.memory_space<hbm>> -> memref<128x64xf32, #tpu.memory_space<hbm>>
      %dma_wait3A_84 = arith.constant 0 : i32
      %dma_wait3A_85 = tpu.memref_slice %arg10[%arg0, %add3A_64, %dma_wait3A_84] : memref<2x10240x64xf32, #tpu.memory_space<hbm>> -> memref<1x128x64xf32, #tpu.memory_space<hbm>>
      %dma_wait3A_86 = tpu.memref_squeeze %dma_wait3A_85 : memref<1x128x64xf32, #tpu.memory_space<hbm>> -> memref<128x64xf32, #tpu.memory_space<hbm>>
      tpu.wait_dma2 semaphore(%run_scoped3A : memref<!tpu.dma_semaphore, #tpu.memory_space<semaphore_mem>>) src(%arg12 : memref<128x64xf32, #tpu.memory_space<vmem>>) dst(%dma_wait3A_86 : memref<128x64xf32, #tpu.memory_space<hbm>>)
      tpu.yield
    }) : () -> ()
    %add3A_65 = arith.constant 512 : i32
    %add3A_66 = arith.addi %mul3A_0, %add3A_65 : i32
    "tpu.region"() ({
      %run_scoped3A = tpu.sem_alloc : memref<!tpu.dma_semaphore, #tpu.memory_space<semaphore_mem>>
      %dma_start3A = arith.constant 0 : i32
      %dma_start3A_77 = tpu.memref_slice %arg22[%add3A_66, %dma_start3A] : memref<10240x64xf32, #tpu.memory_space<vmem_shared>> -> memref<128x64xf32, #tpu.memory_space<vmem_shared>>
      %dma_start3A_78 = arith.constant 0 : i32
      %dma_start3A_79 = tpu.memref_slice %arg22[%add3A_66, %dma_start3A_78] : memref<10240x64xf32, #tpu.memory_space<vmem_shared>> -> memref<128x64xf32, #tpu.memory_space<vmem_shared>>
      tpu.enqueue_dma source(%dma_start3A_79 : memref<128x64xf32, #tpu.memory_space<vmem_shared>>) target(%arg12 : memref<128x64xf32, #tpu.memory_space<vmem>>) target_semaphore(%run_scoped3A : memref<!tpu.dma_semaphore, #tpu.memory_space<semaphore_mem>>)
      %dma_wait3A = arith.constant 0 : i32
      %dma_wait3A_80 = tpu.memref_slice %arg22[%add3A_66, %dma_wait3A] : memref<10240x64xf32, #tpu.memory_space<vmem_shared>> -> memref<128x64xf32, #tpu.memory_space<vmem_shared>>
      %dma_wait3A_81 = arith.constant 0 : i32
      %dma_wait3A_82 = tpu.memref_slice %arg22[%add3A_66, %dma_wait3A_81] : memref<10240x64xf32, #tpu.memory_space<vmem_shared>> -> memref<128x64xf32, #tpu.memory_space<vmem_shared>>
      tpu.wait_dma2 semaphore(%run_scoped3A : memref<!tpu.dma_semaphore, #tpu.memory_space<semaphore_mem>>) src(%dma_wait3A_82 : memref<128x64xf32, #tpu.memory_space<vmem_shared>>) dst(%arg12 : memref<128x64xf32, #tpu.memory_space<vmem>>)
      tpu.yield
    }) : () -> ()
    "tpu.region"() ({
      %run_scoped3A = tpu.sem_alloc : memref<!tpu.dma_semaphore, #tpu.memory_space<semaphore_mem>>
      %dma_start3A = arith.constant 0 : i32
      %dma_start3A_77 = tpu.memref_slice %arg10[%arg0, %add3A_66, %dma_start3A] : memref<2x10240x64xf32, #tpu.memory_space<hbm>> -> memref<1x128x64xf32, #tpu.memory_space<hbm>>
      %dma_start3A_78 = tpu.memref_squeeze %dma_start3A_77 : memref<1x128x64xf32, #tpu.memory_space<hbm>> -> memref<128x64xf32, #tpu.memory_space<hbm>>
      %dma_start3A_79 = arith.constant 0 : i32
      %dma_start3A_80 = tpu.memref_slice %arg10[%arg0, %add3A_66, %dma_start3A_79] : memref<2x10240x64xf32, #tpu.memory_space<hbm>> -> memref<1x128x64xf32, #tpu.memory_space<hbm>>
      %dma_start3A_81 = tpu.memref_squeeze %dma_start3A_80 : memref<1x128x64xf32, #tpu.memory_space<hbm>> -> memref<128x64xf32, #tpu.memory_space<hbm>>
      tpu.enqueue_dma source(%arg12 : memref<128x64xf32, #tpu.memory_space<vmem>>) target(%dma_start3A_81 : memref<128x64xf32, #tpu.memory_space<hbm>>) target_semaphore(%run_scoped3A : memref<!tpu.dma_semaphore, #tpu.memory_space<semaphore_mem>>)
      %dma_wait3A = arith.constant 0 : i32
      %dma_wait3A_82 = tpu.memref_slice %arg10[%arg0, %add3A_66, %dma_wait3A] : memref<2x10240x64xf32, #tpu.memory_space<hbm>> -> memref<1x128x64xf32, #tpu.memory_space<hbm>>
      %dma_wait3A_83 = tpu.memref_squeeze %dma_wait3A_82 : memref<1x128x64xf32, #tpu.memory_space<hbm>> -> memref<128x64xf32, #tpu.memory_space<hbm>>
      %dma_wait3A_84 = arith.constant 0 : i32
      %dma_wait3A_85 = tpu.memref_slice %arg10[%arg0, %add3A_66, %dma_wait3A_84] : memref<2x10240x64xf32, #tpu.memory_space<hbm>> -> memref<1x128x64xf32, #tpu.memory_space<hbm>>
      %dma_wait3A_86 = tpu.memref_squeeze %dma_wait3A_85 : memref<1x128x64xf32, #tpu.memory_space<hbm>> -> memref<128x64xf32, #tpu.memory_space<hbm>>
      tpu.wait_dma2 semaphore(%run_scoped3A : memref<!tpu.dma_semaphore, #tpu.memory_space<semaphore_mem>>) src(%arg12 : memref<128x64xf32, #tpu.memory_space<vmem>>) dst(%dma_wait3A_86 : memref<128x64xf32, #tpu.memory_space<hbm>>)
      tpu.yield
    }) : () -> ()
    %add3A_67 = arith.constant 0 : i32
    %add3A_68 = arith.addi %mul3A_0, %add3A_67 : i32
    "tpu.region"() ({
      %run_scoped3A = tpu.sem_alloc : memref<!tpu.dma_semaphore, #tpu.memory_space<semaphore_mem>>
      %dma_start3A = tpu.memref_slice %arg23[%add3A_68] : memref<10240xf32, #tpu.memory_space<vmem_shared>> -> memref<128xf32, #tpu.memory_space<vmem_shared>>
      %dma_start3A_77 = tpu.memref_slice %arg23[%add3A_68] : memref<10240xf32, #tpu.memory_space<vmem_shared>> -> memref<128xf32, #tpu.memory_space<vmem_shared>>
      tpu.enqueue_dma source(%dma_start3A_77 : memref<128xf32, #tpu.memory_space<vmem_shared>>) target(%arg14 : memref<128xf32, #tpu.memory_space<vmem>>) target_semaphore(%run_scoped3A : memref<!tpu.dma_semaphore, #tpu.memory_space<semaphore_mem>>)
      %dma_wait3A = tpu.memref_slice %arg23[%add3A_68] : memref<10240xf32, #tpu.memory_space<vmem_shared>> -> memref<128xf32, #tpu.memory_space<vmem_shared>>
      %dma_wait3A_78 = tpu.memref_slice %arg23[%add3A_68] : memref<10240xf32, #tpu.memory_space<vmem_shared>> -> memref<128xf32, #tpu.memory_space<vmem_shared>>
      tpu.wait_dma2 semaphore(%run_scoped3A : memref<!tpu.dma_semaphore, #tpu.memory_space<semaphore_mem>>) src(%dma_wait3A_78 : memref<128xf32, #tpu.memory_space<vmem_shared>>) dst(%arg14 : memref<128xf32, #tpu.memory_space<vmem>>)
      tpu.yield
    }) : () -> ()
    "tpu.region"() ({
      %run_scoped3A = tpu.sem_alloc : memref<!tpu.dma_semaphore, #tpu.memory_space<semaphore_mem>>
      %dma_start3A = tpu.memref_slice %arg11[%arg0, %add3A_68] : memref<2x10240xf32, #tpu.memory_space<hbm>> -> memref<1x128xf32, #tpu.memory_space<hbm>>
      %dma_start3A_77 = tpu.memref_squeeze %dma_start3A : memref<1x128xf32, #tpu.memory_space<hbm>> -> memref<128xf32, #tpu.memory_space<hbm>>
      %dma_start3A_78 = tpu.memref_slice %arg11[%arg0, %add3A_68] : memref<2x10240xf32, #tpu.memory_space<hbm>> -> memref<1x128xf32, #tpu.memory_space<hbm>>
      %dma_start3A_79 = tpu.memref_squeeze %dma_start3A_78 : memref<1x128xf32, #tpu.memory_space<hbm>> -> memref<128xf32, #tpu.memory_space<hbm>>
      tpu.enqueue_dma source(%arg14 : memref<128xf32, #tpu.memory_space<vmem>>) target(%dma_start3A_79 : memref<128xf32, #tpu.memory_space<hbm>>) target_semaphore(%run_scoped3A : memref<!tpu.dma_semaphore, #tpu.memory_space<semaphore_mem>>)
      %dma_wait3A = tpu.memref_slice %arg11[%arg0, %add3A_68] : memref<2x10240xf32, #tpu.memory_space<hbm>> -> memref<1x128xf32, #tpu.memory_space<hbm>>
      %dma_wait3A_80 = tpu.memref_squeeze %dma_wait3A : memref<1x128xf32, #tpu.memory_space<hbm>> -> memref<128xf32, #tpu.memory_space<hbm>>
      %dma_wait3A_81 = tpu.memref_slice %arg11[%arg0, %add3A_68] : memref<2x10240xf32, #tpu.memory_space<hbm>> -> memref<1x128xf32, #tpu.memory_space<hbm>>
      %dma_wait3A_82 = tpu.memref_squeeze %dma_wait3A_81 : memref<1x128xf32, #tpu.memory_space<hbm>> -> memref<128xf32, #tpu.memory_space<hbm>>
      tpu.wait_dma2 semaphore(%run_scoped3A : memref<!tpu.dma_semaphore, #tpu.memory_space<semaphore_mem>>) src(%arg14 : memref<128xf32, #tpu.memory_space<vmem>>) dst(%dma_wait3A_82 : memref<128xf32, #tpu.memory_space<hbm>>)
      tpu.yield
    }) : () -> ()
    %add3A_69 = arith.constant 128 : i32
    %add3A_70 = arith.addi %mul3A_0, %add3A_69 : i32
    "tpu.region"() ({
      %run_scoped3A = tpu.sem_alloc : memref<!tpu.dma_semaphore, #tpu.memory_space<semaphore_mem>>
      %dma_start3A = tpu.memref_slice %arg23[%add3A_70] : memref<10240xf32, #tpu.memory_space<vmem_shared>> -> memref<128xf32, #tpu.memory_space<vmem_shared>>
      %dma_start3A_77 = tpu.memref_slice %arg23[%add3A_70] : memref<10240xf32, #tpu.memory_space<vmem_shared>> -> memref<128xf32, #tpu.memory_space<vmem_shared>>
      tpu.enqueue_dma source(%dma_start3A_77 : memref<128xf32, #tpu.memory_space<vmem_shared>>) target(%arg14 : memref<128xf32, #tpu.memory_space<vmem>>) target_semaphore(%run_scoped3A : memref<!tpu.dma_semaphore, #tpu.memory_space<semaphore_mem>>)
      %dma_wait3A = tpu.memref_slice %arg23[%add3A_70] : memref<10240xf32, #tpu.memory_space<vmem_shared>> -> memref<128xf32, #tpu.memory_space<vmem_shared>>
      %dma_wait3A_78 = tpu.memref_slice %arg23[%add3A_70] : memref<10240xf32, #tpu.memory_space<vmem_shared>> -> memref<128xf32, #tpu.memory_space<vmem_shared>>
      tpu.wait_dma2 semaphore(%run_scoped3A : memref<!tpu.dma_semaphore, #tpu.memory_space<semaphore_mem>>) src(%dma_wait3A_78 : memref<128xf32, #tpu.memory_space<vmem_shared>>) dst(%arg14 : memref<128xf32, #tpu.memory_space<vmem>>)
      tpu.yield
    }) : () -> ()
    "tpu.region"() ({
      %run_scoped3A = tpu.sem_alloc : memref<!tpu.dma_semaphore, #tpu.memory_space<semaphore_mem>>
      %dma_start3A = tpu.memref_slice %arg11[%arg0, %add3A_70] : memref<2x10240xf32, #tpu.memory_space<hbm>> -> memref<1x128xf32, #tpu.memory_space<hbm>>
      %dma_start3A_77 = tpu.memref_squeeze %dma_start3A : memref<1x128xf32, #tpu.memory_space<hbm>> -> memref<128xf32, #tpu.memory_space<hbm>>
      %dma_start3A_78 = tpu.memref_slice %arg11[%arg0, %add3A_70] : memref<2x10240xf32, #tpu.memory_space<hbm>> -> memref<1x128xf32, #tpu.memory_space<hbm>>
      %dma_start3A_79 = tpu.memref_squeeze %dma_start3A_78 : memref<1x128xf32, #tpu.memory_space<hbm>> -> memref<128xf32, #tpu.memory_space<hbm>>
      tpu.enqueue_dma source(%arg14 : memref<128xf32, #tpu.memory_space<vmem>>) target(%dma_start3A_79 : memref<128xf32, #tpu.memory_space<hbm>>) target_semaphore(%run_scoped3A : memref<!tpu.dma_semaphore, #tpu.memory_space<semaphore_mem>>)
      %dma_wait3A = tpu.memref_slice %arg11[%arg0, %add3A_70] : memref<2x10240xf32, #tpu.memory_space<hbm>> -> memref<1x128xf32, #tpu.memory_space<hbm>>
      %dma_wait3A_80 = tpu.memref_squeeze %dma_wait3A : memref<1x128xf32, #tpu.memory_space<hbm>> -> memref<128xf32, #tpu.memory_space<hbm>>
      %dma_wait3A_81 = tpu.memref_slice %arg11[%arg0, %add3A_70] : memref<2x10240xf32, #tpu.memory_space<hbm>> -> memref<1x128xf32, #tpu.memory_space<hbm>>
      %dma_wait3A_82 = tpu.memref_squeeze %dma_wait3A_81 : memref<1x128xf32, #tpu.memory_space<hbm>> -> memref<128xf32, #tpu.memory_space<hbm>>
      tpu.wait_dma2 semaphore(%run_scoped3A : memref<!tpu.dma_semaphore, #tpu.memory_space<semaphore_mem>>) src(%arg14 : memref<128xf32, #tpu.memory_space<vmem>>) dst(%dma_wait3A_82 : memref<128xf32, #tpu.memory_space<hbm>>)
      tpu.yield
    }) : () -> ()
    %add3A_71 = arith.constant 256 : i32
    %add3A_72 = arith.addi %mul3A_0, %add3A_71 : i32
    "tpu.region"() ({
      %run_scoped3A = tpu.sem_alloc : memref<!tpu.dma_semaphore, #tpu.memory_space<semaphore_mem>>
      %dma_start3A = tpu.memref_slice %arg23[%add3A_72] : memref<10240xf32, #tpu.memory_space<vmem_shared>> -> memref<128xf32, #tpu.memory_space<vmem_shared>>
      %dma_start3A_77 = tpu.memref_slice %arg23[%add3A_72] : memref<10240xf32, #tpu.memory_space<vmem_shared>> -> memref<128xf32, #tpu.memory_space<vmem_shared>>
      tpu.enqueue_dma source(%dma_start3A_77 : memref<128xf32, #tpu.memory_space<vmem_shared>>) target(%arg14 : memref<128xf32, #tpu.memory_space<vmem>>) target_semaphore(%run_scoped3A : memref<!tpu.dma_semaphore, #tpu.memory_space<semaphore_mem>>)
      %dma_wait3A = tpu.memref_slice %arg23[%add3A_72] : memref<10240xf32, #tpu.memory_space<vmem_shared>> -> memref<128xf32, #tpu.memory_space<vmem_shared>>
      %dma_wait3A_78 = tpu.memref_slice %arg23[%add3A_72] : memref<10240xf32, #tpu.memory_space<vmem_shared>> -> memref<128xf32, #tpu.memory_space<vmem_shared>>
      tpu.wait_dma2 semaphore(%run_scoped3A : memref<!tpu.dma_semaphore, #tpu.memory_space<semaphore_mem>>) src(%dma_wait3A_78 : memref<128xf32, #tpu.memory_space<vmem_shared>>) dst(%arg14 : memref<128xf32, #tpu.memory_space<vmem>>)
      tpu.yield
    }) : () -> ()
    "tpu.region"() ({
      %run_scoped3A = tpu.sem_alloc : memref<!tpu.dma_semaphore, #tpu.memory_space<semaphore_mem>>
      %dma_start3A = tpu.memref_slice %arg11[%arg0, %add3A_72] : memref<2x10240xf32, #tpu.memory_space<hbm>> -> memref<1x128xf32, #tpu.memory_space<hbm>>
      %dma_start3A_77 = tpu.memref_squeeze %dma_start3A : memref<1x128xf32, #tpu.memory_space<hbm>> -> memref<128xf32, #tpu.memory_space<hbm>>
      %dma_start3A_78 = tpu.memref_slice %arg11[%arg0, %add3A_72] : memref<2x10240xf32, #tpu.memory_space<hbm>> -> memref<1x128xf32, #tpu.memory_space<hbm>>
      %dma_start3A_79 = tpu.memref_squeeze %dma_start3A_78 : memref<1x128xf32, #tpu.memory_space<hbm>> -> memref<128xf32, #tpu.memory_space<hbm>>
      tpu.enqueue_dma source(%arg14 : memref<128xf32, #tpu.memory_space<vmem>>) target(%dma_start3A_79 : memref<128xf32, #tpu.memory_space<hbm>>) target_semaphore(%run_scoped3A : memref<!tpu.dma_semaphore, #tpu.memory_space<semaphore_mem>>)
      %dma_wait3A = tpu.memref_slice %arg11[%arg0, %add3A_72] : memref<2x10240xf32, #tpu.memory_space<hbm>> -> memref<1x128xf32, #tpu.memory_space<hbm>>
      %dma_wait3A_80 = tpu.memref_squeeze %dma_wait3A : memref<1x128xf32, #tpu.memory_space<hbm>> -> memref<128xf32, #tpu.memory_space<hbm>>
      %dma_wait3A_81 = tpu.memref_slice %arg11[%arg0, %add3A_72] : memref<2x10240xf32, #tpu.memory_space<hbm>> -> memref<1x128xf32, #tpu.memory_space<hbm>>
      %dma_wait3A_82 = tpu.memref_squeeze %dma_wait3A_81 : memref<1x128xf32, #tpu.memory_space<hbm>> -> memref<128xf32, #tpu.memory_space<hbm>>
      tpu.wait_dma2 semaphore(%run_scoped3A : memref<!tpu.dma_semaphore, #tpu.memory_space<semaphore_mem>>) src(%arg14 : memref<128xf32, #tpu.memory_space<vmem>>) dst(%dma_wait3A_82 : memref<128xf32, #tpu.memory_space<hbm>>)
      tpu.yield
    }) : () -> ()
    %add3A_73 = arith.constant 384 : i32
    %add3A_74 = arith.addi %mul3A_0, %add3A_73 : i32
    "tpu.region"() ({
      %run_scoped3A = tpu.sem_alloc : memref<!tpu.dma_semaphore, #tpu.memory_space<semaphore_mem>>
      %dma_start3A = tpu.memref_slice %arg23[%add3A_74] : memref<10240xf32, #tpu.memory_space<vmem_shared>> -> memref<128xf32, #tpu.memory_space<vmem_shared>>
      %dma_start3A_77 = tpu.memref_slice %arg23[%add3A_74] : memref<10240xf32, #tpu.memory_space<vmem_shared>> -> memref<128xf32, #tpu.memory_space<vmem_shared>>
      tpu.enqueue_dma source(%dma_start3A_77 : memref<128xf32, #tpu.memory_space<vmem_shared>>) target(%arg14 : memref<128xf32, #tpu.memory_space<vmem>>) target_semaphore(%run_scoped3A : memref<!tpu.dma_semaphore, #tpu.memory_space<semaphore_mem>>)
      %dma_wait3A = tpu.memref_slice %arg23[%add3A_74] : memref<10240xf32, #tpu.memory_space<vmem_shared>> -> memref<128xf32, #tpu.memory_space<vmem_shared>>
      %dma_wait3A_78 = tpu.memref_slice %arg23[%add3A_74] : memref<10240xf32, #tpu.memory_space<vmem_shared>> -> memref<128xf32, #tpu.memory_space<vmem_shared>>
      tpu.wait_dma2 semaphore(%run_scoped3A : memref<!tpu.dma_semaphore, #tpu.memory_space<semaphore_mem>>) src(%dma_wait3A_78 : memref<128xf32, #tpu.memory_space<vmem_shared>>) dst(%arg14 : memref<128xf32, #tpu.memory_space<vmem>>)
      tpu.yield
    }) : () -> ()
    "tpu.region"() ({
      %run_scoped3A = tpu.sem_alloc : memref<!tpu.dma_semaphore, #tpu.memory_space<semaphore_mem>>
      %dma_start3A = tpu.memref_slice %arg11[%arg0, %add3A_74] : memref<2x10240xf32, #tpu.memory_space<hbm>> -> memref<1x128xf32, #tpu.memory_space<hbm>>
      %dma_start3A_77 = tpu.memref_squeeze %dma_start3A : memref<1x128xf32, #tpu.memory_space<hbm>> -> memref<128xf32, #tpu.memory_space<hbm>>
      %dma_start3A_78 = tpu.memref_slice %arg11[%arg0, %add3A_74] : memref<2x10240xf32, #tpu.memory_space<hbm>> -> memref<1x128xf32, #tpu.memory_space<hbm>>
      %dma_start3A_79 = tpu.memref_squeeze %dma_start3A_78 : memref<1x128xf32, #tpu.memory_space<hbm>> -> memref<128xf32, #tpu.memory_space<hbm>>
      tpu.enqueue_dma source(%arg14 : memref<128xf32, #tpu.memory_space<vmem>>) target(%dma_start3A_79 : memref<128xf32, #tpu.memory_space<hbm>>) target_semaphore(%run_scoped3A : memref<!tpu.dma_semaphore, #tpu.memory_space<semaphore_mem>>)
      %dma_wait3A = tpu.memref_slice %arg11[%arg0, %add3A_74] : memref<2x10240xf32, #tpu.memory_space<hbm>> -> memref<1x128xf32, #tpu.memory_space<hbm>>
      %dma_wait3A_80 = tpu.memref_squeeze %dma_wait3A : memref<1x128xf32, #tpu.memory_space<hbm>> -> memref<128xf32, #tpu.memory_space<hbm>>
      %dma_wait3A_81 = tpu.memref_slice %arg11[%arg0, %add3A_74] : memref<2x10240xf32, #tpu.memory_space<hbm>> -> memref<1x128xf32, #tpu.memory_space<hbm>>
      %dma_wait3A_82 = tpu.memref_squeeze %dma_wait3A_81 : memref<1x128xf32, #tpu.memory_space<hbm>> -> memref<128xf32, #tpu.memory_space<hbm>>
      tpu.wait_dma2 semaphore(%run_scoped3A : memref<!tpu.dma_semaphore, #tpu.memory_space<semaphore_mem>>) src(%arg14 : memref<128xf32, #tpu.memory_space<vmem>>) dst(%dma_wait3A_82 : memref<128xf32, #tpu.memory_space<hbm>>)
      tpu.yield
    }) : () -> ()
    %add3A_75 = arith.constant 512 : i32
    %add3A_76 = arith.addi %mul3A_0, %add3A_75 : i32
    "tpu.region"() ({
      %run_scoped3A = tpu.sem_alloc : memref<!tpu.dma_semaphore, #tpu.memory_space<semaphore_mem>>
      %dma_start3A = tpu.memref_slice %arg23[%add3A_76] : memref<10240xf32, #tpu.memory_space<vmem_shared>> -> memref<128xf32, #tpu.memory_space<vmem_shared>>
      %dma_start3A_77 = tpu.memref_slice %arg23[%add3A_76] : memref<10240xf32, #tpu.memory_space<vmem_shared>> -> memref<128xf32, #tpu.memory_space<vmem_shared>>
      tpu.enqueue_dma source(%dma_start3A_77 : memref<128xf32, #tpu.memory_space<vmem_shared>>) target(%arg14 : memref<128xf32, #tpu.memory_space<vmem>>) target_semaphore(%run_scoped3A : memref<!tpu.dma_semaphore, #tpu.memory_space<semaphore_mem>>)
      %dma_wait3A = tpu.memref_slice %arg23[%add3A_76] : memref<10240xf32, #tpu.memory_space<vmem_shared>> -> memref<128xf32, #tpu.memory_space<vmem_shared>>
      %dma_wait3A_78 = tpu.memref_slice %arg23[%add3A_76] : memref<10240xf32, #tpu.memory_space<vmem_shared>> -> memref<128xf32, #tpu.memory_space<vmem_shared>>
      tpu.wait_dma2 semaphore(%run_scoped3A : memref<!tpu.dma_semaphore, #tpu.memory_space<semaphore_mem>>) src(%dma_wait3A_78 : memref<128xf32, #tpu.memory_space<vmem_shared>>) dst(%arg14 : memref<128xf32, #tpu.memory_space<vmem>>)
      tpu.yield
    }) : () -> ()
    "tpu.region"() ({
      %run_scoped3A = tpu.sem_alloc : memref<!tpu.dma_semaphore, #tpu.memory_space<semaphore_mem>>
      %dma_start3A = tpu.memref_slice %arg11[%arg0, %add3A_76] : memref<2x10240xf32, #tpu.memory_space<hbm>> -> memref<1x128xf32, #tpu.memory_space<hbm>>
      %dma_start3A_77 = tpu.memref_squeeze %dma_start3A : memref<1x128xf32, #tpu.memory_space<hbm>> -> memref<128xf32, #tpu.memory_space<hbm>>
      %dma_start3A_78 = tpu.memref_slice %arg11[%arg0, %add3A_76] : memref<2x10240xf32, #tpu.memory_space<hbm>> -> memref<1x128xf32, #tpu.memory_space<hbm>>
      %dma_start3A_79 = tpu.memref_squeeze %dma_start3A_78 : memref<1x128xf32, #tpu.memory_space<hbm>> -> memref<128xf32, #tpu.memory_space<hbm>>
      tpu.enqueue_dma source(%arg14 : memref<128xf32, #tpu.memory_space<vmem>>) target(%dma_start3A_79 : memref<128xf32, #tpu.memory_space<hbm>>) target_semaphore(%run_scoped3A : memref<!tpu.dma_semaphore, #tpu.memory_space<semaphore_mem>>)
      %dma_wait3A = tpu.memref_slice %arg11[%arg0, %add3A_76] : memref<2x10240xf32, #tpu.memory_space<hbm>> -> memref<1x128xf32, #tpu.memory_space<hbm>>
      %dma_wait3A_80 = tpu.memref_squeeze %dma_wait3A : memref<1x128xf32, #tpu.memory_space<hbm>> -> memref<128xf32, #tpu.memory_space<hbm>>
      %dma_wait3A_81 = tpu.memref_slice %arg11[%arg0, %add3A_76] : memref<2x10240xf32, #tpu.memory_space<hbm>> -> memref<1x128xf32, #tpu.memory_space<hbm>>
      %dma_wait3A_82 = tpu.memref_squeeze %dma_wait3A_81 : memref<1x128xf32, #tpu.memory_space<hbm>> -> memref<128xf32, #tpu.memory_space<hbm>>
      tpu.wait_dma2 semaphore(%run_scoped3A : memref<!tpu.dma_semaphore, #tpu.memory_space<semaphore_mem>>) src(%arg14 : memref<128xf32, #tpu.memory_space<vmem>>) dst(%dma_wait3A_82 : memref<128xf32, #tpu.memory_space<hbm>>)
      tpu.yield
    }) : () -> ()
    return
  }
}

module attributes {stable_mosaic.version = 14 : i64} {
  func.func @_norms_tc_body(%arg0: i32, %arg1: memref<2x1024xf32, #tpu.memory_space<vmem>>, %arg2: memref<2x1024xf32, #tpu.memory_space<vmem>>, %arg3: memref<1024x128xf32, #tpu.memory_space<vmem>>, %arg4: memref<1024x64xf32, #tpu.memory_space<vmem>>, %arg5: memref<1024x64xf32, #tpu.memory_space<vmem>>, %arg6: memref<1024xf32, #tpu.memory_space<vmem>>, %arg7: memref<1024xf32, #tpu.memory_space<vmem>>) attributes {dimension_semantics = [#tpu.dimension_semantics<arbitrary>], iteration_bounds = array<i64: 10>, scalar_prefetch = 0 : i64, scratch_operands = 0 : i64, tpu.core_type = #tpu.core_type<tc>, window_params = [{transform_indices = @transform_0, window_bounds = array<i64: 2, 1024>}, {transform_indices = @transform_1, window_bounds = array<i64: 2, 1024>}, {transform_indices = @transform_2, window_bounds = array<i64: 1024, 128>}, {transform_indices = @transform_3, window_bounds = array<i64: 1024, 64>}, {transform_indices = @transform_4, window_bounds = array<i64: 1024, 64>}, {transform_indices = @transform_5, window_bounds = array<i64: 1024>}, {transform_indices = @transform_6, window_bounds = array<i64: 1024>}]} {
    %get3A = arith.constant 0 : index
    %get3A_0 = arith.constant 0 : index
    %get3A_1 = vector.load %arg1[%get3A, %get3A_0] : memref<2x1024xf32, #tpu.memory_space<vmem>>, vector<1x1024xf32>
    %get3A_2 = vector.shape_cast %get3A_1 : vector<1x1024xf32> to vector<1024xf32>
    %get3A_3 = arith.constant 1 : index
    %get3A_4 = arith.constant 0 : index
    %get3A_5 = vector.load %arg1[%get3A_3, %get3A_4] : memref<2x1024xf32, #tpu.memory_space<vmem>>, vector<1x1024xf32>
    %get3A_6 = vector.shape_cast %get3A_5 : vector<1x1024xf32> to vector<1024xf32>
    %add3A = arith.addf %get3A_2, %get3A_6 : vector<1024xf32>
    %get3A_7 = arith.constant 0 : index
    %get3A_8 = arith.constant 0 : index
    %get3A_9 = vector.load %arg2[%get3A_7, %get3A_8] : memref<2x1024xf32, #tpu.memory_space<vmem>>, vector<1x1024xf32>
    %get3A_10 = vector.shape_cast %get3A_9 : vector<1x1024xf32> to vector<1024xf32>
    %get3A_11 = arith.constant 1 : index
    %get3A_12 = arith.constant 0 : index
    %get3A_13 = vector.load %arg2[%get3A_11, %get3A_12] : memref<2x1024xf32, #tpu.memory_space<vmem>>, vector<1x1024xf32>
    %get3A_14 = vector.shape_cast %get3A_13 : vector<1x1024xf32> to vector<1024xf32>
    %add3A_15 = arith.addf %get3A_10, %get3A_14 : vector<1024xf32>
    %gt3A = arith.constant 0.000000e+00 : f32
    %gt3A_16 = vector.broadcast %gt3A : f32 to vector<1024xf32>
    %gt3A_17 = arith.cmpf ogt, %add3A, %gt3A_16 : vector<1024xf32>
    %max3A = arith.constant 9.99999996E-13 : f32
    %max3A_18 = vector.broadcast %max3A : f32 to vector<1024xf32>
    %max3A_19 = arith.maximumf %add3A, %max3A_18 : vector<1024xf32>
    %rsqrt3A = math.rsqrt %max3A_19 : vector<1024xf32>
    %jit3A = arith.constant 0.000000e+00 : f32
    %broadcast_in_dim3A = vector.broadcast %jit3A : f32 to vector<1024xf32>
    %select_n3A = arith.select %gt3A_17, %rsqrt3A, %broadcast_in_dim3A : vector<1024xi1>, vector<1024xf32>
    %gt3A_20 = arith.constant 0.000000e+00 : f32
    %gt3A_21 = vector.broadcast %gt3A_20 : f32 to vector<1024xf32>
    %gt3A_22 = arith.cmpf ogt, %add3A_15, %gt3A_21 : vector<1024xf32>
    %max3A_23 = arith.constant 9.99999996E-13 : f32
    %max3A_24 = vector.broadcast %max3A_23 : f32 to vector<1024xf32>
    %max3A_25 = arith.maximumf %add3A_15, %max3A_24 : vector<1024xf32>
    %rsqrt3A_26 = math.rsqrt %max3A_25 : vector<1024xf32>
    %jit3A_27 = arith.constant 0.000000e+00 : f32
    %broadcast_in_dim3A_28 = vector.broadcast %jit3A_27 : f32 to vector<1024xf32>
    %select_n3A_29 = arith.select %gt3A_22, %rsqrt3A_26, %broadcast_in_dim3A_28 : vector<1024xi1>, vector<1024xf32>
    %swap3A = arith.constant 0 : index
    %swap3A_30 = vector.load %arg6[%swap3A] : memref<1024xf32, #tpu.memory_space<vmem>>, vector<1024xf32>
    tpu.vector_store %arg6[%swap3A], %select_n3A {strides = array<i32>} : memref<1024xf32, #tpu.memory_space<vmem>>, vector<1024xf32>,
    %swap3A_31 = arith.constant 0 : index
    %swap3A_32 = vector.load %arg7[%swap3A_31] : memref<1024xf32, #tpu.memory_space<vmem>>, vector<1024xf32>
    tpu.vector_store %arg7[%swap3A_31], %select_n3A_29 {strides = array<i32>} : memref<1024xf32, #tpu.memory_space<vmem>>, vector<1024xf32>,
    %get3A_33 = arith.constant 0 : index
    %get3A_34 = arith.constant 0 : index
    %get3A_35 = vector.load %arg3[%get3A_33, %get3A_34] : memref<1024x128xf32, #tpu.memory_space<vmem>>, vector<1024x128xf32>
    %broadcast_in_dim3A_36 = vector.shape_cast %select_n3A : vector<1024xf32> to vector<1024x1xf32>
    %mul3A = vector.broadcast %broadcast_in_dim3A_36 : vector<1024x1xf32> to vector<1024x128xf32>
    %mul3A_37 = arith.mulf %get3A_35, %mul3A : vector<1024x128xf32>
    %slice3A = vector.extract_strided_slice %mul3A_37 {offsets = [0, 0], sizes = [1024, 64], strides = [1, 1]} : vector<1024x128xf32> to vector<1024x64xf32>
    %swap3A_38 = arith.constant 0 : index
    %swap3A_39 = arith.constant 0 : index
    %swap3A_40 = vector.load %arg4[%swap3A_38, %swap3A_39] : memref<1024x64xf32, #tpu.memory_space<vmem>>, vector<1024x64xf32>
    tpu.vector_store %arg4[%swap3A_38, %swap3A_39], %slice3A {strides = array<i32>} : memref<1024x64xf32, #tpu.memory_space<vmem>>, vector<1024x64xf32>,
    %slice3A_41 = vector.extract_strided_slice %mul3A_37 {offsets = [0, 64], sizes = [1024, 64], strides = [1, 1]} : vector<1024x128xf32> to vector<1024x64xf32>
    %swap3A_42 = arith.constant 0 : index
    %swap3A_43 = arith.constant 0 : index
    %swap3A_44 = vector.load %arg5[%swap3A_42, %swap3A_43] : memref<1024x64xf32, #tpu.memory_space<vmem>>, vector<1024x64xf32>
    tpu.vector_store %arg5[%swap3A_42, %swap3A_43], %slice3A_41 {strides = array<i32>} : memref<1024x64xf32, #tpu.memory_space<vmem>>, vector<1024x64xf32>,
    return
  }
  func.func @transform_0(%arg0: i32) -> (i32, i32) {
    %c0_i32 = arith.constant 0 : i32
    %c0_i32_0 = arith.constant 0 : i32
    return %c0_i32, %arg0 : i32, i32
  }
  func.func @transform_1(%arg0: i32) -> (i32, i32) {
    %c0_i32 = arith.constant 0 : i32
    %c0_i32_0 = arith.constant 0 : i32
    return %c0_i32, %arg0 : i32, i32
  }
  func.func @transform_2(%arg0: i32) -> (i32, i32) {
    %c0_i32 = arith.constant 0 : i32
    %c0_i32_0 = arith.constant 0 : i32
    return %arg0, %c0_i32 : i32, i32
  }
  func.func @transform_3(%arg0: i32) -> (i32, i32) {
    %c0_i32 = arith.constant 0 : i32
    %c0_i32_0 = arith.constant 0 : i32
    return %arg0, %c0_i32 : i32, i32
  }
  func.func @transform_4(%arg0: i32) -> (i32, i32) {
    %c0_i32 = arith.constant 0 : i32
    %c0_i32_0 = arith.constant 0 : i32
    return %arg0, %c0_i32 : i32, i32
  }
  func.func @transform_5(%arg0: i32) -> i32 {
    %c0_i32 = arith.constant 0 : i32
    return %arg0 : i32
  }
  func.func @transform_6(%arg0: i32) -> i32 {
    %c0_i32 = arith.constant 0 : i32
    return %arg0 : i32
  }
}

module attributes {stable_mosaic.version = 14 : i64} {
  func.func @_head_tc_body(%arg0: i32, %arg1: memref<2x1024x64xf32, #tpu.memory_space<vmem>>, %arg2: memref<2x1024x64xf32, #tpu.memory_space<vmem>>, %arg3: memref<2x1024xf32, #tpu.memory_space<vmem>>, %arg4: memref<1024xf32, #tpu.memory_space<vmem>>, %arg5: memref<1024xf32, #tpu.memory_space<vmem>>, %arg6: memref<128x128xf32, #tpu.memory_space<vmem>>, %arg7: memref<128xf32, #tpu.memory_space<vmem>>, %arg8: memref<128xf32, #tpu.memory_space<vmem>>, %arg9: memref<128x128xf32, #tpu.memory_space<vmem>>, %arg10: memref<128xf32, #tpu.memory_space<vmem>>, %arg11: memref<128x16xf32, #tpu.memory_space<vmem>>, %arg12: memref<16xf32, #tpu.memory_space<vmem>>, %arg13: memref<1x16xf32, #tpu.memory_space<vmem>>, %arg14: memref<1x128xf32, #tpu.memory_space<vmem>>) attributes {dimension_semantics = [#tpu.dimension_semantics<arbitrary>], iteration_bounds = array<i64: 10>, scalar_prefetch = 0 : i64, scratch_operands = 1 : i64, tpu.core_type = #tpu.core_type<tc>, window_params = [{transform_indices = @transform_0, window_bounds = array<i64: 2, 1024, 64>}, {transform_indices = @transform_1, window_bounds = array<i64: 2, 1024, 64>}, {transform_indices = @transform_2, window_bounds = array<i64: 2, 1024>}, {transform_indices = @transform_3, window_bounds = array<i64: 1024>}, {transform_indices = @transform_4, window_bounds = array<i64: 1024>}, {pipeline_mode = #tpu.pipeline_mode<synchronous>, transform_indices = @transform_5, window_bounds = array<i64: 128, 128>}, {pipeline_mode = #tpu.pipeline_mode<synchronous>, transform_indices = @transform_6, window_bounds = array<i64: 128>}, {pipeline_mode = #tpu.pipeline_mode<synchronous>, transform_indices = @transform_7, window_bounds = array<i64: 128>}, {pipeline_mode = #tpu.pipeline_mode<synchronous>, transform_indices = @transform_8, window_bounds = array<i64: 128, 128>}, {pipeline_mode = #tpu.pipeline_mode<synchronous>, transform_indices = @transform_9, window_bounds = array<i64: 128>}, {pipeline_mode = #tpu.pipeline_mode<synchronous>, transform_indices = @transform_10, window_bounds = array<i64: 128, 16>}, {pipeline_mode = #tpu.pipeline_mode<synchronous>, transform_indices = @transform_11, window_bounds = array<i64: 16>}, {pipeline_mode = #tpu.pipeline_mode<synchronous>, transform_indices = @transform_12, window_bounds = array<i64: 1, 16>}]} {
    %get3A = arith.constant 0 : index
    %get3A_0 = arith.constant 0 : index
    %get3A_1 = arith.constant 0 : index
    %get3A_2 = vector.load %arg1[%get3A, %get3A_0, %get3A_1] : memref<2x1024x64xf32, #tpu.memory_space<vmem>>, vector<1x1024x64xf32>
    %get3A_3 = vector.shape_cast %get3A_2 : vector<1x1024x64xf32> to vector<1024x64xf32>
    %get3A_4 = arith.constant 1 : index
    %get3A_5 = arith.constant 0 : index
    %get3A_6 = arith.constant 0 : index
    %get3A_7 = vector.load %arg1[%get3A_4, %get3A_5, %get3A_6] : memref<2x1024x64xf32, #tpu.memory_space<vmem>>, vector<1x1024x64xf32>
    %get3A_8 = vector.shape_cast %get3A_7 : vector<1x1024x64xf32> to vector<1024x64xf32>
    %add3A = arith.addf %get3A_3, %get3A_8 : vector<1024x64xf32>
    %get3A_9 = arith.constant 0 : index
    %get3A_10 = arith.constant 0 : index
    %get3A_11 = arith.constant 0 : index
    %get3A_12 = vector.load %arg2[%get3A_9, %get3A_10, %get3A_11] : memref<2x1024x64xf32, #tpu.memory_space<vmem>>, vector<1x1024x64xf32>
    %get3A_13 = vector.shape_cast %get3A_12 : vector<1x1024x64xf32> to vector<1024x64xf32>
    %get3A_14 = arith.constant 1 : index
    %get3A_15 = arith.constant 0 : index
    %get3A_16 = arith.constant 0 : index
    %get3A_17 = vector.load %arg2[%get3A_14, %get3A_15, %get3A_16] : memref<2x1024x64xf32, #tpu.memory_space<vmem>>, vector<1x1024x64xf32>
    %get3A_18 = vector.shape_cast %get3A_17 : vector<1x1024x64xf32> to vector<1024x64xf32>
    %add3A_19 = arith.addf %get3A_13, %get3A_18 : vector<1024x64xf32>
    %concatenate3A = tpu.concatenate %add3A, %add3A_19 in 1 : vector<1024x64xf32>, vector<1024x64xf32> -> vector<1024x128xf32>
    %get3A_20 = arith.constant 0 : index
    %get3A_21 = arith.constant 0 : index
    %get3A_22 = vector.load %arg6[%get3A_20, %get3A_21] : memref<128x128xf32, #tpu.memory_space<vmem>>, vector<128x128xf32>
    %dot_general3A = arith.constant dense<0.000000e+00> : vector<1024x128xf32>
    %dot_general3A_23 = tpu.matmul %concatenate3A, %get3A_22, %dot_general3A {dimension_numbers = #tpu.dot_dimension_numbers<[1], [0], [0], [1], [0, 0, 1, 1], [], []>, transpose_lhs_hint = false} : vector<1024x128xf32>, vector<128x128xf32>, vector<1024x128xf32> -> vector<1024x128xf32>
    %get3A_24 = arith.constant 0 : index
    %get3A_25 = vector.load %arg5[%get3A_24] : memref<1024xf32, #tpu.memory_space<vmem>>, vector<1024xf32>
    %broadcast_in_dim3A = vector.shape_cast %get3A_25 : vector<1024xf32> to vector<1024x1xf32>
    %mul3A = vector.broadcast %broadcast_in_dim3A : vector<1024x1xf32> to vector<1024x128xf32>
    %mul3A_26 = arith.mulf %mul3A, %dot_general3A_23 : vector<1024x128xf32>
    %get3A_27 = arith.constant 0 : index
    %get3A_28 = vector.load %arg7[%get3A_27] : memref<128xf32, #tpu.memory_space<vmem>>, vector<128xf32>
    %broadcast_in_dim3A_29 = vector.shape_cast %get3A_28 : vector<128xf32> to vector<1x128xf32>
    %add3A_30 = vector.broadcast %broadcast_in_dim3A_29 : vector<1x128xf32> to vector<1024x128xf32>
    %add3A_31 = arith.addf %mul3A_26, %add3A_30 : vector<1024x128xf32>
    %max3A = arith.constant 0.000000e+00 : f32
    %max3A_32 = vector.broadcast %max3A : f32 to vector<1024x128xf32>
    %max3A_33 = arith.maximumf %add3A_31, %max3A_32 : vector<1024x128xf32>
    %get3A_34 = arith.constant 0 : index
    %get3A_35 = arith.constant 0 : index
    %get3A_36 = vector.load %arg3[%get3A_34, %get3A_35] : memref<2x1024xf32, #tpu.memory_space<vmem>>, vector<1x1024xf32>
    %get3A_37 = vector.shape_cast %get3A_36 : vector<1x1024xf32> to vector<1024xf32>
    %get3A_38 = arith.constant 1 : index
    %get3A_39 = arith.constant 0 : index
    %get3A_40 = vector.load %arg3[%get3A_38, %get3A_39] : memref<2x1024xf32, #tpu.memory_space<vmem>>, vector<1x1024xf32>
    %get3A_41 = vector.shape_cast %get3A_40 : vector<1x1024xf32> to vector<1024xf32>
    %add3A_42 = arith.addf %get3A_37, %get3A_41 : vector<1024xf32>
    %get3A_43 = arith.constant 0 : index
    %get3A_44 = vector.load %arg4[%get3A_43] : memref<1024xf32, #tpu.memory_space<vmem>>, vector<1024xf32>
    %mul3A_45 = arith.mulf %add3A_42, %get3A_44 : vector<1024xf32>
    %mul3A_46 = arith.constant 1024 : i32
    %mul3A_47 = arith.muli %arg0, %mul3A_46 : i32
    %iota3A = tpu.iota {dimensions = array<i32: 1>} : vector<1x1024xi32>
    %iota3A_48 = vector.shape_cast %iota3A : vector<1x1024xi32> to vector<1024xi32>
    %add3A_49 = vector.broadcast %mul3A_47 : i32 to vector<1024xi32>
    %add3A_50 = arith.addi %add3A_49, %iota3A_48 : vector<1024xi32>
    %lt3A = arith.constant 10000 : i32
    %lt3A_51 = vector.broadcast %lt3A : i32 to vector<1024xi32>
    %lt3A_52 = arith.cmpi slt, %add3A_50, %lt3A_51 : vector<1024xi32>
    %jit3A = arith.constant 0.000000e+00 : f32
    %broadcast_in_dim3A_53 = vector.broadcast %jit3A : f32 to vector<1024xf32>
    %select_n3A = arith.select %lt3A_52, %mul3A_45, %broadcast_in_dim3A_53 : vector<1024xi1>, vector<1024xf32>
    %broadcast_in_dim3A_54 = vector.shape_cast %select_n3A : vector<1024xf32> to vector<1024x1xf32>
    %mul3A_55 = vector.broadcast %broadcast_in_dim3A_54 : vector<1024x1xf32> to vector<1024x128xf32>
    %mul3A_56 = arith.mulf %max3A_33, %mul3A_55 : vector<1024x128xf32>
    %reduce_sum3A = arith.constant dense<0.000000e+00> : vector<128xf32>
    %reduce_sum3A_57 = vector.multi_reduction <add>, %mul3A_56, %reduce_sum3A [0] : vector<1024x128xf32> to vector<128xf32>
    %broadcast_in_dim3A_58 = vector.shape_cast %reduce_sum3A_57 : vector<128xf32> to vector<1x128xf32>
    %eq3A = arith.constant 0 : i32
    %eq3A_59 = arith.cmpi eq, %arg0, %eq3A : i32
    %convert_element_type3A = arith.extui %eq3A_59 : i1 to i32
    %cond3A = arith.constant 0 : i32
    %cond3A_60 = arith.cmpi ne, %convert_element_type3A, %cond3A : i32
    scf.if %cond3A_60 {
      %swap3A = arith.constant 0 : index
      %swap3A_70 = arith.constant 0 : index
      %swap3A_71 = vector.load %arg14[%swap3A, %swap3A_70] : memref<1x128xf32, #tpu.memory_space<vmem>>, vector<1x128xf32>
      tpu.vector_store %arg14[%swap3A, %swap3A_70], %broadcast_in_dim3A_58 {strides = array<i32>} : memref<1x128xf32, #tpu.memory_space<vmem>>, vector<1x128xf32>,
    } else {
    }
    %gt3A = arith.constant 0 : i32
    %gt3A_61 = arith.cmpi sgt, %arg0, %gt3A : i32
    %convert_element_type3A_62 = arith.extui %gt3A_61 : i1 to i32
    %cond3A_63 = arith.constant 0 : i32
    %cond3A_64 = arith.cmpi ne, %convert_element_type3A_62, %cond3A_63 : i32
    scf.if %cond3A_64 {
      %get3A_70 = arith.constant 0 : index
      %get3A_71 = arith.constant 0 : index
      %get3A_72 = vector.load %arg14[%get3A_70, %get3A_71] : memref<1x128xf32, #tpu.memory_space<vmem>>, vector<1x128xf32>
      %add3A_73 = arith.addf %get3A_72, %broadcast_in_dim3A_58 : vector<1x128xf32>
      %swap3A = arith.constant 0 : index
      %swap3A_74 = arith.constant 0 : index
      %swap3A_75 = vector.load %arg14[%swap3A, %swap3A_74] : memref<1x128xf32, #tpu.memory_space<vmem>>, vector<1x128xf32>
      tpu.vector_store %arg14[%swap3A, %swap3A_74], %add3A_73 {strides = array<i32>} : memref<1x128xf32, #tpu.memory_space<vmem>>, vector<1x128xf32>,
    } else {
    }
    %eq3A_65 = arith.constant 9 : i32
    %eq3A_66 = arith.cmpi eq, %arg0, %eq3A_65 : i32
    %convert_element_type3A_67 = arith.extui %eq3A_66 : i1 to i32
    %cond3A_68 = arith.constant 0 : i32
    %cond3A_69 = arith.cmpi ne, %convert_element_type3A_67, %cond3A_68 : i32
    scf.if %cond3A_69 {
      %get3A_70 = arith.constant 0 : index
      %get3A_71 = vector.load %arg8[%get3A_70] : memref<128xf32, #tpu.memory_space<vmem>>, vector<128xf32>
      %jit3A_72 = arith.constant 0.000000e+00 : f32
      %jit3A_73 = arith.constant 1.000000e+00 : f32
      %max3A_74 = vector.broadcast %jit3A_72 : f32 to vector<128xf32>
      %max3A_75 = arith.maximumf %max3A_74, %get3A_71 : vector<128xf32>
      %min3A = vector.broadcast %jit3A_73 : f32 to vector<128xf32>
      %min3A_76 = arith.minimumf %min3A, %max3A_75 : vector<128xf32>
      %get3A_77 = arith.constant 0 : index
      %get3A_78 = arith.constant 0 : index
      %get3A_79 = vector.load %arg14[%get3A_77, %get3A_78] : memref<1x128xf32, #tpu.memory_space<vmem>>, vector<1x128xf32>
      %broadcast_in_dim3A_80 = vector.shape_cast %min3A_76 : vector<128xf32> to vector<1x128xf32>
      %mul3A_81 = arith.mulf %get3A_79, %broadcast_in_dim3A_80 : vector<1x128xf32>
      %mul3A_82 = arith.constant 9.99999974E-5 : f32
      %mul3A_83 = vector.broadcast %mul3A_82 : f32 to vector<1x128xf32>
      %mul3A_84 = arith.mulf %mul3A_81, %mul3A_83 : vector<1x128xf32>
      %get3A_85 = arith.constant 0 : index
      %get3A_86 = arith.constant 0 : index
      %get3A_87 = vector.load %arg9[%get3A_85, %get3A_86] : memref<128x128xf32, #tpu.memory_space<vmem>>, vector<128x128xf32>
      %dot_general3A_88 = arith.constant dense<0.000000e+00> : vector<1x128xf32>
      %dot_general3A_89 = tpu.matmul %mul3A_84, %get3A_87, %dot_general3A_88 {dimension_numbers = #tpu.dot_dimension_numbers<[1], [0], [0], [1], [0, 0, 1, 1], [], []>, transpose_lhs_hint = false} : vector<1x128xf32>, vector<128x128xf32>, vector<1x128xf32> -> vector<1x128xf32>
      %get3A_90 = arith.constant 0 : index
      %get3A_91 = vector.load %arg10[%get3A_90] : memref<128xf32, #tpu.memory_space<vmem>>, vector<128xf32>
      %broadcast_in_dim3A_92 = vector.shape_cast %get3A_91 : vector<128xf32> to vector<1x128xf32>
      %add3A_93 = arith.addf %dot_general3A_89, %broadcast_in_dim3A_92 : vector<1x128xf32>
      %get3A_94 = arith.constant 0 : index
      %get3A_95 = arith.constant 0 : index
      %get3A_96 = vector.load %arg11[%get3A_94, %get3A_95] : memref<128x16xf32, #tpu.memory_space<vmem>>, vector<128x16xf32>
      %dot_general3A_97 = arith.constant dense<0.000000e+00> : vector<1x16xf32>
      %dot_general3A_98 = tpu.matmul %add3A_93, %get3A_96, %dot_general3A_97 {dimension_numbers = #tpu.dot_dimension_numbers<[1], [0], [0], [1], [0, 0, 1, 1], [], []>, transpose_lhs_hint = false} : vector<1x128xf32>, vector<128x16xf32>, vector<1x16xf32> -> vector<1x16xf32>
      %get3A_99 = arith.constant 0 : index
      %get3A_100 = vector.load %arg12[%get3A_99] : memref<16xf32, #tpu.memory_space<vmem>>, vector<16xf32>
      %broadcast_in_dim3A_101 = vector.shape_cast %get3A_100 : vector<16xf32> to vector<1x16xf32>
      %add3A_102 = arith.addf %dot_general3A_98, %broadcast_in_dim3A_101 : vector<1x16xf32>
      %swap3A = arith.constant 0 : index
      %swap3A_103 = arith.constant 0 : index
      %swap3A_104 = vector.load %arg13[%swap3A, %swap3A_103] : memref<1x16xf32, #tpu.memory_space<vmem>>, vector<1x16xf32>
      tpu.vector_store %arg13[%swap3A, %swap3A_103], %add3A_102 {strides = array<i32>} : memref<1x16xf32, #tpu.memory_space<vmem>>, vector<1x16xf32>,
    } else {
    }
    return
  }
  func.func @transform_0(%arg0: i32) -> (i32, i32, i32) {
    %c0_i32 = arith.constant 0 : i32
    %c0_i32_0 = arith.constant 0 : i32
    %c0_i32_1 = arith.constant 0 : i32
    return %c0_i32, %arg0, %c0_i32_0 : i32, i32, i32
  }
  func.func @transform_1(%arg0: i32) -> (i32, i32, i32) {
    %c0_i32 = arith.constant 0 : i32
    %c0_i32_0 = arith.constant 0 : i32
    %c0_i32_1 = arith.constant 0 : i32
    return %c0_i32, %arg0, %c0_i32_0 : i32, i32, i32
  }
  func.func @transform_2(%arg0: i32) -> (i32, i32) {
    %c0_i32 = arith.constant 0 : i32
    %c0_i32_0 = arith.constant 0 : i32
    return %c0_i32, %arg0 : i32, i32
  }
  func.func @transform_3(%arg0: i32) -> i32 {
    %c0_i32 = arith.constant 0 : i32
    return %arg0 : i32
  }
  func.func @transform_4(%arg0: i32) -> i32 {
    %c0_i32 = arith.constant 0 : i32
    return %arg0 : i32
  }
  func.func @transform_5(%arg0: i32) -> (i32, i32) {
    %c0_i32 = arith.constant 0 : i32
    %c0_i32_0 = arith.constant 0 : i32
    %c0_i32_1 = arith.constant 0 : i32
    return %c0_i32, %c0_i32_0 : i32, i32
  }
  func.func @transform_6(%arg0: i32) -> i32 {
    %c0_i32 = arith.constant 0 : i32
    %c0_i32_0 = arith.constant 0 : i32
    return %c0_i32 : i32
  }
  func.func @transform_7(%arg0: i32) -> i32 {
    %c0_i32 = arith.constant 0 : i32
    %c0_i32_0 = arith.constant 0 : i32
    return %c0_i32 : i32
  }
  func.func @transform_8(%arg0: i32) -> (i32, i32) {
    %c0_i32 = arith.constant 0 : i32
    %c0_i32_0 = arith.constant 0 : i32
    %c0_i32_1 = arith.constant 0 : i32
    return %c0_i32, %c0_i32_0 : i32, i32
  }
  func.func @transform_9(%arg0: i32) -> i32 {
    %c0_i32 = arith.constant 0 : i32
    %c0_i32_0 = arith.constant 0 : i32
    return %c0_i32 : i32
  }
  func.func @transform_10(%arg0: i32) -> (i32, i32) {
    %c0_i32 = arith.constant 0 : i32
    %c0_i32_0 = arith.constant 0 : i32
    %c0_i32_1 = arith.constant 0 : i32
    return %c0_i32, %c0_i32_0 : i32, i32
  }
  func.func @transform_11(%arg0: i32) -> i32 {
    %c0_i32 = arith.constant 0 : i32
    %c0_i32_0 = arith.constant 0 : i32
    return %c0_i32 : i32
  }
  func.func @transform_12(%arg0: i32) -> (i32, i32) {
    %c0_i32 = arith.constant 0 : i32
    %c0_i32_0 = arith.constant 0 : i32
    %c0_i32_1 = arith.constant 0 : i32
    return %c0_i32, %c0_i32_0 : i32, i32
  }
}

</mosaic_0001>

<sc_bundles>
// kernel: kernel.6.cloned.1.call-start
scs
__scs_entry_jumppad:
0x0: {  	(pc) =	sbr.rel $0x88, $3  }
0x1: {  	(tag) =	ssettag $0x0;
	lr =	simm.s32 $0x1  }
0x2: {  	[smem:$0x3F98] =	sst lr;
	_ =	strace $0xD0000000  }
0x3: {  	_ = 	snop  }
0x4: {  	_ = 	snop  }
0x5: {  	_ = 	snop  }
0x6: {  	_ = 	snop  }
0x7: {  	_ = 	snop  }
__scs_overlays_trampoline_lowered:
0x8: {  	[smem:$0x3FA7] =	sst s0  }
0x9: {  	[smem:$0x3FA8] =	sst s1  }
0xa: {  	[smem:$0x3FA9] =	sst s2  }
0xb: {  	[smem:$0x3FAA] =	sst s3  }
0xc: {  	[smem:$0x3FAB] =	sst s4  }
0xd: {  	[smem:$0x3FAC] =	sst s5  }
0xe: {  	[smem:$0x3FAD] =	sst s6  }
0xf: {  	[smem:$0x3FAE] =	sst s7  }
0x10: {  	[smem:$0x3FAF] =	sst s8  }
0x11: {  	[smem:$0x3FB0] =	sst s9;
	s0 =	simm.s32 @!p0 $0x0  }
0x12: {  	s1 =	sld [smem:$0x3F96];
	s0 =	simm.s32 @p0 $0x1  }
0x13: {  	[smem:$0x3FB1] =	sst s0;
	s0 =	simm.s32 @!p1 $0x0  }
0x14: {  	s2 =	sld [smem:$0x3F95];
	s0 =	simm.s32 @p1 $0x1  }
0x15: {  	[smem:$0x3FB2] =	sst s0;
	s0 =	simm.s32 @!p2 $0x0  }
0x16: {  	s3 =	sld [smem:$0x3FDB];
	s0 =	simm.s32 @p2 $0x1  }
0x17: {  	s4 =	simm.s32 $0x1BF5;
	[smem:$0x3FB4] =	sst s0  }
0x18: {  	s0 =	sld [smem:$0x3F97];
	_ =	swait.ge [sflag:s4], $0x0  }
0x19: {  	s7 =	sld [smem:$0x3F98]  }
0x1a: {  	s8 =	sadd.s32 $0xFFFFE003, lr  }
0x1b: {  	s9 =	sadd.s32 $0xFFFFFEF7, lr;
	s5 =	simm.s32 $0xFFFFFFFF;
	p2 =	slt.u32 s8, $0xFFFFF086  }
0x1c: {  	p1 =	slt.u32 s9, $0xF7A;
	s5 =	simm.s32 @!p2 $0x0  }
0x1d: {  	s5 =	simm.s32 @p1 $0x1;
	p0 =	seq.s32 s7, s2  }
0x1e: {  	s7 =	smul.u32 @!p0 $0xF7A, s2;
	p2 =	seq.s32 @!p0 s5, $0x0  }
0x1f: {  	s9 =	smul.u32 $0xF7A, s1;
	s8 =	simm.s32 @!p0 $0x1BF5;
	p2 =	por !p2, p0  }
0x20: {  	[sflag:s8] =	ssyncset.s32 @!p0 $0xFFFFF086;
	s6 =	sadd.s32 @!p0 s3, s7;
	s7 =	simm.s32 @!p0 $0x108  }
0x21: {  	s3 =	sadd.s32 s3, s9;
	s6 =	sadd.s32 @!p0 $0x88, s6;
	s7 =	simm.s32 @p2 $0x1082  }
0x22: {  	[simem:s7], [sflag:s8] =	dma.local @!p0 [hbm:s6], $0xF7A  }
0x23: {  	s9 =	sor.u32 $0xD0000000, s2;
	s6 =	simm.s32 $0x108;
	_ =	swait.ge @!p0 [sflag:s8], $0x0  }
0x24: {  	s3 =	sadd.s32 $0x88, s3;
	s6 =	simm.s32 @!p1 $0x1082;
	[sflag:s4] =	ssyncset.s32 $0xFFFFF086  }
0x25: {  	[simem:s6], [sflag:s4] =	dma.local [hbm:s3], $0xF7A  }
0x26: {  	[smem:$0x3F98] =	sst s1;
	(tag) =	ssettag s2;
	_ =	strace s9  }
0x27: {  	s1 =	sld [smem:$0x3FA8]  }
0x28: {  	s2 =	sld [smem:$0x3FA9]  }
0x29: {  	s4 =	sld [smem:$0x3FAB]  }
0x2a: {  	p0 =	seq.s32 s5, $0x0;
	s5 =	sld [smem:$0x3FAC]  }
0x2b: {  	s6 =	sld [smem:$0x3FAD]  }
0x2c: {  	s7 =	sld [smem:$0x3FAE]  }
0x2d: {  	s3 =	simm.s32 $0x108;
	s8 =	sld [smem:$0x3FAF]  }
0x2e: {  	s3 =	simm.s32 @!p0 $0x1082;
	s9 =	sld [smem:$0x3FB0]  }
0x2f: {  	lr =	sadd.s32 s0, s3;
	s0 =	sld [smem:$0x3FA7]  }
0x30: {  	s3 =	sld [smem:$0x3FAA]  }
0x31: {  	[smem:$0x3FB3] =	sst s10  }
0x32: {  	s10 =	sld [smem:$0x3FB1];
	_ =	sdelay $0x3  }
0x33: {  	p0 =	seq.s32 s10, $0x1;
	s10 =	sld [smem:$0x3FB3];
	_ =	sdelay $0x3  }
0x34: {  	[smem:$0x3FB3] =	sst s10  }
0x35: {  	s10 =	sld [smem:$0x3FB2];
	_ =	sdelay $0x3  }
0x36: {  	p1 =	seq.s32 s10, $0x1;
	s10 =	sld [smem:$0x3FB3];
	_ =	sdelay $0x3  }
0x37: {  	[smem:$0x3FB3] =	sst s10  }
0x38: {  	s10 =	sld [smem:$0x3FB4]  }
0x39: {  	_ = 	snop;
	(pc) =	sbr.ind lr, $3  }
0x3a: {  	_ = 	snop  }
0x3b: {  	_ = 	snop  }
0x3c: {  	p2 =	seq.s32 s10, $0x1;
	s10 =	sld [smem:$0x3FB3]  }
0x3d: {  	_ =	shalt  }
0x3e: {  	_ =	shalt  }
0x3f: {  	_ =	shalt  }
0x40: {  	_ =	shalt  }
0x41: {  	_ =	shalt  }
0x42: {  	_ =	shalt  }
0x43: {  	_ =	shalt  }
0x44: {  	_ =	shalt  }
0x45: {  	_ =	shalt  }
0x46: {  	_ =	shalt  }
0x47: {  	_ =	shalt  }
0x48: {  	_ =	shalt  }
0x49: {  	_ =	shalt  }
0x4a: {  	_ =	shalt  }
0x4b: {  	_ =	shalt  }
0x4c: {  	_ =	shalt  }
0x4d: {  	_ =	shalt  }
0x4e: {  	_ =	shalt  }
0x4f: {  	_ =	shalt  }
0x50: {  	_ =	shalt  }
0x51: {  	_ =	shalt  }
0x52: {  	_ =	shalt  }
0x53: {  	_ =	shalt  }
0x54: {  	_ =	shalt  }
0x55: {  	_ =	shalt  }
0x56: {  	_ =	shalt  }
0x57: {  	_ =	shalt  }
0x58: {  	_ =	shalt  }
0x59: {  	_ =	shalt  }
0x5a: {  	_ =	shalt  }
0x5b: {  	_ =	shalt  }
0x5c: {  	_ =	shalt  }
0x5d: {  	_ =	shalt  }
0x5e: {  	_ =	shalt  }
0x5f: {  	_ =	shalt  }
0x60: {  	_ =	shalt  }
0x61: {  	_ =	shalt  }
0x62: {  	_ =	shalt  }
0x63: {  	_ =	shalt  }
0x64: {  	_ =	shalt  }
0x65: {  	_ =	shalt  }
0x66: {  	_ =	shalt  }
0x67: {  	_ =	shalt  }
0x68: {  	_ =	shalt  }
0x69: {  	_ =	shalt  }
0x6a: {  	_ =	shalt  }
0x6b: {  	_ =	shalt  }
0x6c: {  	_ =	shalt  }
0x6d: {  	_ =	shalt  }
0x6e: {  	_ =	shalt  }
0x6f: {  	_ =	shalt  }
0x70: {  	_ =	shalt  }
0x71: {  	_ =	shalt  }
0x72: {  	_ =	shalt  }
0x73: {  	_ =	shalt  }
0x74: {  	_ =	shalt  }
0x75: {  	_ =	shalt  }
0x76: {  	_ =	shalt  }
0x77: {  	_ =	shalt  }
0x78: {  	_ =	shalt  }
0x79: {  	_ =	shalt  }
0x7a: {  	_ =	shalt  }
0x7b: {  	_ =	shalt  }
0x7c: {  	_ =	shalt  }
0x7d: {  	_ =	shalt  }
0x7e: {  	_ =	shalt  }
0x7f: {  	_ =	shalt  }
0x80: {  	_ =	shalt  }
0x81: {  	_ =	shalt  }
0x82: {  	_ =	shalt  }
0x83: {  	_ =	shalt  }
0x84: {  	_ =	shalt  }
0x85: {  	_ =	shalt  }
0x86: {  	_ =	shalt  }
0x87: {  	_ =	shalt  }
.Lfunc_end0:
.L_simem_size_0:
called_computation_lowered:
.L_overlay_start_0:
0x88: {  	s2 =	sld [smem:$0x3FD9]  }
0x89: {  	s3 =	sld [smem:$0x3FFE];
	_ =	sdelay $0x1  }
0x8a: {  	s1 =	srdreg.scid  }
0x8b: {  	s0 =	sand.u32 $0x1, s1  }
0x8c: {  	s16 =	sshll.u32 s0, $0xA;
	s2 =	sadd.s32 s3, s2  }
0x8d: {  	s2 =	sadd.s32 s2, s16  }
0x8e: {  	[smem:$0x3FBF] =	sst s2  }
0x8f: {  	_ = 	snop  }
0x90: {  	(tm) =	ssettm $0x1  }
0x91: {  	s17 =	sld [smem:$0x3FFB];
	_ =	sdelay $0x3  }
0x92: {  	_ =	strace s17  }
0x93: {  	s2 =	sld [smem:$0x3FFC];
	_ =	sdelay $0x3  }
0x94: {  	_ =	strace s2  }
0x95: {  	s2 =	sld [smem:$0x3FFD];
	_ =	sdelay $0x3  }
0x96: {  	_ =	strace s2  }
0x97: {  	_ =	strace $0x8FFFFFFF  }
0x98: {  	s18 =	sld [smem:$0x3FDB];
	_ =	sdelay $0x1  }
0x99: {  	s19 =	simm.s32 $_scs_section_size  }
0x9a: {  	s4 =	simm.s32 $_size__tile_overlayer_lowered;
	s5 =	simm.s32 $_tile_overlayer_lowered  }
0x9b: {  	s22 =	simm.s32 $0x1BFF;
	s21 =	sshll.u32 s5, $0x1;
	s2 =	sadd.s32 s19, s18  }
0x9c: {  	s6 =	simm.s32 $0x0;
	s20 =	sshll.u32 s4, $0x1;
	s4 =	sadd.s32 s21, s2  }
0x9d: {  	[timem:s6], [sflag:s22] =	dma.local [hbm:s4], s20  }
0x9e: {  	_ =	swait.ge [sflag:s22], s20  }
0x9f: {  	s3 =	ssub.s32 $0x0, s20;
	[sflag:s22] =	ssyncset.done $0x0  }
0xa0: {  	[sflag:s22] =	ssyncadd.s32 s3;
	_ =	sdelay $0x1  }
0xa1: {  	s23 =	simm.s32 $0x1B8B  }
0xa2: {  	_ =	swait.ge [sflag:s23], $0x1  }
0xa3: {  	[sflag:s23] =	ssyncset.done $0x0  }
0xa4: {  	s25 =	simm.s32 $0x1B8E;
	s24 =	sld [smem:$0x3FFE];
	[sflag:s23] =	ssyncadd.s32 $0xFFFFFFFF  }
0xa5: {  	s26 =	simm.s32 $execute0_lowered;
	[smem:$0x3FD2] =	sst s25  }
0xa6: {  	s4 =	sshll.u32 s26, $0x1;
	_ =	strace $0x80000046;
	[dreg:$0x1] =	wrdreg $0xFFFFFFFF  }
0xa7: {  	s28 =	simm.s32 $_size_execute0_lowered;
	s2 =	sadd.s32 s2, s4;
	[dreg:$0x0] =	wrdreg $0x0  }
0xa8: {  	s4 =	sshll.u32 s28, $0x1;
	[dreg:$0x2] =	wrdreg s2  }
0xa9: {  	[dreg:$0x3] =	wrdreg s4  }
0xaa: {  	[dreg:$0x4] =	wrdreg $0xC0  }
0xab: {  	_ =	task [dreg:s6], $0x5FFFF  }
0xac: {  	[dreg:$0x1] =	wrdreg $0xFFFFFFFF  }
0xad: {  	[dreg:$0x0] =	wrdreg $0x60  }
0xae: {  	[dreg:$0x2] =	wrdreg s24  }
0xaf: {  	[dreg:$0x3] =	wrdreg $0x53000  }
0xb0: {  	[dreg:$0x4] =	wrdreg $0x55800  }
0xb1: {  	[dreg:$0x5] =	wrdreg $0x9  }
0xb2: {  	_ =	task.clear_ibuf [dreg:s6], $0x6FFFF;
	_ =	strace $0x90000046  }
0xb3: {  	s29 =	simm.s32 $0x9;
	_ =	strace $0x80000048  }
0xb4: {  	_ =	swait.ge [sflag:s29], $0x1  }
0xb5: {  	[sflag:s29] =	ssyncadd.s32 $0xFFFFFFFF  }
0xb6: {  	_ =	strace $0x90000048  }
0xb7: {  	_ =	sfence  }
0xb8: {  	s30 =	sld [smem:$0x0];
	_ =	sdelay $0x2  }
0xb9: {  	s31 =	sshll.u32 s1, $0xD;
	s1 =	sshrl.u32 s1, $0x2  }
0xba: {  	s3 =	sand.u32 $0x4000, s31;
	s1 =	sadd.s32 s1, s30  }
0xbb: {  	s0 =	sor.u32 s3, s0;
	s1 =	sshll.u32 s1, $0x11  }
0xbc: {  	s0 =	sor.u32 s1, s0  }
0xbd: {  	s0 =	sadd.s32 $0x8F2B, s0  }
0xbe: {  	[sflag:s0] =	ssyncadd.remote.s32 $0x1  }
0xbf: {  	_ =	sfence.sel $0xFFFF  }
0xc0: {  	[dreg:$0x0] =	wrdreg $0xFFFFFFFF;
	(pc) =	sbr.abs _section_cstart, $3  }
0xc1: {  	[dreg:$0x1] =	wrdreg $0xFFFFFFFF  }
0xc2: {  	_ =	task.clear_ibuf [dreg:s6], $0x2FFFF;
	_ =	strace $0x9FFFFFFF  }
0xc3: {  	(tm) =	ssettm $0x7FFFFFFF  }
tec
execute0_lowered:
.L_overlay_start_1:
0x0: {  	(tag) =	ssettag $0x1  }
0x1: {  	s5 =	rddreg [dreg:$0x0]  }
0x2: {  	s1 =	srdreg.scid;
	s2 =	rddreg [dreg:$0x1]  }
0x3: {  	s0 =	stileid.u32;
	s3 =	rddreg [dreg:$0x2]  }
0x4: {  	s4 =	simm.s32 $0x0;
	s14 =	simm.s32 $0x2800;
	s15 =	simm.s32 $0x5080  }
0x5: {  	s16 =	simm.s32 $0x80;
	s17 =	simm.s32 $0x5000;
	s18 =	simm.s32 $0x1  }
0x6: {  	s19 =	simm.s32 $0x100;
	s20 =	simm.s32 $0x0;
	s6 =	sand.u32 $0x1, s1  }
0x7: {  	s29 =	sshll.u32 s0, $0x1;
	s9 =	smul.u32 $0x280, s0;
	[smem:$0x7FF] =	sst s4  }
0x8: {  	s8 =	smul.u32 $0x500, s0;
	s1 =	sor.u32 s6, s29;
	s10 =	sshll.u32 s6, $0x7  }
0x9: {  	s6 =	ssub.s32 $0x2, s6;
	s7 =	smul.u32 $0x500, s1;
	s1 =	rddreg [dreg:$0x3]  }
0xa: {  	_ =	strace $0x80000047;
	s11 =	sshrl.u32 s9, $0x3;
	s8 =	sor.u32 s10, s8  }
0xb: {  	s31 =	sshrl.u32 s6, $0x1;
	s30 =	sadd.s32 s11, s5;
	s8 =	sshrl.u32 s8, $0x3  }
0xc: {  	s13 =	ssub.s32 s6, s31;
	s7 =	sadd.s32 s7, s5;
	s12 =	sadd.s32 s8, s5  }
0xd: {  	s8 =	sadd.s32 s9, s2;
	s9 =	sadd.s32 s9, s3;
	s5 =	sadd.s32 $0xCE00, s7  }
0xe: {  	s6 =	sadd.s32 $0x2E00, s7;
	s7 =	sadd.s32 $0x2AE00, s30;
	s10 =	sadd.s32 $0x2B400, s12  }
0xf: {  	v0 =	vimm.f32 $1.000000000e+00;
	s11 =	sadd.s32 $0x2BE00, s12;
	s12 =	smax.u32 s13, $0x1;
	s13 =	simm.s32 $0x2  }
.LBB2_1:
0x10: {  	[tilespmem:s4], [sflag:$0x2] =	stream.linear.gather [hbm4b:s5+s4], $0x2800, $0x38;
	[tilespmem:$0x5800] =	vst v63  }
0x11: {  	_ =	swait.ge [sflag:s13], $0x2800  }
0x12: {  	[sflag:s13] =	ssyncset.done $0x0  }
0x13: {  	[sflag:s13] =	ssyncadd.s32 $0xFFFFD800  }
0x14: {  	[tilespmem:s14], [sflag:$0x2] =	stream.linear.gather [hbm4b:s6+s4], $0x2800, $0x38;
	[tilespmem:$0x5800] =	vst v63  }
0x15: {  	_ =	swait.ge [sflag:s13], $0x2800  }
0x16: {  	[sflag:s13] =	ssyncset.done $0x0  }
0x17: {  	[sflag:s13] =	ssyncadd.s32 $0xFFFFD800  }
0x18: {  	[tilespmem:s15], [sflag:$0x2] =	stream.linear.gather [hbm4b:s7+s4], $0x280, $0x38;
	[tilespmem:$0x5800] =	vst v63  }
0x19: {  	_ =	swait.ge [sflag:s13], $0x280  }
0x1a: {  	[sflag:s13] =	ssyncset.done $0x0  }
0x1b: {  	[sflag:s13] =	ssyncadd.s32 $0xFFFFFD80  }
0x1c: {  	[spmem:s8] =	stream.linear.scatter [tilespmem:s15], [sflag:$0x2], $0x280, $0x38;
	[tilespmem:$0x5800] =	vst v63  }
0x1d: {  	_ =	swait.ge [sflag:s13], $0x280  }
0x1e: {  	[sflag:s13] =	ssyncset.done $0x0  }
0x1f: {  	[sflag:s13] =	ssyncadd.s32 $0xFFFFFD80  }
0x20: {  	[spmem:s9] =	stream.linear.scatter [tilespmem:s15], [sflag:$0x2], $0x280, $0x38;
	[tilespmem:$0x5800] =	vst v63  }
0x21: {  	_ =	swait.ge [sflag:s13], $0x280  }
0x22: {  	[sflag:s13] =	ssyncset.done $0x0  }
0x23: {  	[sflag:s13] =	ssyncadd.s32 $0xFFFFFD80  }
0x24: {  	[tilespmem:$0x5000] =	vst v0  }
0x25: {  	[tilespmem:$0x5010] =	vst v0  }
0x26: {  	[tilespmem:$0x5020] =	vst v0  }
0x27: {  	[tilespmem:$0x5030] =	vst v0  }
0x28: {  	[tilespmem:$0x5040] =	vst v0  }
0x29: {  	[tilespmem:$0x5050] =	vst v0  }
0x2a: {  	[tilespmem:$0x5060] =	vst v0  }
0x2b: {  	[tilespmem:$0x5070] =	vst v0  }
0x2c: {  	s21 =	simm.s32 $0x0;
	[bflag:$0x0] =	sbarrier.arrive $0xFFFF  }
0x2d: {  	[spmem:s2] =	stream.indirect.scatter.add.f32 [tilespmem:s17], [sflag:$0x1], $0x1, s21, s16, $0xb8;
	[tilespmem:$0x5800] =	vst v63  }
0x2e: {  	s22 =	simm.s32 $0x2800;
	s21 =	simm.s32 $0x200  }
.LBB2_2:
0x2f: {  	[spmem:s3] =	stream.indirect.scatter.add.f32 [tilespmem:s17], [sflag:$0x1], $0x1, s22, s16, $0xb8;
	[tilespmem:$0x5800] =	vst v63  }
0x30: {  	s22 =	smov.u32 s21;
	p0 =	sne.s32 s21, $0x9E00  }
.Ltmp0:
0x31: {  	s21 =	sadd.s32 $0x200, s21;
	(pc) =	sbr.rel @p0 .LBB2_2-.Ltmp0, $4  }
0x32: {  	_ = 	snop  }
0x33: {  	s22 =	sshra.s32 s22, $0x2  }
0x34: {  	[spmem:s2] =	stream.indirect.scatter.add.f32 [tilespmem:s17], [sflag:$0x1], $0x1, s22, s16, $0xb8;
	[tilespmem:$0x5800] =	vst v63  }
0x35: {  	s22 =	sadd.s32 $0x2800, s22  }
0x36: {  	[spmem:s3] =	stream.indirect.scatter.add.f32 [tilespmem:s17], [sflag:$0x1], $0x1, s22, s16, $0xb8;
	[tilespmem:$0x5800] =	vst v63  }
0x37: {  	_ =	swait.ge [sflag:s18], $0x80  }
0x38: {  	[sflag:s18] =	ssyncset.done $0x0  }
0x39: {  	[sflag:s18] =	ssyncadd.s32 $0xFFFFFF80  }
0x3a: {  	_ =	swait.ge [sflag:s18], $0x80  }
0x3b: {  	s21 =	simm.s32 $0x4F;
	[sflag:s18] =	ssyncset.done $0x0  }
.LBB2_4:
0x3c: {  	p0 =	sne.s32 s21, $0x1;
	s21 =	sadd.s32 $0xFFFFFFFF, s21;
	[sflag:s18] =	ssyncadd.s32 $0xFFFFFF80  }
.Ltmp1:
0x3d: {  	_ =	swait.ge [sflag:s18], $0x80;
	(pc) =	sbr.rel @p0 .LBB2_4-.Ltmp1, $4  }
0x3e: {  	[sflag:s18] =	ssyncset.done $0x0  }
0x3f: {  	[sflag:s18] =	ssyncadd.s32 $0xFFFFFF80  }
0x40: {  	_ =	swait.ge [sflag:s18], $0x80  }
0x41: {  	[sflag:s18] =	ssyncset.done $0x0  }
0x42: {  	[sflag:s18] =	ssyncadd.s32 $0xFFFFFF80  }
0x43: {  	[bflag:$0x0] =	sbarrier.arrive $0xFFFF  }
0x44: {  	[tilespmem:s15], [sflag:$0x2] =	stream.linear.gather [spmem:s8], $0x280, $0x38;
	[tilespmem:$0x5800] =	vst v63  }
0x45: {  	_ =	swait.ge [sflag:s13], $0x280  }
0x46: {  	[sflag:s13] =	ssyncset.done $0x0  }
0x47: {  	[sflag:s13] =	ssyncadd.s32 $0xFFFFFD80  }
0x48: {  	[hbm4b:s10+s16] =	stream.strided.scatter [tilespmem:s15], [sflag:$0x2], $0x280, s19, s16, $0x38;
	[tilespmem:$0x5800] =	vst v63  }
0x49: {  	_ =	swait.ge [sflag:s13], $0x280  }
0x4a: {  	[sflag:s13] =	ssyncset.done $0x0  }
0x4b: {  	[sflag:s13] =	ssyncadd.s32 $0xFFFFFD80  }
0x4c: {  	[tilespmem:s15], [sflag:$0x2] =	stream.linear.gather [spmem:s9], $0x280, $0x38;
	[tilespmem:$0x5800] =	vst v63  }
0x4d: {  	s20 =	sadd.s32 $0x1, s20;
	_ =	swait.ge [sflag:s13], $0x280  }
0x4e: {  	p0 =	sne.s32 s20, s12;
	[sflag:s13] =	ssyncset.done $0x0  }
.Ltmp2:
0x4f: {  	[sflag:s13] =	ssyncadd.s32 $0xFFFFFD80;
	(pc) =	sbr.rel @p0 .LBB2_1-.Ltmp2, $4  }
0x50: {  	[hbm4b:s11+s16] =	stream.strided.scatter [tilespmem:s15], [sflag:$0x2], $0x280, s19, s16, $0x38;
	[tilespmem:$0x5800] =	vst v63  }
0x51: {  	_ =	swait.ge [sflag:s13], $0x280  }
0x52: {  	[sflag:s13] =	ssyncset.done $0x0  }
0x53: {  	[sflag:s13] =	ssyncadd.s32 $0xFFFFFD80  }
0x54: {  	_ =	sfence.sel $0x180000  }
0x55: {  	[bflag:$0x0] =	sbarrier.arrive $0xFFFF  }
0x56: {  	p0 =	sne.s32 s0, $0x0;
	_ =	strace $0x90000047  }
0x57: {  	s0 =	sadd.s32 @!p0 $0x100000, s1;
	[bflag:$0x2] =	sbarrier.arrive $0xFFFF  }
0x58: {  	[sflag:s0] =	ssyncadd.tile.s32 @!p0 $0x1;
	_ =	shalt  }
.Lfunc_end2:
_tile_overlayer_lowered:
.L_overlay_start_2:
0x59: {  	(tag) =	ssettag $0x2  }
0x5a: {  	s0 =	rddreg [dreg:$0x0];
	s2 =	stileid.u32  }
0x5b: {  	s1 =	rddreg [dreg:$0x1];
	p0 =	sne.s32 s2, $0x0  }
0x5c: {  	s3 =	rddreg [dreg:$0x2];
	[bflag:$0x3] =	sbarrier.arrive $0xFFFF;
	s2 =	simm.s32 @!p0 $0x1C02  }
0x5d: {  	[timem:s3], [sflag:s2] =	dma.local @!p0 [hbm:s0], s1  }
0x5e: {  	s0 =	simm.s32 @!p0 $0x2  }
0x5f: {  	_ =	swait.ge @!p0 [sflag:s0], s1  }
0x60: {  	s1 =	ssub.s32 @!p0 $0x0, s1;
	[sflag:s0] =	ssyncset.done @!p0 $0x0  }
0x61: {  	[sflag:s0] =	ssyncadd.s32 @!p0 s1  }
0x62: {  	[bflag:$0x3] =	sbarrier.arrive $0xFFFF  }
0x63: {  	_ =	shalt  }

// kernel: kernel.9.cloned.1.call-start
scs
__scs_entry_jumppad:
0x0: {  	(pc) =	sbr.rel $0x88, $3  }
0x1: {  	(tag) =	ssettag $0x0;
	lr =	simm.s32 $0x1  }
0x2: {  	[smem:$0x3F98] =	sst lr;
	_ =	strace $0xD0000000  }
0x3: {  	_ = 	snop  }
0x4: {  	_ = 	snop  }
0x5: {  	_ = 	snop  }
0x6: {  	_ = 	snop  }
0x7: {  	_ = 	snop  }
__scs_overlays_trampoline_lowered:
0x8: {  	[smem:$0x3FA7] =	sst s0  }
0x9: {  	[smem:$0x3FA8] =	sst s1  }
0xa: {  	[smem:$0x3FA9] =	sst s2  }
0xb: {  	[smem:$0x3FAA] =	sst s3  }
0xc: {  	[smem:$0x3FAB] =	sst s4  }
0xd: {  	[smem:$0x3FAC] =	sst s5  }
0xe: {  	[smem:$0x3FAD] =	sst s6  }
0xf: {  	[smem:$0x3FAE] =	sst s7  }
0x10: {  	[smem:$0x3FAF] =	sst s8  }
0x11: {  	[smem:$0x3FB0] =	sst s9;
	s0 =	simm.s32 @!p0 $0x0  }
0x12: {  	s1 =	sld [smem:$0x3F96];
	s0 =	simm.s32 @p0 $0x1  }
0x13: {  	[smem:$0x3FB1] =	sst s0;
	s0 =	simm.s32 @!p1 $0x0  }
0x14: {  	s2 =	sld [smem:$0x3F95];
	s0 =	simm.s32 @p1 $0x1  }
0x15: {  	[smem:$0x3FB2] =	sst s0;
	s0 =	simm.s32 @!p2 $0x0  }
0x16: {  	s3 =	sld [smem:$0x3FDB];
	s0 =	simm.s32 @p2 $0x1  }
0x17: {  	s4 =	simm.s32 $0x1BF5;
	[smem:$0x3FB4] =	sst s0  }
0x18: {  	s0 =	sld [smem:$0x3F97];
	_ =	swait.ge [sflag:s4], $0x0  }
0x19: {  	s7 =	sld [smem:$0x3F98]  }
0x1a: {  	s8 =	sadd.s32 $0xFFFFE003, lr  }
0x1b: {  	s9 =	sadd.s32 $0xFFFFFEF7, lr;
	s5 =	simm.s32 $0xFFFFFFFF;
	p2 =	slt.u32 s8, $0xFFFFF086  }
0x1c: {  	p1 =	slt.u32 s9, $0xF7A;
	s5 =	simm.s32 @!p2 $0x0  }
0x1d: {  	s5 =	simm.s32 @p1 $0x1;
	p0 =	seq.s32 s7, s2  }
0x1e: {  	s7 =	smul.u32 @!p0 $0xF7A, s2;
	p2 =	seq.s32 @!p0 s5, $0x0  }
0x1f: {  	s9 =	smul.u32 $0xF7A, s1;
	s8 =	simm.s32 @!p0 $0x1BF5;
	p2 =	por !p2, p0  }
0x20: {  	[sflag:s8] =	ssyncset.s32 @!p0 $0xFFFFF086;
	s6 =	sadd.s32 @!p0 s3, s7;
	s7 =	simm.s32 @!p0 $0x108  }
0x21: {  	s3 =	sadd.s32 s3, s9;
	s6 =	sadd.s32 @!p0 $0x88, s6;
	s7 =	simm.s32 @p2 $0x1082  }
0x22: {  	[simem:s7], [sflag:s8] =	dma.local @!p0 [hbm:s6], $0xF7A  }
0x23: {  	s9 =	sor.u32 $0xD0000000, s2;
	s6 =	simm.s32 $0x108;
	_ =	swait.ge @!p0 [sflag:s8], $0x0  }
0x24: {  	s3 =	sadd.s32 $0x88, s3;
	s6 =	simm.s32 @!p1 $0x1082;
	[sflag:s4] =	ssyncset.s32 $0xFFFFF086  }
0x25: {  	[simem:s6], [sflag:s4] =	dma.local [hbm:s3], $0xF7A  }
0x26: {  	[smem:$0x3F98] =	sst s1;
	(tag) =	ssettag s2;
	_ =	strace s9  }
0x27: {  	s1 =	sld [smem:$0x3FA8]  }
0x28: {  	s2 =	sld [smem:$0x3FA9]  }
0x29: {  	s4 =	sld [smem:$0x3FAB]  }
0x2a: {  	p0 =	seq.s32 s5, $0x0;
	s5 =	sld [smem:$0x3FAC]  }
0x2b: {  	s6 =	sld [smem:$0x3FAD]  }
0x2c: {  	s7 =	sld [smem:$0x3FAE]  }
0x2d: {  	s3 =	simm.s32 $0x108;
	s8 =	sld [smem:$0x3FAF]  }
0x2e: {  	s3 =	simm.s32 @!p0 $0x1082;
	s9 =	sld [smem:$0x3FB0]  }
0x2f: {  	lr =	sadd.s32 s0, s3;
	s0 =	sld [smem:$0x3FA7]  }
0x30: {  	s3 =	sld [smem:$0x3FAA]  }
0x31: {  	[smem:$0x3FB3] =	sst s10  }
0x32: {  	s10 =	sld [smem:$0x3FB1];
	_ =	sdelay $0x3  }
0x33: {  	p0 =	seq.s32 s10, $0x1;
	s10 =	sld [smem:$0x3FB3];
	_ =	sdelay $0x3  }
0x34: {  	[smem:$0x3FB3] =	sst s10  }
0x35: {  	s10 =	sld [smem:$0x3FB2];
	_ =	sdelay $0x3  }
0x36: {  	p1 =	seq.s32 s10, $0x1;
	s10 =	sld [smem:$0x3FB3];
	_ =	sdelay $0x3  }
0x37: {  	[smem:$0x3FB3] =	sst s10  }
0x38: {  	s10 =	sld [smem:$0x3FB4]  }
0x39: {  	_ = 	snop;
	(pc) =	sbr.ind lr, $3  }
0x3a: {  	_ = 	snop  }
0x3b: {  	_ = 	snop  }
0x3c: {  	p2 =	seq.s32 s10, $0x1;
	s10 =	sld [smem:$0x3FB3]  }
0x3d: {  	_ =	shalt  }
0x3e: {  	_ =	shalt  }
0x3f: {  	_ =	shalt  }
0x40: {  	_ =	shalt  }
0x41: {  	_ =	shalt  }
0x42: {  	_ =	shalt  }
0x43: {  	_ =	shalt  }
0x44: {  	_ =	shalt  }
0x45: {  	_ =	shalt  }
0x46: {  	_ =	shalt  }
0x47: {  	_ =	shalt  }
0x48: {  	_ =	shalt  }
0x49: {  	_ =	shalt  }
0x4a: {  	_ =	shalt  }
0x4b: {  	_ =	shalt  }
0x4c: {  	_ =	shalt  }
0x4d: {  	_ =	shalt  }
0x4e: {  	_ =	shalt  }
0x4f: {  	_ =	shalt  }
0x50: {  	_ =	shalt  }
0x51: {  	_ =	shalt  }
0x52: {  	_ =	shalt  }
0x53: {  	_ =	shalt  }
0x54: {  	_ =	shalt  }
0x55: {  	_ =	shalt  }
0x56: {  	_ =	shalt  }
0x57: {  	_ =	shalt  }
0x58: {  	_ =	shalt  }
0x59: {  	_ =	shalt  }
0x5a: {  	_ =	shalt  }
0x5b: {  	_ =	shalt  }
0x5c: {  	_ =	shalt  }
0x5d: {  	_ =	shalt  }
0x5e: {  	_ =	shalt  }
0x5f: {  	_ =	shalt  }
0x60: {  	_ =	shalt  }
0x61: {  	_ =	shalt  }
0x62: {  	_ =	shalt  }
0x63: {  	_ =	shalt  }
0x64: {  	_ =	shalt  }
0x65: {  	_ =	shalt  }
0x66: {  	_ =	shalt  }
0x67: {  	_ =	shalt  }
0x68: {  	_ =	shalt  }
0x69: {  	_ =	shalt  }
0x6a: {  	_ =	shalt  }
0x6b: {  	_ =	shalt  }
0x6c: {  	_ =	shalt  }
0x6d: {  	_ =	shalt  }
0x6e: {  	_ =	shalt  }
0x6f: {  	_ =	shalt  }
0x70: {  	_ =	shalt  }
0x71: {  	_ =	shalt  }
0x72: {  	_ =	shalt  }
0x73: {  	_ =	shalt  }
0x74: {  	_ =	shalt  }
0x75: {  	_ =	shalt  }
0x76: {  	_ =	shalt  }
0x77: {  	_ =	shalt  }
0x78: {  	_ =	shalt  }
0x79: {  	_ =	shalt  }
0x7a: {  	_ =	shalt  }
0x7b: {  	_ =	shalt  }
0x7c: {  	_ =	shalt  }
0x7d: {  	_ =	shalt  }
0x7e: {  	_ =	shalt  }
0x7f: {  	_ =	shalt  }
0x80: {  	_ =	shalt  }
0x81: {  	_ =	shalt  }
0x82: {  	_ =	shalt  }
0x83: {  	_ =	shalt  }
0x84: {  	_ =	shalt  }
0x85: {  	_ =	shalt  }
0x86: {  	_ =	shalt  }
0x87: {  	_ =	shalt  }
.Lfunc_end0:
.L_simem_size_0:
called_computation.1_lowered:
.L_overlay_start_0:
0x88: {  	s2 =	sld [smem:$0x3FD9]  }
0x89: {  	s3 =	sld [smem:$0x3FFE];
	_ =	sdelay $0x1  }
0x8a: {  	s1 =	srdreg.scid  }
0x8b: {  	s0 =	sand.u32 $0x1, s1  }
0x8c: {  	s16 =	sshll.u32 s0, $0xA;
	s2 =	sadd.s32 s3, s2  }
0x8d: {  	s2 =	sadd.s32 s2, s16  }
0x8e: {  	[smem:$0x3FBF] =	sst s2  }
0x8f: {  	_ = 	snop  }
0x90: {  	(tm) =	ssettm $0x1  }
0x91: {  	s17 =	sld [smem:$0x3FFB];
	_ =	sdelay $0x3  }
0x92: {  	_ =	strace s17  }
0x93: {  	s2 =	sld [smem:$0x3FFC];
	_ =	sdelay $0x3  }
0x94: {  	_ =	strace s2  }
0x95: {  	s2 =	sld [smem:$0x3FFD];
	_ =	sdelay $0x3  }
0x96: {  	_ =	strace s2  }
0x97: {  	_ =	strace $0x8FFFFFFF  }
0x98: {  	s18 =	sld [smem:$0x3FDB];
	_ =	sdelay $0x1  }
0x99: {  	s19 =	simm.s32 $_scs_section_size  }
0x9a: {  	s4 =	simm.s32 $_size__tile_overlayer_lowered;
	s5 =	simm.s32 $_tile_overlayer_lowered  }
0x9b: {  	s22 =	simm.s32 $0x1BFF;
	s21 =	sshll.u32 s5, $0x1;
	s2 =	sadd.s32 s19, s18  }
0x9c: {  	s6 =	simm.s32 $0x0;
	s20 =	sshll.u32 s4, $0x1;
	s4 =	sadd.s32 s21, s2  }
0x9d: {  	[timem:s6], [sflag:s22] =	dma.local [hbm:s4], s20  }
0x9e: {  	_ =	swait.ge [sflag:s22], s20  }
0x9f: {  	s3 =	ssub.s32 $0x0, s20;
	[sflag:s22] =	ssyncset.done $0x0  }
0xa0: {  	[sflag:s22] =	ssyncadd.s32 s3;
	_ =	sdelay $0x1  }
0xa1: {  	s23 =	simm.s32 $0x1B8B  }
0xa2: {  	_ =	swait.ge [sflag:s23], $0x1  }
0xa3: {  	[sflag:s23] =	ssyncset.done $0x0  }
0xa4: {  	s25 =	simm.s32 $0x1B8E;
	s24 =	sld [smem:$0x3FFE];
	[sflag:s23] =	ssyncadd.s32 $0xFFFFFFFF  }
0xa5: {  	s26 =	simm.s32 $execute0_lowered;
	[smem:$0x3FD2] =	sst s25  }
0xa6: {  	s4 =	sshll.u32 s26, $0x1;
	_ =	strace $0x80000049;
	[dreg:$0x1] =	wrdreg $0xFFFFFFFF  }
0xa7: {  	s28 =	simm.s32 $_size_execute0_lowered;
	s2 =	sadd.s32 s2, s4;
	[dreg:$0x0] =	wrdreg $0x0  }
0xa8: {  	s4 =	sshll.u32 s28, $0x1;
	[dreg:$0x2] =	wrdreg s2  }
0xa9: {  	[dreg:$0x3] =	wrdreg s4  }
0xaa: {  	[dreg:$0x4] =	wrdreg $0xC0  }
0xab: {  	_ =	task [dreg:s6], $0x5FFFF  }
0xac: {  	[dreg:$0x1] =	wrdreg $0xFFFFFFFF  }
0xad: {  	[dreg:$0x0] =	wrdreg $0x60  }
0xae: {  	[dreg:$0x2] =	wrdreg s24  }
0xaf: {  	[dreg:$0x3] =	wrdreg $0x1AD000  }
0xb0: {  	[dreg:$0x4] =	wrdreg $0x6D000  }
0xb1: {  	[dreg:$0x5] =	wrdreg $0x10D000  }
0xb2: {  	[dreg:$0x6] =	wrdreg $0x9  }
0xb3: {  	_ =	task.clear_ibuf [dreg:s6], $0x7FFFF;
	_ =	strace $0x90000049  }
0xb4: {  	s29 =	simm.s32 $0x9;
	_ =	strace $0x8000004B  }
0xb5: {  	_ =	swait.ge [sflag:s29], $0x1  }
0xb6: {  	[sflag:s29] =	ssyncadd.s32 $0xFFFFFFFF  }
0xb7: {  	_ =	strace $0x9000004B  }
0xb8: {  	_ =	sfence  }
0xb9: {  	s30 =	sld [smem:$0x0];
	_ =	sdelay $0x2  }
0xba: {  	s31 =	sshll.u32 s1, $0xD;
	s1 =	sshrl.u32 s1, $0x2  }
0xbb: {  	s3 =	sand.u32 $0x4000, s31;
	s1 =	sadd.s32 s1, s30  }
0xbc: {  	s0 =	sor.u32 s3, s0;
	s1 =	sshll.u32 s1, $0x11  }
0xbd: {  	s0 =	sor.u32 s1, s0  }
0xbe: {  	s0 =	sadd.s32 $0x8F2B, s0  }
0xbf: {  	[sflag:s0] =	ssyncadd.remote.s32 $0x1  }
0xc0: {  	_ =	sfence.sel $0xFFFF  }
0xc1: {  	[dreg:$0x0] =	wrdreg $0xFFFFFFFF;
	(pc) =	sbr.abs _section_cstart, $3  }
0xc2: {  	[dreg:$0x1] =	wrdreg $0xFFFFFFFF  }
0xc3: {  	_ =	task.clear_ibuf [dreg:s6], $0x2FFFF;
	_ =	strace $0x9FFFFFFF  }
0xc4: {  	(tm) =	ssettm $0x7FFFFFFF  }
0xc5: {  	_ =	shalt  }
tec
execute0_lowered:
.L_overlay_start_1:
0x0: {  	(tag) =	ssettag $0x1  }
0x1: {  	s1 =	rddreg [dreg:$0x0]  }
0x2: {  	s0 =	srdreg.scid;
	s11 =	stileid.u32  }
0x3: {  	s30 =	simm.s32 $0x0;
	s2 =	sadd.s32 $0x3F400, s1;
	s6 =	sand.u32 $0x1, s0  }
0x4: {  	s3 =	sadd.s32 $0x2B400, s1;
	s5 =	sadd.s32 $0x20E00, s1;
	s7 =	smul.u32 $0x280, s11  }
0x5: {  	s12 =	sadd.s32 $0x16E00, s1;
	s13 =	smul.u32 $0xA00, s11;
	s0 =	ssub.s32 $0x2, s6  }
0x6: {  	s15 =	smul.u32 $0x5000, s11;
	[smem:$0x7FF] =	sst s30;
	s4 =	sshrl.u32 s0, $0x1  }
0x7: {  	s8 =	sadd.s32 $0x80, s7;
	s9 =	sadd.s32 $0x100, s7;
	s10 =	sadd.s32 $0x180, s7  }
0x8: {  	s25 =	sadd.s32 $0x5E0, s13;
	s15 =	sshrl.u32 s15, $0x3;
	s20 =	sadd.s32 s5, s13  }
0x9: {  	s21 =	sadd.s32 s12, s13;
	s13 =	sor.u32 $0x20, s13;
	s0 =	ssub.s32 s0, s4  }
0xa: {  	s4 =	smul.u32 $0xA000, s11;
	s19 =	sadd.s32 s5, s25;
	s15 =	sadd.s32 $0x600, s15  }
0xb: {  	s11 =	sadd.s32 $0x200, s7;
	[dreg:$0x7] =	wrdreg s19;
	s26 =	sadd.s32 s5, s15  }
0xc: {  	s18 =	sshll.u32 s9, $0x3;
	s15 =	sadd.s32 s12, s15;
	[dreg:$0x9] =	wrdreg s26  }
0xd: {  	s28 =	sshll.u32 s9, $0x6;
	s5 =	sadd.s32 s5, s13;
	[dreg:$0xa] =	wrdreg s15  }
0xe: {  	s19 =	sshll.u32 s10, $0x3;
	s22 =	sadd.s32 s2, s18;
	[dreg:$0xd] =	wrdreg s5  }
0xf: {  	s14 =	sshrl.u32 s4, $0x3;
	[dreg:$0xf] =	wrdreg s22;
	s23 =	sadd.s32 s2, s19  }
0x10: {  	s26 =	smul.u32 $0xA0000, s6;
	s16 =	sadd.s32 s2, s14;
	[dreg:$0x10] =	wrdreg s23  }
0x11: {  	s5 =	sadd.s32 s3, s19;
	[dreg:$0x5] =	wrdreg s16;
	s16 =	sshll.u32 s8, $0x3  }
0x12: {  	s24 =	sshll.u32 s11, $0x3;
	[dreg:$0x15] =	wrdreg s5;
	s17 =	sadd.s32 s2, s16  }
0x13: {  	s22 =	sadd.s32 s26, s28;
	s2 =	sadd.s32 s2, s24;
	[dreg:$0x6] =	wrdreg s17  }
0x14: {  	s16 =	sadd.s32 s3, s16;
	s15 =	sshrl.u32 s22, $0x3;
	[dreg:$0x11] =	wrdreg s2  }
0x15: {  	s17 =	sadd.s32 s12, s25;
	s25 =	sadd.s32 s3, s14;
	[dreg:$0x13] =	wrdreg s16  }
0x16: {  	s14 =	sshll.u32 s10, $0x6;
	s16 =	sshll.u32 s11, $0x6;
	[dreg:$0x8] =	wrdreg s17  }
0x17: {  	s17 =	sadd.s32 s12, s13;
	[dreg:$0x12] =	wrdreg s25;
	s12 =	sshll.u32 s8, $0x6  }
0x18: {  	s23 =	sadd.s32 s26, s14;
	s2 =	sadd.s32 s26, s16;
	[dreg:$0xe] =	wrdreg s17  }
0x19: {  	s17 =	sadd.s32 s3, s18;
	s3 =	sadd.s32 s3, s24;
	s18 =	sadd.s32 s4, s26  }
0x1a: {  	s19 =	sadd.s32 s26, s12;
	s24 =	sadd.s32 $0x7B400, s1;
	[dreg:$0x14] =	wrdreg s17  }
0x1b: {  	s2 =	sshrl.u32 s2, $0x3;
	[dreg:$0x16] =	wrdreg s3;
	s26 =	sadd.s32 s24, s15  }
0x1c: {  	s3 =	sshrl.u32 s18, $0x3;
	s18 =	sadd.s32 s24, s2;
	[dreg:$0x19] =	wrdreg s26  }
0x1d: {  	s5 =	sshrl.u32 s19, $0x3;
	s22 =	sadd.s32 s24, s3;
	[dreg:$0x1b] =	wrdreg s18  }
0x1e: {  	s17 =	sshrl.u32 s23, $0x3;
	s25 =	sadd.s32 s24, s5;
	[dreg:$0x17] =	wrdreg s22  }
0x1f: {  	s19 =	sadd.s32 $0x53400, s1;
	s13 =	sadd.s32 s24, s17;
	[dreg:$0x18] =	wrdreg s25  }
0x20: {  	s3 =	sadd.s32 s19, s3;
	[dreg:$0x1a] =	wrdreg s13  }
0x21: {  	s5 =	sadd.s32 s19, s5;
	[dreg:$0x1c] =	wrdreg s3  }
0x22: {  	s23 =	sadd.s32 s19, s15;
	[dreg:$0x1d] =	wrdreg s5  }
0x23: {  	s24 =	sadd.s32 s19, s17;
	[dreg:$0x1e] =	wrdreg s23  }
0x24: {  	s2 =	sadd.s32 s19, s2;
	s3 =	smul.u32 $0x2800, s6;
	[dreg:$0x1f] =	wrdreg s24  }
0x25: {  	[smem:$0x7E6] =	sst s2;
	s13 =	sadd.s32 $0x3800, s1  }
0x26: {  	s25 =	sadd.s32 s7, s3;
	s26 =	sadd.s32 s3, s8;
	s18 =	sadd.s32 s3, s9  }
0x27: {  	s23 =	sadd.s32 s3, s10;
	s24 =	sadd.s32 s3, s11;
	s2 =	sshrl.u32 s25, $0x3  }
0x28: {  	s3 =	rddreg [dreg:$0x2];
	s5 =	sshrl.u32 s26, $0x3;
	s2 =	sadd.s32 s13, s2  }
0x29: {  	s17 =	sshrl.u32 s24, $0x3;
	s19 =	sadd.s32 s13, s5;
	[smem:$0x7E7] =	sst s2  }
0x2a: {  	s22 =	sshrl.u32 s18, $0x3;
	s15 =	sadd.s32 s13, s17;
	[smem:$0x7E8] =	sst s19  }
0x2b: {  	s2 =	sadd.s32 s13, s22;
	[smem:$0x7EB] =	sst s15  }
0x2c: {  	s5 =	sshrl.u32 s23, $0x3;
	[smem:$0x7E9] =	sst s2  }
0x2d: {  	s5 =	sadd.s32 s13, s5;
	s2 =	rddreg [dreg:$0x1]  }
0x2e: {  	s31 =	simm.s32 $0x4400;
	[smem:$0x7EA] =	sst s5  }
0x2f: {  	p0 =	sne.s32 s6, $0x0;
	s25 =	sadd.s32 $0x2E00, s1;
	s5 =	rddreg [dreg:$0x3]  }
0x30: {  	s26 =	sadd.s32 $0x2AE00, s1;
	_ =	strace $0x8000004A;
	[smem:$0x7EC] =	sst s25  }
0x31: {  	s0 =	smax.u32 s0, $0x1;
	s1 =	sadd.s32 $0x3400, s1;
	[smem:$0x7ED] =	sst s26  }
0x32: {  	s6 =	simm.s32 $0x7;
	s15 =	sadd.s32 s16, s3;
	[smem:$0x7EE] =	sst s1  }
0x33: {  	s18 =	sadd.s32 $0x620, s21;
	s17 =	sadd.s32 $0x620, s20;
	[smem:$0x7F3] =	sst s15  }
0x34: {  	s22 =	sadd.s32 s7, s2;
	s24 =	sadd.s32 s8, s2;
	[smem:$0x7F4] =	sst s0  }
0x35: {  	s25 =	sadd.s32 s9, s2;
	s8 =	sadd.s32 s10, s2;
	[smem:$0x7F5] =	sst s17  }
0x36: {  	s26 =	sadd.s32 s11, s2;
	s9 =	sadd.s32 s4, s3;
	[smem:$0x7F6] =	sst s18  }
0x37: {  	s13 =	sadd.s32 s4, s5;
	s10 =	sadd.s32 s12, s3;
	[dreg:$0xb] =	wrdreg s20  }
0x38: {  	s11 =	sadd.s32 s28, s3;
	s19 =	sadd.s32 s28, s5;
	[dreg:$0xc] =	wrdreg s21  }
0x39: {  	s23 =	sadd.s32 s14, s5;
	s29 =	sadd.s32 s16, s5;
	[smem:$0x7EF] =	sst s9  }
0x3a: {  	s20 =	sadd.s32 $0x40, s20;
	s21 =	sadd.s32 $0x40, s21;
	[smem:$0x7F0] =	sst s10  }
0x3b: {  	s4 =	simm.s32 $0x4000;
	s7 =	simm.s32 $0x4500;
	[smem:$0x7F1] =	sst s11  }
0x3c: {  	s28 =	simm.s32 $0x5;
	s0 =	simm.s32 $0x80;
	[smem:$0x7F7] =	sst s20  }
0x3d: {  	s1 =	simm.s32 $0x4180;
	s16 =	simm.s32 $0x3;
	[smem:$0x7F8] =	sst s21  }
0x3e: {  	s17 =	simm.s32 $0x4;
	s18 =	simm.s32 $0x0;
	[smem:$0x7F9] =	sst s26  }
.Ltmp0:
0x3f: {  	s10 =	sadd.s32 s12, s5;
	[smem:$0x7FA] =	sst s22;
	(pc) =	sbr.rel .LBB2_1-.Ltmp0, $4  }
0x40: {  	s12 =	sadd.s32 s14, s3;
	s20 =	smov.u32 s8;
	[smem:$0x7FB] =	sst s24  }
0x41: {  	s8 =	simm.s32 $0x2000;
	s9 =	simm.s32 $0x4100;
	[smem:$0x7FC] =	sst s25  }
0x42: {  	s11 =	simm.s32 $0x1;
	s14 =	simm.s32 $0x4280;
	[smem:$0x7F2] =	sst s12  }
0x43: {  	s21 =	simm.s32 $0x6;
	s12 =	simm.s32 $0x2;
	[smem:$0x7FD] =	sst s20  }
.LBB2_27:
0x44: {  	_ =	swait.ge [sflag:s16], $0x2000  }
0x45: {  	[sflag:s16] =	ssyncset.done $0x0  }
0x46: {  	[sflag:s16] =	ssyncadd.s32 $0xFFFFE000  }
0x47: {  	_ =	swait.ge [sflag:s17], $0x2000  }
0x48: {  	[sflag:s17] =	ssyncset.done $0x0  }
0x49: {  	[sflag:s17] =	ssyncadd.s32 $0xFFFFE000  }
.LBB2_28:
0x4a: {  	[bflag:$0x0] =	sbarrier.arrive $0xFFFF  }
0x4b: {  	[tilespmem:s30], [sflag:$0x7] =	stream.linear.gather [spmem:s24], $0x2000, $0x38;
	[tilespmem:$0x1AF80] =	vst v63  }
0x4c: {  	_ =	swait.ge [sflag:s6], $0x2000  }
0x4d: {  	[sflag:s6] =	ssyncset.done $0x0  }
0x4e: {  	s18 =	rddreg [dreg:$0x1c];
	[sflag:s6] =	ssyncadd.s32 $0xFFFFE000  }
0x4f: {  	[hbm4b:s18+s30] =	stream.linear.scatter [tilespmem:s30], [sflag:$0x7], $0x2000, $0x38;
	[tilespmem:$0x1AF80] =	vst v63  }
0x50: {  	_ =	swait.ge [sflag:s6], $0x2000  }
0x51: {  	[sflag:s6] =	ssyncset.done $0x0  }
0x52: {  	[sflag:s6] =	ssyncadd.s32 $0xFFFFE000  }
0x53: {  	[tilespmem:s30], [sflag:$0x7] =	stream.linear.gather [spmem:s13], $0x2000, $0x38;
	[tilespmem:$0x1AF80] =	vst v63  }
0x54: {  	_ =	swait.ge [sflag:s6], $0x2000  }
0x55: {  	[sflag:s6] =	ssyncset.done $0x0  }
0x56: {  	s15 =	rddreg [dreg:$0x1d];
	[sflag:s6] =	ssyncadd.s32 $0xFFFFE000  }
0x57: {  	[hbm4b:s15+s30] =	stream.linear.scatter [tilespmem:s30], [sflag:$0x7], $0x2000, $0x38;
	[tilespmem:$0x1AF80] =	vst v63  }
0x58: {  	_ =	swait.ge [sflag:s6], $0x2000  }
0x59: {  	[sflag:s6] =	ssyncset.done $0x0  }
0x5a: {  	[sflag:s6] =	ssyncadd.s32 $0xFFFFE000  }
0x5b: {  	[tilespmem:s30], [sflag:$0x7] =	stream.linear.gather [spmem:s19], $0x2000, $0x38;
	[tilespmem:$0x1AF80] =	vst v63  }
0x5c: {  	_ =	swait.ge [sflag:s6], $0x2000  }
0x5d: {  	[sflag:s6] =	ssyncset.done $0x0  }
0x5e: {  	s20 =	rddreg [dreg:$0x1e];
	[sflag:s6] =	ssyncadd.s32 $0xFFFFE000  }
0x5f: {  	[hbm4b:s20+s30] =	stream.linear.scatter [tilespmem:s30], [sflag:$0x7], $0x2000, $0x38;
	[tilespmem:$0x1AF80] =	vst v63  }
0x60: {  	_ =	swait.ge [sflag:s6], $0x2000  }
0x61: {  	[sflag:s6] =	ssyncset.done $0x0  }
0x62: {  	[sflag:s6] =	ssyncadd.s32 $0xFFFFE000  }
0x63: {  	[tilespmem:s30], [sflag:$0x7] =	stream.linear.gather [spmem:s23], $0x2000, $0x38;
	[tilespmem:$0x1AF80] =	vst v63  }
0x64: {  	_ =	swait.ge [sflag:s6], $0x2000  }
0x65: {  	[sflag:s6] =	ssyncset.done $0x0  }
0x66: {  	s22 =	rddreg [dreg:$0x1f];
	[sflag:s6] =	ssyncadd.s32 $0xFFFFE000  }
0x67: {  	[hbm4b:s22+s30] =	stream.linear.scatter [tilespmem:s30], [sflag:$0x7], $0x2000, $0x38;
	[tilespmem:$0x1AF80] =	vst v63  }
0x68: {  	_ =	swait.ge [sflag:s6], $0x2000  }
0x69: {  	[sflag:s6] =	ssyncset.done $0x0  }
0x6a: {  	[sflag:s6] =	ssyncadd.s32 $0xFFFFE000  }
0x6b: {  	[tilespmem:s30], [sflag:$0x7] =	stream.linear.gather [spmem:s29], $0x2000, $0x38;
	[tilespmem:$0x1AF80] =	vst v63  }
0x6c: {  	_ =	swait.ge [sflag:s6], $0x2000  }
0x6d: {  	s25 =	sld [smem:$0x7E6]  }
0x6e: {  	[sflag:s6] =	ssyncset.done $0x0  }
0x6f: {  	[sflag:s6] =	ssyncadd.s32 $0xFFFFE000  }
0x70: {  	[hbm4b:s25+s30] =	stream.linear.scatter [tilespmem:s30], [sflag:$0x7], $0x2000, $0x38;
	[tilespmem:$0x1AF80] =	vst v63  }
0x71: {  	_ =	swait.ge [sflag:s6], $0x2000  }
0x72: {  	s22 =	sld [smem:$0x7FA]  }
0x73: {  	[sflag:s6] =	ssyncset.done $0x0  }
0x74: {  	[sflag:s6] =	ssyncadd.s32 $0xFFFFE000  }
0x75: {  	[tilespmem:s4], [sflag:$0x7] =	stream.linear.gather [spmem:s22], $0x80, $0x38;
	[tilespmem:$0x1AF80] =	vst v63  }
0x76: {  	_ =	swait.ge [sflag:s6], $0x80  }
0x77: {  	s10 =	sld [smem:$0x7E7]  }
0x78: {  	[sflag:s6] =	ssyncset.done $0x0  }
0x79: {  	[sflag:s6] =	ssyncadd.s32 $0xFFFFFF80  }
0x7a: {  	[hbm4b:s10+s30] =	stream.linear.scatter [tilespmem:s4], [sflag:$0x7], $0x80, $0x38;
	[tilespmem:$0x1AF80] =	vst v63  }
0x7b: {  	_ =	swait.ge [sflag:s6], $0x80  }
0x7c: {  	s10 =	smov.u32 s13;
	s13 =	smov.u32 s24;
	s24 =	sld [smem:$0x7FB]  }
0x7d: {  	[sflag:s6] =	ssyncset.done $0x0  }
0x7e: {  	[sflag:s6] =	ssyncadd.s32 $0xFFFFFF80  }
0x7f: {  	[tilespmem:s4], [sflag:$0x7] =	stream.linear.gather [spmem:s24], $0x80, $0x38;
	[tilespmem:$0x1AF80] =	vst v63  }
0x80: {  	_ =	swait.ge [sflag:s6], $0x80  }
0x81: {  	s15 =	sld [smem:$0x7E8]  }
0x82: {  	[sflag:s6] =	ssyncset.done $0x0  }
0x83: {  	[sflag:s6] =	ssyncadd.s32 $0xFFFFFF80  }
0x84: {  	[hbm4b:s15+s30] =	stream.linear.scatter [tilespmem:s4], [sflag:$0x7], $0x80, $0x38;
	[tilespmem:$0x1AF80] =	vst v63  }
0x85: {  	_ =	swait.ge [sflag:s6], $0x80  }
0x86: {  	s25 =	sld [smem:$0x7FC]  }
0x87: {  	[sflag:s6] =	ssyncset.done $0x0  }
0x88: {  	[sflag:s6] =	ssyncadd.s32 $0xFFFFFF80  }
0x89: {  	[tilespmem:s4], [sflag:$0x7] =	stream.linear.gather [spmem:s25], $0x80, $0x38;
	[tilespmem:$0x1AF80] =	vst v63  }
0x8a: {  	_ =	swait.ge [sflag:s6], $0x80  }
0x8b: {  	s20 =	sld [smem:$0x7E9]  }
0x8c: {  	[sflag:s6] =	ssyncset.done $0x0  }
0x8d: {  	[sflag:s6] =	ssyncadd.s32 $0xFFFFFF80  }
0x8e: {  	[hbm4b:s20+s30] =	stream.linear.scatter [tilespmem:s4], [sflag:$0x7], $0x80, $0x38;
	[tilespmem:$0x1AF80] =	vst v63  }
0x8f: {  	_ =	swait.ge [sflag:s6], $0x80  }
0x90: {  	s20 =	sld [smem:$0x7FD]  }
0x91: {  	[sflag:s6] =	ssyncset.done $0x0  }
0x92: {  	[sflag:s6] =	ssyncadd.s32 $0xFFFFFF80  }
0x93: {  	[tilespmem:s4], [sflag:$0x7] =	stream.linear.gather [spmem:s20], $0x80, $0x38;
	[tilespmem:$0x1AF80] =	vst v63  }
0x94: {  	_ =	swait.ge [sflag:s6], $0x80  }
0x95: {  	s15 =	sld [smem:$0x7EA]  }
0x96: {  	[sflag:s6] =	ssyncset.done $0x0  }
0x97: {  	[sflag:s6] =	ssyncadd.s32 $0xFFFFFF80  }
0x98: {  	[hbm4b:s15+s30] =	stream.linear.scatter [tilespmem:s4], [sflag:$0x7], $0x80, $0x38;
	[tilespmem:$0x1AF80] =	vst v63  }
0x99: {  	_ =	swait.ge [sflag:s6], $0x80  }
0x9a: {  	[sflag:s6] =	ssyncset.done $0x0  }
0x9b: {  	[sflag:s6] =	ssyncadd.s32 $0xFFFFFF80  }
0x9c: {  	[tilespmem:s4], [sflag:$0x7] =	stream.linear.gather [spmem:s26], $0x80, $0x38;
	[tilespmem:$0x1AF80] =	vst v63  }
0x9d: {  	_ =	swait.ge [sflag:s6], $0x80  }
0x9e: {  	s15 =	sld [smem:$0x7EB]  }
0x9f: {  	[sflag:s6] =	ssyncset.done $0x0  }
0xa0: {  	[sflag:s6] =	ssyncadd.s32 $0xFFFFFF80  }
0xa1: {  	[hbm4b:s15+s30] =	stream.linear.scatter [tilespmem:s4], [sflag:$0x7], $0x80, $0x38;
	[tilespmem:$0x1AF80] =	vst v63  }
0xa2: {  	_ =	swait.ge [sflag:s6], $0x80  }
0xa3: {  	s15 =	sld [smem:$0x7E5];
	_ =	sdelay $0x2  }
0xa4: {  	s18 =	sadd.s32 $0x1, s15;
	s15 =	sld [smem:$0x7F4];
	_ =	sdelay $0x2  }
0xa5: {  	p1 =	sne.s32 s18, s15  }
.Ltmp1:
0xa6: {  	_ = 	snop;
	(pc) =	sbr.rel @!p1 .LBB2_29-.Ltmp1, $3  }
0xa7: {  	_ =	sdelay $0x1  }
0xa8: {  	[sflag:s6] =	ssyncset.done $0x0  }
0xa9: {  	[sflag:s6] =	ssyncadd.s32 $0xFFFFFF80  }
.LBB2_1:
0xaa: {  	s15 =	sld [smem:$0x7ED];
	_ =	sdelay $0x1  }
0xab: {  	[smem:$0x7E5] =	sst s18  }
0xac: {  	[tilespmem:s4], [sflag:$0x7] =	stream.linear.gather [hbm4b:s15+s30], $0x80, $0x38;
	[tilespmem:$0x1AF80] =	vst v63  }
0xad: {  	_ =	swait.ge [sflag:s6], $0x80  }
0xae: {  	[sflag:s6] =	ssyncset.done $0x0  }
0xaf: {  	[sflag:s6] =	ssyncadd.s32 $0xFFFFFF80  }
0xb0: {  	[spmem:s22] =	stream.linear.scatter [tilespmem:s4], [sflag:$0x7], $0x80, $0x38;
	[tilespmem:$0x1AF80] =	vst v63  }
0xb1: {  	_ =	swait.ge [sflag:s6], $0x80  }
0xb2: {  	[sflag:s6] =	ssyncset.done $0x0  }
0xb3: {  	[sflag:s6] =	ssyncadd.s32 $0xFFFFFF80  }
0xb4: {  	[spmem:s24] =	stream.linear.scatter [tilespmem:s4], [sflag:$0x7], $0x80, $0x38;
	[tilespmem:$0x1AF80] =	vst v63  }
0xb5: {  	_ =	swait.ge [sflag:s6], $0x80  }
0xb6: {  	[sflag:s6] =	ssyncset.done $0x0  }
0xb7: {  	[sflag:s6] =	ssyncadd.s32 $0xFFFFFF80  }
0xb8: {  	[spmem:s25] =	stream.linear.scatter [tilespmem:s4], [sflag:$0x7], $0x80, $0x38;
	[tilespmem:$0x1AF80] =	vst v63  }
0xb9: {  	_ =	swait.ge [sflag:s6], $0x80  }
0xba: {  	[sflag:s6] =	ssyncset.done $0x0  }
0xbb: {  	[sflag:s6] =	ssyncadd.s32 $0xFFFFFF80  }
0xbc: {  	[spmem:s20] =	stream.linear.scatter [tilespmem:s4], [sflag:$0x7], $0x80, $0x38;
	[tilespmem:$0x1AF80] =	vst v63  }
0xbd: {  	_ =	swait.ge [sflag:s6], $0x80  }
0xbe: {  	[sflag:s6] =	ssyncset.done $0x0  }
0xbf: {  	[sflag:s6] =	ssyncadd.s32 $0xFFFFFF80  }
0xc0: {  	[spmem:s26] =	stream.linear.scatter [tilespmem:s4], [sflag:$0x7], $0x80, $0x38;
	[tilespmem:$0x1AF80] =	vst v63  }
0xc1: {  	_ =	swait.ge [sflag:s6], $0x80  }
0xc2: {  	s25 =	sld [smem:$0x7EC]  }
0xc3: {  	[sflag:s6] =	ssyncset.done $0x0  }
0xc4: {  	[sflag:s6] =	ssyncadd.s32 $0xFFFFFF80  }
0xc5: {  	[tilespmem:s7], [sflag:$0x7] =	stream.linear.gather [hbm4b:s25+s30], $0x2800, $0x38;
	[tilespmem:$0x1AF80] =	vst v63  }
0xc6: {  	_ =	swait.ge [sflag:s6], $0x2800  }
0xc7: {  	s15 =	sld [smem:$0x7EE]  }
0xc8: {  	[sflag:s6] =	ssyncset.done $0x0  }
0xc9: {  	[sflag:s6] =	ssyncadd.s32 $0xFFFFD800  }
0xca: {  	[tilespmem:s8], [sflag:$0x7] =	stream.linear.gather [hbm4b:s15+s30], $0x2000, $0x38;
	[tilespmem:$0x1AF80] =	vst v63  }
0xcb: {  	_ =	swait.ge [sflag:s6], $0x2000  }
0xcc: {  	[sflag:s6] =	ssyncset.done $0x0  }
0xcd: {  	s20 =	rddreg [dreg:$0x5];
	[sflag:s6] =	ssyncadd.s32 $0xFFFFE000  }
0xce: {  	[tilespmem:s30], [sflag:$0x7] =	stream.linear.gather [hbm4b:s20+s30], $0x2000, $0x38;
	[tilespmem:$0x1AF80] =	vst v63  }
0xcf: {  	_ =	swait.ge [sflag:s6], $0x2000  }
0xd0: {  	s22 =	sld [smem:$0x7EF]  }
0xd1: {  	[sflag:s6] =	ssyncset.done $0x0  }
0xd2: {  	[sflag:s6] =	ssyncadd.s32 $0xFFFFE000  }
0xd3: {  	[spmem:s22] =	stream.linear.scatter [tilespmem:s30], [sflag:$0x7], $0x2000, $0x38;
	[tilespmem:$0x1AF80] =	vst v63  }
0xd4: {  	_ =	swait.ge [sflag:s6], $0x2000  }
0xd5: {  	[sflag:s6] =	ssyncset.done $0x0  }
0xd6: {  	[sflag:s6] =	ssyncadd.s32 $0xFFFFE000  }
0xd7: {  	[spmem:s13] =	stream.linear.scatter [tilespmem:s8], [sflag:$0x7], $0x2000, $0x38;
	[tilespmem:$0x1AF80] =	vst v63  }
0xd8: {  	_ =	swait.ge [sflag:s6], $0x2000  }
0xd9: {  	[sflag:s6] =	ssyncset.done $0x0  }
0xda: {  	s24 =	rddreg [dreg:$0x6];
	[sflag:s6] =	ssyncadd.s32 $0xFFFFE000  }
0xdb: {  	[tilespmem:s30], [sflag:$0x7] =	stream.linear.gather [hbm4b:s24+s30], $0x2000, $0x38;
	[tilespmem:$0x1AF80] =	vst v63  }
0xdc: {  	_ =	swait.ge [sflag:s6], $0x2000  }
0xdd: {  	s25 =	sld [smem:$0x7F0]  }
0xde: {  	[sflag:s6] =	ssyncset.done $0x0  }
0xdf: {  	[sflag:s6] =	ssyncadd.s32 $0xFFFFE000  }
0xe0: {  	[spmem:s25] =	stream.linear.scatter [tilespmem:s30], [sflag:$0x7], $0x2000, $0x38;
	[tilespmem:$0x1AF80] =	vst v63  }
0xe1: {  	_ =	swait.ge [sflag:s6], $0x2000  }
0xe2: {  	[sflag:s6] =	ssyncset.done $0x0  }
0xe3: {  	[sflag:s6] =	ssyncadd.s32 $0xFFFFE000  }
0xe4: {  	[spmem:s10] =	stream.linear.scatter [tilespmem:s8], [sflag:$0x7], $0x2000, $0x38;
	[tilespmem:$0x1AF80] =	vst v63  }
0xe5: {  	_ =	swait.ge [sflag:s6], $0x2000  }
0xe6: {  	[sflag:s6] =	ssyncset.done $0x0  }
0xe7: {  	s15 =	smov.u32 s13;
	s13 =	rddreg [dreg:$0xf];
	[sflag:s6] =	ssyncadd.s32 $0xFFFFE000  }
0xe8: {  	[tilespmem:s30], [sflag:$0x7] =	stream.linear.gather [hbm4b:s13+s30], $0x2000, $0x38;
	[tilespmem:$0x1AF80] =	vst v63  }
0xe9: {  	_ =	swait.ge [sflag:s6], $0x2000  }
0xea: {  	s18 =	sld [smem:$0x7F1]  }
0xeb: {  	[sflag:s6] =	ssyncset.done $0x0  }
0xec: {  	[sflag:s6] =	ssyncadd.s32 $0xFFFFE000  }
0xed: {  	[spmem:s18] =	stream.linear.scatter [tilespmem:s30], [sflag:$0x7], $0x2000, $0x38;
	[tilespmem:$0x1AF80] =	vst v63  }
0xee: {  	_ =	swait.ge [sflag:s6], $0x2000  }
0xef: {  	[sflag:s6] =	ssyncset.done $0x0  }
0xf0: {  	[sflag:s6] =	ssyncadd.s32 $0xFFFFE000  }
0xf1: {  	[spmem:s19] =	stream.linear.scatter [tilespmem:s8], [sflag:$0x7], $0x2000, $0x38;
	[tilespmem:$0x1AF80] =	vst v63  }
0xf2: {  	_ =	swait.ge [sflag:s6], $0x2000  }
0xf3: {  	[sflag:s6] =	ssyncset.done $0x0  }
0xf4: {  	s22 =	smov.u32 s19;
	s19 =	rddreg [dreg:$0x10];
	[sflag:s6] =	ssyncadd.s32 $0xFFFFE000  }
0xf5: {  	[tilespmem:s30], [sflag:$0x7] =	stream.linear.gather [hbm4b:s19+s30], $0x2000, $0x38;
	[tilespmem:$0x1AF80] =	vst v63  }
0xf6: {  	_ =	swait.ge [sflag:s6], $0x2000  }
0xf7: {  	s20 =	sld [smem:$0x7F2]  }
0xf8: {  	[sflag:s6] =	ssyncset.done $0x0  }
0xf9: {  	[sflag:s6] =	ssyncadd.s32 $0xFFFFE000  }
0xfa: {  	[spmem:s20] =	stream.linear.scatter [tilespmem:s30], [sflag:$0x7], $0x2000, $0x38;
	[tilespmem:$0x1AF80] =	vst v63  }
0xfb: {  	_ =	swait.ge [sflag:s6], $0x2000  }
0xfc: {  	[sflag:s6] =	ssyncset.done $0x0  }
0xfd: {  	[sflag:s6] =	ssyncadd.s32 $0xFFFFE000  }
0xfe: {  	[spmem:s23] =	stream.linear.scatter [tilespmem:s8], [sflag:$0x7], $0x2000, $0x38;
	[tilespmem:$0x1AF80] =	vst v63  }
0xff: {  	_ =	swait.ge [sflag:s6], $0x2000  }
0x100: {  	[sflag:s6] =	ssyncset.done $0x0  }
0x101: {  	s24 =	smov.u32 s23;
	s23 =	rddreg [dreg:$0x11];
	[sflag:s6] =	ssyncadd.s32 $0xFFFFE000  }
0x102: {  	[tilespmem:s30], [sflag:$0x7] =	stream.linear.gather [hbm4b:s23+s30], $0x2000, $0x38;
	[tilespmem:$0x1AF80] =	vst v63  }
0x103: {  	_ =	swait.ge [sflag:s6], $0x2000  }
0x104: {  	s25 =	sld [smem:$0x7F3]  }
0x105: {  	[sflag:s6] =	ssyncset.done $0x0  }
0x106: {  	[sflag:s6] =	ssyncadd.s32 $0xFFFFE000  }
0x107: {  	[spmem:s25] =	stream.linear.scatter [tilespmem:s30], [sflag:$0x7], $0x2000, $0x38;
	[tilespmem:$0x1AF80] =	vst v63  }
0x108: {  	_ =	swait.ge [sflag:s6], $0x2000  }
0x109: {  	[sflag:s6] =	ssyncset.done $0x0  }
.Ltmp2:
0x10a: {  	[sflag:s6] =	ssyncadd.s32 $0xFFFFE000;
	(pc) =	sbr.rel @p0 .LBB2_8-.Ltmp2, $4  }
0x10b: {  	[spmem:s29] =	stream.linear.scatter [tilespmem:s8], [sflag:$0x7], $0x2000, $0x38;
	[tilespmem:$0x1AF80] =	vst v63  }
0x10c: {  	_ =	swait.ge [sflag:s6], $0x2000  }
0x10d: {  	[sflag:s6] =	ssyncset.done $0x0  }
0x10e: {  	s13 =	smov.u32 s29;
	s25 =	simm.s32 $0x0;
	[sflag:s6] =	ssyncadd.s32 $0xFFFFE000  }
0x10f: {  	s18 =	rddreg [dreg:$0xb]  }
0x110: {  	[tilespmem:s9], [sflag:$0x5] =	stream.linear.gather [hbm4b:s18+s25], $0x100, $0x38;
	[tilespmem:$0x1AF80] =	vst v63  }
0x111: {  	s23 =	rddreg [dreg:$0xc];
	s19 =	simm.s32 $0x4300  }
0x112: {  	[tilespmem:s19], [sflag:$0x5] =	stream.linear.gather [hbm4b:s23+s25], $0x100, $0x38;
	[tilespmem:$0x1AF80] =	vst v63  }
0x113: {  	_ =	swait.ge [sflag:s28], $0x100  }
0x114: {  	[sflag:s28] =	ssyncset.done $0x0  }
0x115: {  	[sflag:s28] =	ssyncadd.s32 $0xFFFFFF00  }
0x116: {  	_ =	swait.ge [sflag:s28], $0x100  }
0x117: {  	[sflag:s28] =	ssyncset.done $0x0  }
0x118: {  	s20 =	simm.s32 $0x4200;
	s19 =	rddreg [dreg:$0xd];
	[sflag:s28] =	ssyncadd.s32 $0xFFFFFF00  }
0x119: {  	[tilespmem:s20], [sflag:$0x6] =	stream.linear.gather [hbm4b:s19+s25], $0x100, $0x38;
	[tilespmem:$0x1AF80] =	vst v63  }
0x11a: {  	s23 =	rddreg [dreg:$0xe]  }
0x11b: {  	[tilespmem:s31], [sflag:$0x6] =	stream.linear.gather [hbm4b:s23+s25], $0x100, $0x38;
	[tilespmem:$0x1AF80] =	vst v63  }
0x11c: {  	[bflag:$0x0] =	sbarrier.arrive $0xFFFF  }
0x11d: {  	[tilespmem:s25], [sflag:$0x1] =	stream.indirect.gather [spmem:s3], $0x40, s9, s0, $0xb8;
	[tilespmem:$0x1AF80] =	vst v63  }
0x11e: {  	v0 =	vld [tilespmem:$0x4300];
	_ =	sdelay $0x5  }
0x11f: {  	v1 =	vld [tilespmem:$0x4310];
	_ =	sdelay $0x1  }
0x120: {  	v0 =	vld.idx.msk [tilespmem:v0+s7+$0x0], $0xffff;
	_ =	sdelay $0x3  }
0x121: {  	v2 =	vld [tilespmem:$0x4320]  }
0x122: {  	[tilespmem:$0x4000] =	vst v0  }
0x123: {  	v0 =	vld.idx.msk [tilespmem:v1+s7+$0x0], $0xffff;
	_ =	sdelay $0x3  }
0x124: {  	v51 =	vld [tilespmem:$0x4330]  }
0x125: {  	[tilespmem:$0x4010] =	vst v0  }
0x126: {  	v0 =	vld.idx.msk [tilespmem:v2+s7+$0x0], $0xffff;
	_ =	sdelay $0x3  }
0x127: {  	v52 =	vld [tilespmem:$0x4340]  }
0x128: {  	[tilespmem:$0x4020] =	vst v0  }
0x129: {  	v0 =	vld.idx.msk [tilespmem:v51+s7+$0x0], $0xffff;
	_ =	sdelay $0x3  }
0x12a: {  	v53 =	vld [tilespmem:$0x4350]  }
0x12b: {  	[tilespmem:$0x4030] =	vst v0  }
0x12c: {  	v0 =	vld.idx.msk [tilespmem:v52+s7+$0x0], $0xffff;
	_ =	sdelay $0x3  }
0x12d: {  	v54 =	vld [tilespmem:$0x4360]  }
0x12e: {  	[tilespmem:$0x4040] =	vst v0  }
0x12f: {  	v0 =	vld.idx.msk [tilespmem:v53+s7+$0x0], $0xffff;
	_ =	sdelay $0x3  }
0x130: {  	v55 =	vld [tilespmem:$0x4370]  }
0x131: {  	[tilespmem:$0x4050] =	vst v0  }
0x132: {  	v0 =	vld.idx.msk [tilespmem:v54+s7+$0x0], $0xffff;
	_ =	sdelay $0x4  }
0x133: {  	[tilespmem:$0x4060] =	vst v0  }
0x134: {  	v0 =	vld.idx.msk [tilespmem:v55+s7+$0x0], $0xffff;
	_ =	sdelay $0x4  }
0x135: {  	[tilespmem:$0x4070] =	vst v0  }
0x136: {  	[tilespmem:s8], [sflag:$0x2] =	stream.indirect.gather [spmem:s3], $0x40, s1, s0, $0xb8;
	[tilespmem:$0x1AF80] =	vst v63  }
0x137: {  	v56 =	vld [tilespmem:$0x4380];
	_ =	sdelay $0x5  }
0x138: {  	v57 =	vld [tilespmem:$0x4390];
	_ =	sdelay $0x1  }
0x139: {  	v0 =	vld.idx.msk [tilespmem:v56+s7+$0x0], $0xffff;
	_ =	sdelay $0x3  }
0x13a: {  	v58 =	vld [tilespmem:$0x43A0]  }
0x13b: {  	[tilespmem:$0x4080] =	vst v0  }
0x13c: {  	v0 =	vld.idx.msk [tilespmem:v57+s7+$0x0], $0xffff;
	_ =	sdelay $0x3  }
0x13d: {  	v59 =	vld [tilespmem:$0x43B0]  }
0x13e: {  	[tilespmem:$0x4090] =	vst v0  }
0x13f: {  	v0 =	vld.idx.msk [tilespmem:v58+s7+$0x0], $0xffff;
	_ =	sdelay $0x3  }
0x140: {  	v60 =	vld [tilespmem:$0x43C0]  }
0x141: {  	[tilespmem:$0x40A0] =	vst v0  }
0x142: {  	v0 =	vld.idx.msk [tilespmem:v59+s7+$0x0], $0xffff;
	_ =	sdelay $0x3  }
0x143: {  	v61 =	vld [tilespmem:$0x43D0]  }
0x144: {  	[tilespmem:$0x40B0] =	vst v0  }
0x145: {  	v0 =	vld.idx.msk [tilespmem:v60+s7+$0x0], $0xffff;
	_ =	sdelay $0x3  }
0x146: {  	v62 =	vld [tilespmem:$0x43E0]  }
0x147: {  	[tilespmem:$0x40C0] =	vst v0  }
0x148: {  	v0 =	vld.idx.msk [tilespmem:v61+s7+$0x0], $0xffff;
	_ =	sdelay $0x3  }
0x149: {  	v63 =	vld [tilespmem:$0x43F0]  }
0x14a: {  	[tilespmem:$0x40D0] =	vst v0  }
0x14b: {  	v0 =	vld.idx.msk [tilespmem:v62+s7+$0x0], $0xffff;
	_ =	sdelay $0x4  }
0x14c: {  	[tilespmem:$0x40E0] =	vst v0  }
0x14d: {  	v0 =	vld.idx.msk [tilespmem:v63+s7+$0x0], $0xffff  }
.Ltmp3:
0x14e: {  	_ = 	snop;
	(pc) =	sbr.rel .LBB2_3-.Ltmp3, $3  }
0x14f: {  	_ =	sdelay $0x1  }
0x150: {  	s29 =	smov.u32 s13;
	s18 =	sld [smem:$0x7F8]  }
0x151: {  	s19 =	smov.u32 s22;
	s23 =	smov.u32 s24;
	s20 =	sld [smem:$0x7F7];
	[tilespmem:$0x40F0] =	vst v0  }
.LBB2_6:
0x152: {  	[spmem:s5] =	stream.indirect.scatter.add.f32 [tilespmem:s30], [sflag:$0x3], $0x40, s31, s0, $0xb8;
	[tilespmem:$0x1AF80] =	vst v63  }
0x153: {  	s13 =	simm.s32 $0x4200  }
0x154: {  	[spmem:s2] =	stream.indirect.scatter.add.f32 [tilespmem:s4], [sflag:$0x3], $0x1, s13, s0, $0xb8;
	[tilespmem:$0x1AF80] =	vst v63  }
0x155: {  	_ =	swait.ge [sflag:s12], $0x2000  }
0x156: {  	[sflag:s12] =	ssyncset.done $0x0  }
0x157: {  	s22 =	simm.s32 $0x4480;
	[sflag:s12] =	ssyncadd.s32 $0xFFFFE000  }
0x158: {  	[spmem:s5] =	stream.indirect.scatter.add.f32 [tilespmem:s8], [sflag:$0x4], $0x40, s22, s0, $0xb8;
	[tilespmem:$0x1AF80] =	vst v63  }
0x159: {  	s24 =	simm.s32 $0x4080  }
0x15a: {  	[spmem:s2] =	stream.indirect.scatter.add.f32 [tilespmem:s24], [sflag:$0x4], $0x1, s14, s0, $0xb8;
	[tilespmem:$0x1AF80] =	vst v63  }
0x15b: {  	_ =	swait.ge [sflag:s28], $0x100  }
0x15c: {  	[sflag:s28] =	ssyncset.done $0x0  }
0x15d: {  	[sflag:s28] =	ssyncadd.s32 $0xFFFFFF00  }
0x15e: {  	_ =	swait.ge [sflag:s28], $0x100  }
0x15f: {  	[sflag:s28] =	ssyncset.done $0x0  }
0x160: {  	[sflag:s28] =	ssyncadd.s32 $0xFFFFFF00  }
0x161: {  	_ =	swait.ge [sflag:s16], $0x2000  }
0x162: {  	[sflag:s16] =	ssyncset.done $0x0  }
0x163: {  	[sflag:s16] =	ssyncadd.s32 $0xFFFFE000  }
0x164: {  	_ =	swait.ge [sflag:s16], $0x80  }
0x165: {  	[sflag:s16] =	ssyncset.done $0x0  }
0x166: {  	[sflag:s16] =	ssyncadd.s32 $0xFFFFFF80  }
0x167: {  	[tilespmem:s30], [sflag:$0x1] =	stream.indirect.gather [spmem:s3], $0x40, s9, s0, $0xb8;
	[tilespmem:$0x1AF80] =	vst v63  }
0x168: {  	v0 =	vld [tilespmem:$0x4300];
	_ =	sdelay $0x5  }
0x169: {  	v1 =	vld [tilespmem:$0x4310];
	_ =	sdelay $0x1  }
0x16a: {  	v0 =	vld.idx.msk [tilespmem:v0+s7+$0x0], $0xffff;
	_ =	sdelay $0x3  }
0x16b: {  	v2 =	vld [tilespmem:$0x4320]  }
0x16c: {  	[tilespmem:$0x4000] =	vst v0  }
0x16d: {  	v0 =	vld.idx.msk [tilespmem:v1+s7+$0x0], $0xffff;
	_ =	sdelay $0x3  }
0x16e: {  	v51 =	vld [tilespmem:$0x4330]  }
0x16f: {  	[tilespmem:$0x4010] =	vst v0  }
0x170: {  	v0 =	vld.idx.msk [tilespmem:v2+s7+$0x0], $0xffff;
	_ =	sdelay $0x3  }
0x171: {  	v52 =	vld [tilespmem:$0x4340]  }
0x172: {  	[tilespmem:$0x4020] =	vst v0  }
0x173: {  	v0 =	vld.idx.msk [tilespmem:v51+s7+$0x0], $0xffff;
	_ =	sdelay $0x3  }
0x174: {  	v53 =	vld [tilespmem:$0x4350]  }
0x175: {  	[tilespmem:$0x4030] =	vst v0  }
0x176: {  	v0 =	vld.idx.msk [tilespmem:v52+s7+$0x0], $0xffff;
	_ =	sdelay $0x3  }
0x177: {  	v54 =	vld [tilespmem:$0x4360]  }
0x178: {  	[tilespmem:$0x4040] =	vst v0  }
0x179: {  	v0 =	vld.idx.msk [tilespmem:v53+s7+$0x0], $0xffff;
	_ =	sdelay $0x3  }
0x17a: {  	v55 =	vld [tilespmem:$0x4370]  }
0x17b: {  	[tilespmem:$0x4050] =	vst v0  }
0x17c: {  	v0 =	vld.idx.msk [tilespmem:v54+s7+$0x0], $0xffff;
	_ =	sdelay $0x4  }
0x17d: {  	[tilespmem:$0x4060] =	vst v0  }
0x17e: {  	v0 =	vld.idx.msk [tilespmem:v55+s7+$0x0], $0xffff;
	_ =	sdelay $0x4  }
0x17f: {  	[tilespmem:$0x4070] =	vst v0  }
0x180: {  	_ =	swait.ge [sflag:s17], $0x2000  }
0x181: {  	[sflag:s17] =	ssyncset.done $0x0  }
0x182: {  	[sflag:s17] =	ssyncadd.s32 $0xFFFFE000  }
0x183: {  	_ =	swait.ge [sflag:s17], $0x80  }
0x184: {  	[sflag:s17] =	ssyncset.done $0x0  }
0x185: {  	[sflag:s17] =	ssyncadd.s32 $0xFFFFFF80  }
0x186: {  	[tilespmem:s8], [sflag:$0x2] =	stream.indirect.gather [spmem:s3], $0x40, s1, s0, $0xb8;
	[tilespmem:$0x1AF80] =	vst v63  }
0x187: {  	v56 =	vld [tilespmem:$0x4380];
	_ =	sdelay $0x5  }
0x188: {  	v57 =	vld [tilespmem:$0x4390];
	_ =	sdelay $0x1  }
0x189: {  	v0 =	vld.idx.msk [tilespmem:v56+s7+$0x0], $0xffff;
	_ =	sdelay $0x3  }
0x18a: {  	v58 =	vld [tilespmem:$0x43A0]  }
0x18b: {  	[tilespmem:$0x4080] =	vst v0  }
0x18c: {  	v0 =	vld.idx.msk [tilespmem:v57+s7+$0x0], $0xffff;
	_ =	sdelay $0x3  }
0x18d: {  	v59 =	vld [tilespmem:$0x43B0]  }
0x18e: {  	[tilespmem:$0x4090] =	vst v0  }
0x18f: {  	v0 =	vld.idx.msk [tilespmem:v58+s7+$0x0], $0xffff;
	_ =	sdelay $0x3  }
0x190: {  	v60 =	vld [tilespmem:$0x43C0]  }
0x191: {  	[tilespmem:$0x40A0] =	vst v0  }
0x192: {  	v0 =	vld.idx.msk [tilespmem:v59+s7+$0x0], $0xffff;
	_ =	sdelay $0x3  }
0x193: {  	v61 =	vld [tilespmem:$0x43D0]  }
0x194: {  	[tilespmem:$0x40B0] =	vst v0  }
0x195: {  	v0 =	vld.idx.msk [tilespmem:v60+s7+$0x0], $0xffff;
	_ =	sdelay $0x3  }
0x196: {  	v62 =	vld [tilespmem:$0x43E0]  }
0x197: {  	[tilespmem:$0x40C0] =	vst v0  }
0x198: {  	v0 =	vld.idx.msk [tilespmem:v61+s7+$0x0], $0xffff;
	_ =	sdelay $0x3  }
0x199: {  	v63 =	vld [tilespmem:$0x43F0]  }
0x19a: {  	[tilespmem:$0x40D0] =	vst v0  }
0x19b: {  	v0 =	vld.idx.msk [tilespmem:v62+s7+$0x0], $0xffff;
	_ =	sdelay $0x4  }
0x19c: {  	[tilespmem:$0x40E0] =	vst v0  }
0x19d: {  	v0 =	vld.idx.msk [tilespmem:v63+s7+$0x0], $0xffff;
	_ =	sdelay $0x3  }
0x19e: {  	p1 =	sgt.u32 s25, $0x2C  }
0x19f: {  	s22 =	simm.s32 @!p1 $0x0;
	s24 =	simm.s32 @!p1 $0x4200;
	[tilespmem:$0x40F0] =	vst v0  }
0x1a0: {  	[tilespmem:s24], [sflag:$0x6] =	stream.linear.gather @!p1 [hbm4b:s20+s22], $0x100, $0x38;
	[tilespmem:$0x1AF80] =	vst v63  }
0x1a1: {  	s24 =	simm.s32 @!p1 $0x4400  }
0x1a2: {  	[tilespmem:s24], [sflag:$0x6] =	stream.linear.gather @!p1 [hbm4b:s18+s22], $0x100, $0x38;
	[tilespmem:$0x1AF80] =	vst v63  }
.LBB2_7:
0x1a3: {  	s25 =	sadd.s32 $0x1, s25  }
0x1a4: {  	p1 =	seq.s32 s25, $0x2F  }
.Ltmp4:
0x1a5: {  	_ = 	snop;
	(pc) =	sbr.rel @p1 .LBB2_14-.Ltmp4, $2  }
0x1a6: {  	_ =	sdelay $0x2  }
0x1a7: {  	s20 =	sadd.s32 $0x20, s20;
	s18 =	sadd.s32 $0x20, s18  }
.LBB2_3:
0x1a8: {  	s22 =	sand.u32 $0x1, s25  }
0x1a9: {  	p1 =	seq.s32 s22, $0x1  }
.Ltmp5:
0x1aa: {  	_ = 	snop;
	(pc) =	sbr.rel @p1 .LBB2_6-.Ltmp5, $4  }
0x1ab: {  	_ = 	snop  }
0x1ac: {  	_ =	swait.ge [sflag:s11], $0x2000  }
0x1ad: {  	[sflag:s11] =	ssyncset.done $0x0  }
0x1ae: {  	[sflag:s11] =	ssyncadd.s32 $0xFFFFE000  }
0x1af: {  	s13 =	simm.s32 $0x4300  }
0x1b0: {  	[spmem:s5] =	stream.indirect.scatter.add.f32 [tilespmem:s30], [sflag:$0x3], $0x40, s13, s0, $0xb8;
	[tilespmem:$0x1AF80] =	vst v63  }
0x1b1: {  	_ = 	snop  }
0x1b2: {  	[spmem:s2] =	stream.indirect.scatter.add.f32 [tilespmem:s4], [sflag:$0x3], $0x1, s9, s0, $0xb8;
	[tilespmem:$0x1AF80] =	vst v63  }
0x1b3: {  	_ =	swait.ge [sflag:s12], $0x2000  }
0x1b4: {  	[sflag:s12] =	ssyncset.done $0x0  }
0x1b5: {  	s24 =	simm.s32 $0x4380;
	p1 =	seq.s32 s25, $0x2E;
	[sflag:s12] =	ssyncadd.s32 $0xFFFFE000  }
0x1b6: {  	[spmem:s5] =	stream.indirect.scatter.add.f32 [tilespmem:s8], [sflag:$0x4], $0x40, s24, s0, $0xb8;
	[tilespmem:$0x1AF80] =	vst v63  }
0x1b7: {  	s26 =	simm.s32 $0x4080;
	s22 =	simm.s32 @p1 $0x3  }
0x1b8: {  	[spmem:s2] =	stream.indirect.scatter.add.f32 [tilespmem:s26], [sflag:$0x4], $0x1, s1, s0, $0xb8;
	[tilespmem:$0x1AF80] =	vst v63  }
0x1b9: {  	_ =	swait.ge @p1 [sflag:s22], $0x2000  }
0x1ba: {  	[sflag:s22] =	ssyncset.done @p1 $0x0  }
0x1bb: {  	[sflag:s22] =	ssyncadd.s32 @p1 $0xFFFFE000  }
0x1bc: {  	_ =	swait.ge @p1 [sflag:s22], $0x80  }
0x1bd: {  	[sflag:s22] =	ssyncset.done @p1 $0x0  }
0x1be: {  	[sflag:s22] =	ssyncadd.s32 @p1 $0xFFFFFF80;
	s22 =	simm.s32 @!p1 $0x6  }
0x1bf: {  	_ =	swait.ge @!p1 [sflag:s22], $0x100  }
0x1c0: {  	[sflag:s22] =	ssyncset.done @!p1 $0x0  }
0x1c1: {  	[sflag:s22] =	ssyncadd.s32 @!p1 $0xFFFFFF00  }
0x1c2: {  	_ =	swait.ge @!p1 [sflag:s22], $0x100  }
0x1c3: {  	[sflag:s22] =	ssyncset.done @!p1 $0x0  }
0x1c4: {  	[sflag:s22] =	ssyncadd.s32 @!p1 $0xFFFFFF00;
	s22 =	simm.s32 @!p1 $0x3  }
0x1c5: {  	_ =	swait.ge @!p1 [sflag:s22], $0x2000  }
0x1c6: {  	[sflag:s22] =	ssyncset.done @!p1 $0x0  }
0x1c7: {  	[sflag:s22] =	ssyncadd.s32 @!p1 $0xFFFFE000  }
0x1c8: {  	_ =	swait.ge @!p1 [sflag:s22], $0x80  }
0x1c9: {  	s24 =	simm.s32 @!p1 $0x4200;
	[sflag:s22] =	ssyncset.done @!p1 $0x0  }
0x1ca: {  	s26 =	simm.s32 @!p1 $0x0;
	[sflag:s22] =	ssyncadd.s32 @!p1 $0xFFFFFF80;
	s22 =	simm.s32 @!p1 $0x80  }
0x1cb: {  	[tilespmem:s26], [sflag:$0x1] =	stream.indirect.gather @!p1 [spmem:s3], $0x40, s24, s22, $0xb8;
	[tilespmem:$0x1AF80] =	vst v63  }
0x1cc: {  	v0 =	vld @!p1 [tilespmem:$0x4400];
	_ =	sdelay $0x5  }
0x1cd: {  	v1 =	vld @!p1 [tilespmem:$0x4410]  }
0x1ce: {  	s22 =	simm.s32 @!p1 $0x4500  }
0x1cf: {  	v0 =	vld.idx.msk @!p1 [tilespmem:v0+s22+$0x0], $0xffff;
	_ =	sdelay $0x3  }
0x1d0: {  	v2 =	vld @!p1 [tilespmem:$0x4420]  }
0x1d1: {  	[tilespmem:$0x4000] =	vst @!p1 v0  }
0x1d2: {  	v0 =	vld.idx.msk @!p1 [tilespmem:v1+s22+$0x0], $0xffff;
	_ =	sdelay $0x3  }
0x1d3: {  	v1 =	vld @!p1 [tilespmem:$0x4430]  }
0x1d4: {  	[tilespmem:$0x4010] =	vst @!p1 v0  }
0x1d5: {  	v0 =	vld.idx.msk @!p1 [tilespmem:v2+s22+$0x0], $0xffff;
	_ =	sdelay $0x3  }
0x1d6: {  	v2 =	vld @!p1 [tilespmem:$0x4440]  }
0x1d7: {  	[tilespmem:$0x4020] =	vst @!p1 v0  }
0x1d8: {  	v0 =	vld.idx.msk @!p1 [tilespmem:v1+s22+$0x0], $0xffff;
	_ =	sdelay $0x3  }
0x1d9: {  	v1 =	vld @!p1 [tilespmem:$0x4450]  }
0x1da: {  	[tilespmem:$0x4030] =	vst @!p1 v0  }
0x1db: {  	v0 =	vld.idx.msk @!p1 [tilespmem:v2+s22+$0x0], $0xffff;
	_ =	sdelay $0x3  }
0x1dc: {  	v2 =	vld @!p1 [tilespmem:$0x4460]  }
0x1dd: {  	[tilespmem:$0x4040] =	vst @!p1 v0  }
0x1de: {  	v0 =	vld.idx.msk @!p1 [tilespmem:v1+s22+$0x0], $0xffff;
	_ =	sdelay $0x3  }
0x1df: {  	v1 =	vld @!p1 [tilespmem:$0x4470]  }
0x1e0: {  	[tilespmem:$0x4050] =	vst @!p1 v0  }
0x1e1: {  	v0 =	vld.idx.msk @!p1 [tilespmem:v2+s22+$0x0], $0xffff;
	_ =	sdelay $0x4  }
0x1e2: {  	[tilespmem:$0x4060] =	vst @!p1 v0  }
0x1e3: {  	v0 =	vld.idx.msk @!p1 [tilespmem:v1+s22+$0x0], $0xffff;
	_ =	sdelay $0x4  }
0x1e4: {  	[tilespmem:$0x4070] =	vst @!p1 v0  }
0x1e5: {  	s26 =	sld [smem:$0x7F9];
	_ =	swait.ge [sflag:s17], $0x2000  }
.Ltmp6:
0x1e6: {  	[sflag:s17] =	ssyncset.done $0x0;
	(pc) =	sbr.rel @p1 .LBB2_14-.Ltmp6, $4  }
0x1e7: {  	[sflag:s17] =	ssyncadd.s32 $0xFFFFE000  }
0x1e8: {  	_ =	swait.ge [sflag:s17], $0x80  }
0x1e9: {  	[sflag:s17] =	ssyncset.done $0x0  }
0x1ea: {  	[sflag:s17] =	ssyncadd.s32 $0xFFFFFF80  }
0x1eb: {  	[tilespmem:s8], [sflag:$0x2] =	stream.indirect.gather [spmem:s3], $0x40, s14, s0, $0xb8;
	[tilespmem:$0x1AF80] =	vst v63  }
0x1ec: {  	v0 =	vld [tilespmem:$0x4480];
	_ =	sdelay $0x5  }
0x1ed: {  	v1 =	vld [tilespmem:$0x4490];
	_ =	sdelay $0x1  }
0x1ee: {  	v0 =	vld.idx.msk [tilespmem:v0+s7+$0x0], $0xffff;
	_ =	sdelay $0x3  }
0x1ef: {  	v2 =	vld [tilespmem:$0x44A0]  }
0x1f0: {  	[tilespmem:$0x4080] =	vst v0  }
0x1f1: {  	v0 =	vld.idx.msk [tilespmem:v1+s7+$0x0], $0xffff;
	_ =	sdelay $0x3  }
0x1f2: {  	v59 =	vld [tilespmem:$0x44B0]  }
0x1f3: {  	[tilespmem:$0x4090] =	vst v0  }
0x1f4: {  	v0 =	vld.idx.msk [tilespmem:v2+s7+$0x0], $0xffff;
	_ =	sdelay $0x3  }
0x1f5: {  	v60 =	vld [tilespmem:$0x44C0]  }
0x1f6: {  	[tilespmem:$0x40A0] =	vst v0  }
0x1f7: {  	v0 =	vld.idx.msk [tilespmem:v59+s7+$0x0], $0xffff;
	_ =	sdelay $0x3  }
0x1f8: {  	v61 =	vld [tilespmem:$0x44D0]  }
0x1f9: {  	[tilespmem:$0x40B0] =	vst v0  }
0x1fa: {  	v0 =	vld.idx.msk [tilespmem:v60+s7+$0x0], $0xffff;
	_ =	sdelay $0x3  }
0x1fb: {  	v62 =	vld [tilespmem:$0x44E0]  }
0x1fc: {  	[tilespmem:$0x40C0] =	vst v0  }
0x1fd: {  	v0 =	vld.idx.msk [tilespmem:v61+s7+$0x0], $0xffff;
	_ =	sdelay $0x3  }
0x1fe: {  	v63 =	vld [tilespmem:$0x44F0]  }
0x1ff: {  	[tilespmem:$0x40D0] =	vst v0  }
0x200: {  	v0 =	vld.idx.msk [tilespmem:v62+s7+$0x0], $0xffff;
	_ =	sdelay $0x4  }
0x201: {  	[tilespmem:$0x40E0] =	vst v0  }
0x202: {  	v0 =	vld.idx.msk [tilespmem:v63+s7+$0x0], $0xffff;
	_ =	sdelay $0x3  }
.Ltmp7:
0x203: {  	p1 =	sgt.u32 s25, $0x2C;
	(pc) =	sbr.rel .LBB2_7-.Ltmp7, $4  }
0x204: {  	s22 =	simm.s32 @!p1 $0x0;
	s24 =	simm.s32 @!p1 $0x4100;
	[tilespmem:$0x40F0] =	vst v0  }
0x205: {  	[tilespmem:s24], [sflag:$0x5] =	stream.linear.gather @!p1 [hbm4b:s20+s22], $0x100, $0x38;
	[tilespmem:$0x1AF80] =	vst v63  }
0x206: {  	s24 =	simm.s32 @!p1 $0x4300  }
0x207: {  	[tilespmem:s24], [sflag:$0x5] =	stream.linear.gather @!p1 [hbm4b:s18+s22], $0x100, $0x38;
	[tilespmem:$0x1AF80] =	vst v63  }
.LBB2_8:
0x208: {  	s18 =	rddreg [dreg:$0x7]  }
0x209: {  	[tilespmem:s9], [sflag:$0x5] =	stream.linear.gather [hbm4b:s18+s25], $0x100, $0x38;
	[tilespmem:$0x1AF80] =	vst v63  }
0x20a: {  	s23 =	rddreg [dreg:$0x8];
	s19 =	simm.s32 $0x4300  }
0x20b: {  	[tilespmem:s19], [sflag:$0x5] =	stream.linear.gather [hbm4b:s23+s25], $0x100, $0x38;
	[tilespmem:$0x1AF80] =	vst v63  }
0x20c: {  	_ =	swait.ge [sflag:s28], $0x100  }
0x20d: {  	[sflag:s28] =	ssyncset.done $0x0  }
0x20e: {  	[sflag:s28] =	ssyncadd.s32 $0xFFFFFF00  }
0x20f: {  	_ =	swait.ge [sflag:s28], $0x100  }
0x210: {  	[sflag:s28] =	ssyncset.done $0x0  }
0x211: {  	s20 =	simm.s32 $0x4200;
	s19 =	rddreg [dreg:$0x9];
	[sflag:s28] =	ssyncadd.s32 $0xFFFFFF00  }
0x212: {  	[tilespmem:s20], [sflag:$0x6] =	stream.linear.gather [hbm4b:s19+s25], $0x100, $0x38;
	[tilespmem:$0x1AF80] =	vst v63  }
0x213: {  	s23 =	rddreg [dreg:$0xa]  }
0x214: {  	[tilespmem:s31], [sflag:$0x6] =	stream.linear.gather [hbm4b:s23+s25], $0x100, $0x38;
	[tilespmem:$0x1AF80] =	vst v63  }
0x215: {  	[bflag:$0x0] =	sbarrier.arrive $0xFFFF  }
0x216: {  	[tilespmem:s25], [sflag:$0x1] =	stream.indirect.gather [spmem:s3], $0x40, s9, s0, $0xb8;
	[tilespmem:$0x1AF80] =	vst v63  }
0x217: {  	v0 =	vld [tilespmem:$0x4300];
	_ =	sdelay $0x5  }
0x218: {  	v1 =	vld [tilespmem:$0x4310];
	_ =	sdelay $0x1  }
0x219: {  	v0 =	vld.idx.msk [tilespmem:v0+s7+$0x0], $0xffff;
	_ =	sdelay $0x3  }
0x21a: {  	v2 =	vld [tilespmem:$0x4320]  }
0x21b: {  	[tilespmem:$0x4000] =	vst v0  }
0x21c: {  	v0 =	vld.idx.msk [tilespmem:v1+s7+$0x0], $0xffff;
	_ =	sdelay $0x3  }
0x21d: {  	v51 =	vld [tilespmem:$0x4330]  }
0x21e: {  	[tilespmem:$0x4010] =	vst v0  }
0x21f: {  	v0 =	vld.idx.msk [tilespmem:v2+s7+$0x0], $0xffff;
	_ =	sdelay $0x3  }
0x220: {  	v52 =	vld [tilespmem:$0x4340]  }
0x221: {  	[tilespmem:$0x4020] =	vst v0  }
0x222: {  	v0 =	vld.idx.msk [tilespmem:v51+s7+$0x0], $0xffff;
	_ =	sdelay $0x3  }
0x223: {  	v53 =	vld [tilespmem:$0x4350]  }
0x224: {  	[tilespmem:$0x4030] =	vst v0  }
0x225: {  	v0 =	vld.idx.msk [tilespmem:v52+s7+$0x0], $0xffff;
	_ =	sdelay $0x3  }
0x226: {  	v54 =	vld [tilespmem:$0x4360]  }
0x227: {  	[tilespmem:$0x4040] =	vst v0  }
0x228: {  	v0 =	vld.idx.msk [tilespmem:v53+s7+$0x0], $0xffff;
	_ =	sdelay $0x3  }
0x229: {  	v55 =	vld [tilespmem:$0x4370]  }
0x22a: {  	[tilespmem:$0x4050] =	vst v0  }
0x22b: {  	v0 =	vld.idx.msk [tilespmem:v54+s7+$0x0], $0xffff;
	_ =	sdelay $0x4  }
0x22c: {  	[tilespmem:$0x4060] =	vst v0  }
0x22d: {  	v0 =	vld.idx.msk [tilespmem:v55+s7+$0x0], $0xffff;
	_ =	sdelay $0x4  }
0x22e: {  	[tilespmem:$0x4070] =	vst v0  }
0x22f: {  	[tilespmem:s8], [sflag:$0x2] =	stream.indirect.gather [spmem:s3], $0x40, s1, s0, $0xb8;
	[tilespmem:$0x1AF80] =	vst v63  }
0x230: {  	v56 =	vld [tilespmem:$0x4380];
	_ =	sdelay $0x5  }
0x231: {  	v57 =	vld [tilespmem:$0x4390];
	_ =	sdelay $0x1  }
0x232: {  	v0 =	vld.idx.msk [tilespmem:v56+s7+$0x0], $0xffff;
	_ =	sdelay $0x3  }
0x233: {  	v58 =	vld [tilespmem:$0x43A0]  }
0x234: {  	[tilespmem:$0x4080] =	vst v0  }
0x235: {  	v0 =	vld.idx.msk [tilespmem:v57+s7+$0x0], $0xffff;
	_ =	sdelay $0x3  }
0x236: {  	v59 =	vld [tilespmem:$0x43B0]  }
0x237: {  	[tilespmem:$0x4090] =	vst v0  }
0x238: {  	v0 =	vld.idx.msk [tilespmem:v58+s7+$0x0], $0xffff;
	_ =	sdelay $0x3  }
0x239: {  	v60 =	vld [tilespmem:$0x43C0]  }
0x23a: {  	[tilespmem:$0x40A0] =	vst v0  }
0x23b: {  	v0 =	vld.idx.msk [tilespmem:v59+s7+$0x0], $0xffff;
	_ =	sdelay $0x3  }
0x23c: {  	v61 =	vld [tilespmem:$0x43D0]  }
0x23d: {  	[tilespmem:$0x40B0] =	vst v0  }
0x23e: {  	v0 =	vld.idx.msk [tilespmem:v60+s7+$0x0], $0xffff;
	_ =	sdelay $0x3  }
0x23f: {  	v62 =	vld [tilespmem:$0x43E0]  }
0x240: {  	[tilespmem:$0x40C0] =	vst v0  }
0x241: {  	v0 =	vld.idx.msk [tilespmem:v61+s7+$0x0], $0xffff;
	_ =	sdelay $0x3  }
0x242: {  	v63 =	vld [tilespmem:$0x43F0]  }
0x243: {  	[tilespmem:$0x40D0] =	vst v0  }
0x244: {  	v0 =	vld.idx.msk [tilespmem:v62+s7+$0x0], $0xffff;
	_ =	sdelay $0x4  }
0x245: {  	[tilespmem:$0x40E0] =	vst v0  }
0x246: {  	v0 =	vld.idx.msk [tilespmem:v63+s7+$0x0], $0xffff  }
.Ltmp8:
0x247: {  	_ = 	snop;
	(pc) =	sbr.rel .LBB2_9-.Ltmp8, $3  }
0x248: {  	_ =	sdelay $0x1  }
0x249: {  	s29 =	smov.u32 s13;
	s18 =	sld [smem:$0x7F6]  }
0x24a: {  	s19 =	smov.u32 s22;
	s23 =	smov.u32 s24;
	s20 =	sld [smem:$0x7F5];
	[tilespmem:$0x40F0] =	vst v0  }
.LBB2_12:
0x24b: {  	[spmem:s5] =	stream.indirect.scatter.add.f32 [tilespmem:s30], [sflag:$0x3], $0x40, s31, s0, $0xb8;
	[tilespmem:$0x1AF80] =	vst v63  }
0x24c: {  	s13 =	simm.s32 $0x4200  }
0x24d: {  	[spmem:s2] =	stream.indirect.scatter.add.f32 [tilespmem:s4], [sflag:$0x3], $0x1, s13, s0, $0xb8;
	[tilespmem:$0x1AF80] =	vst v63  }
0x24e: {  	_ =	swait.ge [sflag:s12], $0x2000  }
0x24f: {  	[sflag:s12] =	ssyncset.done $0x0  }
0x250: {  	s22 =	simm.s32 $0x4480;
	[sflag:s12] =	ssyncadd.s32 $0xFFFFE000  }
0x251: {  	[spmem:s5] =	stream.indirect.scatter.add.f32 [tilespmem:s8], [sflag:$0x4], $0x40, s22, s0, $0xb8;
	[tilespmem:$0x1AF80] =	vst v63  }
0x252: {  	s24 =	simm.s32 $0x4080  }
0x253: {  	[spmem:s2] =	stream.indirect.scatter.add.f32 [tilespmem:s24], [sflag:$0x4], $0x1, s14, s0, $0xb8;
	[tilespmem:$0x1AF80] =	vst v63  }
0x254: {  	_ =	swait.ge [sflag:s28], $0x100  }
0x255: {  	[sflag:s28] =	ssyncset.done $0x0  }
0x256: {  	[sflag:s28] =	ssyncadd.s32 $0xFFFFFF00  }
0x257: {  	_ =	swait.ge [sflag:s28], $0x100  }
0x258: {  	[sflag:s28] =	ssyncset.done $0x0  }
0x259: {  	[sflag:s28] =	ssyncadd.s32 $0xFFFFFF00  }
0x25a: {  	_ =	swait.ge [sflag:s16], $0x2000  }
0x25b: {  	[sflag:s16] =	ssyncset.done $0x0  }
0x25c: {  	[sflag:s16] =	ssyncadd.s32 $0xFFFFE000  }
0x25d: {  	_ =	swait.ge [sflag:s16], $0x80  }
0x25e: {  	[sflag:s16] =	ssyncset.done $0x0  }
0x25f: {  	[sflag:s16] =	ssyncadd.s32 $0xFFFFFF80  }
0x260: {  	[tilespmem:s30], [sflag:$0x1] =	stream.indirect.gather [spmem:s3], $0x40, s9, s0, $0xb8;
	[tilespmem:$0x1AF80] =	vst v63  }
0x261: {  	v0 =	vld [tilespmem:$0x4300];
	_ =	sdelay $0x5  }
0x262: {  	v1 =	vld [tilespmem:$0x4310];
	_ =	sdelay $0x1  }
0x263: {  	v0 =	vld.idx.msk [tilespmem:v0+s7+$0x0], $0xffff;
	_ =	sdelay $0x3  }
0x264: {  	v2 =	vld [tilespmem:$0x4320]  }
0x265: {  	[tilespmem:$0x4000] =	vst v0  }
0x266: {  	v0 =	vld.idx.msk [tilespmem:v1+s7+$0x0], $0xffff;
	_ =	sdelay $0x3  }
0x267: {  	v51 =	vld [tilespmem:$0x4330]  }
0x268: {  	[tilespmem:$0x4010] =	vst v0  }
0x269: {  	v0 =	vld.idx.msk [tilespmem:v2+s7+$0x0], $0xffff;
	_ =	sdelay $0x3  }
0x26a: {  	v52 =	vld [tilespmem:$0x4340]  }
0x26b: {  	[tilespmem:$0x4020] =	vst v0  }
0x26c: {  	v0 =	vld.idx.msk [tilespmem:v51+s7+$0x0], $0xffff;
	_ =	sdelay $0x3  }
0x26d: {  	v53 =	vld [tilespmem:$0x4350]  }
0x26e: {  	[tilespmem:$0x4030] =	vst v0  }
0x26f: {  	v0 =	vld.idx.msk [tilespmem:v52+s7+$0x0], $0xffff;
	_ =	sdelay $0x3  }
0x270: {  	v54 =	vld [tilespmem:$0x4360]  }
0x271: {  	[tilespmem:$0x4040] =	vst v0  }
0x272: {  	v0 =	vld.idx.msk [tilespmem:v53+s7+$0x0], $0xffff;
	_ =	sdelay $0x3  }
0x273: {  	v55 =	vld [tilespmem:$0x4370]  }
0x274: {  	[tilespmem:$0x4050] =	vst v0  }
0x275: {  	v0 =	vld.idx.msk [tilespmem:v54+s7+$0x0], $0xffff;
	_ =	sdelay $0x4  }
0x276: {  	[tilespmem:$0x4060] =	vst v0  }
0x277: {  	v0 =	vld.idx.msk [tilespmem:v55+s7+$0x0], $0xffff;
	_ =	sdelay $0x4  }
0x278: {  	[tilespmem:$0x4070] =	vst v0  }
0x279: {  	_ =	swait.ge [sflag:s17], $0x2000  }
0x27a: {  	[sflag:s17] =	ssyncset.done $0x0  }
0x27b: {  	[sflag:s17] =	ssyncadd.s32 $0xFFFFE000  }
0x27c: {  	_ =	swait.ge [sflag:s17], $0x80  }
0x27d: {  	[sflag:s17] =	ssyncset.done $0x0  }
0x27e: {  	[sflag:s17] =	ssyncadd.s32 $0xFFFFFF80  }
0x27f: {  	[tilespmem:s8], [sflag:$0x2] =	stream.indirect.gather [spmem:s3], $0x40, s1, s0, $0xb8;
	[tilespmem:$0x1AF80] =	vst v63  }
0x280: {  	v56 =	vld [tilespmem:$0x4380];
	_ =	sdelay $0x5  }
0x281: {  	v57 =	vld [tilespmem:$0x4390];
	_ =	sdelay $0x1  }
0x282: {  	v0 =	vld.idx.msk [tilespmem:v56+s7+$0x0], $0xffff;
	_ =	sdelay $0x3  }
0x283: {  	v58 =	vld [tilespmem:$0x43A0]  }
0x284: {  	[tilespmem:$0x4080] =	vst v0  }
0x285: {  	v0 =	vld.idx.msk [tilespmem:v57+s7+$0x0], $0xffff;
	_ =	sdelay $0x3  }
0x286: {  	v59 =	vld [tilespmem:$0x43B0]  }
0x287: {  	[tilespmem:$0x4090] =	vst v0  }
0x288: {  	v0 =	vld.idx.msk [tilespmem:v58+s7+$0x0], $0xffff;
	_ =	sdelay $0x3  }
0x289: {  	v60 =	vld [tilespmem:$0x43C0]  }
0x28a: {  	[tilespmem:$0x40A0] =	vst v0  }
0x28b: {  	v0 =	vld.idx.msk [tilespmem:v59+s7+$0x0], $0xffff;
	_ =	sdelay $0x3  }
0x28c: {  	v61 =	vld [tilespmem:$0x43D0]  }
0x28d: {  	[tilespmem:$0x40B0] =	vst v0  }
0x28e: {  	v0 =	vld.idx.msk [tilespmem:v60+s7+$0x0], $0xffff;
	_ =	sdelay $0x3  }
0x28f: {  	v62 =	vld [tilespmem:$0x43E0]  }
0x290: {  	[tilespmem:$0x40C0] =	vst v0  }
0x291: {  	v0 =	vld.idx.msk [tilespmem:v61+s7+$0x0], $0xffff;
	_ =	sdelay $0x3  }
0x292: {  	v63 =	vld [tilespmem:$0x43F0]  }
0x293: {  	[tilespmem:$0x40D0] =	vst v0  }
0x294: {  	v0 =	vld.idx.msk [tilespmem:v62+s7+$0x0], $0xffff;
	_ =	sdelay $0x4  }
0x295: {  	[tilespmem:$0x40E0] =	vst v0  }
0x296: {  	v0 =	vld.idx.msk [tilespmem:v63+s7+$0x0], $0xffff;
	_ =	sdelay $0x3  }
0x297: {  	p1 =	sgt.u32 s25, $0x1E  }
0x298: {  	s22 =	simm.s32 @!p1 $0x0;
	s24 =	simm.s32 @!p1 $0x4200;
	[tilespmem:$0x40F0] =	vst v0  }
0x299: {  	[tilespmem:s24], [sflag:$0x6] =	stream.linear.gather @!p1 [hbm4b:s20+s22], $0x100, $0x38;
	[tilespmem:$0x1AF80] =	vst v63  }
0x29a: {  	s24 =	simm.s32 @!p1 $0x4400  }
0x29b: {  	[tilespmem:s24], [sflag:$0x6] =	stream.linear.gather @!p1 [hbm4b:s18+s22], $0x100, $0x38;
	[tilespmem:$0x1AF80] =	vst v63  }
.LBB2_13:
0x29c: {  	s25 =	sadd.s32 $0x1, s25  }
0x29d: {  	p1 =	sne.s32 s25, $0x21  }
.Ltmp9:
0x29e: {  	_ = 	snop;
	(pc) =	sbr.rel @!p1 .LBB2_14-.Ltmp9, $2  }
0x29f: {  	_ =	sdelay $0x2  }
0x2a0: {  	s20 =	sadd.s32 $0x20, s20;
	s18 =	sadd.s32 $0x20, s18  }
.LBB2_9:
0x2a1: {  	s22 =	sand.u32 $0x1, s25  }
0x2a2: {  	p1 =	seq.s32 s22, $0x1  }
.Ltmp10:
0x2a3: {  	_ = 	snop;
	(pc) =	sbr.rel @p1 .LBB2_12-.Ltmp10, $4  }
0x2a4: {  	_ = 	snop  }
0x2a5: {  	_ =	swait.ge [sflag:s11], $0x2000  }
0x2a6: {  	[sflag:s11] =	ssyncset.done $0x0  }
0x2a7: {  	[sflag:s11] =	ssyncadd.s32 $0xFFFFE000  }
0x2a8: {  	s13 =	simm.s32 $0x4300  }
0x2a9: {  	[spmem:s5] =	stream.indirect.scatter.add.f32 [tilespmem:s30], [sflag:$0x3], $0x40, s13, s0, $0xb8;
	[tilespmem:$0x1AF80] =	vst v63  }
0x2aa: {  	_ = 	snop  }
0x2ab: {  	[spmem:s2] =	stream.indirect.scatter.add.f32 [tilespmem:s4], [sflag:$0x3], $0x1, s9, s0, $0xb8;
	[tilespmem:$0x1AF80] =	vst v63  }
0x2ac: {  	_ =	swait.ge [sflag:s12], $0x2000  }
0x2ad: {  	[sflag:s12] =	ssyncset.done $0x0  }
0x2ae: {  	s24 =	simm.s32 $0x4380;
	p1 =	seq.s32 s25, $0x20;
	[sflag:s12] =	ssyncadd.s32 $0xFFFFE000  }
0x2af: {  	[spmem:s5] =	stream.indirect.scatter.add.f32 [tilespmem:s8], [sflag:$0x4], $0x40, s24, s0, $0xb8;
	[tilespmem:$0x1AF80] =	vst v63  }
0x2b0: {  	s26 =	simm.s32 $0x4080;
	s22 =	simm.s32 @p1 $0x3  }
0x2b1: {  	[spmem:s2] =	stream.indirect.scatter.add.f32 [tilespmem:s26], [sflag:$0x4], $0x1, s1, s0, $0xb8;
	[tilespmem:$0x1AF80] =	vst v63  }
0x2b2: {  	_ =	swait.ge @p1 [sflag:s22], $0x2000  }
0x2b3: {  	[sflag:s22] =	ssyncset.done @p1 $0x0  }
0x2b4: {  	[sflag:s22] =	ssyncadd.s32 @p1 $0xFFFFE000  }
0x2b5: {  	_ =	swait.ge @p1 [sflag:s22], $0x80  }
0x2b6: {  	[sflag:s22] =	ssyncset.done @p1 $0x0  }
0x2b7: {  	[sflag:s22] =	ssyncadd.s32 @p1 $0xFFFFFF80;
	s22 =	simm.s32 @!p1 $0x6  }
0x2b8: {  	_ =	swait.ge @!p1 [sflag:s22], $0x100  }
0x2b9: {  	[sflag:s22] =	ssyncset.done @!p1 $0x0  }
0x2ba: {  	[sflag:s22] =	ssyncadd.s32 @!p1 $0xFFFFFF00  }
0x2bb: {  	_ =	swait.ge @!p1 [sflag:s22], $0x100  }
0x2bc: {  	[sflag:s22] =	ssyncset.done @!p1 $0x0  }
0x2bd: {  	[sflag:s22] =	ssyncadd.s32 @!p1 $0xFFFFFF00;
	s22 =	simm.s32 @!p1 $0x3  }
0x2be: {  	_ =	swait.ge @!p1 [sflag:s22], $0x2000  }
0x2bf: {  	[sflag:s22] =	ssyncset.done @!p1 $0x0  }
0x2c0: {  	[sflag:s22] =	ssyncadd.s32 @!p1 $0xFFFFE000  }
0x2c1: {  	_ =	swait.ge @!p1 [sflag:s22], $0x80  }
0x2c2: {  	s24 =	simm.s32 @!p1 $0x4200;
	[sflag:s22] =	ssyncset.done @!p1 $0x0  }
0x2c3: {  	s26 =	simm.s32 @!p1 $0x0;
	[sflag:s22] =	ssyncadd.s32 @!p1 $0xFFFFFF80;
	s22 =	simm.s32 @!p1 $0x80  }
0x2c4: {  	[tilespmem:s26], [sflag:$0x1] =	stream.indirect.gather @!p1 [spmem:s3], $0x40, s24, s22, $0xb8;
	[tilespmem:$0x1AF80] =	vst v63  }
0x2c5: {  	v0 =	vld @!p1 [tilespmem:$0x4400];
	_ =	sdelay $0x5  }
0x2c6: {  	v1 =	vld @!p1 [tilespmem:$0x4410]  }
0x2c7: {  	s22 =	simm.s32 @!p1 $0x4500  }
0x2c8: {  	v0 =	vld.idx.msk @!p1 [tilespmem:v0+s22+$0x0], $0xffff;
	_ =	sdelay $0x3  }
0x2c9: {  	v2 =	vld @!p1 [tilespmem:$0x4420]  }
0x2ca: {  	[tilespmem:$0x4000] =	vst @!p1 v0  }
0x2cb: {  	v0 =	vld.idx.msk @!p1 [tilespmem:v1+s22+$0x0], $0xffff;
	_ =	sdelay $0x3  }
0x2cc: {  	v1 =	vld @!p1 [tilespmem:$0x4430]  }
0x2cd: {  	[tilespmem:$0x4010] =	vst @!p1 v0  }
0x2ce: {  	v0 =	vld.idx.msk @!p1 [tilespmem:v2+s22+$0x0], $0xffff;
	_ =	sdelay $0x3  }
0x2cf: {  	v2 =	vld @!p1 [tilespmem:$0x4440]  }
0x2d0: {  	[tilespmem:$0x4020] =	vst @!p1 v0  }
0x2d1: {  	v0 =	vld.idx.msk @!p1 [tilespmem:v1+s22+$0x0], $0xffff;
	_ =	sdelay $0x3  }
0x2d2: {  	v1 =	vld @!p1 [tilespmem:$0x4450]  }
0x2d3: {  	[tilespmem:$0x4030] =	vst @!p1 v0  }
0x2d4: {  	v0 =	vld.idx.msk @!p1 [tilespmem:v2+s22+$0x0], $0xffff;
	_ =	sdelay $0x3  }
0x2d5: {  	v2 =	vld @!p1 [tilespmem:$0x4460]  }
0x2d6: {  	[tilespmem:$0x4040] =	vst @!p1 v0  }
0x2d7: {  	v0 =	vld.idx.msk @!p1 [tilespmem:v1+s22+$0x0], $0xffff;
	_ =	sdelay $0x3  }
0x2d8: {  	v1 =	vld @!p1 [tilespmem:$0x4470]  }
0x2d9: {  	[tilespmem:$0x4050] =	vst @!p1 v0  }
0x2da: {  	v0 =	vld.idx.msk @!p1 [tilespmem:v2+s22+$0x0], $0xffff;
	_ =	sdelay $0x4  }
0x2db: {  	[tilespmem:$0x4060] =	vst @!p1 v0  }
0x2dc: {  	v0 =	vld.idx.msk @!p1 [tilespmem:v1+s22+$0x0], $0xffff;
	_ =	sdelay $0x4  }
0x2dd: {  	[tilespmem:$0x4070] =	vst @!p1 v0  }
0x2de: {  	s26 =	sld [smem:$0x7F9];
	_ =	swait.ge [sflag:s17], $0x2000  }
.Ltmp11:
0x2df: {  	[sflag:s17] =	ssyncset.done $0x0;
	(pc) =	sbr.rel @p1 .LBB2_14-.Ltmp11, $4  }
0x2e0: {  	[sflag:s17] =	ssyncadd.s32 $0xFFFFE000  }
0x2e1: {  	_ =	swait.ge [sflag:s17], $0x80  }
0x2e2: {  	[sflag:s17] =	ssyncset.done $0x0  }
0x2e3: {  	[sflag:s17] =	ssyncadd.s32 $0xFFFFFF80  }
0x2e4: {  	[tilespmem:s8], [sflag:$0x2] =	stream.indirect.gather [spmem:s3], $0x40, s14, s0, $0xb8;
	[tilespmem:$0x1AF80] =	vst v63  }
0x2e5: {  	v0 =	vld [tilespmem:$0x4480];
	_ =	sdelay $0x5  }
0x2e6: {  	v1 =	vld [tilespmem:$0x4490];
	_ =	sdelay $0x1  }
0x2e7: {  	v0 =	vld.idx.msk [tilespmem:v0+s7+$0x0], $0xffff;
	_ =	sdelay $0x3  }
0x2e8: {  	v2 =	vld [tilespmem:$0x44A0]  }
0x2e9: {  	[tilespmem:$0x4080] =	vst v0  }
0x2ea: {  	v0 =	vld.idx.msk [tilespmem:v1+s7+$0x0], $0xffff;
	_ =	sdelay $0x3  }
0x2eb: {  	v59 =	vld [tilespmem:$0x44B0]  }
0x2ec: {  	[tilespmem:$0x4090] =	vst v0  }
0x2ed: {  	v0 =	vld.idx.msk [tilespmem:v2+s7+$0x0], $0xffff;
	_ =	sdelay $0x3  }
0x2ee: {  	v60 =	vld [tilespmem:$0x44C0]  }
0x2ef: {  	[tilespmem:$0x40A0] =	vst v0  }
0x2f0: {  	v0 =	vld.idx.msk [tilespmem:v59+s7+$0x0], $0xffff;
	_ =	sdelay $0x3  }
0x2f1: {  	v61 =	vld [tilespmem:$0x44D0]  }
0x2f2: {  	[tilespmem:$0x40B0] =	vst v0  }
0x2f3: {  	v0 =	vld.idx.msk [tilespmem:v60+s7+$0x0], $0xffff;
	_ =	sdelay $0x3  }
0x2f4: {  	v62 =	vld [tilespmem:$0x44E0]  }
0x2f5: {  	[tilespmem:$0x40C0] =	vst v0  }
0x2f6: {  	v0 =	vld.idx.msk [tilespmem:v61+s7+$0x0], $0xffff;
	_ =	sdelay $0x3  }
0x2f7: {  	v63 =	vld [tilespmem:$0x44F0]  }
0x2f8: {  	[tilespmem:$0x40D0] =	vst v0  }
0x2f9: {  	v0 =	vld.idx.msk [tilespmem:v62+s7+$0x0], $0xffff;
	_ =	sdelay $0x4  }
0x2fa: {  	[tilespmem:$0x40E0] =	vst v0  }
0x2fb: {  	v0 =	vld.idx.msk [tilespmem:v63+s7+$0x0], $0xffff;
	_ =	sdelay $0x3  }
.Ltmp12:
0x2fc: {  	p1 =	sgt.u32 s25, $0x1E;
	(pc) =	sbr.rel .LBB2_13-.Ltmp12, $4  }
0x2fd: {  	s22 =	simm.s32 @!p1 $0x0;
	s24 =	simm.s32 @!p1 $0x4100;
	[tilespmem:$0x40F0] =	vst v0  }
0x2fe: {  	[tilespmem:s24], [sflag:$0x5] =	stream.linear.gather @!p1 [hbm4b:s20+s22], $0x100, $0x38;
	[tilespmem:$0x1AF80] =	vst v63  }
0x2ff: {  	s24 =	simm.s32 @!p1 $0x4300  }
0x300: {  	[tilespmem:s24], [sflag:$0x5] =	stream.linear.gather @!p1 [hbm4b:s18+s22], $0x100, $0x38;
	[tilespmem:$0x1AF80] =	vst v63  }
.LBB2_14:
0x301: {  	[bflag:$0x0] =	sbarrier.arrive $0xFFFF  }
0x302: {  	[tilespmem:s30], [sflag:$0x7] =	stream.linear.gather [spmem:s15], $0x2000, $0x38;
	[tilespmem:$0x1AF80] =	vst v63  }
0x303: {  	_ =	swait.ge [sflag:s6], $0x2000  }
0x304: {  	[sflag:s6] =	ssyncset.done $0x0  }
0x305: {  	s18 =	rddreg [dreg:$0x17];
	[sflag:s6] =	ssyncadd.s32 $0xFFFFE000  }
0x306: {  	[hbm4b:s18+s30] =	stream.linear.scatter [tilespmem:s30], [sflag:$0x7], $0x2000, $0x38;
	[tilespmem:$0x1AF80] =	vst v63  }
0x307: {  	_ =	swait.ge [sflag:s6], $0x2000  }
0x308: {  	[sflag:s6] =	ssyncset.done $0x0  }
0x309: {  	[sflag:s6] =	ssyncadd.s32 $0xFFFFE000  }
0x30a: {  	[tilespmem:s30], [sflag:$0x7] =	stream.linear.gather [spmem:s10], $0x2000, $0x38;
	[tilespmem:$0x1AF80] =	vst v63  }
0x30b: {  	_ =	swait.ge [sflag:s6], $0x2000  }
0x30c: {  	[sflag:s6] =	ssyncset.done $0x0  }
0x30d: {  	s22 =	rddreg [dreg:$0x18];
	[sflag:s6] =	ssyncadd.s32 $0xFFFFE000  }
0x30e: {  	[hbm4b:s22+s30] =	stream.linear.scatter [tilespmem:s30], [sflag:$0x7], $0x2000, $0x38;
	[tilespmem:$0x1AF80] =	vst v63  }
0x30f: {  	_ =	swait.ge [sflag:s6], $0x2000  }
0x310: {  	[sflag:s6] =	ssyncset.done $0x0  }
0x311: {  	[sflag:s6] =	ssyncadd.s32 $0xFFFFE000  }
0x312: {  	[tilespmem:s30], [sflag:$0x7] =	stream.linear.gather [spmem:s19], $0x2000, $0x38;
	[tilespmem:$0x1AF80] =	vst v63  }
0x313: {  	_ =	swait.ge [sflag:s6], $0x2000  }
0x314: {  	[sflag:s6] =	ssyncset.done $0x0  }
0x315: {  	s25 =	rddreg [dreg:$0x19];
	[sflag:s6] =	ssyncadd.s32 $0xFFFFE000  }
0x316: {  	[hbm4b:s25+s30] =	stream.linear.scatter [tilespmem:s30], [sflag:$0x7], $0x2000, $0x38;
	[tilespmem:$0x1AF80] =	vst v63  }
0x317: {  	_ =	swait.ge [sflag:s6], $0x2000  }
0x318: {  	[sflag:s6] =	ssyncset.done $0x0  }
0x319: {  	[sflag:s6] =	ssyncadd.s32 $0xFFFFE000  }
0x31a: {  	[tilespmem:s30], [sflag:$0x7] =	stream.linear.gather [spmem:s23], $0x2000, $0x38;
	[tilespmem:$0x1AF80] =	vst v63  }
0x31b: {  	_ =	swait.ge [sflag:s6], $0x2000  }
0x31c: {  	[sflag:s6] =	ssyncset.done $0x0  }
0x31d: {  	s13 =	rddreg [dreg:$0x1a];
	[sflag:s6] =	ssyncadd.s32 $0xFFFFE000  }
0x31e: {  	[hbm4b:s13+s30] =	stream.linear.scatter [tilespmem:s30], [sflag:$0x7], $0x2000, $0x38;
	[tilespmem:$0x1AF80] =	vst v63  }
0x31f: {  	_ =	swait.ge [sflag:s6], $0x2000  }
0x320: {  	[sflag:s6] =	ssyncset.done $0x0  }
0x321: {  	[sflag:s6] =	ssyncadd.s32 $0xFFFFE000  }
0x322: {  	[tilespmem:s30], [sflag:$0x7] =	stream.linear.gather [spmem:s29], $0x2000, $0x38;
	[tilespmem:$0x1AF80] =	vst v63  }
0x323: {  	_ =	swait.ge [sflag:s6], $0x2000  }
0x324: {  	[sflag:s6] =	ssyncset.done $0x0  }
0x325: {  	s20 =	rddreg [dreg:$0x1b];
	[sflag:s6] =	ssyncadd.s32 $0xFFFFE000  }
0x326: {  	[hbm4b:s20+s30] =	stream.linear.scatter [tilespmem:s30], [sflag:$0x7], $0x2000, $0x38;
	[tilespmem:$0x1AF80] =	vst v63  }
0x327: {  	_ =	swait.ge [sflag:s6], $0x2000  }
0x328: {  	s22 =	sld [smem:$0x7EE]  }
0x329: {  	[sflag:s6] =	ssyncset.done $0x0  }
0x32a: {  	[sflag:s6] =	ssyncadd.s32 $0xFFFFE000  }
0x32b: {  	[tilespmem:s8], [sflag:$0x7] =	stream.linear.gather [hbm4b:s22+s30], $0x2000, $0x38;
	[tilespmem:$0x1AF80] =	vst v63  }
0x32c: {  	_ =	swait.ge [sflag:s6], $0x2000  }
0x32d: {  	[sflag:s6] =	ssyncset.done $0x0  }
0x32e: {  	s25 =	rddreg [dreg:$0x12];
	[sflag:s6] =	ssyncadd.s32 $0xFFFFE000  }
0x32f: {  	[tilespmem:s30], [sflag:$0x7] =	stream.linear.gather [hbm4b:s25+s30], $0x2000, $0x38;
	[tilespmem:$0x1AF80] =	vst v63  }
0x330: {  	_ =	swait.ge [sflag:s6], $0x2000  }
0x331: {  	s13 =	sld [smem:$0x7EF]  }
0x332: {  	[sflag:s6] =	ssyncset.done $0x0  }
0x333: {  	[sflag:s6] =	ssyncadd.s32 $0xFFFFE000  }
0x334: {  	[spmem:s13] =	stream.linear.scatter [tilespmem:s30], [sflag:$0x7], $0x2000, $0x38;
	[tilespmem:$0x1AF80] =	vst v63  }
0x335: {  	_ =	swait.ge [sflag:s6], $0x2000  }
0x336: {  	[sflag:s6] =	ssyncset.done $0x0  }
0x337: {  	[sflag:s6] =	ssyncadd.s32 $0xFFFFE000  }
0x338: {  	[spmem:s15] =	stream.linear.scatter [tilespmem:s8], [sflag:$0x7], $0x2000, $0x38;
	[tilespmem:$0x1AF80] =	vst v63  }
0x339: {  	_ =	swait.ge [sflag:s6], $0x2000  }
0x33a: {  	[sflag:s6] =	ssyncset.done $0x0  }
0x33b: {  	s20 =	rddreg [dreg:$0x13];
	[sflag:s6] =	ssyncadd.s32 $0xFFFFE000  }
0x33c: {  	[tilespmem:s30], [sflag:$0x7] =	stream.linear.gather [hbm4b:s20+s30], $0x2000, $0x38;
	[tilespmem:$0x1AF80] =	vst v63  }
0x33d: {  	_ =	swait.ge [sflag:s6], $0x2000  }
0x33e: {  	s13 =	sld [smem:$0x7F0]  }
0x33f: {  	[sflag:s6] =	ssyncset.done $0x0  }
0x340: {  	[sflag:s6] =	ssyncadd.s32 $0xFFFFE000  }
0x341: {  	[spmem:s13] =	stream.linear.scatter [tilespmem:s30], [sflag:$0x7], $0x2000, $0x38;
	[tilespmem:$0x1AF80] =	vst v63  }
0x342: {  	_ =	swait.ge [sflag:s6], $0x2000  }
0x343: {  	[sflag:s6] =	ssyncset.done $0x0  }
0x344: {  	[sflag:s6] =	ssyncadd.s32 $0xFFFFE000  }
0x345: {  	[spmem:s10] =	stream.linear.scatter [tilespmem:s8], [sflag:$0x7], $0x2000, $0x38;
	[tilespmem:$0x1AF80] =	vst v63  }
0x346: {  	_ =	swait.ge [sflag:s6], $0x2000  }
0x347: {  	[sflag:s6] =	ssyncset.done $0x0  }
0x348: {  	s22 =	rddreg [dreg:$0x14];
	[sflag:s6] =	ssyncadd.s32 $0xFFFFE000  }
0x349: {  	[tilespmem:s30], [sflag:$0x7] =	stream.linear.gather [hbm4b:s22+s30], $0x2000, $0x38;
	[tilespmem:$0x1AF80] =	vst v63  }
0x34a: {  	_ =	swait.ge [sflag:s6], $0x2000  }
0x34b: {  	s25 =	sld [smem:$0x7F1]  }
0x34c: {  	[sflag:s6] =	ssyncset.done $0x0  }
0x34d: {  	[sflag:s6] =	ssyncadd.s32 $0xFFFFE000  }
0x34e: {  	[spmem:s25] =	stream.linear.scatter [tilespmem:s30], [sflag:$0x7], $0x2000, $0x38;
	[tilespmem:$0x1AF80] =	vst v63  }
0x34f: {  	_ =	swait.ge [sflag:s6], $0x2000  }
0x350: {  	[sflag:s6] =	ssyncset.done $0x0  }
0x351: {  	[sflag:s6] =	ssyncadd.s32 $0xFFFFE000  }
0x352: {  	[spmem:s19] =	stream.linear.scatter [tilespmem:s8], [sflag:$0x7], $0x2000, $0x38;
	[tilespmem:$0x1AF80] =	vst v63  }
0x353: {  	_ =	swait.ge [sflag:s6], $0x2000  }
0x354: {  	[sflag:s6] =	ssyncset.done $0x0  }
0x355: {  	s13 =	smov.u32 s10;
	s10 =	rddreg [dreg:$0x15];
	[sflag:s6] =	ssyncadd.s32 $0xFFFFE000  }
0x356: {  	[tilespmem:s30], [sflag:$0x7] =	stream.linear.gather [hbm4b:s10+s30], $0x2000, $0x38;
	[tilespmem:$0x1AF80] =	vst v63  }
0x357: {  	_ =	swait.ge [sflag:s6], $0x2000  }
0x358: {  	s20 =	sld [smem:$0x7F2]  }
0x359: {  	[sflag:s6] =	ssyncset.done $0x0  }
0x35a: {  	[sflag:s6] =	ssyncadd.s32 $0xFFFFE000  }
0x35b: {  	[spmem:s20] =	stream.linear.scatter [tilespmem:s30], [sflag:$0x7], $0x2000, $0x38;
	[tilespmem:$0x1AF80] =	vst v63  }
0x35c: {  	_ =	swait.ge [sflag:s6], $0x2000  }
0x35d: {  	[sflag:s6] =	ssyncset.done $0x0  }
0x35e: {  	[sflag:s6] =	ssyncadd.s32 $0xFFFFE000  }
0x35f: {  	[spmem:s23] =	stream.linear.scatter [tilespmem:s8], [sflag:$0x7], $0x2000, $0x38;
	[tilespmem:$0x1AF80] =	vst v63  }
0x360: {  	_ =	swait.ge [sflag:s6], $0x2000  }
0x361: {  	[sflag:s6] =	ssyncset.done $0x0  }
0x362: {  	s22 =	rddreg [dreg:$0x16];
	[sflag:s6] =	ssyncadd.s32 $0xFFFFE000  }
0x363: {  	[tilespmem:s30], [sflag:$0x7] =	stream.linear.gather [hbm4b:s22+s30], $0x2000, $0x38;
	[tilespmem:$0x1AF80] =	vst v63  }
0x364: {  	_ =	swait.ge [sflag:s6], $0x2000  }
0x365: {  	s25 =	sld [smem:$0x7F3]  }
0x366: {  	[sflag:s6] =	ssyncset.done $0x0  }
0x367: {  	[sflag:s6] =	ssyncadd.s32 $0xFFFFE000  }
0x368: {  	[spmem:s25] =	stream.linear.scatter [tilespmem:s30], [sflag:$0x7], $0x2000, $0x38;
	[tilespmem:$0x1AF80] =	vst v63  }
0x369: {  	_ =	swait.ge [sflag:s6], $0x2000  }
0x36a: {  	[sflag:s6] =	ssyncset.done $0x0  }
.Ltmp13:
0x36b: {  	[sflag:s6] =	ssyncadd.s32 $0xFFFFE000;
	(pc) =	sbr.rel @p0 .LBB2_21-.Ltmp13, $4  }
0x36c: {  	[spmem:s29] =	stream.linear.scatter [tilespmem:s8], [sflag:$0x7], $0x2000, $0x38;
	[tilespmem:$0x1AF80] =	vst v63  }
0x36d: {  	_ =	swait.ge [sflag:s6], $0x2000  }
0x36e: {  	[sflag:s6] =	ssyncset.done $0x0  }
0x36f: {  	s24 =	smov.u32 s15;
	s18 =	simm.s32 $0x0;
	[sflag:s6] =	ssyncadd.s32 $0xFFFFE000  }
0x370: {  	s20 =	rddreg [dreg:$0xb]  }
0x371: {  	[tilespmem:s9], [sflag:$0x5] =	stream.linear.gather [hbm4b:s20+s18], $0x100, $0x38;
	[tilespmem:$0x1AF80] =	vst v63  }
0x372: {  	s25 =	rddreg [dreg:$0xc];
	s10 =	simm.s32 $0x4300  }
0x373: {  	[tilespmem:s10], [sflag:$0x5] =	stream.linear.gather [hbm4b:s25+s18], $0x100, $0x38;
	[tilespmem:$0x1AF80] =	vst v63  }
0x374: {  	_ =	swait.ge [sflag:s28], $0x100  }
0x375: {  	[sflag:s28] =	ssyncset.done $0x0  }
0x376: {  	[sflag:s28] =	ssyncadd.s32 $0xFFFFFF00  }
0x377: {  	_ =	swait.ge [sflag:s28], $0x100  }
0x378: {  	[sflag:s28] =	ssyncset.done $0x0  }
0x379: {  	s22 =	simm.s32 $0x4200;
	s10 =	rddreg [dreg:$0xd];
	[sflag:s28] =	ssyncadd.s32 $0xFFFFFF00  }
0x37a: {  	[tilespmem:s22], [sflag:$0x6] =	stream.linear.gather [hbm4b:s10+s18], $0x100, $0x38;
	[tilespmem:$0x1AF80] =	vst v63  }
0x37b: {  	s25 =	rddreg [dreg:$0xe]  }
0x37c: {  	[tilespmem:s31], [sflag:$0x6] =	stream.linear.gather [hbm4b:s25+s18], $0x100, $0x38;
	[tilespmem:$0x1AF80] =	vst v63  }
.Ltmp14:
0x37d: {  	[bflag:$0x0] =	sbarrier.arrive $0xFFFF;
	(pc) =	sbr.rel .LBB2_16-.Ltmp14, $4  }
0x37e: {  	[tilespmem:s18], [sflag:$0x1] =	stream.indirect.gather [spmem:s3], $0x40, s9, s0, $0xb8;
	[tilespmem:$0x1AF80] =	vst v63  }
0x37f: {  	s20 =	sld [smem:$0x7F8]  }
0x380: {  	s25 =	sld [smem:$0x7F7]  }
0x381: {  	[tilespmem:s8], [sflag:$0x2] =	stream.indirect.gather [spmem:s3], $0x40, s1, s0, $0xb8;
	[tilespmem:$0x1AF80] =	vst v63  }
.LBB2_19:
0x382: {  	[spmem:s5] =	stream.indirect.scatter.add.f32 [tilespmem:s30], [sflag:$0x3], $0x40, s31, s0, $0xb8;
	[tilespmem:$0x1AF80] =	vst v63  }
0x383: {  	_ =	swait.ge [sflag:s12], $0x2000  }
0x384: {  	[sflag:s12] =	ssyncset.done $0x0  }
0x385: {  	s10 =	simm.s32 $0x4480;
	[sflag:s12] =	ssyncadd.s32 $0xFFFFE000  }
0x386: {  	[spmem:s5] =	stream.indirect.scatter.add.f32 [tilespmem:s8], [sflag:$0x4], $0x40, s10, s0, $0xb8;
	[tilespmem:$0x1AF80] =	vst v63  }
0x387: {  	_ =	swait.ge [sflag:s28], $0x100  }
0x388: {  	[sflag:s28] =	ssyncset.done $0x0  }
0x389: {  	[sflag:s28] =	ssyncadd.s32 $0xFFFFFF00  }
0x38a: {  	_ =	swait.ge [sflag:s28], $0x100  }
0x38b: {  	[sflag:s28] =	ssyncset.done $0x0  }
0x38c: {  	[sflag:s28] =	ssyncadd.s32 $0xFFFFFF00  }
0x38d: {  	_ =	swait.ge [sflag:s16], $0x2000  }
0x38e: {  	[sflag:s16] =	ssyncset.done $0x0  }
0x38f: {  	[sflag:s16] =	ssyncadd.s32 $0xFFFFE000  }
0x390: {  	[tilespmem:s30], [sflag:$0x1] =	stream.indirect.gather [spmem:s3], $0x40, s9, s0, $0xb8;
	[tilespmem:$0x1AF80] =	vst v63  }
0x391: {  	_ =	swait.ge [sflag:s17], $0x2000  }
0x392: {  	[sflag:s17] =	ssyncset.done $0x0  }
0x393: {  	p1 =	sgt.u32 s18, $0x2C;
	[sflag:s17] =	ssyncadd.s32 $0xFFFFE000  }
0x394: {  	[tilespmem:s8], [sflag:$0x2] =	stream.indirect.gather [spmem:s3], $0x40, s1, s0, $0xb8;
	[tilespmem:$0x1AF80] =	vst v63  }
0x395: {  	s22 =	simm.s32 @!p1 $0x0;
	s24 =	simm.s32 @!p1 $0x4200  }
0x396: {  	[tilespmem:s24], [sflag:$0x6] =	stream.linear.gather @!p1 [hbm4b:s25+s22], $0x100, $0x38;
	[tilespmem:$0x1AF80] =	vst v63  }
0x397: {  	s24 =	simm.s32 @!p1 $0x4400  }
0x398: {  	[tilespmem:s24], [sflag:$0x6] =	stream.linear.gather @!p1 [hbm4b:s20+s22], $0x100, $0x38;
	[tilespmem:$0x1AF80] =	vst v63  }
.LBB2_20:
0x399: {  	s18 =	sadd.s32 $0x1, s18  }
0x39a: {  	p1 =	seq.s32 s18, $0x2F  }
.Ltmp15:
0x39b: {  	_ = 	snop;
	(pc) =	sbr.rel @p1 .LBB2_28-.Ltmp15, $2  }
0x39c: {  	_ =	sdelay $0x2  }
0x39d: {  	s25 =	sadd.s32 $0x20, s25;
	s20 =	sadd.s32 $0x20, s20;
	s24 =	smov.u32 s15  }
.LBB2_16:
0x39e: {  	s22 =	sand.u32 $0x1, s18  }
0x39f: {  	p1 =	seq.s32 s22, $0x1  }
.Ltmp16:
0x3a0: {  	_ = 	snop;
	(pc) =	sbr.rel @p1 .LBB2_19-.Ltmp16, $4  }
0x3a1: {  	_ = 	snop  }
0x3a2: {  	_ =	swait.ge [sflag:s11], $0x2000  }
0x3a3: {  	[sflag:s11] =	ssyncset.done $0x0  }
0x3a4: {  	[sflag:s11] =	ssyncadd.s32 $0xFFFFE000  }
0x3a5: {  	s10 =	simm.s32 $0x4300;
	p1 =	seq.s32 s18, $0x2E  }
0x3a6: {  	[spmem:s5] =	stream.indirect.scatter.add.f32 [tilespmem:s30], [sflag:$0x3], $0x40, s10, s0, $0xb8;
	[tilespmem:$0x1AF80] =	vst v63  }
.Ltmp17:
0x3a7: {  	_ = 	snop;
	(pc) =	sbr.rel @p1 .LBB2_27-.Ltmp17, $4  }
0x3a8: {  	_ =	swait.ge [sflag:s12], $0x2000  }
0x3a9: {  	[sflag:s12] =	ssyncset.done $0x0  }
0x3aa: {  	s22 =	simm.s32 $0x4380;
	[sflag:s12] =	ssyncadd.s32 $0xFFFFE000  }
0x3ab: {  	[spmem:s5] =	stream.indirect.scatter.add.f32 [tilespmem:s8], [sflag:$0x4], $0x40, s22, s0, $0xb8;
	[tilespmem:$0x1AF80] =	vst v63  }
0x3ac: {  	_ =	swait.ge [sflag:s21], $0x100  }
0x3ad: {  	[sflag:s21] =	ssyncset.done $0x0  }
0x3ae: {  	[sflag:s21] =	ssyncadd.s32 $0xFFFFFF00  }
0x3af: {  	_ =	swait.ge [sflag:s21], $0x100  }
0x3b0: {  	[sflag:s21] =	ssyncset.done $0x0  }
0x3b1: {  	[sflag:s21] =	ssyncadd.s32 $0xFFFFFF00  }
0x3b2: {  	_ =	swait.ge [sflag:s16], $0x2000  }
0x3b3: {  	[sflag:s16] =	ssyncset.done $0x0  }
0x3b4: {  	s10 =	simm.s32 $0x4200;
	[sflag:s16] =	ssyncadd.s32 $0xFFFFE000  }
0x3b5: {  	[tilespmem:s30], [sflag:$0x1] =	stream.indirect.gather [spmem:s3], $0x40, s10, s0, $0xb8;
	[tilespmem:$0x1AF80] =	vst v63  }
0x3b6: {  	_ =	swait.ge [sflag:s17], $0x2000  }
0x3b7: {  	[sflag:s17] =	ssyncset.done $0x0  }
0x3b8: {  	[sflag:s17] =	ssyncadd.s32 $0xFFFFE000  }
0x3b9: {  	[tilespmem:s8], [sflag:$0x2] =	stream.indirect.gather [spmem:s3], $0x40, s14, s0, $0xb8;
	[tilespmem:$0x1AF80] =	vst v63  }
.Ltmp18:
0x3ba: {  	p1 =	sgt.u32 s18, $0x2C;
	(pc) =	sbr.rel .LBB2_20-.Ltmp18, $4  }
0x3bb: {  	s22 =	simm.s32 @!p1 $0x0;
	s24 =	simm.s32 @!p1 $0x4100  }
0x3bc: {  	[tilespmem:s24], [sflag:$0x5] =	stream.linear.gather @!p1 [hbm4b:s25+s22], $0x100, $0x38;
	[tilespmem:$0x1AF80] =	vst v63  }
0x3bd: {  	s24 =	simm.s32 @!p1 $0x4300  }
0x3be: {  	[tilespmem:s24], [sflag:$0x5] =	stream.linear.gather @!p1 [hbm4b:s20+s22], $0x100, $0x38;
	[tilespmem:$0x1AF80] =	vst v63  }
.LBB2_21:
0x3bf: {  	s20 =	rddreg [dreg:$0x7]  }
0x3c0: {  	[tilespmem:s9], [sflag:$0x5] =	stream.linear.gather [hbm4b:s20+s18], $0x100, $0x38;
	[tilespmem:$0x1AF80] =	vst v63  }
0x3c1: {  	s25 =	rddreg [dreg:$0x8];
	s10 =	simm.s32 $0x4300  }
0x3c2: {  	[tilespmem:s10], [sflag:$0x5] =	stream.linear.gather [hbm4b:s25+s18], $0x100, $0x38;
	[tilespmem:$0x1AF80] =	vst v63  }
0x3c3: {  	_ =	swait.ge [sflag:s28], $0x100  }
0x3c4: {  	[sflag:s28] =	ssyncset.done $0x0  }
0x3c5: {  	[sflag:s28] =	ssyncadd.s32 $0xFFFFFF00  }
0x3c6: {  	_ =	swait.ge [sflag:s28], $0x100  }
0x3c7: {  	[sflag:s28] =	ssyncset.done $0x0  }
0x3c8: {  	s22 =	simm.s32 $0x4200;
	s10 =	rddreg [dreg:$0x9];
	[sflag:s28] =	ssyncadd.s32 $0xFFFFFF00  }
0x3c9: {  	[tilespmem:s22], [sflag:$0x6] =	stream.linear.gather [hbm4b:s10+s18], $0x100, $0x38;
	[tilespmem:$0x1AF80] =	vst v63  }
0x3ca: {  	s25 =	rddreg [dreg:$0xa]  }
0x3cb: {  	[tilespmem:s31], [sflag:$0x6] =	stream.linear.gather [hbm4b:s25+s18], $0x100, $0x38;
	[tilespmem:$0x1AF80] =	vst v63  }
.Ltmp19:
0x3cc: {  	[bflag:$0x0] =	sbarrier.arrive $0xFFFF;
	(pc) =	sbr.rel .LBB2_22-.Ltmp19, $4  }
0x3cd: {  	[tilespmem:s18], [sflag:$0x1] =	stream.indirect.gather [spmem:s3], $0x40, s9, s0, $0xb8;
	[tilespmem:$0x1AF80] =	vst v63  }
0x3ce: {  	s20 =	sld [smem:$0x7F6]  }
0x3cf: {  	s25 =	sld [smem:$0x7F5]  }
0x3d0: {  	[tilespmem:s8], [sflag:$0x2] =	stream.indirect.gather [spmem:s3], $0x40, s1, s0, $0xb8;
	[tilespmem:$0x1AF80] =	vst v63  }
.LBB2_25:
0x3d1: {  	[spmem:s5] =	stream.indirect.scatter.add.f32 [tilespmem:s30], [sflag:$0x3], $0x40, s31, s0, $0xb8;
	[tilespmem:$0x1AF80] =	vst v63  }
0x3d2: {  	_ =	swait.ge [sflag:s12], $0x2000  }
0x3d3: {  	[sflag:s12] =	ssyncset.done $0x0  }
0x3d4: {  	s10 =	simm.s32 $0x4480;
	[sflag:s12] =	ssyncadd.s32 $0xFFFFE000  }
0x3d5: {  	[spmem:s5] =	stream.indirect.scatter.add.f32 [tilespmem:s8], [sflag:$0x4], $0x40, s10, s0, $0xb8;
	[tilespmem:$0x1AF80] =	vst v63  }
0x3d6: {  	_ =	swait.ge [sflag:s28], $0x100  }
0x3d7: {  	[sflag:s28] =	ssyncset.done $0x0  }
0x3d8: {  	[sflag:s28] =	ssyncadd.s32 $0xFFFFFF00  }
0x3d9: {  	_ =	swait.ge [sflag:s28], $0x100  }
0x3da: {  	[sflag:s28] =	ssyncset.done $0x0  }
0x3db: {  	[sflag:s28] =	ssyncadd.s32 $0xFFFFFF00  }
0x3dc: {  	_ =	swait.ge [sflag:s16], $0x2000  }
0x3dd: {  	[sflag:s16] =	ssyncset.done $0x0  }
0x3de: {  	[sflag:s16] =	ssyncadd.s32 $0xFFFFE000  }
0x3df: {  	[tilespmem:s30], [sflag:$0x1] =	stream.indirect.gather [spmem:s3], $0x40, s9, s0, $0xb8;
	[tilespmem:$0x1AF80] =	vst v63  }
0x3e0: {  	_ =	swait.ge [sflag:s17], $0x2000  }
0x3e1: {  	[sflag:s17] =	ssyncset.done $0x0  }
0x3e2: {  	p1 =	sgt.u32 s18, $0x1E;
	[sflag:s17] =	ssyncadd.s32 $0xFFFFE000  }
0x3e3: {  	[tilespmem:s8], [sflag:$0x2] =	stream.indirect.gather [spmem:s3], $0x40, s1, s0, $0xb8;
	[tilespmem:$0x1AF80] =	vst v63  }
0x3e4: {  	s22 =	simm.s32 @!p1 $0x0;
	s24 =	simm.s32 @!p1 $0x4200  }
0x3e5: {  	[tilespmem:s24], [sflag:$0x6] =	stream.linear.gather @!p1 [hbm4b:s25+s22], $0x100, $0x38;
	[tilespmem:$0x1AF80] =	vst v63  }
0x3e6: {  	s24 =	simm.s32 @!p1 $0x4400  }
0x3e7: {  	[tilespmem:s24], [sflag:$0x6] =	stream.linear.gather @!p1 [hbm4b:s20+s22], $0x100, $0x38;
	[tilespmem:$0x1AF80] =	vst v63  }
.LBB2_26:
0x3e8: {  	s18 =	sadd.s32 $0x1, s18  }
0x3e9: {  	p1 =	seq.s32 s18, $0x21  }
.Ltmp20:
0x3ea: {  	_ = 	snop;
	(pc) =	sbr.rel @p1 .LBB2_28-.Ltmp20, $2  }
0x3eb: {  	_ =	sdelay $0x2  }
0x3ec: {  	s25 =	sadd.s32 $0x20, s25;
	s20 =	sadd.s32 $0x20, s20;
	s24 =	smov.u32 s15  }
.LBB2_22:
0x3ed: {  	s22 =	sand.u32 $0x1, s18  }
0x3ee: {  	p1 =	seq.s32 s22, $0x1  }
.Ltmp21:
0x3ef: {  	_ = 	snop;
	(pc) =	sbr.rel @p1 .LBB2_25-.Ltmp21, $4  }
0x3f0: {  	_ = 	snop  }
0x3f1: {  	_ =	swait.ge [sflag:s11], $0x2000  }
0x3f2: {  	[sflag:s11] =	ssyncset.done $0x0  }
0x3f3: {  	[sflag:s11] =	ssyncadd.s32 $0xFFFFE000  }
0x3f4: {  	s10 =	simm.s32 $0x4300;
	p1 =	seq.s32 s18, $0x20  }
0x3f5: {  	[spmem:s5] =	stream.indirect.scatter.add.f32 [tilespmem:s30], [sflag:$0x3], $0x40, s10, s0, $0xb8;
	[tilespmem:$0x1AF80] =	vst v63  }
.Ltmp22:
0x3f6: {  	_ = 	snop;
	(pc) =	sbr.rel @p1 .LBB2_27-.Ltmp22, $4  }
0x3f7: {  	_ =	swait.ge [sflag:s12], $0x2000  }
0x3f8: {  	[sflag:s12] =	ssyncset.done $0x0  }
0x3f9: {  	s22 =	simm.s32 $0x4380;
	[sflag:s12] =	ssyncadd.s32 $0xFFFFE000  }
0x3fa: {  	[spmem:s5] =	stream.indirect.scatter.add.f32 [tilespmem:s8], [sflag:$0x4], $0x40, s22, s0, $0xb8;
	[tilespmem:$0x1AF80] =	vst v63  }
0x3fb: {  	_ =	swait.ge [sflag:s21], $0x100  }
0x3fc: {  	[sflag:s21] =	ssyncset.done $0x0  }
0x3fd: {  	[sflag:s21] =	ssyncadd.s32 $0xFFFFFF00  }
0x3fe: {  	_ =	swait.ge [sflag:s21], $0x100  }
0x3ff: {  	[sflag:s21] =	ssyncset.done $0x0  }
0x400: {  	[sflag:s21] =	ssyncadd.s32 $0xFFFFFF00  }
0x401: {  	_ =	swait.ge [sflag:s16], $0x2000  }
0x402: {  	[sflag:s16] =	ssyncset.done $0x0  }
0x403: {  	s10 =	simm.s32 $0x4200;
	[sflag:s16] =	ssyncadd.s32 $0xFFFFE000  }
0x404: {  	[tilespmem:s30], [sflag:$0x1] =	stream.indirect.gather [spmem:s3], $0x40, s10, s0, $0xb8;
	[tilespmem:$0x1AF80] =	vst v63  }
0x405: {  	_ =	swait.ge [sflag:s17], $0x2000  }
0x406: {  	[sflag:s17] =	ssyncset.done $0x0  }
0x407: {  	[sflag:s17] =	ssyncadd.s32 $0xFFFFE000  }
0x408: {  	[tilespmem:s8], [sflag:$0x2] =	stream.indirect.gather [spmem:s3], $0x40, s14, s0, $0xb8;
	[tilespmem:$0x1AF80] =	vst v63  }
.Ltmp23:
0x409: {  	p1 =	sgt.u32 s18, $0x1E;
	(pc) =	sbr.rel .LBB2_26-.Ltmp23, $4  }
0x40a: {  	s22 =	simm.s32 @!p1 $0x0;
	s24 =	simm.s32 @!p1 $0x4100  }
0x40b: {  	[tilespmem:s24], [sflag:$0x5] =	stream.linear.gather @!p1 [hbm4b:s25+s22], $0x100, $0x38;
	[tilespmem:$0x1AF80] =	vst v63  }
0x40c: {  	s24 =	simm.s32 @!p1 $0x4300  }
0x40d: {  	[tilespmem:s24], [sflag:$0x5] =	stream.linear.gather @!p1 [hbm4b:s20+s22], $0x100, $0x38;
	[tilespmem:$0x1AF80] =	vst v63  }
.LBB2_29:
0x40e: {  	_ =	sfence.sel $0x180000  }
0x40f: {  	[bflag:$0x0] =	sbarrier.arrive $0xFFFF  }
0x410: {  	_ =	strace $0x9000004A  }
0x411: {  	s0 =	stileid.u32;
	[bflag:$0x2] =	sbarrier.arrive $0xFFFF  }
0x412: {  	p0 =	sne.s32 s0, $0x0;
	s0 =	rddreg [dreg:$0x4]  }
0x413: {  	s0 =	sadd.s32 @!p0 $0x100000, s0  }
0x414: {  	[sflag:s0] =	ssyncadd.tile.s32 @!p0 $0x1;
	_ =	shalt  }
.Lfunc_end2:
_tile_overlayer_lowered:
.L_overlay_start_2:
0x415: {  	(tag) =	ssettag $0x2  }
0x416: {  	s0 =	rddreg [dreg:$0x0];
	s2 =	stileid.u32  }
0x417: {  	s1 =	rddreg [dreg:$0x1];
	p0 =	sne.s32 s2, $0x0  }
0x418: {  	s3 =	rddreg [dreg:$0x2];
	[bflag:$0x3] =	sbarrier.arrive $0xFFFF;
	s2 =	simm.s32 @!p0 $0x1C07  }
0x419: {  	[timem:s3], [sflag:s2] =	dma.local @!p0 [hbm:s0], s1  }
0x41a: {  	s0 =	simm.s32 @!p0 $0x7  }
0x41b: {  	_ =	swait.ge @!p0 [sflag:s0], s1  }
0x41c: {  	s1 =	ssub.s32 @!p0 $0x0, s1;
	[sflag:s0] =	ssyncset.done @!p0 $0x0  }
0x41d: {  	[sflag:s0] =	ssyncadd.s32 @!p0 s1  }
0x41e: {  	[bflag:$0x3] =	sbarrier.arrive $0xFFFF  }
0x41f: {  	_ =	shalt  }

</sc_bundles>
